<compile_context>
chip_gen: v7x
topology: tpu7x:2x2x1
jax: 0.10.2.dev20260603
libtpu: 0.0.44.dev20260713+nightly
codegen_flags: <defaults>
</compile_context>

<pallas_src>
import functools

import numpy as np
import jax
import jax.numpy as jnp
from jax import lax
from jax.experimental import pallas as pl
from jax.experimental.pallas import tpu as pltpu
from jax.experimental.pallas import tpu_sc as plsc

_ALPHA = 0.25
_COST_CLASS = 2.0
_COST_BBOX = 5.0
_COST_GIOU = 2.0

_NQ = 300
_NGT = 20
_NC = 80
_L = 16
_M = 304
_JM = _M // _L
_INF = 1e18
_BIG = np.int32(0x3FFFFFFF)


def _cost_block_kernel(logits_t_ref, boxes_t_ref, tbox_ref,
                       focal_ref, cb5_ref, g2_ref):
    lg = logits_t_ref[0]
    p = jax.nn.sigmoid(lg)
    one_eps = np.float32(np.float64(1.0) + np.float64(1e-8))
    pos = _ALPHA * ((1.0 - p) * (1.0 - p)) * (-jnp.log(p + 1e-8))
    neg = (1.0 - _ALPHA) * (p * p) * (-jnp.log(one_eps - p))
    focal_ref[0] = pos - neg

    bt = boxes_t_ref[0]
    qxc = bt[0:1, :]; qyc = bt[1:2, :]; qw = bt[2:3, :]; qh = bt[3:4, :]
    tb = tbox_ref[0]
    txc = tb[:, 0:1]; tyc = tb[:, 1:2]; tw = tb[:, 2:3]; th = tb[:, 3:4]

    cost_bbox = ((jnp.abs(qxc - txc) + jnp.abs(qw - tw))
                 + (jnp.abs(qyc - tyc) + jnp.abs(qh - th)))

    qx1 = qxc - 0.5 * qw; qy1 = qyc - 0.5 * qh
    qx2 = qxc + 0.5 * qw; qy2 = qyc + 0.5 * qh
    tx1 = txc - 0.5 * tw; ty1 = tyc - 0.5 * th
    tx2 = txc + 0.5 * tw; ty2 = tyc + 0.5 * th
    area_q = (qx2 - qx1) * (qy2 - qy1)
    area_t = (tx2 - tx1) * (ty2 - ty1)
    ltx = jnp.maximum(qx1, tx1); lty = jnp.maximum(qy1, ty1)
    rbx = jnp.minimum(qx2, tx2); rby = jnp.minimum(qy2, ty2)
    iw = jnp.maximum(rbx - ltx, 0.0); ih = jnp.maximum(rby - lty, 0.0)
    inter = iw * ih
    union = area_q + area_t - inter
    iou = inter / union
    ex1 = jnp.minimum(qx1, tx1); ey1 = jnp.minimum(qy1, ty1)
    ex2 = jnp.maximum(qx2, tx2); ey2 = jnp.maximum(qy2, ty2)
    ew = jnp.maximum(ex2 - ex1, 0.0); eh = jnp.maximum(ey2 - ey1, 0.0)
    enc = ew * eh
    giou = iou - (enc - union) / enc

    cb5_ref[0] = _COST_BBOX * cost_bbox
    g2_ref[0] = _COST_GIOU * (-giou)


def _build_costs(logits_t, boxes_t, tboxes):
    P = logits_t.shape[0]
    return pl.pallas_call(
        _cost_block_kernel,
        grid=(P,),
        in_specs=[
            pl.BlockSpec((1, _NC, _M), lambda i: (i, 0, 0)),
            pl.BlockSpec((1, 4, _M), lambda i: (i, 0, 0)),
            pl.BlockSpec((1, _NGT, 4), lambda i: (i, 0, 0)),
        ],
        out_specs=[
            pl.BlockSpec((1, _NC, _M), lambda i: (i, 0, 0)),
            pl.BlockSpec((1, _NGT, _M), lambda i: (i, 0, 0)),
            pl.BlockSpec((1, _NGT, _M), lambda i: (i, 0, 0)),
        ],
        out_shape=[
            jax.ShapeDtypeStruct((P, _NC, _M), jnp.float32),
            jax.ShapeDtypeStruct((P, _NGT, _M), jnp.float32),
            jax.ShapeDtypeStruct((P, _NGT, _M), jnp.float32),
        ],
    )(logits_t, boxes_t, tboxes)


def _sc_lsa_body(focal_hbm, cb5_hbm, g2_hbm, ids_hbm, out_hbm,
                 focal_v, cb5_v, g2_v, ids_v, cost_v, v_v, ubc_v, minv_v,
                 used_v, way_v, p_v, out_v, q_v):
    wid = lax.axis_index("s") * 2 + lax.axis_index("c")
    lane = lax.iota(jnp.int32, _L)
    lane0 = lane == 0
    zf = jnp.zeros((_L,), jnp.float32)
    zi = jnp.zeros((_L,), jnp.int32)
    onef = jnp.ones((_L,), jnp.float32)
    inff = jnp.full((_L,), _INF, jnp.float32)
    bigi = jnp.full((_L,), _BIG, jnp.int32)

    def spl_i(x):
        return jnp.full((_L,), x, jnp.int32)

    def spl_f(x):
        return jnp.full((_L,), x, jnp.float32)

    def gat(ref, jsplat):
        return plsc.load_gather(ref, [jsplat])

    @pl.when(wid < 16)
    def _():
        pltpu.sync_copy(focal_hbm.at[wid], focal_v)
        pltpu.sync_copy(cb5_hbm.at[wid], cb5_v)
        pltpu.sync_copy(g2_hbm.at[wid], g2_v)
        pltpu.sync_copy(ids_hbm.at[wid], ids_v)
        ids_lo = ids_v[pl.ds(0, _L)]
        ids_hi = ids_v[pl.ds(_L, _L)]
        for r in range(_NGT):
            src = ids_lo if r < _L else ids_hi
            idr = spl_i(jnp.max(jnp.where(lane == (r % _L), src, zi - 1)))

            def asm(k, _c, r=r, idr=idr):
                sl = pl.ds(k * _L, _L)
                fl = plsc.load_gather(focal_v, [idr, lane + k * _L])
                cost_v[r, sl] = (cb5_v[r, sl] + 2.0 * fl) + g2_v[r, sl]
                return _c

            lax.fori_loop(0, _JM, asm, 0)
        for k in range(_JM):
            sl = pl.ds(k * _L, _L)
            v_v[sl] = zf
            ubc_v[sl] = zf
            p_v[sl] = zi
            way_v[sl] = zi

        def phase(i, _carry):
            plsc.store_scatter(p_v, [zi], spl_i(i), mask=lane0)
            plsc.store_scatter(ubc_v, [zi], zf, mask=lane0)
            for k in range(_JM):
                sl = pl.ds(k * _L, _L)
                idxv = lane + (k * _L)
                minv_v[sl] = inff
                used_v[sl] = jnp.where(idxv >= (_NQ + 1), onef, zf)

            def step_cond(carry):
                _j0, done = carry
                return jnp.logical_not(done)

            def step(carry):
                j0, _done = carry
                j0s = spl_i(j0)
                plsc.store_scatter(used_v, [j0s], onef, mask=lane0)
                rowv = gat(p_v, j0s) - 1
                u0v = gat(ubc_v, j0s)
                best_val = inff
                best_idx = bigi
                for k in range(_JM):
                    sl = pl.ds(k * _L, _L)
                    idxv = lane + (k * _L)
                    crow = plsc.load_gather(cost_v, [rowv, idxv])
                    vk = v_v[sl]
                    mk = minv_v[sl]
                    uk = used_v[sl]
                    cur = crow - u0v - vk
                    freeb = uk < 0.5
                    upd = jnp.logical_and(freeb, cur < mk)
                    mk2 = jnp.where(upd, cur, mk)
                    minv_v[sl] = mk2
                    way_v[sl] = jnp.where(upd, j0s, way_v[sl])
                    masked = jnp.where(freeb, mk2, inff)
                    better = masked < best_val
                    best_val = jnp.where(better, masked, best_val)
                    best_idx = jnp.where(better, idxv, best_idx)
                delta = jnp.min(best_val)
                tie = best_val == delta
                j1 = jnp.min(jnp.where(tie, best_idx, bigi))
                for k in range(_JM):
                    sl = pl.ds(k * _L, _L)
                    uk = used_v[sl]
                    du = delta * uk
                    ubc_v[sl] = ubc_v[sl] + du
                    v_v[sl] = v_v[sl] - du
                    minv_v[sl] = minv_v[sl] - (delta - du)
                pj1 = jnp.max(gat(p_v, spl_i(j1)))
                return (j1, pj1 == 0)

            jf, _ = lax.while_loop(step_cond, step, (jnp.int32(0), False))

            def aug(j0):
                j0s = spl_i(j0)
                j1v = gat(way_v, j0s)
                pj1 = gat(p_v, j1v)
                plsc.store_scatter(p_v, [j0s], pj1, mask=lane0)
                u1 = gat(ubc_v, j1v)
                plsc.store_scatter(ubc_v, [j0s], u1, mask=lane0)
                return jnp.max(j1v)

            lax.while_loop(lambda j: j != 0, aug, jf)
            return _carry

        lax.fori_loop(1, _NGT + 1, phase, 0)

        q_v[pl.ds(0, _L)] = bigi
        q_v[pl.ds(_L, _L)] = bigi
        for k in range(_JM):
            idxv = lane + (k * _L)
            pk = p_v[pl.ds(k * _L, _L)]
            maskb = jnp.logical_and(pk > 0, idxv > 0)
            plsc.store_scatter(q_v, [pk - 1], idxv - 1, mask=maskb)

        q0 = q_v[pl.ds(0, _L)]
        q1b = q_v[pl.ds(_L, _L)]
        for t in range(_NGT):
            src = q0 if t < _L else q1b
            qt = jnp.max(jnp.where(lane == (t % _L), src, zi - 1))
            qts = spl_i(qt)
            c0 = plsc.all_reduce_population_count(q0 < qts)
            c1 = plsc.all_reduce_population_count(q1b < qts)
            rank = c0 + c1
            plsc.store_scatter(out_v, [rank], qts, mask=lane0)
            plsc.store_scatter(out_v, [rank + 32], spl_i(t), mask=lane0)

        pltpu.sync_copy(out_v, out_hbm.at[wid])


def _solve_lsa(focal, cb5, g2, ids):
    P = focal.shape[0]
    mesh = plsc.VectorSubcoreMesh(core_axis_name="c", subcore_axis_name="s",
                                  num_cores=2, num_subcores=16)
    f = functools.partial(
        pl.kernel,
        out_type=jax.ShapeDtypeStruct((P, 64), jnp.int32),
        mesh=mesh,
        compiler_params=pltpu.CompilerParams(needs_layout_passes=False),
        scratch_types=[
            pltpu.VMEM((_NC, _M), jnp.float32),
            pltpu.VMEM((_NGT, _M), jnp.float32),
            pltpu.VMEM((_NGT, _M), jnp.float32),
            pltpu.VMEM((2 * _L,), jnp.int32),
            pltpu.VMEM((_NGT, _M), jnp.float32),
            pltpu.VMEM((_M,), jnp.float32),
            pltpu.VMEM((_M,), jnp.float32),
            pltpu.VMEM((_M,), jnp.float32),
            pltpu.VMEM((_M,), jnp.float32),
            pltpu.VMEM((_M,), jnp.int32),
            pltpu.VMEM((_M,), jnp.int32),
            pltpu.VMEM((64,), jnp.int32),
            pltpu.VMEM((2 * _L,), jnp.int32),
        ],
    )(_sc_lsa_body)
    return f(focal, cb5, g2, ids)


def kernel(pred_logits_o2o, pred_boxes_o2o, pred_logits_o2m, pred_boxes_o2m,
           tgt_labels, tgt_boxes):
    bs, nq, nc = pred_logits_o2o.shape
    ngt = tgt_labels.shape[1]
    out_dtype = jnp.asarray(np.zeros((), dtype=np.int64)).dtype

    logits_all = jnp.concatenate([pred_logits_o2o, pred_logits_o2m], axis=0)
    boxes_all = jnp.concatenate([pred_boxes_o2o, pred_boxes_o2m], axis=0)
    logits_t = jnp.pad(jnp.swapaxes(logits_all, 1, 2),
                       ((0, 0), (0, 0), (1, _M - nq - 1)))
    boxes_t = jnp.pad(jnp.swapaxes(boxes_all, 1, 2),
                      ((0, 0), (0, 0), (1, _M - nq - 1)), constant_values=1.0)
    labels_i = jnp.concatenate([tgt_labels, tgt_labels], axis=0).astype(jnp.int32)
    labels_i = jnp.pad(labels_i, ((0, 0), (0, 2 * _L - ngt)))
    tboxes_all = jnp.concatenate([tgt_boxes, tgt_boxes], axis=0)

    focal, cb5, g2 = _build_costs(logits_t, boxes_t, tboxes_all)
    out = _solve_lsa(focal, cb5, g2, labels_i)

    rows = out[:, :ngt].astype(out_dtype)
    cols = out[:, 32:32 + ngt].astype(out_dtype)
    return (rows[:bs], cols[:bs], rows[bs:], cols[bs:])

# --- scband reference (transcript-rebuilt; emitter-appended) ---
"""Pipeline reference for scband-drmatcher-17824114278904 (READ-ONLY COPY).

The authoritative reference and input builder live on the scoring server;
editing this copy changes nothing except your own understanding.
"""

import jax, jax.numpy as jnp
import numpy as np

ALPHA = 0.25
GAMMA = 2.0
COST_CLASS = 2.0
COST_BBOX = 5.0
COST_GIOU = 2.0


def box_cxcywh_to_xyxy(x):
    xc = x[..., 0]; yc = x[..., 1]; w = x[..., 2]; h = x[..., 3]
    return jnp.stack([xc - 0.5 * w, yc - 0.5 * h, xc + 0.5 * w, yc + 0.5 * h], axis=-1)


def generalized_box_iou(b1, b2):
    area1 = (b1[:, 2] - b1[:, 0]) * (b1[:, 3] - b1[:, 1])
    area2 = (b2[:, 2] - b2[:, 0]) * (b2[:, 3] - b2[:, 1])
    lt = jnp.maximum(b1[:, None, :2], b2[None, :, :2])
    rb = jnp.minimum(b1[:, None, 2:], b2[None, :, 2:])
    wh = jnp.clip(rb - lt, 0.0, None)
    inter = wh[..., 0] * wh[..., 1]
    union = area1[:, None] + area2[None, :] - inter
    iou = inter / union
    lt2 = jnp.minimum(b1[:, None, :2], b2[None, :, :2])
    rb2 = jnp.maximum(b1[:, None, 2:], b2[None, :, 2:])
    wh2 = jnp.clip(rb2 - lt2, 0.0, None)
    area = wh2[..., 0] * wh2[..., 1]
    return iou - (area - union) / area


def focal_cost(p):
    neg = (1.0 - ALPHA) * p ** GAMMA * (-jnp.log(1.0 - p + 1e-8))
    pos = ALPHA * (1.0 - p) ** GAMMA * (-jnp.log(p + 1e-8))
    return pos - neg


def pair_cost(out_prob, out_bbox, tgt_ids, tgt_bbox):
    cost_class = focal_cost(out_prob[:, tgt_ids])
    cost_bbox = jnp.abs(out_bbox[:, None, :] - tgt_bbox[None, :, :]).sum(-1)
    cost_giou = -generalized_box_iou(box_cxcywh_to_xyxy(out_bbox), box_cxcywh_to_xyxy(tgt_bbox))
    return COST_BBOX * cost_bbox + COST_CLASS * cost_class + COST_GIOU * cost_giou


def lsa(cost):
    # Jonker-Volgenant shortest augmenting path Hungarian, numpy-only,
    # replicating scipy.optimize.linear_sum_assignment (minimization, rectangular).
    cost = np.asarray(cost, dtype=np.float64)
    transposed = False
    if cost.shape[0] > cost.shape[1]:
        cost = cost.T
        transposed = True
    n, m = cost.shape
    INF = 1e18
    u = np.zeros(n + 1)
    v = np.zeros(m + 1)
    p = np.zeros(m + 1, dtype=np.int64)
    way = np.zeros(m + 1, dtype=np.int64)
    for i in range(1, n + 1):
        p[0] = i
        j0 = 0
        minv = np.full(m + 1, INF)
        used = np.zeros(m + 1, dtype=bool)
        while True:
            used[j0] = True
            i0 = p[j0]
            cur = cost[i0 - 1] - u[i0] - v[1:]
            free = ~used[1:]
            mv = minv[1:]
            wy = way[1:]
            upd = free & (cur < mv)
            mv[upd] = cur[upd]
            wy[upd] = j0
            masked = np.where(free, minv[1:], INF)
            j1 = int(np.argmin(masked)) + 1
            delta = masked[j1 - 1]
            uidx = np.where(used)[0]
            u[p[uidx]] += delta
            v[uidx] -= delta
            minv[1:][free] -= delta
            j0 = j1
            if p[j0] == 0:
                break
        while True:
            j1 = way[j0]
            p[j0] = p[j1]
            j0 = j1
            if j0 == 0:
                break
    ans = np.zeros(n, dtype=np.int64)
    for j in range(1, m + 1):
        if p[j] != 0:
            ans[p[j] - 1] = j - 1
    if transposed:
        order = np.argsort(ans)
        return ans[order], np.arange(n, dtype=np.int64)[order]
    return np.arange(n, dtype=np.int64), ans


def setup_inputs(seed: int = 0) -> dict:
    key = jax.random.key(seed)
    ks = jax.random.split(key, 6)
    bs, nq, nc, ngt = 8, 300, 80, 20
    return {
        "pred_logits_o2o": jax.random.normal(ks[0], (bs, nq, nc), dtype=jnp.float32),
        "pred_boxes_o2o": jax.random.uniform(ks[1], (bs, nq, 4), dtype=jnp.float32, minval=0.05, maxval=0.95),
        "pred_logits_o2m": jax.random.normal(ks[2], (bs, nq, nc), dtype=jnp.float32),
        "pred_boxes_o2m": jax.random.uniform(ks[3], (bs, nq, 4), dtype=jnp.float32, minval=0.05, maxval=0.95),
        "tgt_labels": jax.random.randint(ks[4], (bs, ngt), 0, nc),
        "tgt_boxes": jax.random.uniform(ks[5], (bs, ngt, 4), dtype=jnp.float32, minval=0.05, maxval=0.95),
    }


def reference(pred_logits_o2o, pred_boxes_o2o, pred_logits_o2m, pred_boxes_o2m, tgt_labels, tgt_boxes):
    bs, nq, nc = pred_logits_o2o.shape
    ngt = tgt_labels.shape[1]
    tgt_ids = tgt_labels.reshape(-1)
    tgt_bbox = tgt_boxes.reshape(-1, 4)
    out_prob = jax.nn.sigmoid(pred_logits_o2o.reshape(bs * nq, nc))
    out_bbox = pred_boxes_o2o.reshape(bs * nq, 4)
    C = pair_cost(out_prob, out_bbox, tgt_ids, tgt_bbox).reshape(bs, nq, bs * ngt)
    C2_list = []
    for b in range(bs):
        p2 = jax.nn.sigmoid(pred_logits_o2m[b])
        C2_list.append(pair_cost(p2, pred_boxes_o2m[b], tgt_labels[b], tgt_boxes[b]))
    C2 = jnp.stack(C2_list)
    out_dtype = jnp.asarray(np.zeros((), dtype=np.int64)).dtype

    def host_match(Cn, C2n):
        Cn = np.asarray(Cn)
        C2n = np.asarray(C2n)
        i1 = []; j1 = []
        for b in range(bs):
            ri, ci = lsa(Cn[b][:, b * ngt:(b + 1) * ngt])
            i1.append(ri); j1.append(ci)
        i2 = []; j2 = []
        for b in range(bs):
            ri, ci = lsa(C2n[b])
            i2.append(ri); j2.append(ci)
        return (np.stack(i1).astype(out_dtype), np.stack(j1).astype(out_dtype),
                np.stack(i2).astype(out_dtype), np.stack(j2).astype(out_dtype))

    result_shapes = tuple(jax.ShapeDtypeStruct((bs, ngt), out_dtype) for _ in range(4))
    return jax.pure_callback(host_match, result_shapes, C, C2)

if __name__ == "__main__":
    import jax
    _d = setup_inputs()
    print(jax.jit(kernel)(*tuple(_d.values())))

</pallas_src>

<mosaic_0001>
#map = affine_map<(d0, d1) -> (0, 0, 0)>
#map1 = affine_map<(d0, d1) -> (0, 0)>
module attributes {stable_mosaic.version = 14 : i64} {
  func.func @_sc_lsa_body(%arg0: i32, %arg1: i32, %arg2: memref<16x80x304xf32, #tpu.memory_space<hbm>>, %arg3: memref<16x20x304xf32, #tpu.memory_space<hbm>>, %arg4: memref<16x20x304xf32, #tpu.memory_space<hbm>>, %arg5: memref<16x32xi32, #tpu.memory_space<hbm>>, %arg6: memref<16x64xi32, #tpu.memory_space<hbm>>, %arg7: memref<80x304xf32, #tpu.memory_space<vmem>>, %arg8: memref<20x304xf32, #tpu.memory_space<vmem>>, %arg9: memref<20x304xf32, #tpu.memory_space<vmem>>, %arg10: memref<32xi32, #tpu.memory_space<vmem>>, %arg11: memref<20x304xf32, #tpu.memory_space<vmem>>, %arg12: memref<304xf32, #tpu.memory_space<vmem>>, %arg13: memref<304xf32, #tpu.memory_space<vmem>>, %arg14: memref<304xf32, #tpu.memory_space<vmem>>, %arg15: memref<304xf32, #tpu.memory_space<vmem>>, %arg16: memref<304xi32, #tpu.memory_space<vmem>>, %arg17: memref<304xi32, #tpu.memory_space<vmem>>, %arg18: memref<64xi32, #tpu.memory_space<vmem>>, %arg19: memref<32xi32, #tpu.memory_space<vmem>>) attributes {dimension_semantics = [#tpu.dimension_semantics<core_parallel>, #tpu.dimension_semantics<subcore_parallel>], iteration_bounds = array<i64: 2, 16>, scalar_prefetch = 0 : i64, scratch_operands = 13 : i64, tpu.core_type = #tpu.core_type<sc_vector_subcore>, window_params = [{transform_indices = #map}, {transform_indices = #map}, {transform_indices = #map}, {transform_indices = #map1}, {transform_indices = #map1}]} {
    %mul3A = arith.constant 2 : i32
    %mul3A_0 = arith.muli %arg1, %mul3A : i32
    %add3A = arith.addi %mul3A_0, %arg0 : i32
    %iota3A = tpu.iota {dimensions = array<i32: 0>} : vector<16xi32>
    %eq3A = arith.constant 0 : i32
    %eq3A_1 = vector.broadcast %eq3A : i32 to vector<16xi32>
    %eq3A_2 = arith.cmpi eq, %iota3A, %eq3A_1 : vector<16xi32>
    %broadcast_in_dim3A = arith.constant 0.000000e+00 : f32
    %broadcast_in_dim3A_3 = vector.broadcast %broadcast_in_dim3A : f32 to vector<16xf32>
    %broadcast_in_dim3A_4 = arith.constant 0 : i32
    %broadcast_in_dim3A_5 = vector.broadcast %broadcast_in_dim3A_4 : i32 to vector<16xi32>
    %broadcast_in_dim3A_6 = arith.constant 1.000000e+00 : f32
    %broadcast_in_dim3A_7 = vector.broadcast %broadcast_in_dim3A_6 : f32 to vector<16xf32>
    %broadcast_in_dim3A_8 = arith.constant 9.99999984E+17 : f32
    %broadcast_in_dim3A_9 = vector.broadcast %broadcast_in_dim3A_8 : f32 to vector<16xf32>
    %broadcast_in_dim3A_10 = arith.constant 1073741823 : i32
    %broadcast_in_dim3A_11 = vector.broadcast %broadcast_in_dim3A_10 : i32 to vector<16xi32>
    %lt3A = arith.constant 16 : i32
    %lt3A_12 = arith.cmpi slt, %add3A, %lt3A : i32
    %convert_element_type3A = arith.extui %lt3A_12 : i1 to i32
    %cond3A = arith.constant 0 : i32
    %cond3A_13 = arith.cmpi ne, %convert_element_type3A, %cond3A : i32
    scf.if %cond3A_13 {
      "tpu.region"() ({
        %run_scoped3A = tpu.sem_alloc : memref<!tpu.dma_semaphore, #tpu.memory_space<semaphore_mem>>
        %dma_start3A = arith.constant 0 : i32
        %dma_start3A_1477 = arith.constant 0 : i32
        %dma_start3A_1478 = tpu.memref_slice %arg2[%add3A, %dma_start3A, %dma_start3A_1477] : memref<16x80x304xf32, #tpu.memory_space<hbm>> -> memref<1x80x304xf32, #tpu.memory_space<hbm>>
        %dma_start3A_1479 = tpu.memref_squeeze %dma_start3A_1478 : memref<1x80x304xf32, #tpu.memory_space<hbm>> -> memref<80x304xf32, #tpu.memory_space<hbm>>
        %dma_start3A_1480 = arith.constant 0 : i32
        %dma_start3A_1481 = arith.constant 0 : i32
        %dma_start3A_1482 = tpu.memref_slice %arg2[%add3A, %dma_start3A_1480, %dma_start3A_1481] : memref<16x80x304xf32, #tpu.memory_space<hbm>> -> memref<1x80x304xf32, #tpu.memory_space<hbm>>
        %dma_start3A_1483 = tpu.memref_squeeze %dma_start3A_1482 : memref<1x80x304xf32, #tpu.memory_space<hbm>> -> memref<80x304xf32, #tpu.memory_space<hbm>>
        tpu.enqueue_dma source(%dma_start3A_1483 : memref<80x304xf32, #tpu.memory_space<hbm>>) target(%arg7 : memref<80x304xf32, #tpu.memory_space<vmem>>) target_semaphore(%run_scoped3A : memref<!tpu.dma_semaphore, #tpu.memory_space<semaphore_mem>>)
        %dma_wait3A = arith.constant 0 : i32
        %dma_wait3A_1484 = arith.constant 0 : i32
        %dma_wait3A_1485 = tpu.memref_slice %arg2[%add3A, %dma_wait3A, %dma_wait3A_1484] : memref<16x80x304xf32, #tpu.memory_space<hbm>> -> memref<1x80x304xf32, #tpu.memory_space<hbm>>
        %dma_wait3A_1486 = tpu.memref_squeeze %dma_wait3A_1485 : memref<1x80x304xf32, #tpu.memory_space<hbm>> -> memref<80x304xf32, #tpu.memory_space<hbm>>
        %dma_wait3A_1487 = arith.constant 0 : i32
        %dma_wait3A_1488 = arith.constant 0 : i32
        %dma_wait3A_1489 = tpu.memref_slice %arg2[%add3A, %dma_wait3A_1487, %dma_wait3A_1488] : memref<16x80x304xf32, #tpu.memory_space<hbm>> -> memref<1x80x304xf32, #tpu.memory_space<hbm>>
        %dma_wait3A_1490 = tpu.memref_squeeze %dma_wait3A_1489 : memref<1x80x304xf32, #tpu.memory_space<hbm>> -> memref<80x304xf32, #tpu.memory_space<hbm>>
        tpu.wait_dma2 semaphore(%run_scoped3A : memref<!tpu.dma_semaphore, #tpu.memory_space<semaphore_mem>>) src(%dma_wait3A_1490 : memref<80x304xf32, #tpu.memory_space<hbm>>) dst(%arg7 : memref<80x304xf32, #tpu.memory_space<vmem>>)
        tpu.yield
      }) : () -> ()
      "tpu.region"() ({
        %run_scoped3A = tpu.sem_alloc : memref<!tpu.dma_semaphore, #tpu.memory_space<semaphore_mem>>
        %dma_start3A = arith.constant 0 : i32
        %dma_start3A_1477 = arith.constant 0 : i32
        %dma_start3A_1478 = tpu.memref_slice %arg3[%add3A, %dma_start3A, %dma_start3A_1477] : memref<16x20x304xf32, #tpu.memory_space<hbm>> -> memref<1x20x304xf32, #tpu.memory_space<hbm>>
        %dma_start3A_1479 = tpu.memref_squeeze %dma_start3A_1478 : memref<1x20x304xf32, #tpu.memory_space<hbm>> -> memref<20x304xf32, #tpu.memory_space<hbm>>
        %dma_start3A_1480 = arith.constant 0 : i32
        %dma_start3A_1481 = arith.constant 0 : i32
        %dma_start3A_1482 = tpu.memref_slice %arg3[%add3A, %dma_start3A_1480, %dma_start3A_1481] : memref<16x20x304xf32, #tpu.memory_space<hbm>> -> memref<1x20x304xf32, #tpu.memory_space<hbm>>
        %dma_start3A_1483 = tpu.memref_squeeze %dma_start3A_1482 : memref<1x20x304xf32, #tpu.memory_space<hbm>> -> memref<20x304xf32, #tpu.memory_space<hbm>>
        tpu.enqueue_dma source(%dma_start3A_1483 : memref<20x304xf32, #tpu.memory_space<hbm>>) target(%arg8 : memref<20x304xf32, #tpu.memory_space<vmem>>) target_semaphore(%run_scoped3A : memref<!tpu.dma_semaphore, #tpu.memory_space<semaphore_mem>>)
        %dma_wait3A = arith.constant 0 : i32
        %dma_wait3A_1484 = arith.constant 0 : i32
        %dma_wait3A_1485 = tpu.memref_slice %arg3[%add3A, %dma_wait3A, %dma_wait3A_1484] : memref<16x20x304xf32, #tpu.memory_space<hbm>> -> memref<1x20x304xf32, #tpu.memory_space<hbm>>
        %dma_wait3A_1486 = tpu.memref_squeeze %dma_wait3A_1485 : memref<1x20x304xf32, #tpu.memory_space<hbm>> -> memref<20x304xf32, #tpu.memory_space<hbm>>
        %dma_wait3A_1487 = arith.constant 0 : i32
        %dma_wait3A_1488 = arith.constant 0 : i32
        %dma_wait3A_1489 = tpu.memref_slice %arg3[%add3A, %dma_wait3A_1487, %dma_wait3A_1488] : memref<16x20x304xf32, #tpu.memory_space<hbm>> -> memref<1x20x304xf32, #tpu.memory_space<hbm>>
        %dma_wait3A_1490 = tpu.memref_squeeze %dma_wait3A_1489 : memref<1x20x304xf32, #tpu.memory_space<hbm>> -> memref<20x304xf32, #tpu.memory_space<hbm>>
        tpu.wait_dma2 semaphore(%run_scoped3A : memref<!tpu.dma_semaphore, #tpu.memory_space<semaphore_mem>>) src(%dma_wait3A_1490 : memref<20x304xf32, #tpu.memory_space<hbm>>) dst(%arg8 : memref<20x304xf32, #tpu.memory_space<vmem>>)
        tpu.yield
      }) : () -> ()
      "tpu.region"() ({
        %run_scoped3A = tpu.sem_alloc : memref<!tpu.dma_semaphore, #tpu.memory_space<semaphore_mem>>
        %dma_start3A = arith.constant 0 : i32
        %dma_start3A_1477 = arith.constant 0 : i32
        %dma_start3A_1478 = tpu.memref_slice %arg4[%add3A, %dma_start3A, %dma_start3A_1477] : memref<16x20x304xf32, #tpu.memory_space<hbm>> -> memref<1x20x304xf32, #tpu.memory_space<hbm>>
        %dma_start3A_1479 = tpu.memref_squeeze %dma_start3A_1478 : memref<1x20x304xf32, #tpu.memory_space<hbm>> -> memref<20x304xf32, #tpu.memory_space<hbm>>
        %dma_start3A_1480 = arith.constant 0 : i32
        %dma_start3A_1481 = arith.constant 0 : i32
        %dma_start3A_1482 = tpu.memref_slice %arg4[%add3A, %dma_start3A_1480, %dma_start3A_1481] : memref<16x20x304xf32, #tpu.memory_space<hbm>> -> memref<1x20x304xf32, #tpu.memory_space<hbm>>
        %dma_start3A_1483 = tpu.memref_squeeze %dma_start3A_1482 : memref<1x20x304xf32, #tpu.memory_space<hbm>> -> memref<20x304xf32, #tpu.memory_space<hbm>>
        tpu.enqueue_dma source(%dma_start3A_1483 : memref<20x304xf32, #tpu.memory_space<hbm>>) target(%arg9 : memref<20x304xf32, #tpu.memory_space<vmem>>) target_semaphore(%run_scoped3A : memref<!tpu.dma_semaphore, #tpu.memory_space<semaphore_mem>>)
        %dma_wait3A = arith.constant 0 : i32
        %dma_wait3A_1484 = arith.constant 0 : i32
        %dma_wait3A_1485 = tpu.memref_slice %arg4[%add3A, %dma_wait3A, %dma_wait3A_1484] : memref<16x20x304xf32, #tpu.memory_space<hbm>> -> memref<1x20x304xf32, #tpu.memory_space<hbm>>
        %dma_wait3A_1486 = tpu.memref_squeeze %dma_wait3A_1485 : memref<1x20x304xf32, #tpu.memory_space<hbm>> -> memref<20x304xf32, #tpu.memory_space<hbm>>
        %dma_wait3A_1487 = arith.constant 0 : i32
        %dma_wait3A_1488 = arith.constant 0 : i32
        %dma_wait3A_1489 = tpu.memref_slice %arg4[%add3A, %dma_wait3A_1487, %dma_wait3A_1488] : memref<16x20x304xf32, #tpu.memory_space<hbm>> -> memref<1x20x304xf32, #tpu.memory_space<hbm>>
        %dma_wait3A_1490 = tpu.memref_squeeze %dma_wait3A_1489 : memref<1x20x304xf32, #tpu.memory_space<hbm>> -> memref<20x304xf32, #tpu.memory_space<hbm>>
        tpu.wait_dma2 semaphore(%run_scoped3A : memref<!tpu.dma_semaphore, #tpu.memory_space<semaphore_mem>>) src(%dma_wait3A_1490 : memref<20x304xf32, #tpu.memory_space<hbm>>) dst(%arg9 : memref<20x304xf32, #tpu.memory_space<vmem>>)
        tpu.yield
      }) : () -> ()
      "tpu.region"() ({
        %run_scoped3A = tpu.sem_alloc : memref<!tpu.dma_semaphore, #tpu.memory_space<semaphore_mem>>
        %dma_start3A = arith.constant 0 : i32
        %dma_start3A_1477 = tpu.memref_slice %arg5[%add3A, %dma_start3A] : memref<16x32xi32, #tpu.memory_space<hbm>> -> memref<1x32xi32, #tpu.memory_space<hbm>>
        %dma_start3A_1478 = tpu.memref_squeeze %dma_start3A_1477 : memref<1x32xi32, #tpu.memory_space<hbm>> -> memref<32xi32, #tpu.memory_space<hbm>>
        %dma_start3A_1479 = arith.constant 0 : i32
        %dma_start3A_1480 = tpu.memref_slice %arg5[%add3A, %dma_start3A_1479] : memref<16x32xi32, #tpu.memory_space<hbm>> -> memref<1x32xi32, #tpu.memory_space<hbm>>
        %dma_start3A_1481 = tpu.memref_squeeze %dma_start3A_1480 : memref<1x32xi32, #tpu.memory_space<hbm>> -> memref<32xi32, #tpu.memory_space<hbm>>
        tpu.enqueue_dma source(%dma_start3A_1481 : memref<32xi32, #tpu.memory_space<hbm>>) target(%arg10 : memref<32xi32, #tpu.memory_space<vmem>>) target_semaphore(%run_scoped3A : memref<!tpu.dma_semaphore, #tpu.memory_space<semaphore_mem>>)
        %dma_wait3A = arith.constant 0 : i32
        %dma_wait3A_1482 = tpu.memref_slice %arg5[%add3A, %dma_wait3A] : memref<16x32xi32, #tpu.memory_space<hbm>> -> memref<1x32xi32, #tpu.memory_space<hbm>>
        %dma_wait3A_1483 = tpu.memref_squeeze %dma_wait3A_1482 : memref<1x32xi32, #tpu.memory_space<hbm>> -> memref<32xi32, #tpu.memory_space<hbm>>
        %dma_wait3A_1484 = arith.constant 0 : i32
        %dma_wait3A_1485 = tpu.memref_slice %arg5[%add3A, %dma_wait3A_1484] : memref<16x32xi32, #tpu.memory_space<hbm>> -> memref<1x32xi32, #tpu.memory_space<hbm>>
        %dma_wait3A_1486 = tpu.memref_squeeze %dma_wait3A_1485 : memref<1x32xi32, #tpu.memory_space<hbm>> -> memref<32xi32, #tpu.memory_space<hbm>>
        tpu.wait_dma2 semaphore(%run_scoped3A : memref<!tpu.dma_semaphore, #tpu.memory_space<semaphore_mem>>) src(%dma_wait3A_1486 : memref<32xi32, #tpu.memory_space<hbm>>) dst(%arg10 : memref<32xi32, #tpu.memory_space<vmem>>)
        tpu.yield
      }) : () -> ()
      %get3A = arith.constant 0 : index
      %get3A_14 = tpu.vector_load %arg10[%get3A] {strides = array<i32>} : memref<32xi32, #tpu.memory_space<vmem>>, vector<16xi32>,
      %get3A_15 = arith.constant 16 : index
      %get3A_16 = tpu.vector_load %arg10[%get3A_15] {strides = array<i32>} : memref<32xi32, #tpu.memory_space<vmem>>, vector<16xi32>,
      %eq3A_17 = arith.constant 0 : i32
      %eq3A_18 = vector.broadcast %eq3A_17 : i32 to vector<16xi32>
      %eq3A_19 = arith.cmpi eq, %iota3A, %eq3A_18 : vector<16xi32>
      %sub3A = arith.constant 1 : i32
      %sub3A_20 = vector.broadcast %sub3A : i32 to vector<16xi32>
      %sub3A_21 = arith.subi %broadcast_in_dim3A_5, %sub3A_20 : vector<16xi32>
      %select_n3A = arith.select %eq3A_19, %get3A_14, %sub3A_21 : vector<16xi1>, vector<16xi32>
      %reduce_max3A = arith.constant true
      %reduce_max3A_22 = vector.broadcast %reduce_max3A : i1 to vector<16xi1>
      %reduce_max3A_23 = arith.constant -2147483648 : i32
      %reduce_max3A_24 = vector.broadcast %reduce_max3A_23 : i32 to vector<16xi32>
      %reduce_max3A_25 = arith.xori %select_n3A, %reduce_max3A_24 : vector<16xi32>
      %reduce_max3A_26 = tpu.scan <max>, %reduce_max3A_25 masked %reduce_max3A_22 : vector<16xi32>, vector<16xi1> -> vector<16xi32>
      %reduce_max3A_27 = arith.xori %reduce_max3A_26, %reduce_max3A_24 : vector<16xi32>
      %reduce_max3A_28 = vector.extract %reduce_max3A_27[15] : i32 from vector<16xi32>
      %broadcast_in_dim3A_29 = vector.broadcast %reduce_max3A_28 : i32 to vector<16xi32>
      %scan3A = arith.constant 0 : i32
      %scan3A_30 = arith.constant 0 : i32
      %scan3A_31 = arith.constant 19 : i32
      %scan3A_32 = arith.addi %scan3A_30, %scan3A_31 : i32
      %scan3A_33 = arith.constant 1 : i32
      scf.for %scan3A_1477 = %scan3A_30 to %scan3A_32 step %scan3A_33  : i32 {
        %mul3A_1478 = arith.constant 16 : i32
        %mul3A_1479 = arith.muli %scan3A_1477, %mul3A_1478 : i32
        %mul3A_1480 = arith.constant 16 : i32
        %mul3A_1481 = arith.muli %scan3A_1477, %mul3A_1480 : i32
        %add3A_1482 = vector.broadcast %mul3A_1481 : i32 to vector<16xi32>
        %add3A_1483 = arith.addi %iota3A, %add3A_1482 : vector<16xi32>
        %gather3A = tpu.vector_load_idx %arg7[%broadcast_in_dim3A_29, %add3A_1483] : memref<80x304xf32, #tpu.memory_space<vmem>>[vector<16xi32>, vector<16xi32>], vector<16xf32>,
        %get3A_1484 = arith.constant 0 : i32
        %get3A_1485 = arith.index_cast %get3A_1484 : i32 to index
        %get3A_1486 = arith.index_cast %mul3A_1479 : i32 to index
        %get3A_1487 = tpu.vector_load %arg8[%get3A_1485, %get3A_1486] {strides = array<i32>} : memref<20x304xf32, #tpu.memory_space<vmem>>, vector<16xf32>,
        %mul3A_1488 = arith.constant 2.000000e+00 : f32
        %mul3A_1489 = vector.broadcast %mul3A_1488 : f32 to vector<16xf32>
        %mul3A_1490 = arith.mulf %mul3A_1489, %gather3A : vector<16xf32>
        %add3A_1491 = arith.addf %get3A_1487, %mul3A_1490 : vector<16xf32>
        %get3A_1492 = arith.constant 0 : i32
        %get3A_1493 = arith.index_cast %get3A_1492 : i32 to index
        %get3A_1494 = arith.index_cast %mul3A_1479 : i32 to index
        %get3A_1495 = tpu.vector_load %arg9[%get3A_1493, %get3A_1494] {strides = array<i32>} : memref<20x304xf32, #tpu.memory_space<vmem>>, vector<16xf32>,
        %add3A_1496 = arith.addf %add3A_1491, %get3A_1495 : vector<16xf32>
        %swap3A_1497 = arith.constant 0 : i32
        %swap3A_1498 = arith.index_cast %swap3A_1497 : i32 to index
        %swap3A_1499 = arith.index_cast %mul3A_1479 : i32 to index
        %swap3A_1500 = tpu.vector_load %arg11[%swap3A_1498, %swap3A_1499] {strides = array<i32>} : memref<20x304xf32, #tpu.memory_space<vmem>>, vector<16xf32>,
        tpu.vector_store %arg11[%swap3A_1498, %swap3A_1499], %add3A_1496 {strides = array<i32>} : memref<20x304xf32, #tpu.memory_space<vmem>>, vector<16xf32>,
      }
      %scan3A_34 = arith.constant 19 : i32
      %eq3A_35 = arith.constant 1 : i32
      %eq3A_36 = vector.broadcast %eq3A_35 : i32 to vector<16xi32>
      %eq3A_37 = arith.cmpi eq, %iota3A, %eq3A_36 : vector<16xi32>
      %sub3A_38 = arith.constant 1 : i32
      %sub3A_39 = vector.broadcast %sub3A_38 : i32 to vector<16xi32>
      %sub3A_40 = arith.subi %broadcast_in_dim3A_5, %sub3A_39 : vector<16xi32>
      %select_n3A_41 = arith.select %eq3A_37, %get3A_14, %sub3A_40 : vector<16xi1>, vector<16xi32>
      %reduce_max3A_42 = arith.constant true
      %reduce_max3A_43 = vector.broadcast %reduce_max3A_42 : i1 to vector<16xi1>
      %reduce_max3A_44 = arith.constant -2147483648 : i32
      %reduce_max3A_45 = vector.broadcast %reduce_max3A_44 : i32 to vector<16xi32>
      %reduce_max3A_46 = arith.xori %select_n3A_41, %reduce_max3A_45 : vector<16xi32>
      %reduce_max3A_47 = tpu.scan <max>, %reduce_max3A_46 masked %reduce_max3A_43 : vector<16xi32>, vector<16xi1> -> vector<16xi32>
      %reduce_max3A_48 = arith.xori %reduce_max3A_47, %reduce_max3A_45 : vector<16xi32>
      %reduce_max3A_49 = vector.extract %reduce_max3A_48[15] : i32 from vector<16xi32>
      %broadcast_in_dim3A_50 = vector.broadcast %reduce_max3A_49 : i32 to vector<16xi32>
      %scan3A_51 = arith.constant 0 : i32
      %scan3A_52 = arith.constant 0 : i32
      %scan3A_53 = arith.constant 19 : i32
      %scan3A_54 = arith.addi %scan3A_52, %scan3A_53 : i32
      %scan3A_55 = arith.constant 1 : i32
      scf.for %scan3A_1477 = %scan3A_52 to %scan3A_54 step %scan3A_55  : i32 {
        %mul3A_1478 = arith.constant 16 : i32
        %mul3A_1479 = arith.muli %scan3A_1477, %mul3A_1478 : i32
        %mul3A_1480 = arith.constant 16 : i32
        %mul3A_1481 = arith.muli %scan3A_1477, %mul3A_1480 : i32
        %add3A_1482 = vector.broadcast %mul3A_1481 : i32 to vector<16xi32>
        %add3A_1483 = arith.addi %iota3A, %add3A_1482 : vector<16xi32>
        %gather3A = tpu.vector_load_idx %arg7[%broadcast_in_dim3A_50, %add3A_1483] : memref<80x304xf32, #tpu.memory_space<vmem>>[vector<16xi32>, vector<16xi32>], vector<16xf32>,
        %get3A_1484 = arith.constant 1 : i32
        %get3A_1485 = arith.index_cast %get3A_1484 : i32 to index
        %get3A_1486 = arith.index_cast %mul3A_1479 : i32 to index
        %get3A_1487 = tpu.vector_load %arg8[%get3A_1485, %get3A_1486] {strides = array<i32>} : memref<20x304xf32, #tpu.memory_space<vmem>>, vector<16xf32>,
        %mul3A_1488 = arith.constant 2.000000e+00 : f32
        %mul3A_1489 = vector.broadcast %mul3A_1488 : f32 to vector<16xf32>
        %mul3A_1490 = arith.mulf %mul3A_1489, %gather3A : vector<16xf32>
        %add3A_1491 = arith.addf %get3A_1487, %mul3A_1490 : vector<16xf32>
        %get3A_1492 = arith.constant 1 : i32
        %get3A_1493 = arith.index_cast %get3A_1492 : i32 to index
        %get3A_1494 = arith.index_cast %mul3A_1479 : i32 to index
        %get3A_1495 = tpu.vector_load %arg9[%get3A_1493, %get3A_1494] {strides = array<i32>} : memref<20x304xf32, #tpu.memory_space<vmem>>, vector<16xf32>,
        %add3A_1496 = arith.addf %add3A_1491, %get3A_1495 : vector<16xf32>
        %swap3A_1497 = arith.constant 1 : i32
        %swap3A_1498 = arith.index_cast %swap3A_1497 : i32 to index
        %swap3A_1499 = arith.index_cast %mul3A_1479 : i32 to index
        %swap3A_1500 = tpu.vector_load %arg11[%swap3A_1498, %swap3A_1499] {strides = array<i32>} : memref<20x304xf32, #tpu.memory_space<vmem>>, vector<16xf32>,
        tpu.vector_store %arg11[%swap3A_1498, %swap3A_1499], %add3A_1496 {strides = array<i32>} : memref<20x304xf32, #tpu.memory_space<vmem>>, vector<16xf32>,
      }
      %scan3A_56 = arith.constant 19 : i32
      %eq3A_57 = arith.constant 2 : i32
      %eq3A_58 = vector.broadcast %eq3A_57 : i32 to vector<16xi32>
      %eq3A_59 = arith.cmpi eq, %iota3A, %eq3A_58 : vector<16xi32>
      %sub3A_60 = arith.constant 1 : i32
      %sub3A_61 = vector.broadcast %sub3A_60 : i32 to vector<16xi32>
      %sub3A_62 = arith.subi %broadcast_in_dim3A_5, %sub3A_61 : vector<16xi32>
      %select_n3A_63 = arith.select %eq3A_59, %get3A_14, %sub3A_62 : vector<16xi1>, vector<16xi32>
      %reduce_max3A_64 = arith.constant true
      %reduce_max3A_65 = vector.broadcast %reduce_max3A_64 : i1 to vector<16xi1>
      %reduce_max3A_66 = arith.constant -2147483648 : i32
      %reduce_max3A_67 = vector.broadcast %reduce_max3A_66 : i32 to vector<16xi32>
      %reduce_max3A_68 = arith.xori %select_n3A_63, %reduce_max3A_67 : vector<16xi32>
      %reduce_max3A_69 = tpu.scan <max>, %reduce_max3A_68 masked %reduce_max3A_65 : vector<16xi32>, vector<16xi1> -> vector<16xi32>
      %reduce_max3A_70 = arith.xori %reduce_max3A_69, %reduce_max3A_67 : vector<16xi32>
      %reduce_max3A_71 = vector.extract %reduce_max3A_70[15] : i32 from vector<16xi32>
      %broadcast_in_dim3A_72 = vector.broadcast %reduce_max3A_71 : i32 to vector<16xi32>
      %scan3A_73 = arith.constant 0 : i32
      %scan3A_74 = arith.constant 0 : i32
      %scan3A_75 = arith.constant 19 : i32
      %scan3A_76 = arith.addi %scan3A_74, %scan3A_75 : i32
      %scan3A_77 = arith.constant 1 : i32
      scf.for %scan3A_1477 = %scan3A_74 to %scan3A_76 step %scan3A_77  : i32 {
        %mul3A_1478 = arith.constant 16 : i32
        %mul3A_1479 = arith.muli %scan3A_1477, %mul3A_1478 : i32
        %mul3A_1480 = arith.constant 16 : i32
        %mul3A_1481 = arith.muli %scan3A_1477, %mul3A_1480 : i32
        %add3A_1482 = vector.broadcast %mul3A_1481 : i32 to vector<16xi32>
        %add3A_1483 = arith.addi %iota3A, %add3A_1482 : vector<16xi32>
        %gather3A = tpu.vector_load_idx %arg7[%broadcast_in_dim3A_72, %add3A_1483] : memref<80x304xf32, #tpu.memory_space<vmem>>[vector<16xi32>, vector<16xi32>], vector<16xf32>,
        %get3A_1484 = arith.constant 2 : i32
        %get3A_1485 = arith.index_cast %get3A_1484 : i32 to index
        %get3A_1486 = arith.index_cast %mul3A_1479 : i32 to index
        %get3A_1487 = tpu.vector_load %arg8[%get3A_1485, %get3A_1486] {strides = array<i32>} : memref<20x304xf32, #tpu.memory_space<vmem>>, vector<16xf32>,
        %mul3A_1488 = arith.constant 2.000000e+00 : f32
        %mul3A_1489 = vector.broadcast %mul3A_1488 : f32 to vector<16xf32>
        %mul3A_1490 = arith.mulf %mul3A_1489, %gather3A : vector<16xf32>
        %add3A_1491 = arith.addf %get3A_1487, %mul3A_1490 : vector<16xf32>
        %get3A_1492 = arith.constant 2 : i32
        %get3A_1493 = arith.index_cast %get3A_1492 : i32 to index
        %get3A_1494 = arith.index_cast %mul3A_1479 : i32 to index
        %get3A_1495 = tpu.vector_load %arg9[%get3A_1493, %get3A_1494] {strides = array<i32>} : memref<20x304xf32, #tpu.memory_space<vmem>>, vector<16xf32>,
        %add3A_1496 = arith.addf %add3A_1491, %get3A_1495 : vector<16xf32>
        %swap3A_1497 = arith.constant 2 : i32
        %swap3A_1498 = arith.index_cast %swap3A_1497 : i32 to index
        %swap3A_1499 = arith.index_cast %mul3A_1479 : i32 to index
        %swap3A_1500 = tpu.vector_load %arg11[%swap3A_1498, %swap3A_1499] {strides = array<i32>} : memref<20x304xf32, #tpu.memory_space<vmem>>, vector<16xf32>,
        tpu.vector_store %arg11[%swap3A_1498, %swap3A_1499], %add3A_1496 {strides = array<i32>} : memref<20x304xf32, #tpu.memory_space<vmem>>, vector<16xf32>,
      }
      %scan3A_78 = arith.constant 19 : i32
      %eq3A_79 = arith.constant 3 : i32
      %eq3A_80 = vector.broadcast %eq3A_79 : i32 to vector<16xi32>
      %eq3A_81 = arith.cmpi eq, %iota3A, %eq3A_80 : vector<16xi32>
      %sub3A_82 = arith.constant 1 : i32
      %sub3A_83 = vector.broadcast %sub3A_82 : i32 to vector<16xi32>
      %sub3A_84 = arith.subi %broadcast_in_dim3A_5, %sub3A_83 : vector<16xi32>
      %select_n3A_85 = arith.select %eq3A_81, %get3A_14, %sub3A_84 : vector<16xi1>, vector<16xi32>
      %reduce_max3A_86 = arith.constant true
      %reduce_max3A_87 = vector.broadcast %reduce_max3A_86 : i1 to vector<16xi1>
      %reduce_max3A_88 = arith.constant -2147483648 : i32
      %reduce_max3A_89 = vector.broadcast %reduce_max3A_88 : i32 to vector<16xi32>
      %reduce_max3A_90 = arith.xori %select_n3A_85, %reduce_max3A_89 : vector<16xi32>
      %reduce_max3A_91 = tpu.scan <max>, %reduce_max3A_90 masked %reduce_max3A_87 : vector<16xi32>, vector<16xi1> -> vector<16xi32>
      %reduce_max3A_92 = arith.xori %reduce_max3A_91, %reduce_max3A_89 : vector<16xi32>
      %reduce_max3A_93 = vector.extract %reduce_max3A_92[15] : i32 from vector<16xi32>
      %broadcast_in_dim3A_94 = vector.broadcast %reduce_max3A_93 : i32 to vector<16xi32>
      %scan3A_95 = arith.constant 0 : i32
      %scan3A_96 = arith.constant 0 : i32
      %scan3A_97 = arith.constant 19 : i32
      %scan3A_98 = arith.addi %scan3A_96, %scan3A_97 : i32
      %scan3A_99 = arith.constant 1 : i32
      scf.for %scan3A_1477 = %scan3A_96 to %scan3A_98 step %scan3A_99  : i32 {
        %mul3A_1478 = arith.constant 16 : i32
        %mul3A_1479 = arith.muli %scan3A_1477, %mul3A_1478 : i32
        %mul3A_1480 = arith.constant 16 : i32
        %mul3A_1481 = arith.muli %scan3A_1477, %mul3A_1480 : i32
        %add3A_1482 = vector.broadcast %mul3A_1481 : i32 to vector<16xi32>
        %add3A_1483 = arith.addi %iota3A, %add3A_1482 : vector<16xi32>
        %gather3A = tpu.vector_load_idx %arg7[%broadcast_in_dim3A_94, %add3A_1483] : memref<80x304xf32, #tpu.memory_space<vmem>>[vector<16xi32>, vector<16xi32>], vector<16xf32>,
        %get3A_1484 = arith.constant 3 : i32
        %get3A_1485 = arith.index_cast %get3A_1484 : i32 to index
        %get3A_1486 = arith.index_cast %mul3A_1479 : i32 to index
        %get3A_1487 = tpu.vector_load %arg8[%get3A_1485, %get3A_1486] {strides = array<i32>} : memref<20x304xf32, #tpu.memory_space<vmem>>, vector<16xf32>,
        %mul3A_1488 = arith.constant 2.000000e+00 : f32
        %mul3A_1489 = vector.broadcast %mul3A_1488 : f32 to vector<16xf32>
        %mul3A_1490 = arith.mulf %mul3A_1489, %gather3A : vector<16xf32>
        %add3A_1491 = arith.addf %get3A_1487, %mul3A_1490 : vector<16xf32>
        %get3A_1492 = arith.constant 3 : i32
        %get3A_1493 = arith.index_cast %get3A_1492 : i32 to index
        %get3A_1494 = arith.index_cast %mul3A_1479 : i32 to index
        %get3A_1495 = tpu.vector_load %arg9[%get3A_1493, %get3A_1494] {strides = array<i32>} : memref<20x304xf32, #tpu.memory_space<vmem>>, vector<16xf32>,
        %add3A_1496 = arith.addf %add3A_1491, %get3A_1495 : vector<16xf32>
        %swap3A_1497 = arith.constant 3 : i32
        %swap3A_1498 = arith.index_cast %swap3A_1497 : i32 to index
        %swap3A_1499 = arith.index_cast %mul3A_1479 : i32 to index
        %swap3A_1500 = tpu.vector_load %arg11[%swap3A_1498, %swap3A_1499] {strides = array<i32>} : memref<20x304xf32, #tpu.memory_space<vmem>>, vector<16xf32>,
        tpu.vector_store %arg11[%swap3A_1498, %swap3A_1499], %add3A_1496 {strides = array<i32>} : memref<20x304xf32, #tpu.memory_space<vmem>>, vector<16xf32>,
      }
      %scan3A_100 = arith.constant 19 : i32
      %eq3A_101 = arith.constant 4 : i32
      %eq3A_102 = vector.broadcast %eq3A_101 : i32 to vector<16xi32>
      %eq3A_103 = arith.cmpi eq, %iota3A, %eq3A_102 : vector<16xi32>
      %sub3A_104 = arith.constant 1 : i32
      %sub3A_105 = vector.broadcast %sub3A_104 : i32 to vector<16xi32>
      %sub3A_106 = arith.subi %broadcast_in_dim3A_5, %sub3A_105 : vector<16xi32>
      %select_n3A_107 = arith.select %eq3A_103, %get3A_14, %sub3A_106 : vector<16xi1>, vector<16xi32>
      %reduce_max3A_108 = arith.constant true
      %reduce_max3A_109 = vector.broadcast %reduce_max3A_108 : i1 to vector<16xi1>
      %reduce_max3A_110 = arith.constant -2147483648 : i32
      %reduce_max3A_111 = vector.broadcast %reduce_max3A_110 : i32 to vector<16xi32>
      %reduce_max3A_112 = arith.xori %select_n3A_107, %reduce_max3A_111 : vector<16xi32>
      %reduce_max3A_113 = tpu.scan <max>, %reduce_max3A_112 masked %reduce_max3A_109 : vector<16xi32>, vector<16xi1> -> vector<16xi32>
      %reduce_max3A_114 = arith.xori %reduce_max3A_113, %reduce_max3A_111 : vector<16xi32>
      %reduce_max3A_115 = vector.extract %reduce_max3A_114[15] : i32 from vector<16xi32>
      %broadcast_in_dim3A_116 = vector.broadcast %reduce_max3A_115 : i32 to vector<16xi32>
      %scan3A_117 = arith.constant 0 : i32
      %scan3A_118 = arith.constant 0 : i32
      %scan3A_119 = arith.constant 19 : i32
      %scan3A_120 = arith.addi %scan3A_118, %scan3A_119 : i32
      %scan3A_121 = arith.constant 1 : i32
      scf.for %scan3A_1477 = %scan3A_118 to %scan3A_120 step %scan3A_121  : i32 {
        %mul3A_1478 = arith.constant 16 : i32
        %mul3A_1479 = arith.muli %scan3A_1477, %mul3A_1478 : i32
        %mul3A_1480 = arith.constant 16 : i32
        %mul3A_1481 = arith.muli %scan3A_1477, %mul3A_1480 : i32
        %add3A_1482 = vector.broadcast %mul3A_1481 : i32 to vector<16xi32>
        %add3A_1483 = arith.addi %iota3A, %add3A_1482 : vector<16xi32>
        %gather3A = tpu.vector_load_idx %arg7[%broadcast_in_dim3A_116, %add3A_1483] : memref<80x304xf32, #tpu.memory_space<vmem>>[vector<16xi32>, vector<16xi32>], vector<16xf32>,
        %get3A_1484 = arith.constant 4 : i32
        %get3A_1485 = arith.index_cast %get3A_1484 : i32 to index
        %get3A_1486 = arith.index_cast %mul3A_1479 : i32 to index
        %get3A_1487 = tpu.vector_load %arg8[%get3A_1485, %get3A_1486] {strides = array<i32>} : memref<20x304xf32, #tpu.memory_space<vmem>>, vector<16xf32>,
        %mul3A_1488 = arith.constant 2.000000e+00 : f32
        %mul3A_1489 = vector.broadcast %mul3A_1488 : f32 to vector<16xf32>
        %mul3A_1490 = arith.mulf %mul3A_1489, %gather3A : vector<16xf32>
        %add3A_1491 = arith.addf %get3A_1487, %mul3A_1490 : vector<16xf32>
        %get3A_1492 = arith.constant 4 : i32
        %get3A_1493 = arith.index_cast %get3A_1492 : i32 to index
        %get3A_1494 = arith.index_cast %mul3A_1479 : i32 to index
        %get3A_1495 = tpu.vector_load %arg9[%get3A_1493, %get3A_1494] {strides = array<i32>} : memref<20x304xf32, #tpu.memory_space<vmem>>, vector<16xf32>,
        %add3A_1496 = arith.addf %add3A_1491, %get3A_1495 : vector<16xf32>
        %swap3A_1497 = arith.constant 4 : i32
        %swap3A_1498 = arith.index_cast %swap3A_1497 : i32 to index
        %swap3A_1499 = arith.index_cast %mul3A_1479 : i32 to index
        %swap3A_1500 = tpu.vector_load %arg11[%swap3A_1498, %swap3A_1499] {strides = array<i32>} : memref<20x304xf32, #tpu.memory_space<vmem>>, vector<16xf32>,
        tpu.vector_store %arg11[%swap3A_1498, %swap3A_1499], %add3A_1496 {strides = array<i32>} : memref<20x304xf32, #tpu.memory_space<vmem>>, vector<16xf32>,
      }
      %scan3A_122 = arith.constant 19 : i32
      %eq3A_123 = arith.constant 5 : i32
      %eq3A_124 = vector.broadcast %eq3A_123 : i32 to vector<16xi32>
      %eq3A_125 = arith.cmpi eq, %iota3A, %eq3A_124 : vector<16xi32>
      %sub3A_126 = arith.constant 1 : i32
      %sub3A_127 = vector.broadcast %sub3A_126 : i32 to vector<16xi32>
      %sub3A_128 = arith.subi %broadcast_in_dim3A_5, %sub3A_127 : vector<16xi32>
      %select_n3A_129 = arith.select %eq3A_125, %get3A_14, %sub3A_128 : vector<16xi1>, vector<16xi32>
      %reduce_max3A_130 = arith.constant true
      %reduce_max3A_131 = vector.broadcast %reduce_max3A_130 : i1 to vector<16xi1>
      %reduce_max3A_132 = arith.constant -2147483648 : i32
      %reduce_max3A_133 = vector.broadcast %reduce_max3A_132 : i32 to vector<16xi32>
      %reduce_max3A_134 = arith.xori %select_n3A_129, %reduce_max3A_133 : vector<16xi32>
      %reduce_max3A_135 = tpu.scan <max>, %reduce_max3A_134 masked %reduce_max3A_131 : vector<16xi32>, vector<16xi1> -> vector<16xi32>
      %reduce_max3A_136 = arith.xori %reduce_max3A_135, %reduce_max3A_133 : vector<16xi32>
      %reduce_max3A_137 = vector.extract %reduce_max3A_136[15] : i32 from vector<16xi32>
      %broadcast_in_dim3A_138 = vector.broadcast %reduce_max3A_137 : i32 to vector<16xi32>
      %scan3A_139 = arith.constant 0 : i32
      %scan3A_140 = arith.constant 0 : i32
      %scan3A_141 = arith.constant 19 : i32
      %scan3A_142 = arith.addi %scan3A_140, %scan3A_141 : i32
      %scan3A_143 = arith.constant 1 : i32
      scf.for %scan3A_1477 = %scan3A_140 to %scan3A_142 step %scan3A_143  : i32 {
        %mul3A_1478 = arith.constant 16 : i32
        %mul3A_1479 = arith.muli %scan3A_1477, %mul3A_1478 : i32
        %mul3A_1480 = arith.constant 16 : i32
        %mul3A_1481 = arith.muli %scan3A_1477, %mul3A_1480 : i32
        %add3A_1482 = vector.broadcast %mul3A_1481 : i32 to vector<16xi32>
        %add3A_1483 = arith.addi %iota3A, %add3A_1482 : vector<16xi32>
        %gather3A = tpu.vector_load_idx %arg7[%broadcast_in_dim3A_138, %add3A_1483] : memref<80x304xf32, #tpu.memory_space<vmem>>[vector<16xi32>, vector<16xi32>], vector<16xf32>,
        %get3A_1484 = arith.constant 5 : i32
        %get3A_1485 = arith.index_cast %get3A_1484 : i32 to index
        %get3A_1486 = arith.index_cast %mul3A_1479 : i32 to index
        %get3A_1487 = tpu.vector_load %arg8[%get3A_1485, %get3A_1486] {strides = array<i32>} : memref<20x304xf32, #tpu.memory_space<vmem>>, vector<16xf32>,
        %mul3A_1488 = arith.constant 2.000000e+00 : f32
        %mul3A_1489 = vector.broadcast %mul3A_1488 : f32 to vector<16xf32>
        %mul3A_1490 = arith.mulf %mul3A_1489, %gather3A : vector<16xf32>
        %add3A_1491 = arith.addf %get3A_1487, %mul3A_1490 : vector<16xf32>
        %get3A_1492 = arith.constant 5 : i32
        %get3A_1493 = arith.index_cast %get3A_1492 : i32 to index
        %get3A_1494 = arith.index_cast %mul3A_1479 : i32 to index
        %get3A_1495 = tpu.vector_load %arg9[%get3A_1493, %get3A_1494] {strides = array<i32>} : memref<20x304xf32, #tpu.memory_space<vmem>>, vector<16xf32>,
        %add3A_1496 = arith.addf %add3A_1491, %get3A_1495 : vector<16xf32>
        %swap3A_1497 = arith.constant 5 : i32
        %swap3A_1498 = arith.index_cast %swap3A_1497 : i32 to index
        %swap3A_1499 = arith.index_cast %mul3A_1479 : i32 to index
        %swap3A_1500 = tpu.vector_load %arg11[%swap3A_1498, %swap3A_1499] {strides = array<i32>} : memref<20x304xf32, #tpu.memory_space<vmem>>, vector<16xf32>,
        tpu.vector_store %arg11[%swap3A_1498, %swap3A_1499], %add3A_1496 {strides = array<i32>} : memref<20x304xf32, #tpu.memory_space<vmem>>, vector<16xf32>,
      }
      %scan3A_144 = arith.constant 19 : i32
      %eq3A_145 = arith.constant 6 : i32
      %eq3A_146 = vector.broadcast %eq3A_145 : i32 to vector<16xi32>
      %eq3A_147 = arith.cmpi eq, %iota3A, %eq3A_146 : vector<16xi32>
      %sub3A_148 = arith.constant 1 : i32
      %sub3A_149 = vector.broadcast %sub3A_148 : i32 to vector<16xi32>
      %sub3A_150 = arith.subi %broadcast_in_dim3A_5, %sub3A_149 : vector<16xi32>
      %select_n3A_151 = arith.select %eq3A_147, %get3A_14, %sub3A_150 : vector<16xi1>, vector<16xi32>
      %reduce_max3A_152 = arith.constant true
      %reduce_max3A_153 = vector.broadcast %reduce_max3A_152 : i1 to vector<16xi1>
      %reduce_max3A_154 = arith.constant -2147483648 : i32
      %reduce_max3A_155 = vector.broadcast %reduce_max3A_154 : i32 to vector<16xi32>
      %reduce_max3A_156 = arith.xori %select_n3A_151, %reduce_max3A_155 : vector<16xi32>
      %reduce_max3A_157 = tpu.scan <max>, %reduce_max3A_156 masked %reduce_max3A_153 : vector<16xi32>, vector<16xi1> -> vector<16xi32>
      %reduce_max3A_158 = arith.xori %reduce_max3A_157, %reduce_max3A_155 : vector<16xi32>
      %reduce_max3A_159 = vector.extract %reduce_max3A_158[15] : i32 from vector<16xi32>
      %broadcast_in_dim3A_160 = vector.broadcast %reduce_max3A_159 : i32 to vector<16xi32>
      %scan3A_161 = arith.constant 0 : i32
      %scan3A_162 = arith.constant 0 : i32
      %scan3A_163 = arith.constant 19 : i32
      %scan3A_164 = arith.addi %scan3A_162, %scan3A_163 : i32
      %scan3A_165 = arith.constant 1 : i32
      scf.for %scan3A_1477 = %scan3A_162 to %scan3A_164 step %scan3A_165  : i32 {
        %mul3A_1478 = arith.constant 16 : i32
        %mul3A_1479 = arith.muli %scan3A_1477, %mul3A_1478 : i32
        %mul3A_1480 = arith.constant 16 : i32
        %mul3A_1481 = arith.muli %scan3A_1477, %mul3A_1480 : i32
        %add3A_1482 = vector.broadcast %mul3A_1481 : i32 to vector<16xi32>
        %add3A_1483 = arith.addi %iota3A, %add3A_1482 : vector<16xi32>
        %gather3A = tpu.vector_load_idx %arg7[%broadcast_in_dim3A_160, %add3A_1483] : memref<80x304xf32, #tpu.memory_space<vmem>>[vector<16xi32>, vector<16xi32>], vector<16xf32>,
        %get3A_1484 = arith.constant 6 : i32
        %get3A_1485 = arith.index_cast %get3A_1484 : i32 to index
        %get3A_1486 = arith.index_cast %mul3A_1479 : i32 to index
        %get3A_1487 = tpu.vector_load %arg8[%get3A_1485, %get3A_1486] {strides = array<i32>} : memref<20x304xf32, #tpu.memory_space<vmem>>, vector<16xf32>,
        %mul3A_1488 = arith.constant 2.000000e+00 : f32
        %mul3A_1489 = vector.broadcast %mul3A_1488 : f32 to vector<16xf32>
        %mul3A_1490 = arith.mulf %mul3A_1489, %gather3A : vector<16xf32>
        %add3A_1491 = arith.addf %get3A_1487, %mul3A_1490 : vector<16xf32>
        %get3A_1492 = arith.constant 6 : i32
        %get3A_1493 = arith.index_cast %get3A_1492 : i32 to index
        %get3A_1494 = arith.index_cast %mul3A_1479 : i32 to index
        %get3A_1495 = tpu.vector_load %arg9[%get3A_1493, %get3A_1494] {strides = array<i32>} : memref<20x304xf32, #tpu.memory_space<vmem>>, vector<16xf32>,
        %add3A_1496 = arith.addf %add3A_1491, %get3A_1495 : vector<16xf32>
        %swap3A_1497 = arith.constant 6 : i32
        %swap3A_1498 = arith.index_cast %swap3A_1497 : i32 to index
        %swap3A_1499 = arith.index_cast %mul3A_1479 : i32 to index
        %swap3A_1500 = tpu.vector_load %arg11[%swap3A_1498, %swap3A_1499] {strides = array<i32>} : memref<20x304xf32, #tpu.memory_space<vmem>>, vector<16xf32>,
        tpu.vector_store %arg11[%swap3A_1498, %swap3A_1499], %add3A_1496 {strides = array<i32>} : memref<20x304xf32, #tpu.memory_space<vmem>>, vector<16xf32>,
      }
      %scan3A_166 = arith.constant 19 : i32
      %eq3A_167 = arith.constant 7 : i32
      %eq3A_168 = vector.broadcast %eq3A_167 : i32 to vector<16xi32>
      %eq3A_169 = arith.cmpi eq, %iota3A, %eq3A_168 : vector<16xi32>
      %sub3A_170 = arith.constant 1 : i32
      %sub3A_171 = vector.broadcast %sub3A_170 : i32 to vector<16xi32>
      %sub3A_172 = arith.subi %broadcast_in_dim3A_5, %sub3A_171 : vector<16xi32>
      %select_n3A_173 = arith.select %eq3A_169, %get3A_14, %sub3A_172 : vector<16xi1>, vector<16xi32>
      %reduce_max3A_174 = arith.constant true
      %reduce_max3A_175 = vector.broadcast %reduce_max3A_174 : i1 to vector<16xi1>
      %reduce_max3A_176 = arith.constant -2147483648 : i32
      %reduce_max3A_177 = vector.broadcast %reduce_max3A_176 : i32 to vector<16xi32>
      %reduce_max3A_178 = arith.xori %select_n3A_173, %reduce_max3A_177 : vector<16xi32>
      %reduce_max3A_179 = tpu.scan <max>, %reduce_max3A_178 masked %reduce_max3A_175 : vector<16xi32>, vector<16xi1> -> vector<16xi32>
      %reduce_max3A_180 = arith.xori %reduce_max3A_179, %reduce_max3A_177 : vector<16xi32>
      %reduce_max3A_181 = vector.extract %reduce_max3A_180[15] : i32 from vector<16xi32>
      %broadcast_in_dim3A_182 = vector.broadcast %reduce_max3A_181 : i32 to vector<16xi32>
      %scan3A_183 = arith.constant 0 : i32
      %scan3A_184 = arith.constant 0 : i32
      %scan3A_185 = arith.constant 19 : i32
      %scan3A_186 = arith.addi %scan3A_184, %scan3A_185 : i32
      %scan3A_187 = arith.constant 1 : i32
      scf.for %scan3A_1477 = %scan3A_184 to %scan3A_186 step %scan3A_187  : i32 {
        %mul3A_1478 = arith.constant 16 : i32
        %mul3A_1479 = arith.muli %scan3A_1477, %mul3A_1478 : i32
        %mul3A_1480 = arith.constant 16 : i32
        %mul3A_1481 = arith.muli %scan3A_1477, %mul3A_1480 : i32
        %add3A_1482 = vector.broadcast %mul3A_1481 : i32 to vector<16xi32>
        %add3A_1483 = arith.addi %iota3A, %add3A_1482 : vector<16xi32>
        %gather3A = tpu.vector_load_idx %arg7[%broadcast_in_dim3A_182, %add3A_1483] : memref<80x304xf32, #tpu.memory_space<vmem>>[vector<16xi32>, vector<16xi32>], vector<16xf32>,
        %get3A_1484 = arith.constant 7 : i32
        %get3A_1485 = arith.index_cast %get3A_1484 : i32 to index
        %get3A_1486 = arith.index_cast %mul3A_1479 : i32 to index
        %get3A_1487 = tpu.vector_load %arg8[%get3A_1485, %get3A_1486] {strides = array<i32>} : memref<20x304xf32, #tpu.memory_space<vmem>>, vector<16xf32>,
        %mul3A_1488 = arith.constant 2.000000e+00 : f32
        %mul3A_1489 = vector.broadcast %mul3A_1488 : f32 to vector<16xf32>
        %mul3A_1490 = arith.mulf %mul3A_1489, %gather3A : vector<16xf32>
        %add3A_1491 = arith.addf %get3A_1487, %mul3A_1490 : vector<16xf32>
        %get3A_1492 = arith.constant 7 : i32
        %get3A_1493 = arith.index_cast %get3A_1492 : i32 to index
        %get3A_1494 = arith.index_cast %mul3A_1479 : i32 to index
        %get3A_1495 = tpu.vector_load %arg9[%get3A_1493, %get3A_1494] {strides = array<i32>} : memref<20x304xf32, #tpu.memory_space<vmem>>, vector<16xf32>,
        %add3A_1496 = arith.addf %add3A_1491, %get3A_1495 : vector<16xf32>
        %swap3A_1497 = arith.constant 7 : i32
        %swap3A_1498 = arith.index_cast %swap3A_1497 : i32 to index
        %swap3A_1499 = arith.index_cast %mul3A_1479 : i32 to index
        %swap3A_1500 = tpu.vector_load %arg11[%swap3A_1498, %swap3A_1499] {strides = array<i32>} : memref<20x304xf32, #tpu.memory_space<vmem>>, vector<16xf32>,
        tpu.vector_store %arg11[%swap3A_1498, %swap3A_1499], %add3A_1496 {strides = array<i32>} : memref<20x304xf32, #tpu.memory_space<vmem>>, vector<16xf32>,
      }
      %scan3A_188 = arith.constant 19 : i32
      %eq3A_189 = arith.constant 8 : i32
      %eq3A_190 = vector.broadcast %eq3A_189 : i32 to vector<16xi32>
      %eq3A_191 = arith.cmpi eq, %iota3A, %eq3A_190 : vector<16xi32>
      %sub3A_192 = arith.constant 1 : i32
      %sub3A_193 = vector.broadcast %sub3A_192 : i32 to vector<16xi32>
      %sub3A_194 = arith.subi %broadcast_in_dim3A_5, %sub3A_193 : vector<16xi32>
      %select_n3A_195 = arith.select %eq3A_191, %get3A_14, %sub3A_194 : vector<16xi1>, vector<16xi32>
      %reduce_max3A_196 = arith.constant true
      %reduce_max3A_197 = vector.broadcast %reduce_max3A_196 : i1 to vector<16xi1>
      %reduce_max3A_198 = arith.constant -2147483648 : i32
      %reduce_max3A_199 = vector.broadcast %reduce_max3A_198 : i32 to vector<16xi32>
      %reduce_max3A_200 = arith.xori %select_n3A_195, %reduce_max3A_199 : vector<16xi32>
      %reduce_max3A_201 = tpu.scan <max>, %reduce_max3A_200 masked %reduce_max3A_197 : vector<16xi32>, vector<16xi1> -> vector<16xi32>
      %reduce_max3A_202 = arith.xori %reduce_max3A_201, %reduce_max3A_199 : vector<16xi32>
      %reduce_max3A_203 = vector.extract %reduce_max3A_202[15] : i32 from vector<16xi32>
      %broadcast_in_dim3A_204 = vector.broadcast %reduce_max3A_203 : i32 to vector<16xi32>
      %scan3A_205 = arith.constant 0 : i32
      %scan3A_206 = arith.constant 0 : i32
      %scan3A_207 = arith.constant 19 : i32
      %scan3A_208 = arith.addi %scan3A_206, %scan3A_207 : i32
      %scan3A_209 = arith.constant 1 : i32
      scf.for %scan3A_1477 = %scan3A_206 to %scan3A_208 step %scan3A_209  : i32 {
        %mul3A_1478 = arith.constant 16 : i32
        %mul3A_1479 = arith.muli %scan3A_1477, %mul3A_1478 : i32
        %mul3A_1480 = arith.constant 16 : i32
        %mul3A_1481 = arith.muli %scan3A_1477, %mul3A_1480 : i32
        %add3A_1482 = vector.broadcast %mul3A_1481 : i32 to vector<16xi32>
        %add3A_1483 = arith.addi %iota3A, %add3A_1482 : vector<16xi32>
        %gather3A = tpu.vector_load_idx %arg7[%broadcast_in_dim3A_204, %add3A_1483] : memref<80x304xf32, #tpu.memory_space<vmem>>[vector<16xi32>, vector<16xi32>], vector<16xf32>,
        %get3A_1484 = arith.constant 8 : i32
        %get3A_1485 = arith.index_cast %get3A_1484 : i32 to index
        %get3A_1486 = arith.index_cast %mul3A_1479 : i32 to index
        %get3A_1487 = tpu.vector_load %arg8[%get3A_1485, %get3A_1486] {strides = array<i32>} : memref<20x304xf32, #tpu.memory_space<vmem>>, vector<16xf32>,
        %mul3A_1488 = arith.constant 2.000000e+00 : f32
        %mul3A_1489 = vector.broadcast %mul3A_1488 : f32 to vector<16xf32>
        %mul3A_1490 = arith.mulf %mul3A_1489, %gather3A : vector<16xf32>
        %add3A_1491 = arith.addf %get3A_1487, %mul3A_1490 : vector<16xf32>
        %get3A_1492 = arith.constant 8 : i32
        %get3A_1493 = arith.index_cast %get3A_1492 : i32 to index
        %get3A_1494 = arith.index_cast %mul3A_1479 : i32 to index
        %get3A_1495 = tpu.vector_load %arg9[%get3A_1493, %get3A_1494] {strides = array<i32>} : memref<20x304xf32, #tpu.memory_space<vmem>>, vector<16xf32>,
        %add3A_1496 = arith.addf %add3A_1491, %get3A_1495 : vector<16xf32>
        %swap3A_1497 = arith.constant 8 : i32
        %swap3A_1498 = arith.index_cast %swap3A_1497 : i32 to index
        %swap3A_1499 = arith.index_cast %mul3A_1479 : i32 to index
        %swap3A_1500 = tpu.vector_load %arg11[%swap3A_1498, %swap3A_1499] {strides = array<i32>} : memref<20x304xf32, #tpu.memory_space<vmem>>, vector<16xf32>,
        tpu.vector_store %arg11[%swap3A_1498, %swap3A_1499], %add3A_1496 {strides = array<i32>} : memref<20x304xf32, #tpu.memory_space<vmem>>, vector<16xf32>,
      }
      %scan3A_210 = arith.constant 19 : i32
      %eq3A_211 = arith.constant 9 : i32
      %eq3A_212 = vector.broadcast %eq3A_211 : i32 to vector<16xi32>
      %eq3A_213 = arith.cmpi eq, %iota3A, %eq3A_212 : vector<16xi32>
      %sub3A_214 = arith.constant 1 : i32
      %sub3A_215 = vector.broadcast %sub3A_214 : i32 to vector<16xi32>
      %sub3A_216 = arith.subi %broadcast_in_dim3A_5, %sub3A_215 : vector<16xi32>
      %select_n3A_217 = arith.select %eq3A_213, %get3A_14, %sub3A_216 : vector<16xi1>, vector<16xi32>
      %reduce_max3A_218 = arith.constant true
      %reduce_max3A_219 = vector.broadcast %reduce_max3A_218 : i1 to vector<16xi1>
      %reduce_max3A_220 = arith.constant -2147483648 : i32
      %reduce_max3A_221 = vector.broadcast %reduce_max3A_220 : i32 to vector<16xi32>
      %reduce_max3A_222 = arith.xori %select_n3A_217, %reduce_max3A_221 : vector<16xi32>
      %reduce_max3A_223 = tpu.scan <max>, %reduce_max3A_222 masked %reduce_max3A_219 : vector<16xi32>, vector<16xi1> -> vector<16xi32>
      %reduce_max3A_224 = arith.xori %reduce_max3A_223, %reduce_max3A_221 : vector<16xi32>
      %reduce_max3A_225 = vector.extract %reduce_max3A_224[15] : i32 from vector<16xi32>
      %broadcast_in_dim3A_226 = vector.broadcast %reduce_max3A_225 : i32 to vector<16xi32>
      %scan3A_227 = arith.constant 0 : i32
      %scan3A_228 = arith.constant 0 : i32
      %scan3A_229 = arith.constant 19 : i32
      %scan3A_230 = arith.addi %scan3A_228, %scan3A_229 : i32
      %scan3A_231 = arith.constant 1 : i32
      scf.for %scan3A_1477 = %scan3A_228 to %scan3A_230 step %scan3A_231  : i32 {
        %mul3A_1478 = arith.constant 16 : i32
        %mul3A_1479 = arith.muli %scan3A_1477, %mul3A_1478 : i32
        %mul3A_1480 = arith.constant 16 : i32
        %mul3A_1481 = arith.muli %scan3A_1477, %mul3A_1480 : i32
        %add3A_1482 = vector.broadcast %mul3A_1481 : i32 to vector<16xi32>
        %add3A_1483 = arith.addi %iota3A, %add3A_1482 : vector<16xi32>
        %gather3A = tpu.vector_load_idx %arg7[%broadcast_in_dim3A_226, %add3A_1483] : memref<80x304xf32, #tpu.memory_space<vmem>>[vector<16xi32>, vector<16xi32>], vector<16xf32>,
        %get3A_1484 = arith.constant 9 : i32
        %get3A_1485 = arith.index_cast %get3A_1484 : i32 to index
        %get3A_1486 = arith.index_cast %mul3A_1479 : i32 to index
        %get3A_1487 = tpu.vector_load %arg8[%get3A_1485, %get3A_1486] {strides = array<i32>} : memref<20x304xf32, #tpu.memory_space<vmem>>, vector<16xf32>,
        %mul3A_1488 = arith.constant 2.000000e+00 : f32
        %mul3A_1489 = vector.broadcast %mul3A_1488 : f32 to vector<16xf32>
        %mul3A_1490 = arith.mulf %mul3A_1489, %gather3A : vector<16xf32>
        %add3A_1491 = arith.addf %get3A_1487, %mul3A_1490 : vector<16xf32>
        %get3A_1492 = arith.constant 9 : i32
        %get3A_1493 = arith.index_cast %get3A_1492 : i32 to index
        %get3A_1494 = arith.index_cast %mul3A_1479 : i32 to index
        %get3A_1495 = tpu.vector_load %arg9[%get3A_1493, %get3A_1494] {strides = array<i32>} : memref<20x304xf32, #tpu.memory_space<vmem>>, vector<16xf32>,
        %add3A_1496 = arith.addf %add3A_1491, %get3A_1495 : vector<16xf32>
        %swap3A_1497 = arith.constant 9 : i32
        %swap3A_1498 = arith.index_cast %swap3A_1497 : i32 to index
        %swap3A_1499 = arith.index_cast %mul3A_1479 : i32 to index
        %swap3A_1500 = tpu.vector_load %arg11[%swap3A_1498, %swap3A_1499] {strides = array<i32>} : memref<20x304xf32, #tpu.memory_space<vmem>>, vector<16xf32>,
        tpu.vector_store %arg11[%swap3A_1498, %swap3A_1499], %add3A_1496 {strides = array<i32>} : memref<20x304xf32, #tpu.memory_space<vmem>>, vector<16xf32>,
      }
      %scan3A_232 = arith.constant 19 : i32
      %eq3A_233 = arith.constant 10 : i32
      %eq3A_234 = vector.broadcast %eq3A_233 : i32 to vector<16xi32>
      %eq3A_235 = arith.cmpi eq, %iota3A, %eq3A_234 : vector<16xi32>
      %sub3A_236 = arith.constant 1 : i32
      %sub3A_237 = vector.broadcast %sub3A_236 : i32 to vector<16xi32>
      %sub3A_238 = arith.subi %broadcast_in_dim3A_5, %sub3A_237 : vector<16xi32>
      %select_n3A_239 = arith.select %eq3A_235, %get3A_14, %sub3A_238 : vector<16xi1>, vector<16xi32>
      %reduce_max3A_240 = arith.constant true
      %reduce_max3A_241 = vector.broadcast %reduce_max3A_240 : i1 to vector<16xi1>
      %reduce_max3A_242 = arith.constant -2147483648 : i32
      %reduce_max3A_243 = vector.broadcast %reduce_max3A_242 : i32 to vector<16xi32>
      %reduce_max3A_244 = arith.xori %select_n3A_239, %reduce_max3A_243 : vector<16xi32>
      %reduce_max3A_245 = tpu.scan <max>, %reduce_max3A_244 masked %reduce_max3A_241 : vector<16xi32>, vector<16xi1> -> vector<16xi32>
      %reduce_max3A_246 = arith.xori %reduce_max3A_245, %reduce_max3A_243 : vector<16xi32>
      %reduce_max3A_247 = vector.extract %reduce_max3A_246[15] : i32 from vector<16xi32>
      %broadcast_in_dim3A_248 = vector.broadcast %reduce_max3A_247 : i32 to vector<16xi32>
      %scan3A_249 = arith.constant 0 : i32
      %scan3A_250 = arith.constant 0 : i32
      %scan3A_251 = arith.constant 19 : i32
      %scan3A_252 = arith.addi %scan3A_250, %scan3A_251 : i32
      %scan3A_253 = arith.constant 1 : i32
      scf.for %scan3A_1477 = %scan3A_250 to %scan3A_252 step %scan3A_253  : i32 {
        %mul3A_1478 = arith.constant 16 : i32
        %mul3A_1479 = arith.muli %scan3A_1477, %mul3A_1478 : i32
        %mul3A_1480 = arith.constant 16 : i32
        %mul3A_1481 = arith.muli %scan3A_1477, %mul3A_1480 : i32
        %add3A_1482 = vector.broadcast %mul3A_1481 : i32 to vector<16xi32>
        %add3A_1483 = arith.addi %iota3A, %add3A_1482 : vector<16xi32>
        %gather3A = tpu.vector_load_idx %arg7[%broadcast_in_dim3A_248, %add3A_1483] : memref<80x304xf32, #tpu.memory_space<vmem>>[vector<16xi32>, vector<16xi32>], vector<16xf32>,
        %get3A_1484 = arith.constant 10 : i32
        %get3A_1485 = arith.index_cast %get3A_1484 : i32 to index
        %get3A_1486 = arith.index_cast %mul3A_1479 : i32 to index
        %get3A_1487 = tpu.vector_load %arg8[%get3A_1485, %get3A_1486] {strides = array<i32>} : memref<20x304xf32, #tpu.memory_space<vmem>>, vector<16xf32>,
        %mul3A_1488 = arith.constant 2.000000e+00 : f32
        %mul3A_1489 = vector.broadcast %mul3A_1488 : f32 to vector<16xf32>
        %mul3A_1490 = arith.mulf %mul3A_1489, %gather3A : vector<16xf32>
        %add3A_1491 = arith.addf %get3A_1487, %mul3A_1490 : vector<16xf32>
        %get3A_1492 = arith.constant 10 : i32
        %get3A_1493 = arith.index_cast %get3A_1492 : i32 to index
        %get3A_1494 = arith.index_cast %mul3A_1479 : i32 to index
        %get3A_1495 = tpu.vector_load %arg9[%get3A_1493, %get3A_1494] {strides = array<i32>} : memref<20x304xf32, #tpu.memory_space<vmem>>, vector<16xf32>,
        %add3A_1496 = arith.addf %add3A_1491, %get3A_1495 : vector<16xf32>
        %swap3A_1497 = arith.constant 10 : i32
        %swap3A_1498 = arith.index_cast %swap3A_1497 : i32 to index
        %swap3A_1499 = arith.index_cast %mul3A_1479 : i32 to index
        %swap3A_1500 = tpu.vector_load %arg11[%swap3A_1498, %swap3A_1499] {strides = array<i32>} : memref<20x304xf32, #tpu.memory_space<vmem>>, vector<16xf32>,
        tpu.vector_store %arg11[%swap3A_1498, %swap3A_1499], %add3A_1496 {strides = array<i32>} : memref<20x304xf32, #tpu.memory_space<vmem>>, vector<16xf32>,
      }
      %scan3A_254 = arith.constant 19 : i32
      %eq3A_255 = arith.constant 11 : i32
      %eq3A_256 = vector.broadcast %eq3A_255 : i32 to vector<16xi32>
      %eq3A_257 = arith.cmpi eq, %iota3A, %eq3A_256 : vector<16xi32>
      %sub3A_258 = arith.constant 1 : i32
      %sub3A_259 = vector.broadcast %sub3A_258 : i32 to vector<16xi32>
      %sub3A_260 = arith.subi %broadcast_in_dim3A_5, %sub3A_259 : vector<16xi32>
      %select_n3A_261 = arith.select %eq3A_257, %get3A_14, %sub3A_260 : vector<16xi1>, vector<16xi32>
      %reduce_max3A_262 = arith.constant true
      %reduce_max3A_263 = vector.broadcast %reduce_max3A_262 : i1 to vector<16xi1>
      %reduce_max3A_264 = arith.constant -2147483648 : i32
      %reduce_max3A_265 = vector.broadcast %reduce_max3A_264 : i32 to vector<16xi32>
      %reduce_max3A_266 = arith.xori %select_n3A_261, %reduce_max3A_265 : vector<16xi32>
      %reduce_max3A_267 = tpu.scan <max>, %reduce_max3A_266 masked %reduce_max3A_263 : vector<16xi32>, vector<16xi1> -> vector<16xi32>
      %reduce_max3A_268 = arith.xori %reduce_max3A_267, %reduce_max3A_265 : vector<16xi32>
      %reduce_max3A_269 = vector.extract %reduce_max3A_268[15] : i32 from vector<16xi32>
      %broadcast_in_dim3A_270 = vector.broadcast %reduce_max3A_269 : i32 to vector<16xi32>
      %scan3A_271 = arith.constant 0 : i32
      %scan3A_272 = arith.constant 0 : i32
      %scan3A_273 = arith.constant 19 : i32
      %scan3A_274 = arith.addi %scan3A_272, %scan3A_273 : i32
      %scan3A_275 = arith.constant 1 : i32
      scf.for %scan3A_1477 = %scan3A_272 to %scan3A_274 step %scan3A_275  : i32 {
        %mul3A_1478 = arith.constant 16 : i32
        %mul3A_1479 = arith.muli %scan3A_1477, %mul3A_1478 : i32
        %mul3A_1480 = arith.constant 16 : i32
        %mul3A_1481 = arith.muli %scan3A_1477, %mul3A_1480 : i32
        %add3A_1482 = vector.broadcast %mul3A_1481 : i32 to vector<16xi32>
        %add3A_1483 = arith.addi %iota3A, %add3A_1482 : vector<16xi32>
        %gather3A = tpu.vector_load_idx %arg7[%broadcast_in_dim3A_270, %add3A_1483] : memref<80x304xf32, #tpu.memory_space<vmem>>[vector<16xi32>, vector<16xi32>], vector<16xf32>,
        %get3A_1484 = arith.constant 11 : i32
        %get3A_1485 = arith.index_cast %get3A_1484 : i32 to index
        %get3A_1486 = arith.index_cast %mul3A_1479 : i32 to index
        %get3A_1487 = tpu.vector_load %arg8[%get3A_1485, %get3A_1486] {strides = array<i32>} : memref<20x304xf32, #tpu.memory_space<vmem>>, vector<16xf32>,
        %mul3A_1488 = arith.constant 2.000000e+00 : f32
        %mul3A_1489 = vector.broadcast %mul3A_1488 : f32 to vector<16xf32>
        %mul3A_1490 = arith.mulf %mul3A_1489, %gather3A : vector<16xf32>
        %add3A_1491 = arith.addf %get3A_1487, %mul3A_1490 : vector<16xf32>
        %get3A_1492 = arith.constant 11 : i32
        %get3A_1493 = arith.index_cast %get3A_1492 : i32 to index
        %get3A_1494 = arith.index_cast %mul3A_1479 : i32 to index
        %get3A_1495 = tpu.vector_load %arg9[%get3A_1493, %get3A_1494] {strides = array<i32>} : memref<20x304xf32, #tpu.memory_space<vmem>>, vector<16xf32>,
        %add3A_1496 = arith.addf %add3A_1491, %get3A_1495 : vector<16xf32>
        %swap3A_1497 = arith.constant 11 : i32
        %swap3A_1498 = arith.index_cast %swap3A_1497 : i32 to index
        %swap3A_1499 = arith.index_cast %mul3A_1479 : i32 to index
        %swap3A_1500 = tpu.vector_load %arg11[%swap3A_1498, %swap3A_1499] {strides = array<i32>} : memref<20x304xf32, #tpu.memory_space<vmem>>, vector<16xf32>,
        tpu.vector_store %arg11[%swap3A_1498, %swap3A_1499], %add3A_1496 {strides = array<i32>} : memref<20x304xf32, #tpu.memory_space<vmem>>, vector<16xf32>,
      }
      %scan3A_276 = arith.constant 19 : i32
      %eq3A_277 = arith.constant 12 : i32
      %eq3A_278 = vector.broadcast %eq3A_277 : i32 to vector<16xi32>
      %eq3A_279 = arith.cmpi eq, %iota3A, %eq3A_278 : vector<16xi32>
      %sub3A_280 = arith.constant 1 : i32
      %sub3A_281 = vector.broadcast %sub3A_280 : i32 to vector<16xi32>
      %sub3A_282 = arith.subi %broadcast_in_dim3A_5, %sub3A_281 : vector<16xi32>
      %select_n3A_283 = arith.select %eq3A_279, %get3A_14, %sub3A_282 : vector<16xi1>, vector<16xi32>
      %reduce_max3A_284 = arith.constant true
      %reduce_max3A_285 = vector.broadcast %reduce_max3A_284 : i1 to vector<16xi1>
      %reduce_max3A_286 = arith.constant -2147483648 : i32
      %reduce_max3A_287 = vector.broadcast %reduce_max3A_286 : i32 to vector<16xi32>
      %reduce_max3A_288 = arith.xori %select_n3A_283, %reduce_max3A_287 : vector<16xi32>
      %reduce_max3A_289 = tpu.scan <max>, %reduce_max3A_288 masked %reduce_max3A_285 : vector<16xi32>, vector<16xi1> -> vector<16xi32>
      %reduce_max3A_290 = arith.xori %reduce_max3A_289, %reduce_max3A_287 : vector<16xi32>
      %reduce_max3A_291 = vector.extract %reduce_max3A_290[15] : i32 from vector<16xi32>
      %broadcast_in_dim3A_292 = vector.broadcast %reduce_max3A_291 : i32 to vector<16xi32>
      %scan3A_293 = arith.constant 0 : i32
      %scan3A_294 = arith.constant 0 : i32
      %scan3A_295 = arith.constant 19 : i32
      %scan3A_296 = arith.addi %scan3A_294, %scan3A_295 : i32
      %scan3A_297 = arith.constant 1 : i32
      scf.for %scan3A_1477 = %scan3A_294 to %scan3A_296 step %scan3A_297  : i32 {
        %mul3A_1478 = arith.constant 16 : i32
        %mul3A_1479 = arith.muli %scan3A_1477, %mul3A_1478 : i32
        %mul3A_1480 = arith.constant 16 : i32
        %mul3A_1481 = arith.muli %scan3A_1477, %mul3A_1480 : i32
        %add3A_1482 = vector.broadcast %mul3A_1481 : i32 to vector<16xi32>
        %add3A_1483 = arith.addi %iota3A, %add3A_1482 : vector<16xi32>
        %gather3A = tpu.vector_load_idx %arg7[%broadcast_in_dim3A_292, %add3A_1483] : memref<80x304xf32, #tpu.memory_space<vmem>>[vector<16xi32>, vector<16xi32>], vector<16xf32>,
        %get3A_1484 = arith.constant 12 : i32
        %get3A_1485 = arith.index_cast %get3A_1484 : i32 to index
        %get3A_1486 = arith.index_cast %mul3A_1479 : i32 to index
        %get3A_1487 = tpu.vector_load %arg8[%get3A_1485, %get3A_1486] {strides = array<i32>} : memref<20x304xf32, #tpu.memory_space<vmem>>, vector<16xf32>,
        %mul3A_1488 = arith.constant 2.000000e+00 : f32
        %mul3A_1489 = vector.broadcast %mul3A_1488 : f32 to vector<16xf32>
        %mul3A_1490 = arith.mulf %mul3A_1489, %gather3A : vector<16xf32>
        %add3A_1491 = arith.addf %get3A_1487, %mul3A_1490 : vector<16xf32>
        %get3A_1492 = arith.constant 12 : i32
        %get3A_1493 = arith.index_cast %get3A_1492 : i32 to index
        %get3A_1494 = arith.index_cast %mul3A_1479 : i32 to index
        %get3A_1495 = tpu.vector_load %arg9[%get3A_1493, %get3A_1494] {strides = array<i32>} : memref<20x304xf32, #tpu.memory_space<vmem>>, vector<16xf32>,
        %add3A_1496 = arith.addf %add3A_1491, %get3A_1495 : vector<16xf32>
        %swap3A_1497 = arith.constant 12 : i32
        %swap3A_1498 = arith.index_cast %swap3A_1497 : i32 to index
        %swap3A_1499 = arith.index_cast %mul3A_1479 : i32 to index
        %swap3A_1500 = tpu.vector_load %arg11[%swap3A_1498, %swap3A_1499] {strides = array<i32>} : memref<20x304xf32, #tpu.memory_space<vmem>>, vector<16xf32>,
        tpu.vector_store %arg11[%swap3A_1498, %swap3A_1499], %add3A_1496 {strides = array<i32>} : memref<20x304xf32, #tpu.memory_space<vmem>>, vector<16xf32>,
      }
      %scan3A_298 = arith.constant 19 : i32
      %eq3A_299 = arith.constant 13 : i32
      %eq3A_300 = vector.broadcast %eq3A_299 : i32 to vector<16xi32>
      %eq3A_301 = arith.cmpi eq, %iota3A, %eq3A_300 : vector<16xi32>
      %sub3A_302 = arith.constant 1 : i32
      %sub3A_303 = vector.broadcast %sub3A_302 : i32 to vector<16xi32>
      %sub3A_304 = arith.subi %broadcast_in_dim3A_5, %sub3A_303 : vector<16xi32>
      %select_n3A_305 = arith.select %eq3A_301, %get3A_14, %sub3A_304 : vector<16xi1>, vector<16xi32>
      %reduce_max3A_306 = arith.constant true
      %reduce_max3A_307 = vector.broadcast %reduce_max3A_306 : i1 to vector<16xi1>
      %reduce_max3A_308 = arith.constant -2147483648 : i32
      %reduce_max3A_309 = vector.broadcast %reduce_max3A_308 : i32 to vector<16xi32>
      %reduce_max3A_310 = arith.xori %select_n3A_305, %reduce_max3A_309 : vector<16xi32>
      %reduce_max3A_311 = tpu.scan <max>, %reduce_max3A_310 masked %reduce_max3A_307 : vector<16xi32>, vector<16xi1> -> vector<16xi32>
      %reduce_max3A_312 = arith.xori %reduce_max3A_311, %reduce_max3A_309 : vector<16xi32>
      %reduce_max3A_313 = vector.extract %reduce_max3A_312[15] : i32 from vector<16xi32>
      %broadcast_in_dim3A_314 = vector.broadcast %reduce_max3A_313 : i32 to vector<16xi32>
      %scan3A_315 = arith.constant 0 : i32
      %scan3A_316 = arith.constant 0 : i32
      %scan3A_317 = arith.constant 19 : i32
      %scan3A_318 = arith.addi %scan3A_316, %scan3A_317 : i32
      %scan3A_319 = arith.constant 1 : i32
      scf.for %scan3A_1477 = %scan3A_316 to %scan3A_318 step %scan3A_319  : i32 {
        %mul3A_1478 = arith.constant 16 : i32
        %mul3A_1479 = arith.muli %scan3A_1477, %mul3A_1478 : i32
        %mul3A_1480 = arith.constant 16 : i32
        %mul3A_1481 = arith.muli %scan3A_1477, %mul3A_1480 : i32
        %add3A_1482 = vector.broadcast %mul3A_1481 : i32 to vector<16xi32>
        %add3A_1483 = arith.addi %iota3A, %add3A_1482 : vector<16xi32>
        %gather3A = tpu.vector_load_idx %arg7[%broadcast_in_dim3A_314, %add3A_1483] : memref<80x304xf32, #tpu.memory_space<vmem>>[vector<16xi32>, vector<16xi32>], vector<16xf32>,
        %get3A_1484 = arith.constant 13 : i32
        %get3A_1485 = arith.index_cast %get3A_1484 : i32 to index
        %get3A_1486 = arith.index_cast %mul3A_1479 : i32 to index
        %get3A_1487 = tpu.vector_load %arg8[%get3A_1485, %get3A_1486] {strides = array<i32>} : memref<20x304xf32, #tpu.memory_space<vmem>>, vector<16xf32>,
        %mul3A_1488 = arith.constant 2.000000e+00 : f32
        %mul3A_1489 = vector.broadcast %mul3A_1488 : f32 to vector<16xf32>
        %mul3A_1490 = arith.mulf %mul3A_1489, %gather3A : vector<16xf32>
        %add3A_1491 = arith.addf %get3A_1487, %mul3A_1490 : vector<16xf32>
        %get3A_1492 = arith.constant 13 : i32
        %get3A_1493 = arith.index_cast %get3A_1492 : i32 to index
        %get3A_1494 = arith.index_cast %mul3A_1479 : i32 to index
        %get3A_1495 = tpu.vector_load %arg9[%get3A_1493, %get3A_1494] {strides = array<i32>} : memref<20x304xf32, #tpu.memory_space<vmem>>, vector<16xf32>,
        %add3A_1496 = arith.addf %add3A_1491, %get3A_1495 : vector<16xf32>
        %swap3A_1497 = arith.constant 13 : i32
        %swap3A_1498 = arith.index_cast %swap3A_1497 : i32 to index
        %swap3A_1499 = arith.index_cast %mul3A_1479 : i32 to index
        %swap3A_1500 = tpu.vector_load %arg11[%swap3A_1498, %swap3A_1499] {strides = array<i32>} : memref<20x304xf32, #tpu.memory_space<vmem>>, vector<16xf32>,
        tpu.vector_store %arg11[%swap3A_1498, %swap3A_1499], %add3A_1496 {strides = array<i32>} : memref<20x304xf32, #tpu.memory_space<vmem>>, vector<16xf32>,
      }
      %scan3A_320 = arith.constant 19 : i32
      %eq3A_321 = arith.constant 14 : i32
      %eq3A_322 = vector.broadcast %eq3A_321 : i32 to vector<16xi32>
      %eq3A_323 = arith.cmpi eq, %iota3A, %eq3A_322 : vector<16xi32>
      %sub3A_324 = arith.constant 1 : i32
      %sub3A_325 = vector.broadcast %sub3A_324 : i32 to vector<16xi32>
      %sub3A_326 = arith.subi %broadcast_in_dim3A_5, %sub3A_325 : vector<16xi32>
      %select_n3A_327 = arith.select %eq3A_323, %get3A_14, %sub3A_326 : vector<16xi1>, vector<16xi32>
      %reduce_max3A_328 = arith.constant true
      %reduce_max3A_329 = vector.broadcast %reduce_max3A_328 : i1 to vector<16xi1>
      %reduce_max3A_330 = arith.constant -2147483648 : i32
      %reduce_max3A_331 = vector.broadcast %reduce_max3A_330 : i32 to vector<16xi32>
      %reduce_max3A_332 = arith.xori %select_n3A_327, %reduce_max3A_331 : vector<16xi32>
      %reduce_max3A_333 = tpu.scan <max>, %reduce_max3A_332 masked %reduce_max3A_329 : vector<16xi32>, vector<16xi1> -> vector<16xi32>
      %reduce_max3A_334 = arith.xori %reduce_max3A_333, %reduce_max3A_331 : vector<16xi32>
      %reduce_max3A_335 = vector.extract %reduce_max3A_334[15] : i32 from vector<16xi32>
      %broadcast_in_dim3A_336 = vector.broadcast %reduce_max3A_335 : i32 to vector<16xi32>
      %scan3A_337 = arith.constant 0 : i32
      %scan3A_338 = arith.constant 0 : i32
      %scan3A_339 = arith.constant 19 : i32
      %scan3A_340 = arith.addi %scan3A_338, %scan3A_339 : i32
      %scan3A_341 = arith.constant 1 : i32
      scf.for %scan3A_1477 = %scan3A_338 to %scan3A_340 step %scan3A_341  : i32 {
        %mul3A_1478 = arith.constant 16 : i32
        %mul3A_1479 = arith.muli %scan3A_1477, %mul3A_1478 : i32
        %mul3A_1480 = arith.constant 16 : i32
        %mul3A_1481 = arith.muli %scan3A_1477, %mul3A_1480 : i32
        %add3A_1482 = vector.broadcast %mul3A_1481 : i32 to vector<16xi32>
        %add3A_1483 = arith.addi %iota3A, %add3A_1482 : vector<16xi32>
        %gather3A = tpu.vector_load_idx %arg7[%broadcast_in_dim3A_336, %add3A_1483] : memref<80x304xf32, #tpu.memory_space<vmem>>[vector<16xi32>, vector<16xi32>], vector<16xf32>,
        %get3A_1484 = arith.constant 14 : i32
        %get3A_1485 = arith.index_cast %get3A_1484 : i32 to index
        %get3A_1486 = arith.index_cast %mul3A_1479 : i32 to index
        %get3A_1487 = tpu.vector_load %arg8[%get3A_1485, %get3A_1486] {strides = array<i32>} : memref<20x304xf32, #tpu.memory_space<vmem>>, vector<16xf32>,
        %mul3A_1488 = arith.constant 2.000000e+00 : f32
        %mul3A_1489 = vector.broadcast %mul3A_1488 : f32 to vector<16xf32>
        %mul3A_1490 = arith.mulf %mul3A_1489, %gather3A : vector<16xf32>
        %add3A_1491 = arith.addf %get3A_1487, %mul3A_1490 : vector<16xf32>
        %get3A_1492 = arith.constant 14 : i32
        %get3A_1493 = arith.index_cast %get3A_1492 : i32 to index
        %get3A_1494 = arith.index_cast %mul3A_1479 : i32 to index
        %get3A_1495 = tpu.vector_load %arg9[%get3A_1493, %get3A_1494] {strides = array<i32>} : memref<20x304xf32, #tpu.memory_space<vmem>>, vector<16xf32>,
        %add3A_1496 = arith.addf %add3A_1491, %get3A_1495 : vector<16xf32>
        %swap3A_1497 = arith.constant 14 : i32
        %swap3A_1498 = arith.index_cast %swap3A_1497 : i32 to index
        %swap3A_1499 = arith.index_cast %mul3A_1479 : i32 to index
        %swap3A_1500 = tpu.vector_load %arg11[%swap3A_1498, %swap3A_1499] {strides = array<i32>} : memref<20x304xf32, #tpu.memory_space<vmem>>, vector<16xf32>,
        tpu.vector_store %arg11[%swap3A_1498, %swap3A_1499], %add3A_1496 {strides = array<i32>} : memref<20x304xf32, #tpu.memory_space<vmem>>, vector<16xf32>,
      }
      %scan3A_342 = arith.constant 19 : i32
      %eq3A_343 = arith.constant 15 : i32
      %eq3A_344 = vector.broadcast %eq3A_343 : i32 to vector<16xi32>
      %eq3A_345 = arith.cmpi eq, %iota3A, %eq3A_344 : vector<16xi32>
      %sub3A_346 = arith.constant 1 : i32
      %sub3A_347 = vector.broadcast %sub3A_346 : i32 to vector<16xi32>
      %sub3A_348 = arith.subi %broadcast_in_dim3A_5, %sub3A_347 : vector<16xi32>
      %select_n3A_349 = arith.select %eq3A_345, %get3A_14, %sub3A_348 : vector<16xi1>, vector<16xi32>
      %reduce_max3A_350 = arith.constant true
      %reduce_max3A_351 = vector.broadcast %reduce_max3A_350 : i1 to vector<16xi1>
      %reduce_max3A_352 = arith.constant -2147483648 : i32
      %reduce_max3A_353 = vector.broadcast %reduce_max3A_352 : i32 to vector<16xi32>
      %reduce_max3A_354 = arith.xori %select_n3A_349, %reduce_max3A_353 : vector<16xi32>
      %reduce_max3A_355 = tpu.scan <max>, %reduce_max3A_354 masked %reduce_max3A_351 : vector<16xi32>, vector<16xi1> -> vector<16xi32>
      %reduce_max3A_356 = arith.xori %reduce_max3A_355, %reduce_max3A_353 : vector<16xi32>
      %reduce_max3A_357 = vector.extract %reduce_max3A_356[15] : i32 from vector<16xi32>
      %broadcast_in_dim3A_358 = vector.broadcast %reduce_max3A_357 : i32 to vector<16xi32>
      %scan3A_359 = arith.constant 0 : i32
      %scan3A_360 = arith.constant 0 : i32
      %scan3A_361 = arith.constant 19 : i32
      %scan3A_362 = arith.addi %scan3A_360, %scan3A_361 : i32
      %scan3A_363 = arith.constant 1 : i32
      scf.for %scan3A_1477 = %scan3A_360 to %scan3A_362 step %scan3A_363  : i32 {
        %mul3A_1478 = arith.constant 16 : i32
        %mul3A_1479 = arith.muli %scan3A_1477, %mul3A_1478 : i32
        %mul3A_1480 = arith.constant 16 : i32
        %mul3A_1481 = arith.muli %scan3A_1477, %mul3A_1480 : i32
        %add3A_1482 = vector.broadcast %mul3A_1481 : i32 to vector<16xi32>
        %add3A_1483 = arith.addi %iota3A, %add3A_1482 : vector<16xi32>
        %gather3A = tpu.vector_load_idx %arg7[%broadcast_in_dim3A_358, %add3A_1483] : memref<80x304xf32, #tpu.memory_space<vmem>>[vector<16xi32>, vector<16xi32>], vector<16xf32>,
        %get3A_1484 = arith.constant 15 : i32
        %get3A_1485 = arith.index_cast %get3A_1484 : i32 to index
        %get3A_1486 = arith.index_cast %mul3A_1479 : i32 to index
        %get3A_1487 = tpu.vector_load %arg8[%get3A_1485, %get3A_1486] {strides = array<i32>} : memref<20x304xf32, #tpu.memory_space<vmem>>, vector<16xf32>,
        %mul3A_1488 = arith.constant 2.000000e+00 : f32
        %mul3A_1489 = vector.broadcast %mul3A_1488 : f32 to vector<16xf32>
        %mul3A_1490 = arith.mulf %mul3A_1489, %gather3A : vector<16xf32>
        %add3A_1491 = arith.addf %get3A_1487, %mul3A_1490 : vector<16xf32>
        %get3A_1492 = arith.constant 15 : i32
        %get3A_1493 = arith.index_cast %get3A_1492 : i32 to index
        %get3A_1494 = arith.index_cast %mul3A_1479 : i32 to index
        %get3A_1495 = tpu.vector_load %arg9[%get3A_1493, %get3A_1494] {strides = array<i32>} : memref<20x304xf32, #tpu.memory_space<vmem>>, vector<16xf32>,
        %add3A_1496 = arith.addf %add3A_1491, %get3A_1495 : vector<16xf32>
        %swap3A_1497 = arith.constant 15 : i32
        %swap3A_1498 = arith.index_cast %swap3A_1497 : i32 to index
        %swap3A_1499 = arith.index_cast %mul3A_1479 : i32 to index
        %swap3A_1500 = tpu.vector_load %arg11[%swap3A_1498, %swap3A_1499] {strides = array<i32>} : memref<20x304xf32, #tpu.memory_space<vmem>>, vector<16xf32>,
        tpu.vector_store %arg11[%swap3A_1498, %swap3A_1499], %add3A_1496 {strides = array<i32>} : memref<20x304xf32, #tpu.memory_space<vmem>>, vector<16xf32>,
      }
      %scan3A_364 = arith.constant 19 : i32
      %eq3A_365 = arith.constant 0 : i32
      %eq3A_366 = vector.broadcast %eq3A_365 : i32 to vector<16xi32>
      %eq3A_367 = arith.cmpi eq, %iota3A, %eq3A_366 : vector<16xi32>
      %sub3A_368 = arith.constant 1 : i32
      %sub3A_369 = vector.broadcast %sub3A_368 : i32 to vector<16xi32>
      %sub3A_370 = arith.subi %broadcast_in_dim3A_5, %sub3A_369 : vector<16xi32>
      %select_n3A_371 = arith.select %eq3A_367, %get3A_16, %sub3A_370 : vector<16xi1>, vector<16xi32>
      %reduce_max3A_372 = arith.constant true
      %reduce_max3A_373 = vector.broadcast %reduce_max3A_372 : i1 to vector<16xi1>
      %reduce_max3A_374 = arith.constant -2147483648 : i32
      %reduce_max3A_375 = vector.broadcast %reduce_max3A_374 : i32 to vector<16xi32>
      %reduce_max3A_376 = arith.xori %select_n3A_371, %reduce_max3A_375 : vector<16xi32>
      %reduce_max3A_377 = tpu.scan <max>, %reduce_max3A_376 masked %reduce_max3A_373 : vector<16xi32>, vector<16xi1> -> vector<16xi32>
      %reduce_max3A_378 = arith.xori %reduce_max3A_377, %reduce_max3A_375 : vector<16xi32>
      %reduce_max3A_379 = vector.extract %reduce_max3A_378[15] : i32 from vector<16xi32>
      %broadcast_in_dim3A_380 = vector.broadcast %reduce_max3A_379 : i32 to vector<16xi32>
      %scan3A_381 = arith.constant 0 : i32
      %scan3A_382 = arith.constant 0 : i32
      %scan3A_383 = arith.constant 19 : i32
      %scan3A_384 = arith.addi %scan3A_382, %scan3A_383 : i32
      %scan3A_385 = arith.constant 1 : i32
      scf.for %scan3A_1477 = %scan3A_382 to %scan3A_384 step %scan3A_385  : i32 {
        %mul3A_1478 = arith.constant 16 : i32
        %mul3A_1479 = arith.muli %scan3A_1477, %mul3A_1478 : i32
        %mul3A_1480 = arith.constant 16 : i32
        %mul3A_1481 = arith.muli %scan3A_1477, %mul3A_1480 : i32
        %add3A_1482 = vector.broadcast %mul3A_1481 : i32 to vector<16xi32>
        %add3A_1483 = arith.addi %iota3A, %add3A_1482 : vector<16xi32>
        %gather3A = tpu.vector_load_idx %arg7[%broadcast_in_dim3A_380, %add3A_1483] : memref<80x304xf32, #tpu.memory_space<vmem>>[vector<16xi32>, vector<16xi32>], vector<16xf32>,
        %get3A_1484 = arith.constant 16 : i32
        %get3A_1485 = arith.index_cast %get3A_1484 : i32 to index
        %get3A_1486 = arith.index_cast %mul3A_1479 : i32 to index
        %get3A_1487 = tpu.vector_load %arg8[%get3A_1485, %get3A_1486] {strides = array<i32>} : memref<20x304xf32, #tpu.memory_space<vmem>>, vector<16xf32>,
        %mul3A_1488 = arith.constant 2.000000e+00 : f32
        %mul3A_1489 = vector.broadcast %mul3A_1488 : f32 to vector<16xf32>
        %mul3A_1490 = arith.mulf %mul3A_1489, %gather3A : vector<16xf32>
        %add3A_1491 = arith.addf %get3A_1487, %mul3A_1490 : vector<16xf32>
        %get3A_1492 = arith.constant 16 : i32
        %get3A_1493 = arith.index_cast %get3A_1492 : i32 to index
        %get3A_1494 = arith.index_cast %mul3A_1479 : i32 to index
        %get3A_1495 = tpu.vector_load %arg9[%get3A_1493, %get3A_1494] {strides = array<i32>} : memref<20x304xf32, #tpu.memory_space<vmem>>, vector<16xf32>,
        %add3A_1496 = arith.addf %add3A_1491, %get3A_1495 : vector<16xf32>
        %swap3A_1497 = arith.constant 16 : i32
        %swap3A_1498 = arith.index_cast %swap3A_1497 : i32 to index
        %swap3A_1499 = arith.index_cast %mul3A_1479 : i32 to index
        %swap3A_1500 = tpu.vector_load %arg11[%swap3A_1498, %swap3A_1499] {strides = array<i32>} : memref<20x304xf32, #tpu.memory_space<vmem>>, vector<16xf32>,
        tpu.vector_store %arg11[%swap3A_1498, %swap3A_1499], %add3A_1496 {strides = array<i32>} : memref<20x304xf32, #tpu.memory_space<vmem>>, vector<16xf32>,
      }
      %scan3A_386 = arith.constant 19 : i32
      %eq3A_387 = arith.constant 1 : i32
      %eq3A_388 = vector.broadcast %eq3A_387 : i32 to vector<16xi32>
      %eq3A_389 = arith.cmpi eq, %iota3A, %eq3A_388 : vector<16xi32>
      %sub3A_390 = arith.constant 1 : i32
      %sub3A_391 = vector.broadcast %sub3A_390 : i32 to vector<16xi32>
      %sub3A_392 = arith.subi %broadcast_in_dim3A_5, %sub3A_391 : vector<16xi32>
      %select_n3A_393 = arith.select %eq3A_389, %get3A_16, %sub3A_392 : vector<16xi1>, vector<16xi32>
      %reduce_max3A_394 = arith.constant true
      %reduce_max3A_395 = vector.broadcast %reduce_max3A_394 : i1 to vector<16xi1>
      %reduce_max3A_396 = arith.constant -2147483648 : i32
      %reduce_max3A_397 = vector.broadcast %reduce_max3A_396 : i32 to vector<16xi32>
      %reduce_max3A_398 = arith.xori %select_n3A_393, %reduce_max3A_397 : vector<16xi32>
      %reduce_max3A_399 = tpu.scan <max>, %reduce_max3A_398 masked %reduce_max3A_395 : vector<16xi32>, vector<16xi1> -> vector<16xi32>
      %reduce_max3A_400 = arith.xori %reduce_max3A_399, %reduce_max3A_397 : vector<16xi32>
      %reduce_max3A_401 = vector.extract %reduce_max3A_400[15] : i32 from vector<16xi32>
      %broadcast_in_dim3A_402 = vector.broadcast %reduce_max3A_401 : i32 to vector<16xi32>
      %scan3A_403 = arith.constant 0 : i32
      %scan3A_404 = arith.constant 0 : i32
      %scan3A_405 = arith.constant 19 : i32
      %scan3A_406 = arith.addi %scan3A_404, %scan3A_405 : i32
      %scan3A_407 = arith.constant 1 : i32
      scf.for %scan3A_1477 = %scan3A_404 to %scan3A_406 step %scan3A_407  : i32 {
        %mul3A_1478 = arith.constant 16 : i32
        %mul3A_1479 = arith.muli %scan3A_1477, %mul3A_1478 : i32
        %mul3A_1480 = arith.constant 16 : i32
        %mul3A_1481 = arith.muli %scan3A_1477, %mul3A_1480 : i32
        %add3A_1482 = vector.broadcast %mul3A_1481 : i32 to vector<16xi32>
        %add3A_1483 = arith.addi %iota3A, %add3A_1482 : vector<16xi32>
        %gather3A = tpu.vector_load_idx %arg7[%broadcast_in_dim3A_402, %add3A_1483] : memref<80x304xf32, #tpu.memory_space<vmem>>[vector<16xi32>, vector<16xi32>], vector<16xf32>,
        %get3A_1484 = arith.constant 17 : i32
        %get3A_1485 = arith.index_cast %get3A_1484 : i32 to index
        %get3A_1486 = arith.index_cast %mul3A_1479 : i32 to index
        %get3A_1487 = tpu.vector_load %arg8[%get3A_1485, %get3A_1486] {strides = array<i32>} : memref<20x304xf32, #tpu.memory_space<vmem>>, vector<16xf32>,
        %mul3A_1488 = arith.constant 2.000000e+00 : f32
        %mul3A_1489 = vector.broadcast %mul3A_1488 : f32 to vector<16xf32>
        %mul3A_1490 = arith.mulf %mul3A_1489, %gather3A : vector<16xf32>
        %add3A_1491 = arith.addf %get3A_1487, %mul3A_1490 : vector<16xf32>
        %get3A_1492 = arith.constant 17 : i32
        %get3A_1493 = arith.index_cast %get3A_1492 : i32 to index
        %get3A_1494 = arith.index_cast %mul3A_1479 : i32 to index
        %get3A_1495 = tpu.vector_load %arg9[%get3A_1493, %get3A_1494] {strides = array<i32>} : memref<20x304xf32, #tpu.memory_space<vmem>>, vector<16xf32>,
        %add3A_1496 = arith.addf %add3A_1491, %get3A_1495 : vector<16xf32>
        %swap3A_1497 = arith.constant 17 : i32
        %swap3A_1498 = arith.index_cast %swap3A_1497 : i32 to index
        %swap3A_1499 = arith.index_cast %mul3A_1479 : i32 to index
        %swap3A_1500 = tpu.vector_load %arg11[%swap3A_1498, %swap3A_1499] {strides = array<i32>} : memref<20x304xf32, #tpu.memory_space<vmem>>, vector<16xf32>,
        tpu.vector_store %arg11[%swap3A_1498, %swap3A_1499], %add3A_1496 {strides = array<i32>} : memref<20x304xf32, #tpu.memory_space<vmem>>, vector<16xf32>,
      }
      %scan3A_408 = arith.constant 19 : i32
      %eq3A_409 = arith.constant 2 : i32
      %eq3A_410 = vector.broadcast %eq3A_409 : i32 to vector<16xi32>
      %eq3A_411 = arith.cmpi eq, %iota3A, %eq3A_410 : vector<16xi32>
      %sub3A_412 = arith.constant 1 : i32
      %sub3A_413 = vector.broadcast %sub3A_412 : i32 to vector<16xi32>
      %sub3A_414 = arith.subi %broadcast_in_dim3A_5, %sub3A_413 : vector<16xi32>
      %select_n3A_415 = arith.select %eq3A_411, %get3A_16, %sub3A_414 : vector<16xi1>, vector<16xi32>
      %reduce_max3A_416 = arith.constant true
      %reduce_max3A_417 = vector.broadcast %reduce_max3A_416 : i1 to vector<16xi1>
      %reduce_max3A_418 = arith.constant -2147483648 : i32
      %reduce_max3A_419 = vector.broadcast %reduce_max3A_418 : i32 to vector<16xi32>
      %reduce_max3A_420 = arith.xori %select_n3A_415, %reduce_max3A_419 : vector<16xi32>
      %reduce_max3A_421 = tpu.scan <max>, %reduce_max3A_420 masked %reduce_max3A_417 : vector<16xi32>, vector<16xi1> -> vector<16xi32>
      %reduce_max3A_422 = arith.xori %reduce_max3A_421, %reduce_max3A_419 : vector<16xi32>
      %reduce_max3A_423 = vector.extract %reduce_max3A_422[15] : i32 from vector<16xi32>
      %broadcast_in_dim3A_424 = vector.broadcast %reduce_max3A_423 : i32 to vector<16xi32>
      %scan3A_425 = arith.constant 0 : i32
      %scan3A_426 = arith.constant 0 : i32
      %scan3A_427 = arith.constant 19 : i32
      %scan3A_428 = arith.addi %scan3A_426, %scan3A_427 : i32
      %scan3A_429 = arith.constant 1 : i32
      scf.for %scan3A_1477 = %scan3A_426 to %scan3A_428 step %scan3A_429  : i32 {
        %mul3A_1478 = arith.constant 16 : i32
        %mul3A_1479 = arith.muli %scan3A_1477, %mul3A_1478 : i32
        %mul3A_1480 = arith.constant 16 : i32
        %mul3A_1481 = arith.muli %scan3A_1477, %mul3A_1480 : i32
        %add3A_1482 = vector.broadcast %mul3A_1481 : i32 to vector<16xi32>
        %add3A_1483 = arith.addi %iota3A, %add3A_1482 : vector<16xi32>
        %gather3A = tpu.vector_load_idx %arg7[%broadcast_in_dim3A_424, %add3A_1483] : memref<80x304xf32, #tpu.memory_space<vmem>>[vector<16xi32>, vector<16xi32>], vector<16xf32>,
        %get3A_1484 = arith.constant 18 : i32
        %get3A_1485 = arith.index_cast %get3A_1484 : i32 to index
        %get3A_1486 = arith.index_cast %mul3A_1479 : i32 to index
        %get3A_1487 = tpu.vector_load %arg8[%get3A_1485, %get3A_1486] {strides = array<i32>} : memref<20x304xf32, #tpu.memory_space<vmem>>, vector<16xf32>,
        %mul3A_1488 = arith.constant 2.000000e+00 : f32
        %mul3A_1489 = vector.broadcast %mul3A_1488 : f32 to vector<16xf32>
        %mul3A_1490 = arith.mulf %mul3A_1489, %gather3A : vector<16xf32>
        %add3A_1491 = arith.addf %get3A_1487, %mul3A_1490 : vector<16xf32>
        %get3A_1492 = arith.constant 18 : i32
        %get3A_1493 = arith.index_cast %get3A_1492 : i32 to index
        %get3A_1494 = arith.index_cast %mul3A_1479 : i32 to index
        %get3A_1495 = tpu.vector_load %arg9[%get3A_1493, %get3A_1494] {strides = array<i32>} : memref<20x304xf32, #tpu.memory_space<vmem>>, vector<16xf32>,
        %add3A_1496 = arith.addf %add3A_1491, %get3A_1495 : vector<16xf32>
        %swap3A_1497 = arith.constant 18 : i32
        %swap3A_1498 = arith.index_cast %swap3A_1497 : i32 to index
        %swap3A_1499 = arith.index_cast %mul3A_1479 : i32 to index
        %swap3A_1500 = tpu.vector_load %arg11[%swap3A_1498, %swap3A_1499] {strides = array<i32>} : memref<20x304xf32, #tpu.memory_space<vmem>>, vector<16xf32>,
        tpu.vector_store %arg11[%swap3A_1498, %swap3A_1499], %add3A_1496 {strides = array<i32>} : memref<20x304xf32, #tpu.memory_space<vmem>>, vector<16xf32>,
      }
      %scan3A_430 = arith.constant 19 : i32
      %eq3A_431 = arith.constant 3 : i32
      %eq3A_432 = vector.broadcast %eq3A_431 : i32 to vector<16xi32>
      %eq3A_433 = arith.cmpi eq, %iota3A, %eq3A_432 : vector<16xi32>
      %sub3A_434 = arith.constant 1 : i32
      %sub3A_435 = vector.broadcast %sub3A_434 : i32 to vector<16xi32>
      %sub3A_436 = arith.subi %broadcast_in_dim3A_5, %sub3A_435 : vector<16xi32>
      %select_n3A_437 = arith.select %eq3A_433, %get3A_16, %sub3A_436 : vector<16xi1>, vector<16xi32>
      %reduce_max3A_438 = arith.constant true
      %reduce_max3A_439 = vector.broadcast %reduce_max3A_438 : i1 to vector<16xi1>
      %reduce_max3A_440 = arith.constant -2147483648 : i32
      %reduce_max3A_441 = vector.broadcast %reduce_max3A_440 : i32 to vector<16xi32>
      %reduce_max3A_442 = arith.xori %select_n3A_437, %reduce_max3A_441 : vector<16xi32>
      %reduce_max3A_443 = tpu.scan <max>, %reduce_max3A_442 masked %reduce_max3A_439 : vector<16xi32>, vector<16xi1> -> vector<16xi32>
      %reduce_max3A_444 = arith.xori %reduce_max3A_443, %reduce_max3A_441 : vector<16xi32>
      %reduce_max3A_445 = vector.extract %reduce_max3A_444[15] : i32 from vector<16xi32>
      %broadcast_in_dim3A_446 = vector.broadcast %reduce_max3A_445 : i32 to vector<16xi32>
      %scan3A_447 = arith.constant 0 : i32
      %scan3A_448 = arith.constant 0 : i32
      %scan3A_449 = arith.constant 19 : i32
      %scan3A_450 = arith.addi %scan3A_448, %scan3A_449 : i32
      %scan3A_451 = arith.constant 1 : i32
      scf.for %scan3A_1477 = %scan3A_448 to %scan3A_450 step %scan3A_451  : i32 {
        %mul3A_1478 = arith.constant 16 : i32
        %mul3A_1479 = arith.muli %scan3A_1477, %mul3A_1478 : i32
        %mul3A_1480 = arith.constant 16 : i32
        %mul3A_1481 = arith.muli %scan3A_1477, %mul3A_1480 : i32
        %add3A_1482 = vector.broadcast %mul3A_1481 : i32 to vector<16xi32>
        %add3A_1483 = arith.addi %iota3A, %add3A_1482 : vector<16xi32>
        %gather3A = tpu.vector_load_idx %arg7[%broadcast_in_dim3A_446, %add3A_1483] : memref<80x304xf32, #tpu.memory_space<vmem>>[vector<16xi32>, vector<16xi32>], vector<16xf32>,
        %get3A_1484 = arith.constant 19 : i32
        %get3A_1485 = arith.index_cast %get3A_1484 : i32 to index
        %get3A_1486 = arith.index_cast %mul3A_1479 : i32 to index
        %get3A_1487 = tpu.vector_load %arg8[%get3A_1485, %get3A_1486] {strides = array<i32>} : memref<20x304xf32, #tpu.memory_space<vmem>>, vector<16xf32>,
        %mul3A_1488 = arith.constant 2.000000e+00 : f32
        %mul3A_1489 = vector.broadcast %mul3A_1488 : f32 to vector<16xf32>
        %mul3A_1490 = arith.mulf %mul3A_1489, %gather3A : vector<16xf32>
        %add3A_1491 = arith.addf %get3A_1487, %mul3A_1490 : vector<16xf32>
        %get3A_1492 = arith.constant 19 : i32
        %get3A_1493 = arith.index_cast %get3A_1492 : i32 to index
        %get3A_1494 = arith.index_cast %mul3A_1479 : i32 to index
        %get3A_1495 = tpu.vector_load %arg9[%get3A_1493, %get3A_1494] {strides = array<i32>} : memref<20x304xf32, #tpu.memory_space<vmem>>, vector<16xf32>,
        %add3A_1496 = arith.addf %add3A_1491, %get3A_1495 : vector<16xf32>
        %swap3A_1497 = arith.constant 19 : i32
        %swap3A_1498 = arith.index_cast %swap3A_1497 : i32 to index
        %swap3A_1499 = arith.index_cast %mul3A_1479 : i32 to index
        %swap3A_1500 = tpu.vector_load %arg11[%swap3A_1498, %swap3A_1499] {strides = array<i32>} : memref<20x304xf32, #tpu.memory_space<vmem>>, vector<16xf32>,
        tpu.vector_store %arg11[%swap3A_1498, %swap3A_1499], %add3A_1496 {strides = array<i32>} : memref<20x304xf32, #tpu.memory_space<vmem>>, vector<16xf32>,
      }
      %scan3A_452 = arith.constant 19 : i32
      %swap3A = arith.constant 0 : index
      %swap3A_453 = tpu.vector_load %arg12[%swap3A] {strides = array<i32>} : memref<304xf32, #tpu.memory_space<vmem>>, vector<16xf32>,
      tpu.vector_store %arg12[%swap3A], %broadcast_in_dim3A_3 {strides = array<i32>} : memref<304xf32, #tpu.memory_space<vmem>>, vector<16xf32>,
      %swap3A_454 = arith.constant 0 : index
      %swap3A_455 = tpu.vector_load %arg13[%swap3A_454] {strides = array<i32>} : memref<304xf32, #tpu.memory_space<vmem>>, vector<16xf32>,
      tpu.vector_store %arg13[%swap3A_454], %broadcast_in_dim3A_3 {strides = array<i32>} : memref<304xf32, #tpu.memory_space<vmem>>, vector<16xf32>,
      %swap3A_456 = arith.constant 0 : index
      %swap3A_457 = tpu.vector_load %arg17[%swap3A_456] {strides = array<i32>} : memref<304xi32, #tpu.memory_space<vmem>>, vector<16xi32>,
      tpu.vector_store %arg17[%swap3A_456], %broadcast_in_dim3A_5 {strides = array<i32>} : memref<304xi32, #tpu.memory_space<vmem>>, vector<16xi32>,
      %swap3A_458 = arith.constant 0 : index
      %swap3A_459 = tpu.vector_load %arg16[%swap3A_458] {strides = array<i32>} : memref<304xi32, #tpu.memory_space<vmem>>, vector<16xi32>,
      tpu.vector_store %arg16[%swap3A_458], %broadcast_in_dim3A_5 {strides = array<i32>} : memref<304xi32, #tpu.memory_space<vmem>>, vector<16xi32>,
      %swap3A_460 = arith.constant 16 : index
      %swap3A_461 = tpu.vector_load %arg12[%swap3A_460] {strides = array<i32>} : memref<304xf32, #tpu.memory_space<vmem>>, vector<16xf32>,
      tpu.vector_store %arg12[%swap3A_460], %broadcast_in_dim3A_3 {strides = array<i32>} : memref<304xf32, #tpu.memory_space<vmem>>, vector<16xf32>,
      %swap3A_462 = arith.constant 16 : index
      %swap3A_463 = tpu.vector_load %arg13[%swap3A_462] {strides = array<i32>} : memref<304xf32, #tpu.memory_space<vmem>>, vector<16xf32>,
      tpu.vector_store %arg13[%swap3A_462], %broadcast_in_dim3A_3 {strides = array<i32>} : memref<304xf32, #tpu.memory_space<vmem>>, vector<16xf32>,
      %swap3A_464 = arith.constant 16 : index
      %swap3A_465 = tpu.vector_load %arg17[%swap3A_464] {strides = array<i32>} : memref<304xi32, #tpu.memory_space<vmem>>, vector<16xi32>,
      tpu.vector_store %arg17[%swap3A_464], %broadcast_in_dim3A_5 {strides = array<i32>} : memref<304xi32, #tpu.memory_space<vmem>>, vector<16xi32>,
      %swap3A_466 = arith.constant 16 : index
      %swap3A_467 = tpu.vector_load %arg16[%swap3A_466] {strides = array<i32>} : memref<304xi32, #tpu.memory_space<vmem>>, vector<16xi32>,
      tpu.vector_store %arg16[%swap3A_466], %broadcast_in_dim3A_5 {strides = array<i32>} : memref<304xi32, #tpu.memory_space<vmem>>, vector<16xi32>,
      %swap3A_468 = arith.constant 32 : index
      %swap3A_469 = tpu.vector_load %arg12[%swap3A_468] {strides = array<i32>} : memref<304xf32, #tpu.memory_space<vmem>>, vector<16xf32>,
      tpu.vector_store %arg12[%swap3A_468], %broadcast_in_dim3A_3 {strides = array<i32>} : memref<304xf32, #tpu.memory_space<vmem>>, vector<16xf32>,
      %swap3A_470 = arith.constant 32 : index
      %swap3A_471 = tpu.vector_load %arg13[%swap3A_470] {strides = array<i32>} : memref<304xf32, #tpu.memory_space<vmem>>, vector<16xf32>,
      tpu.vector_store %arg13[%swap3A_470], %broadcast_in_dim3A_3 {strides = array<i32>} : memref<304xf32, #tpu.memory_space<vmem>>, vector<16xf32>,
      %swap3A_472 = arith.constant 32 : index
      %swap3A_473 = tpu.vector_load %arg17[%swap3A_472] {strides = array<i32>} : memref<304xi32, #tpu.memory_space<vmem>>, vector<16xi32>,
      tpu.vector_store %arg17[%swap3A_472], %broadcast_in_dim3A_5 {strides = array<i32>} : memref<304xi32, #tpu.memory_space<vmem>>, vector<16xi32>,
      %swap3A_474 = arith.constant 32 : index
      %swap3A_475 = tpu.vector_load %arg16[%swap3A_474] {strides = array<i32>} : memref<304xi32, #tpu.memory_space<vmem>>, vector<16xi32>,
      tpu.vector_store %arg16[%swap3A_474], %broadcast_in_dim3A_5 {strides = array<i32>} : memref<304xi32, #tpu.memory_space<vmem>>, vector<16xi32>,
      %swap3A_476 = arith.constant 48 : index
      %swap3A_477 = tpu.vector_load %arg12[%swap3A_476] {strides = array<i32>} : memref<304xf32, #tpu.memory_space<vmem>>, vector<16xf32>,
      tpu.vector_store %arg12[%swap3A_476], %broadcast_in_dim3A_3 {strides = array<i32>} : memref<304xf32, #tpu.memory_space<vmem>>, vector<16xf32>,
      %swap3A_478 = arith.constant 48 : index
      %swap3A_479 = tpu.vector_load %arg13[%swap3A_478] {strides = array<i32>} : memref<304xf32, #tpu.memory_space<vmem>>, vector<16xf32>,
      tpu.vector_store %arg13[%swap3A_478], %broadcast_in_dim3A_3 {strides = array<i32>} : memref<304xf32, #tpu.memory_space<vmem>>, vector<16xf32>,
      %swap3A_480 = arith.constant 48 : index
      %swap3A_481 = tpu.vector_load %arg17[%swap3A_480] {strides = array<i32>} : memref<304xi32, #tpu.memory_space<vmem>>, vector<16xi32>,
      tpu.vector_store %arg17[%swap3A_480], %broadcast_in_dim3A_5 {strides = array<i32>} : memref<304xi32, #tpu.memory_space<vmem>>, vector<16xi32>,
      %swap3A_482 = arith.constant 48 : index
      %swap3A_483 = tpu.vector_load %arg16[%swap3A_482] {strides = array<i32>} : memref<304xi32, #tpu.memory_space<vmem>>, vector<16xi32>,
      tpu.vector_store %arg16[%swap3A_482], %broadcast_in_dim3A_5 {strides = array<i32>} : memref<304xi32, #tpu.memory_space<vmem>>, vector<16xi32>,
      %swap3A_484 = arith.constant 64 : index
      %swap3A_485 = tpu.vector_load %arg12[%swap3A_484] {strides = array<i32>} : memref<304xf32, #tpu.memory_space<vmem>>, vector<16xf32>,
      tpu.vector_store %arg12[%swap3A_484], %broadcast_in_dim3A_3 {strides = array<i32>} : memref<304xf32, #tpu.memory_space<vmem>>, vector<16xf32>,
      %swap3A_486 = arith.constant 64 : index
      %swap3A_487 = tpu.vector_load %arg13[%swap3A_486] {strides = array<i32>} : memref<304xf32, #tpu.memory_space<vmem>>, vector<16xf32>,
      tpu.vector_store %arg13[%swap3A_486], %broadcast_in_dim3A_3 {strides = array<i32>} : memref<304xf32, #tpu.memory_space<vmem>>, vector<16xf32>,
      %swap3A_488 = arith.constant 64 : index
      %swap3A_489 = tpu.vector_load %arg17[%swap3A_488] {strides = array<i32>} : memref<304xi32, #tpu.memory_space<vmem>>, vector<16xi32>,
      tpu.vector_store %arg17[%swap3A_488], %broadcast_in_dim3A_5 {strides = array<i32>} : memref<304xi32, #tpu.memory_space<vmem>>, vector<16xi32>,
      %swap3A_490 = arith.constant 64 : index
      %swap3A_491 = tpu.vector_load %arg16[%swap3A_490] {strides = array<i32>} : memref<304xi32, #tpu.memory_space<vmem>>, vector<16xi32>,
      tpu.vector_store %arg16[%swap3A_490], %broadcast_in_dim3A_5 {strides = array<i32>} : memref<304xi32, #tpu.memory_space<vmem>>, vector<16xi32>,
      %swap3A_492 = arith.constant 80 : index
      %swap3A_493 = tpu.vector_load %arg12[%swap3A_492] {strides = array<i32>} : memref<304xf32, #tpu.memory_space<vmem>>, vector<16xf32>,
      tpu.vector_store %arg12[%swap3A_492], %broadcast_in_dim3A_3 {strides = array<i32>} : memref<304xf32, #tpu.memory_space<vmem>>, vector<16xf32>,
      %swap3A_494 = arith.constant 80 : index
      %swap3A_495 = tpu.vector_load %arg13[%swap3A_494] {strides = array<i32>} : memref<304xf32, #tpu.memory_space<vmem>>, vector<16xf32>,
      tpu.vector_store %arg13[%swap3A_494], %broadcast_in_dim3A_3 {strides = array<i32>} : memref<304xf32, #tpu.memory_space<vmem>>, vector<16xf32>,
      %swap3A_496 = arith.constant 80 : index
      %swap3A_497 = tpu.vector_load %arg17[%swap3A_496] {strides = array<i32>} : memref<304xi32, #tpu.memory_space<vmem>>, vector<16xi32>,
      tpu.vector_store %arg17[%swap3A_496], %broadcast_in_dim3A_5 {strides = array<i32>} : memref<304xi32, #tpu.memory_space<vmem>>, vector<16xi32>,
      %swap3A_498 = arith.constant 80 : index
      %swap3A_499 = tpu.vector_load %arg16[%swap3A_498] {strides = array<i32>} : memref<304xi32, #tpu.memory_space<vmem>>, vector<16xi32>,
      tpu.vector_store %arg16[%swap3A_498], %broadcast_in_dim3A_5 {strides = array<i32>} : memref<304xi32, #tpu.memory_space<vmem>>, vector<16xi32>,
      %swap3A_500 = arith.constant 96 : index
      %swap3A_501 = tpu.vector_load %arg12[%swap3A_500] {strides = array<i32>} : memref<304xf32, #tpu.memory_space<vmem>>, vector<16xf32>,
      tpu.vector_store %arg12[%swap3A_500], %broadcast_in_dim3A_3 {strides = array<i32>} : memref<304xf32, #tpu.memory_space<vmem>>, vector<16xf32>,
      %swap3A_502 = arith.constant 96 : index
      %swap3A_503 = tpu.vector_load %arg13[%swap3A_502] {strides = array<i32>} : memref<304xf32, #tpu.memory_space<vmem>>, vector<16xf32>,
      tpu.vector_store %arg13[%swap3A_502], %broadcast_in_dim3A_3 {strides = array<i32>} : memref<304xf32, #tpu.memory_space<vmem>>, vector<16xf32>,
      %swap3A_504 = arith.constant 96 : index
      %swap3A_505 = tpu.vector_load %arg17[%swap3A_504] {strides = array<i32>} : memref<304xi32, #tpu.memory_space<vmem>>, vector<16xi32>,
      tpu.vector_store %arg17[%swap3A_504], %broadcast_in_dim3A_5 {strides = array<i32>} : memref<304xi32, #tpu.memory_space<vmem>>, vector<16xi32>,
      %swap3A_506 = arith.constant 96 : index
      %swap3A_507 = tpu.vector_load %arg16[%swap3A_506] {strides = array<i32>} : memref<304xi32, #tpu.memory_space<vmem>>, vector<16xi32>,
      tpu.vector_store %arg16[%swap3A_506], %broadcast_in_dim3A_5 {strides = array<i32>} : memref<304xi32, #tpu.memory_space<vmem>>, vector<16xi32>,
      %swap3A_508 = arith.constant 112 : index
      %swap3A_509 = tpu.vector_load %arg12[%swap3A_508] {strides = array<i32>} : memref<304xf32, #tpu.memory_space<vmem>>, vector<16xf32>,
      tpu.vector_store %arg12[%swap3A_508], %broadcast_in_dim3A_3 {strides = array<i32>} : memref<304xf32, #tpu.memory_space<vmem>>, vector<16xf32>,
      %swap3A_510 = arith.constant 112 : index
      %swap3A_511 = tpu.vector_load %arg13[%swap3A_510] {strides = array<i32>} : memref<304xf32, #tpu.memory_space<vmem>>, vector<16xf32>,
      tpu.vector_store %arg13[%swap3A_510], %broadcast_in_dim3A_3 {strides = array<i32>} : memref<304xf32, #tpu.memory_space<vmem>>, vector<16xf32>,
      %swap3A_512 = arith.constant 112 : index
      %swap3A_513 = tpu.vector_load %arg17[%swap3A_512] {strides = array<i32>} : memref<304xi32, #tpu.memory_space<vmem>>, vector<16xi32>,
      tpu.vector_store %arg17[%swap3A_512], %broadcast_in_dim3A_5 {strides = array<i32>} : memref<304xi32, #tpu.memory_space<vmem>>, vector<16xi32>,
      %swap3A_514 = arith.constant 112 : index
      %swap3A_515 = tpu.vector_load %arg16[%swap3A_514] {strides = array<i32>} : memref<304xi32, #tpu.memory_space<vmem>>, vector<16xi32>,
      tpu.vector_store %arg16[%swap3A_514], %broadcast_in_dim3A_5 {strides = array<i32>} : memref<304xi32, #tpu.memory_space<vmem>>, vector<16xi32>,
      %swap3A_516 = arith.constant 128 : index
      %swap3A_517 = tpu.vector_load %arg12[%swap3A_516] {strides = array<i32>} : memref<304xf32, #tpu.memory_space<vmem>>, vector<16xf32>,
      tpu.vector_store %arg12[%swap3A_516], %broadcast_in_dim3A_3 {strides = array<i32>} : memref<304xf32, #tpu.memory_space<vmem>>, vector<16xf32>,
      %swap3A_518 = arith.constant 128 : index
      %swap3A_519 = tpu.vector_load %arg13[%swap3A_518] {strides = array<i32>} : memref<304xf32, #tpu.memory_space<vmem>>, vector<16xf32>,
      tpu.vector_store %arg13[%swap3A_518], %broadcast_in_dim3A_3 {strides = array<i32>} : memref<304xf32, #tpu.memory_space<vmem>>, vector<16xf32>,
      %swap3A_520 = arith.constant 128 : index
      %swap3A_521 = tpu.vector_load %arg17[%swap3A_520] {strides = array<i32>} : memref<304xi32, #tpu.memory_space<vmem>>, vector<16xi32>,
      tpu.vector_store %arg17[%swap3A_520], %broadcast_in_dim3A_5 {strides = array<i32>} : memref<304xi32, #tpu.memory_space<vmem>>, vector<16xi32>,
      %swap3A_522 = arith.constant 128 : index
      %swap3A_523 = tpu.vector_load %arg16[%swap3A_522] {strides = array<i32>} : memref<304xi32, #tpu.memory_space<vmem>>, vector<16xi32>,
      tpu.vector_store %arg16[%swap3A_522], %broadcast_in_dim3A_5 {strides = array<i32>} : memref<304xi32, #tpu.memory_space<vmem>>, vector<16xi32>,
      %swap3A_524 = arith.constant 144 : index
      %swap3A_525 = tpu.vector_load %arg12[%swap3A_524] {strides = array<i32>} : memref<304xf32, #tpu.memory_space<vmem>>, vector<16xf32>,
      tpu.vector_store %arg12[%swap3A_524], %broadcast_in_dim3A_3 {strides = array<i32>} : memref<304xf32, #tpu.memory_space<vmem>>, vector<16xf32>,
      %swap3A_526 = arith.constant 144 : index
      %swap3A_527 = tpu.vector_load %arg13[%swap3A_526] {strides = array<i32>} : memref<304xf32, #tpu.memory_space<vmem>>, vector<16xf32>,
      tpu.vector_store %arg13[%swap3A_526], %broadcast_in_dim3A_3 {strides = array<i32>} : memref<304xf32, #tpu.memory_space<vmem>>, vector<16xf32>,
      %swap3A_528 = arith.constant 144 : index
      %swap3A_529 = tpu.vector_load %arg17[%swap3A_528] {strides = array<i32>} : memref<304xi32, #tpu.memory_space<vmem>>, vector<16xi32>,
      tpu.vector_store %arg17[%swap3A_528], %broadcast_in_dim3A_5 {strides = array<i32>} : memref<304xi32, #tpu.memory_space<vmem>>, vector<16xi32>,
      %swap3A_530 = arith.constant 144 : index
      %swap3A_531 = tpu.vector_load %arg16[%swap3A_530] {strides = array<i32>} : memref<304xi32, #tpu.memory_space<vmem>>, vector<16xi32>,
      tpu.vector_store %arg16[%swap3A_530], %broadcast_in_dim3A_5 {strides = array<i32>} : memref<304xi32, #tpu.memory_space<vmem>>, vector<16xi32>,
      %swap3A_532 = arith.constant 160 : index
      %swap3A_533 = tpu.vector_load %arg12[%swap3A_532] {strides = array<i32>} : memref<304xf32, #tpu.memory_space<vmem>>, vector<16xf32>,
      tpu.vector_store %arg12[%swap3A_532], %broadcast_in_dim3A_3 {strides = array<i32>} : memref<304xf32, #tpu.memory_space<vmem>>, vector<16xf32>,
      %swap3A_534 = arith.constant 160 : index
      %swap3A_535 = tpu.vector_load %arg13[%swap3A_534] {strides = array<i32>} : memref<304xf32, #tpu.memory_space<vmem>>, vector<16xf32>,
      tpu.vector_store %arg13[%swap3A_534], %broadcast_in_dim3A_3 {strides = array<i32>} : memref<304xf32, #tpu.memory_space<vmem>>, vector<16xf32>,
      %swap3A_536 = arith.constant 160 : index
      %swap3A_537 = tpu.vector_load %arg17[%swap3A_536] {strides = array<i32>} : memref<304xi32, #tpu.memory_space<vmem>>, vector<16xi32>,
      tpu.vector_store %arg17[%swap3A_536], %broadcast_in_dim3A_5 {strides = array<i32>} : memref<304xi32, #tpu.memory_space<vmem>>, vector<16xi32>,
      %swap3A_538 = arith.constant 160 : index
      %swap3A_539 = tpu.vector_load %arg16[%swap3A_538] {strides = array<i32>} : memref<304xi32, #tpu.memory_space<vmem>>, vector<16xi32>,
      tpu.vector_store %arg16[%swap3A_538], %broadcast_in_dim3A_5 {strides = array<i32>} : memref<304xi32, #tpu.memory_space<vmem>>, vector<16xi32>,
      %swap3A_540 = arith.constant 176 : index
      %swap3A_541 = tpu.vector_load %arg12[%swap3A_540] {strides = array<i32>} : memref<304xf32, #tpu.memory_space<vmem>>, vector<16xf32>,
      tpu.vector_store %arg12[%swap3A_540], %broadcast_in_dim3A_3 {strides = array<i32>} : memref<304xf32, #tpu.memory_space<vmem>>, vector<16xf32>,
      %swap3A_542 = arith.constant 176 : index
      %swap3A_543 = tpu.vector_load %arg13[%swap3A_542] {strides = array<i32>} : memref<304xf32, #tpu.memory_space<vmem>>, vector<16xf32>,
      tpu.vector_store %arg13[%swap3A_542], %broadcast_in_dim3A_3 {strides = array<i32>} : memref<304xf32, #tpu.memory_space<vmem>>, vector<16xf32>,
      %swap3A_544 = arith.constant 176 : index
      %swap3A_545 = tpu.vector_load %arg17[%swap3A_544] {strides = array<i32>} : memref<304xi32, #tpu.memory_space<vmem>>, vector<16xi32>,
      tpu.vector_store %arg17[%swap3A_544], %broadcast_in_dim3A_5 {strides = array<i32>} : memref<304xi32, #tpu.memory_space<vmem>>, vector<16xi32>,
      %swap3A_546 = arith.constant 176 : index
      %swap3A_547 = tpu.vector_load %arg16[%swap3A_546] {strides = array<i32>} : memref<304xi32, #tpu.memory_space<vmem>>, vector<16xi32>,
      tpu.vector_store %arg16[%swap3A_546], %broadcast_in_dim3A_5 {strides = array<i32>} : memref<304xi32, #tpu.memory_space<vmem>>, vector<16xi32>,
      %swap3A_548 = arith.constant 192 : index
      %swap3A_549 = tpu.vector_load %arg12[%swap3A_548] {strides = array<i32>} : memref<304xf32, #tpu.memory_space<vmem>>, vector<16xf32>,
      tpu.vector_store %arg12[%swap3A_548], %broadcast_in_dim3A_3 {strides = array<i32>} : memref<304xf32, #tpu.memory_space<vmem>>, vector<16xf32>,
      %swap3A_550 = arith.constant 192 : index
      %swap3A_551 = tpu.vector_load %arg13[%swap3A_550] {strides = array<i32>} : memref<304xf32, #tpu.memory_space<vmem>>, vector<16xf32>,
      tpu.vector_store %arg13[%swap3A_550], %broadcast_in_dim3A_3 {strides = array<i32>} : memref<304xf32, #tpu.memory_space<vmem>>, vector<16xf32>,
      %swap3A_552 = arith.constant 192 : index
      %swap3A_553 = tpu.vector_load %arg17[%swap3A_552] {strides = array<i32>} : memref<304xi32, #tpu.memory_space<vmem>>, vector<16xi32>,
      tpu.vector_store %arg17[%swap3A_552], %broadcast_in_dim3A_5 {strides = array<i32>} : memref<304xi32, #tpu.memory_space<vmem>>, vector<16xi32>,
      %swap3A_554 = arith.constant 192 : index
      %swap3A_555 = tpu.vector_load %arg16[%swap3A_554] {strides = array<i32>} : memref<304xi32, #tpu.memory_space<vmem>>, vector<16xi32>,
      tpu.vector_store %arg16[%swap3A_554], %broadcast_in_dim3A_5 {strides = array<i32>} : memref<304xi32, #tpu.memory_space<vmem>>, vector<16xi32>,
      %swap3A_556 = arith.constant 208 : index
      %swap3A_557 = tpu.vector_load %arg12[%swap3A_556] {strides = array<i32>} : memref<304xf32, #tpu.memory_space<vmem>>, vector<16xf32>,
      tpu.vector_store %arg12[%swap3A_556], %broadcast_in_dim3A_3 {strides = array<i32>} : memref<304xf32, #tpu.memory_space<vmem>>, vector<16xf32>,
      %swap3A_558 = arith.constant 208 : index
      %swap3A_559 = tpu.vector_load %arg13[%swap3A_558] {strides = array<i32>} : memref<304xf32, #tpu.memory_space<vmem>>, vector<16xf32>,
      tpu.vector_store %arg13[%swap3A_558], %broadcast_in_dim3A_3 {strides = array<i32>} : memref<304xf32, #tpu.memory_space<vmem>>, vector<16xf32>,
      %swap3A_560 = arith.constant 208 : index
      %swap3A_561 = tpu.vector_load %arg17[%swap3A_560] {strides = array<i32>} : memref<304xi32, #tpu.memory_space<vmem>>, vector<16xi32>,
      tpu.vector_store %arg17[%swap3A_560], %broadcast_in_dim3A_5 {strides = array<i32>} : memref<304xi32, #tpu.memory_space<vmem>>, vector<16xi32>,
      %swap3A_562 = arith.constant 208 : index
      %swap3A_563 = tpu.vector_load %arg16[%swap3A_562] {strides = array<i32>} : memref<304xi32, #tpu.memory_space<vmem>>, vector<16xi32>,
      tpu.vector_store %arg16[%swap3A_562], %broadcast_in_dim3A_5 {strides = array<i32>} : memref<304xi32, #tpu.memory_space<vmem>>, vector<16xi32>,
      %swap3A_564 = arith.constant 224 : index
      %swap3A_565 = tpu.vector_load %arg12[%swap3A_564] {strides = array<i32>} : memref<304xf32, #tpu.memory_space<vmem>>, vector<16xf32>,
      tpu.vector_store %arg12[%swap3A_564], %broadcast_in_dim3A_3 {strides = array<i32>} : memref<304xf32, #tpu.memory_space<vmem>>, vector<16xf32>,
      %swap3A_566 = arith.constant 224 : index
      %swap3A_567 = tpu.vector_load %arg13[%swap3A_566] {strides = array<i32>} : memref<304xf32, #tpu.memory_space<vmem>>, vector<16xf32>,
      tpu.vector_store %arg13[%swap3A_566], %broadcast_in_dim3A_3 {strides = array<i32>} : memref<304xf32, #tpu.memory_space<vmem>>, vector<16xf32>,
      %swap3A_568 = arith.constant 224 : index
      %swap3A_569 = tpu.vector_load %arg17[%swap3A_568] {strides = array<i32>} : memref<304xi32, #tpu.memory_space<vmem>>, vector<16xi32>,
      tpu.vector_store %arg17[%swap3A_568], %broadcast_in_dim3A_5 {strides = array<i32>} : memref<304xi32, #tpu.memory_space<vmem>>, vector<16xi32>,
      %swap3A_570 = arith.constant 224 : index
      %swap3A_571 = tpu.vector_load %arg16[%swap3A_570] {strides = array<i32>} : memref<304xi32, #tpu.memory_space<vmem>>, vector<16xi32>,
      tpu.vector_store %arg16[%swap3A_570], %broadcast_in_dim3A_5 {strides = array<i32>} : memref<304xi32, #tpu.memory_space<vmem>>, vector<16xi32>,
      %swap3A_572 = arith.constant 240 : index
      %swap3A_573 = tpu.vector_load %arg12[%swap3A_572] {strides = array<i32>} : memref<304xf32, #tpu.memory_space<vmem>>, vector<16xf32>,
      tpu.vector_store %arg12[%swap3A_572], %broadcast_in_dim3A_3 {strides = array<i32>} : memref<304xf32, #tpu.memory_space<vmem>>, vector<16xf32>,
      %swap3A_574 = arith.constant 240 : index
      %swap3A_575 = tpu.vector_load %arg13[%swap3A_574] {strides = array<i32>} : memref<304xf32, #tpu.memory_space<vmem>>, vector<16xf32>,
      tpu.vector_store %arg13[%swap3A_574], %broadcast_in_dim3A_3 {strides = array<i32>} : memref<304xf32, #tpu.memory_space<vmem>>, vector<16xf32>,
      %swap3A_576 = arith.constant 240 : index
      %swap3A_577 = tpu.vector_load %arg17[%swap3A_576] {strides = array<i32>} : memref<304xi32, #tpu.memory_space<vmem>>, vector<16xi32>,
      tpu.vector_store %arg17[%swap3A_576], %broadcast_in_dim3A_5 {strides = array<i32>} : memref<304xi32, #tpu.memory_space<vmem>>, vector<16xi32>,
      %swap3A_578 = arith.constant 240 : index
      %swap3A_579 = tpu.vector_load %arg16[%swap3A_578] {strides = array<i32>} : memref<304xi32, #tpu.memory_space<vmem>>, vector<16xi32>,
      tpu.vector_store %arg16[%swap3A_578], %broadcast_in_dim3A_5 {strides = array<i32>} : memref<304xi32, #tpu.memory_space<vmem>>, vector<16xi32>,
      %swap3A_580 = arith.constant 256 : index
      %swap3A_581 = tpu.vector_load %arg12[%swap3A_580] {strides = array<i32>} : memref<304xf32, #tpu.memory_space<vmem>>, vector<16xf32>,
      tpu.vector_store %arg12[%swap3A_580], %broadcast_in_dim3A_3 {strides = array<i32>} : memref<304xf32, #tpu.memory_space<vmem>>, vector<16xf32>,
      %swap3A_582 = arith.constant 256 : index
      %swap3A_583 = tpu.vector_load %arg13[%swap3A_582] {strides = array<i32>} : memref<304xf32, #tpu.memory_space<vmem>>, vector<16xf32>,
      tpu.vector_store %arg13[%swap3A_582], %broadcast_in_dim3A_3 {strides = array<i32>} : memref<304xf32, #tpu.memory_space<vmem>>, vector<16xf32>,
      %swap3A_584 = arith.constant 256 : index
      %swap3A_585 = tpu.vector_load %arg17[%swap3A_584] {strides = array<i32>} : memref<304xi32, #tpu.memory_space<vmem>>, vector<16xi32>,
      tpu.vector_store %arg17[%swap3A_584], %broadcast_in_dim3A_5 {strides = array<i32>} : memref<304xi32, #tpu.memory_space<vmem>>, vector<16xi32>,
      %swap3A_586 = arith.constant 256 : index
      %swap3A_587 = tpu.vector_load %arg16[%swap3A_586] {strides = array<i32>} : memref<304xi32, #tpu.memory_space<vmem>>, vector<16xi32>,
      tpu.vector_store %arg16[%swap3A_586], %broadcast_in_dim3A_5 {strides = array<i32>} : memref<304xi32, #tpu.memory_space<vmem>>, vector<16xi32>,
      %swap3A_588 = arith.constant 272 : index
      %swap3A_589 = tpu.vector_load %arg12[%swap3A_588] {strides = array<i32>} : memref<304xf32, #tpu.memory_space<vmem>>, vector<16xf32>,
      tpu.vector_store %arg12[%swap3A_588], %broadcast_in_dim3A_3 {strides = array<i32>} : memref<304xf32, #tpu.memory_space<vmem>>, vector<16xf32>,
      %swap3A_590 = arith.constant 272 : index
      %swap3A_591 = tpu.vector_load %arg13[%swap3A_590] {strides = array<i32>} : memref<304xf32, #tpu.memory_space<vmem>>, vector<16xf32>,
      tpu.vector_store %arg13[%swap3A_590], %broadcast_in_dim3A_3 {strides = array<i32>} : memref<304xf32, #tpu.memory_space<vmem>>, vector<16xf32>,
      %swap3A_592 = arith.constant 272 : index
      %swap3A_593 = tpu.vector_load %arg17[%swap3A_592] {strides = array<i32>} : memref<304xi32, #tpu.memory_space<vmem>>, vector<16xi32>,
      tpu.vector_store %arg17[%swap3A_592], %broadcast_in_dim3A_5 {strides = array<i32>} : memref<304xi32, #tpu.memory_space<vmem>>, vector<16xi32>,
      %swap3A_594 = arith.constant 272 : index
      %swap3A_595 = tpu.vector_load %arg16[%swap3A_594] {strides = array<i32>} : memref<304xi32, #tpu.memory_space<vmem>>, vector<16xi32>,
      tpu.vector_store %arg16[%swap3A_594], %broadcast_in_dim3A_5 {strides = array<i32>} : memref<304xi32, #tpu.memory_space<vmem>>, vector<16xi32>,
      %swap3A_596 = arith.constant 288 : index
      %swap3A_597 = tpu.vector_load %arg12[%swap3A_596] {strides = array<i32>} : memref<304xf32, #tpu.memory_space<vmem>>, vector<16xf32>,
      tpu.vector_store %arg12[%swap3A_596], %broadcast_in_dim3A_3 {strides = array<i32>} : memref<304xf32, #tpu.memory_space<vmem>>, vector<16xf32>,
      %swap3A_598 = arith.constant 288 : index
      %swap3A_599 = tpu.vector_load %arg13[%swap3A_598] {strides = array<i32>} : memref<304xf32, #tpu.memory_space<vmem>>, vector<16xf32>,
      tpu.vector_store %arg13[%swap3A_598], %broadcast_in_dim3A_3 {strides = array<i32>} : memref<304xf32, #tpu.memory_space<vmem>>, vector<16xf32>,
      %swap3A_600 = arith.constant 288 : index
      %swap3A_601 = tpu.vector_load %arg17[%swap3A_600] {strides = array<i32>} : memref<304xi32, #tpu.memory_space<vmem>>, vector<16xi32>,
      tpu.vector_store %arg17[%swap3A_600], %broadcast_in_dim3A_5 {strides = array<i32>} : memref<304xi32, #tpu.memory_space<vmem>>, vector<16xi32>,
      %swap3A_602 = arith.constant 288 : index
      %swap3A_603 = tpu.vector_load %arg16[%swap3A_602] {strides = array<i32>} : memref<304xi32, #tpu.memory_space<vmem>>, vector<16xi32>,
      tpu.vector_store %arg16[%swap3A_602], %broadcast_in_dim3A_5 {strides = array<i32>} : memref<304xi32, #tpu.memory_space<vmem>>, vector<16xi32>,
      %scan3A_604 = arith.constant 0 : i32
      %scan3A_605 = arith.constant 1 : i32
      %scan3A_606 = arith.constant 20 : i32
      %scan3A_607 = arith.addi %scan3A_605, %scan3A_606 : i32
      %scan3A_608 = arith.constant 1 : i32
      scf.for %scan3A_1477 = %scan3A_605 to %scan3A_607 step %scan3A_608  : i32 {
        %broadcast_in_dim3A_1478 = vector.broadcast %scan3A_1477 : i32 to vector<16xi32>
        tpu.vector_store_idx %arg17[%broadcast_in_dim3A_5], %broadcast_in_dim3A_1478 masked %eq3A_2 : memref<304xi32, #tpu.memory_space<vmem>>[vector<16xi32>], vector<16xi32>, vector<16xi1>
        tpu.vector_store_idx %arg13[%broadcast_in_dim3A_5], %broadcast_in_dim3A_3 masked %eq3A_2 : memref<304xf32, #tpu.memory_space<vmem>>[vector<16xi32>], vector<16xf32>, vector<16xi1>
        %add3A_1479 = arith.constant 0 : i32
        %add3A_1480 = vector.broadcast %add3A_1479 : i32 to vector<16xi32>
        %add3A_1481 = arith.addi %iota3A, %add3A_1480 : vector<16xi32>
        %swap3A_1482 = arith.constant 0 : index
        %swap3A_1483 = tpu.vector_load %arg14[%swap3A_1482] {strides = array<i32>} : memref<304xf32, #tpu.memory_space<vmem>>, vector<16xf32>,
        tpu.vector_store %arg14[%swap3A_1482], %broadcast_in_dim3A_9 {strides = array<i32>} : memref<304xf32, #tpu.memory_space<vmem>>, vector<16xf32>,
        %ge3A = arith.constant 301 : i32
        %ge3A_1484 = vector.broadcast %ge3A : i32 to vector<16xi32>
        %ge3A_1485 = arith.cmpi sge, %add3A_1481, %ge3A_1484 : vector<16xi32>
        %select_n3A_1486 = arith.select %ge3A_1485, %broadcast_in_dim3A_7, %broadcast_in_dim3A_3 : vector<16xi1>, vector<16xf32>
        %swap3A_1487 = arith.constant 0 : index
        %swap3A_1488 = tpu.vector_load %arg15[%swap3A_1487] {strides = array<i32>} : memref<304xf32, #tpu.memory_space<vmem>>, vector<16xf32>,
        tpu.vector_store %arg15[%swap3A_1487], %select_n3A_1486 {strides = array<i32>} : memref<304xf32, #tpu.memory_space<vmem>>, vector<16xf32>,
        %add3A_1489 = arith.constant 16 : i32
        %add3A_1490 = vector.broadcast %add3A_1489 : i32 to vector<16xi32>
        %add3A_1491 = arith.addi %iota3A, %add3A_1490 : vector<16xi32>
        %swap3A_1492 = arith.constant 16 : index
        %swap3A_1493 = tpu.vector_load %arg14[%swap3A_1492] {strides = array<i32>} : memref<304xf32, #tpu.memory_space<vmem>>, vector<16xf32>,
        tpu.vector_store %arg14[%swap3A_1492], %broadcast_in_dim3A_9 {strides = array<i32>} : memref<304xf32, #tpu.memory_space<vmem>>, vector<16xf32>,
        %ge3A_1494 = arith.constant 301 : i32
        %ge3A_1495 = vector.broadcast %ge3A_1494 : i32 to vector<16xi32>
        %ge3A_1496 = arith.cmpi sge, %add3A_1491, %ge3A_1495 : vector<16xi32>
        %select_n3A_1497 = arith.select %ge3A_1496, %broadcast_in_dim3A_7, %broadcast_in_dim3A_3 : vector<16xi1>, vector<16xf32>
        %swap3A_1498 = arith.constant 16 : index
        %swap3A_1499 = tpu.vector_load %arg15[%swap3A_1498] {strides = array<i32>} : memref<304xf32, #tpu.memory_space<vmem>>, vector<16xf32>,
        tpu.vector_store %arg15[%swap3A_1498], %select_n3A_1497 {strides = array<i32>} : memref<304xf32, #tpu.memory_space<vmem>>, vector<16xf32>,
        %add3A_1500 = arith.constant 32 : i32
        %add3A_1501 = vector.broadcast %add3A_1500 : i32 to vector<16xi32>
        %add3A_1502 = arith.addi %iota3A, %add3A_1501 : vector<16xi32>
        %swap3A_1503 = arith.constant 32 : index
        %swap3A_1504 = tpu.vector_load %arg14[%swap3A_1503] {strides = array<i32>} : memref<304xf32, #tpu.memory_space<vmem>>, vector<16xf32>,
        tpu.vector_store %arg14[%swap3A_1503], %broadcast_in_dim3A_9 {strides = array<i32>} : memref<304xf32, #tpu.memory_space<vmem>>, vector<16xf32>,
        %ge3A_1505 = arith.constant 301 : i32
        %ge3A_1506 = vector.broadcast %ge3A_1505 : i32 to vector<16xi32>
        %ge3A_1507 = arith.cmpi sge, %add3A_1502, %ge3A_1506 : vector<16xi32>
        %select_n3A_1508 = arith.select %ge3A_1507, %broadcast_in_dim3A_7, %broadcast_in_dim3A_3 : vector<16xi1>, vector<16xf32>
        %swap3A_1509 = arith.constant 32 : index
        %swap3A_1510 = tpu.vector_load %arg15[%swap3A_1509] {strides = array<i32>} : memref<304xf32, #tpu.memory_space<vmem>>, vector<16xf32>,
        tpu.vector_store %arg15[%swap3A_1509], %select_n3A_1508 {strides = array<i32>} : memref<304xf32, #tpu.memory_space<vmem>>, vector<16xf32>,
        %add3A_1511 = arith.constant 48 : i32
        %add3A_1512 = vector.broadcast %add3A_1511 : i32 to vector<16xi32>
        %add3A_1513 = arith.addi %iota3A, %add3A_1512 : vector<16xi32>
        %swap3A_1514 = arith.constant 48 : index
        %swap3A_1515 = tpu.vector_load %arg14[%swap3A_1514] {strides = array<i32>} : memref<304xf32, #tpu.memory_space<vmem>>, vector<16xf32>,
        tpu.vector_store %arg14[%swap3A_1514], %broadcast_in_dim3A_9 {strides = array<i32>} : memref<304xf32, #tpu.memory_space<vmem>>, vector<16xf32>,
        %ge3A_1516 = arith.constant 301 : i32
        %ge3A_1517 = vector.broadcast %ge3A_1516 : i32 to vector<16xi32>
        %ge3A_1518 = arith.cmpi sge, %add3A_1513, %ge3A_1517 : vector<16xi32>
        %select_n3A_1519 = arith.select %ge3A_1518, %broadcast_in_dim3A_7, %broadcast_in_dim3A_3 : vector<16xi1>, vector<16xf32>
        %swap3A_1520 = arith.constant 48 : index
        %swap3A_1521 = tpu.vector_load %arg15[%swap3A_1520] {strides = array<i32>} : memref<304xf32, #tpu.memory_space<vmem>>, vector<16xf32>,
        tpu.vector_store %arg15[%swap3A_1520], %select_n3A_1519 {strides = array<i32>} : memref<304xf32, #tpu.memory_space<vmem>>, vector<16xf32>,
        %add3A_1522 = arith.constant 64 : i32
        %add3A_1523 = vector.broadcast %add3A_1522 : i32 to vector<16xi32>
        %add3A_1524 = arith.addi %iota3A, %add3A_1523 : vector<16xi32>
        %swap3A_1525 = arith.constant 64 : index
        %swap3A_1526 = tpu.vector_load %arg14[%swap3A_1525] {strides = array<i32>} : memref<304xf32, #tpu.memory_space<vmem>>, vector<16xf32>,
        tpu.vector_store %arg14[%swap3A_1525], %broadcast_in_dim3A_9 {strides = array<i32>} : memref<304xf32, #tpu.memory_space<vmem>>, vector<16xf32>,
        %ge3A_1527 = arith.constant 301 : i32
        %ge3A_1528 = vector.broadcast %ge3A_1527 : i32 to vector<16xi32>
        %ge3A_1529 = arith.cmpi sge, %add3A_1524, %ge3A_1528 : vector<16xi32>
        %select_n3A_1530 = arith.select %ge3A_1529, %broadcast_in_dim3A_7, %broadcast_in_dim3A_3 : vector<16xi1>, vector<16xf32>
        %swap3A_1531 = arith.constant 64 : index
        %swap3A_1532 = tpu.vector_load %arg15[%swap3A_1531] {strides = array<i32>} : memref<304xf32, #tpu.memory_space<vmem>>, vector<16xf32>,
        tpu.vector_store %arg15[%swap3A_1531], %select_n3A_1530 {strides = array<i32>} : memref<304xf32, #tpu.memory_space<vmem>>, vector<16xf32>,
        %add3A_1533 = arith.constant 80 : i32
        %add3A_1534 = vector.broadcast %add3A_1533 : i32 to vector<16xi32>
        %add3A_1535 = arith.addi %iota3A, %add3A_1534 : vector<16xi32>
        %swap3A_1536 = arith.constant 80 : index
        %swap3A_1537 = tpu.vector_load %arg14[%swap3A_1536] {strides = array<i32>} : memref<304xf32, #tpu.memory_space<vmem>>, vector<16xf32>,
        tpu.vector_store %arg14[%swap3A_1536], %broadcast_in_dim3A_9 {strides = array<i32>} : memref<304xf32, #tpu.memory_space<vmem>>, vector<16xf32>,
        %ge3A_1538 = arith.constant 301 : i32
        %ge3A_1539 = vector.broadcast %ge3A_1538 : i32 to vector<16xi32>
        %ge3A_1540 = arith.cmpi sge, %add3A_1535, %ge3A_1539 : vector<16xi32>
        %select_n3A_1541 = arith.select %ge3A_1540, %broadcast_in_dim3A_7, %broadcast_in_dim3A_3 : vector<16xi1>, vector<16xf32>
        %swap3A_1542 = arith.constant 80 : index
        %swap3A_1543 = tpu.vector_load %arg15[%swap3A_1542] {strides = array<i32>} : memref<304xf32, #tpu.memory_space<vmem>>, vector<16xf32>,
        tpu.vector_store %arg15[%swap3A_1542], %select_n3A_1541 {strides = array<i32>} : memref<304xf32, #tpu.memory_space<vmem>>, vector<16xf32>,
        %add3A_1544 = arith.constant 96 : i32
        %add3A_1545 = vector.broadcast %add3A_1544 : i32 to vector<16xi32>
        %add3A_1546 = arith.addi %iota3A, %add3A_1545 : vector<16xi32>
        %swap3A_1547 = arith.constant 96 : index
        %swap3A_1548 = tpu.vector_load %arg14[%swap3A_1547] {strides = array<i32>} : memref<304xf32, #tpu.memory_space<vmem>>, vector<16xf32>,
        tpu.vector_store %arg14[%swap3A_1547], %broadcast_in_dim3A_9 {strides = array<i32>} : memref<304xf32, #tpu.memory_space<vmem>>, vector<16xf32>,
        %ge3A_1549 = arith.constant 301 : i32
        %ge3A_1550 = vector.broadcast %ge3A_1549 : i32 to vector<16xi32>
        %ge3A_1551 = arith.cmpi sge, %add3A_1546, %ge3A_1550 : vector<16xi32>
        %select_n3A_1552 = arith.select %ge3A_1551, %broadcast_in_dim3A_7, %broadcast_in_dim3A_3 : vector<16xi1>, vector<16xf32>
        %swap3A_1553 = arith.constant 96 : index
        %swap3A_1554 = tpu.vector_load %arg15[%swap3A_1553] {strides = array<i32>} : memref<304xf32, #tpu.memory_space<vmem>>, vector<16xf32>,
        tpu.vector_store %arg15[%swap3A_1553], %select_n3A_1552 {strides = array<i32>} : memref<304xf32, #tpu.memory_space<vmem>>, vector<16xf32>,
        %add3A_1555 = arith.constant 112 : i32
        %add3A_1556 = vector.broadcast %add3A_1555 : i32 to vector<16xi32>
        %add3A_1557 = arith.addi %iota3A, %add3A_1556 : vector<16xi32>
        %swap3A_1558 = arith.constant 112 : index
        %swap3A_1559 = tpu.vector_load %arg14[%swap3A_1558] {strides = array<i32>} : memref<304xf32, #tpu.memory_space<vmem>>, vector<16xf32>,
        tpu.vector_store %arg14[%swap3A_1558], %broadcast_in_dim3A_9 {strides = array<i32>} : memref<304xf32, #tpu.memory_space<vmem>>, vector<16xf32>,
        %ge3A_1560 = arith.constant 301 : i32
        %ge3A_1561 = vector.broadcast %ge3A_1560 : i32 to vector<16xi32>
        %ge3A_1562 = arith.cmpi sge, %add3A_1557, %ge3A_1561 : vector<16xi32>
        %select_n3A_1563 = arith.select %ge3A_1562, %broadcast_in_dim3A_7, %broadcast_in_dim3A_3 : vector<16xi1>, vector<16xf32>
        %swap3A_1564 = arith.constant 112 : index
        %swap3A_1565 = tpu.vector_load %arg15[%swap3A_1564] {strides = array<i32>} : memref<304xf32, #tpu.memory_space<vmem>>, vector<16xf32>,
        tpu.vector_store %arg15[%swap3A_1564], %select_n3A_1563 {strides = array<i32>} : memref<304xf32, #tpu.memory_space<vmem>>, vector<16xf32>,
        %add3A_1566 = arith.constant 128 : i32
        %add3A_1567 = vector.broadcast %add3A_1566 : i32 to vector<16xi32>
        %add3A_1568 = arith.addi %iota3A, %add3A_1567 : vector<16xi32>
        %swap3A_1569 = arith.constant 128 : index
        %swap3A_1570 = tpu.vector_load %arg14[%swap3A_1569] {strides = array<i32>} : memref<304xf32, #tpu.memory_space<vmem>>, vector<16xf32>,
        tpu.vector_store %arg14[%swap3A_1569], %broadcast_in_dim3A_9 {strides = array<i32>} : memref<304xf32, #tpu.memory_space<vmem>>, vector<16xf32>,
        %ge3A_1571 = arith.constant 301 : i32
        %ge3A_1572 = vector.broadcast %ge3A_1571 : i32 to vector<16xi32>
        %ge3A_1573 = arith.cmpi sge, %add3A_1568, %ge3A_1572 : vector<16xi32>
        %select_n3A_1574 = arith.select %ge3A_1573, %broadcast_in_dim3A_7, %broadcast_in_dim3A_3 : vector<16xi1>, vector<16xf32>
        %swap3A_1575 = arith.constant 128 : index
        %swap3A_1576 = tpu.vector_load %arg15[%swap3A_1575] {strides = array<i32>} : memref<304xf32, #tpu.memory_space<vmem>>, vector<16xf32>,
        tpu.vector_store %arg15[%swap3A_1575], %select_n3A_1574 {strides = array<i32>} : memref<304xf32, #tpu.memory_space<vmem>>, vector<16xf32>,
        %add3A_1577 = arith.constant 144 : i32
        %add3A_1578 = vector.broadcast %add3A_1577 : i32 to vector<16xi32>
        %add3A_1579 = arith.addi %iota3A, %add3A_1578 : vector<16xi32>
        %swap3A_1580 = arith.constant 144 : index
        %swap3A_1581 = tpu.vector_load %arg14[%swap3A_1580] {strides = array<i32>} : memref<304xf32, #tpu.memory_space<vmem>>, vector<16xf32>,
        tpu.vector_store %arg14[%swap3A_1580], %broadcast_in_dim3A_9 {strides = array<i32>} : memref<304xf32, #tpu.memory_space<vmem>>, vector<16xf32>,
        %ge3A_1582 = arith.constant 301 : i32
        %ge3A_1583 = vector.broadcast %ge3A_1582 : i32 to vector<16xi32>
        %ge3A_1584 = arith.cmpi sge, %add3A_1579, %ge3A_1583 : vector<16xi32>
        %select_n3A_1585 = arith.select %ge3A_1584, %broadcast_in_dim3A_7, %broadcast_in_dim3A_3 : vector<16xi1>, vector<16xf32>
        %swap3A_1586 = arith.constant 144 : index
        %swap3A_1587 = tpu.vector_load %arg15[%swap3A_1586] {strides = array<i32>} : memref<304xf32, #tpu.memory_space<vmem>>, vector<16xf32>,
        tpu.vector_store %arg15[%swap3A_1586], %select_n3A_1585 {strides = array<i32>} : memref<304xf32, #tpu.memory_space<vmem>>, vector<16xf32>,
        %add3A_1588 = arith.constant 160 : i32
        %add3A_1589 = vector.broadcast %add3A_1588 : i32 to vector<16xi32>
        %add3A_1590 = arith.addi %iota3A, %add3A_1589 : vector<16xi32>
        %swap3A_1591 = arith.constant 160 : index
        %swap3A_1592 = tpu.vector_load %arg14[%swap3A_1591] {strides = array<i32>} : memref<304xf32, #tpu.memory_space<vmem>>, vector<16xf32>,
        tpu.vector_store %arg14[%swap3A_1591], %broadcast_in_dim3A_9 {strides = array<i32>} : memref<304xf32, #tpu.memory_space<vmem>>, vector<16xf32>,
        %ge3A_1593 = arith.constant 301 : i32
        %ge3A_1594 = vector.broadcast %ge3A_1593 : i32 to vector<16xi32>
        %ge3A_1595 = arith.cmpi sge, %add3A_1590, %ge3A_1594 : vector<16xi32>
        %select_n3A_1596 = arith.select %ge3A_1595, %broadcast_in_dim3A_7, %broadcast_in_dim3A_3 : vector<16xi1>, vector<16xf32>
        %swap3A_1597 = arith.constant 160 : index
        %swap3A_1598 = tpu.vector_load %arg15[%swap3A_1597] {strides = array<i32>} : memref<304xf32, #tpu.memory_space<vmem>>, vector<16xf32>,
        tpu.vector_store %arg15[%swap3A_1597], %select_n3A_1596 {strides = array<i32>} : memref<304xf32, #tpu.memory_space<vmem>>, vector<16xf32>,
        %add3A_1599 = arith.constant 176 : i32
        %add3A_1600 = vector.broadcast %add3A_1599 : i32 to vector<16xi32>
        %add3A_1601 = arith.addi %iota3A, %add3A_1600 : vector<16xi32>
        %swap3A_1602 = arith.constant 176 : index
        %swap3A_1603 = tpu.vector_load %arg14[%swap3A_1602] {strides = array<i32>} : memref<304xf32, #tpu.memory_space<vmem>>, vector<16xf32>,
        tpu.vector_store %arg14[%swap3A_1602], %broadcast_in_dim3A_9 {strides = array<i32>} : memref<304xf32, #tpu.memory_space<vmem>>, vector<16xf32>,
        %ge3A_1604 = arith.constant 301 : i32
        %ge3A_1605 = vector.broadcast %ge3A_1604 : i32 to vector<16xi32>
        %ge3A_1606 = arith.cmpi sge, %add3A_1601, %ge3A_1605 : vector<16xi32>
        %select_n3A_1607 = arith.select %ge3A_1606, %broadcast_in_dim3A_7, %broadcast_in_dim3A_3 : vector<16xi1>, vector<16xf32>
        %swap3A_1608 = arith.constant 176 : index
        %swap3A_1609 = tpu.vector_load %arg15[%swap3A_1608] {strides = array<i32>} : memref<304xf32, #tpu.memory_space<vmem>>, vector<16xf32>,
        tpu.vector_store %arg15[%swap3A_1608], %select_n3A_1607 {strides = array<i32>} : memref<304xf32, #tpu.memory_space<vmem>>, vector<16xf32>,
        %add3A_1610 = arith.constant 192 : i32
        %add3A_1611 = vector.broadcast %add3A_1610 : i32 to vector<16xi32>
        %add3A_1612 = arith.addi %iota3A, %add3A_1611 : vector<16xi32>
        %swap3A_1613 = arith.constant 192 : index
        %swap3A_1614 = tpu.vector_load %arg14[%swap3A_1613] {strides = array<i32>} : memref<304xf32, #tpu.memory_space<vmem>>, vector<16xf32>,
        tpu.vector_store %arg14[%swap3A_1613], %broadcast_in_dim3A_9 {strides = array<i32>} : memref<304xf32, #tpu.memory_space<vmem>>, vector<16xf32>,
        %ge3A_1615 = arith.constant 301 : i32
        %ge3A_1616 = vector.broadcast %ge3A_1615 : i32 to vector<16xi32>
        %ge3A_1617 = arith.cmpi sge, %add3A_1612, %ge3A_1616 : vector<16xi32>
        %select_n3A_1618 = arith.select %ge3A_1617, %broadcast_in_dim3A_7, %broadcast_in_dim3A_3 : vector<16xi1>, vector<16xf32>
        %swap3A_1619 = arith.constant 192 : index
        %swap3A_1620 = tpu.vector_load %arg15[%swap3A_1619] {strides = array<i32>} : memref<304xf32, #tpu.memory_space<vmem>>, vector<16xf32>,
        tpu.vector_store %arg15[%swap3A_1619], %select_n3A_1618 {strides = array<i32>} : memref<304xf32, #tpu.memory_space<vmem>>, vector<16xf32>,
        %add3A_1621 = arith.constant 208 : i32
        %add3A_1622 = vector.broadcast %add3A_1621 : i32 to vector<16xi32>
        %add3A_1623 = arith.addi %iota3A, %add3A_1622 : vector<16xi32>
        %swap3A_1624 = arith.constant 208 : index
        %swap3A_1625 = tpu.vector_load %arg14[%swap3A_1624] {strides = array<i32>} : memref<304xf32, #tpu.memory_space<vmem>>, vector<16xf32>,
        tpu.vector_store %arg14[%swap3A_1624], %broadcast_in_dim3A_9 {strides = array<i32>} : memref<304xf32, #tpu.memory_space<vmem>>, vector<16xf32>,
        %ge3A_1626 = arith.constant 301 : i32
        %ge3A_1627 = vector.broadcast %ge3A_1626 : i32 to vector<16xi32>
        %ge3A_1628 = arith.cmpi sge, %add3A_1623, %ge3A_1627 : vector<16xi32>
        %select_n3A_1629 = arith.select %ge3A_1628, %broadcast_in_dim3A_7, %broadcast_in_dim3A_3 : vector<16xi1>, vector<16xf32>
        %swap3A_1630 = arith.constant 208 : index
        %swap3A_1631 = tpu.vector_load %arg15[%swap3A_1630] {strides = array<i32>} : memref<304xf32, #tpu.memory_space<vmem>>, vector<16xf32>,
        tpu.vector_store %arg15[%swap3A_1630], %select_n3A_1629 {strides = array<i32>} : memref<304xf32, #tpu.memory_space<vmem>>, vector<16xf32>,
        %add3A_1632 = arith.constant 224 : i32
        %add3A_1633 = vector.broadcast %add3A_1632 : i32 to vector<16xi32>
        %add3A_1634 = arith.addi %iota3A, %add3A_1633 : vector<16xi32>
        %swap3A_1635 = arith.constant 224 : index
        %swap3A_1636 = tpu.vector_load %arg14[%swap3A_1635] {strides = array<i32>} : memref<304xf32, #tpu.memory_space<vmem>>, vector<16xf32>,
        tpu.vector_store %arg14[%swap3A_1635], %broadcast_in_dim3A_9 {strides = array<i32>} : memref<304xf32, #tpu.memory_space<vmem>>, vector<16xf32>,
        %ge3A_1637 = arith.constant 301 : i32
        %ge3A_1638 = vector.broadcast %ge3A_1637 : i32 to vector<16xi32>
        %ge3A_1639 = arith.cmpi sge, %add3A_1634, %ge3A_1638 : vector<16xi32>
        %select_n3A_1640 = arith.select %ge3A_1639, %broadcast_in_dim3A_7, %broadcast_in_dim3A_3 : vector<16xi1>, vector<16xf32>
        %swap3A_1641 = arith.constant 224 : index
        %swap3A_1642 = tpu.vector_load %arg15[%swap3A_1641] {strides = array<i32>} : memref<304xf32, #tpu.memory_space<vmem>>, vector<16xf32>,
        tpu.vector_store %arg15[%swap3A_1641], %select_n3A_1640 {strides = array<i32>} : memref<304xf32, #tpu.memory_space<vmem>>, vector<16xf32>,
        %add3A_1643 = arith.constant 240 : i32
        %add3A_1644 = vector.broadcast %add3A_1643 : i32 to vector<16xi32>
        %add3A_1645 = arith.addi %iota3A, %add3A_1644 : vector<16xi32>
        %swap3A_1646 = arith.constant 240 : index
        %swap3A_1647 = tpu.vector_load %arg14[%swap3A_1646] {strides = array<i32>} : memref<304xf32, #tpu.memory_space<vmem>>, vector<16xf32>,
        tpu.vector_store %arg14[%swap3A_1646], %broadcast_in_dim3A_9 {strides = array<i32>} : memref<304xf32, #tpu.memory_space<vmem>>, vector<16xf32>,
        %ge3A_1648 = arith.constant 301 : i32
        %ge3A_1649 = vector.broadcast %ge3A_1648 : i32 to vector<16xi32>
        %ge3A_1650 = arith.cmpi sge, %add3A_1645, %ge3A_1649 : vector<16xi32>
        %select_n3A_1651 = arith.select %ge3A_1650, %broadcast_in_dim3A_7, %broadcast_in_dim3A_3 : vector<16xi1>, vector<16xf32>
        %swap3A_1652 = arith.constant 240 : index
        %swap3A_1653 = tpu.vector_load %arg15[%swap3A_1652] {strides = array<i32>} : memref<304xf32, #tpu.memory_space<vmem>>, vector<16xf32>,
        tpu.vector_store %arg15[%swap3A_1652], %select_n3A_1651 {strides = array<i32>} : memref<304xf32, #tpu.memory_space<vmem>>, vector<16xf32>,
        %add3A_1654 = arith.constant 256 : i32
        %add3A_1655 = vector.broadcast %add3A_1654 : i32 to vector<16xi32>
        %add3A_1656 = arith.addi %iota3A, %add3A_1655 : vector<16xi32>
        %swap3A_1657 = arith.constant 256 : index
        %swap3A_1658 = tpu.vector_load %arg14[%swap3A_1657] {strides = array<i32>} : memref<304xf32, #tpu.memory_space<vmem>>, vector<16xf32>,
        tpu.vector_store %arg14[%swap3A_1657], %broadcast_in_dim3A_9 {strides = array<i32>} : memref<304xf32, #tpu.memory_space<vmem>>, vector<16xf32>,
        %ge3A_1659 = arith.constant 301 : i32
        %ge3A_1660 = vector.broadcast %ge3A_1659 : i32 to vector<16xi32>
        %ge3A_1661 = arith.cmpi sge, %add3A_1656, %ge3A_1660 : vector<16xi32>
        %select_n3A_1662 = arith.select %ge3A_1661, %broadcast_in_dim3A_7, %broadcast_in_dim3A_3 : vector<16xi1>, vector<16xf32>
        %swap3A_1663 = arith.constant 256 : index
        %swap3A_1664 = tpu.vector_load %arg15[%swap3A_1663] {strides = array<i32>} : memref<304xf32, #tpu.memory_space<vmem>>, vector<16xf32>,
        tpu.vector_store %arg15[%swap3A_1663], %select_n3A_1662 {strides = array<i32>} : memref<304xf32, #tpu.memory_space<vmem>>, vector<16xf32>,
        %add3A_1665 = arith.constant 272 : i32
        %add3A_1666 = vector.broadcast %add3A_1665 : i32 to vector<16xi32>
        %add3A_1667 = arith.addi %iota3A, %add3A_1666 : vector<16xi32>
        %swap3A_1668 = arith.constant 272 : index
        %swap3A_1669 = tpu.vector_load %arg14[%swap3A_1668] {strides = array<i32>} : memref<304xf32, #tpu.memory_space<vmem>>, vector<16xf32>,
        tpu.vector_store %arg14[%swap3A_1668], %broadcast_in_dim3A_9 {strides = array<i32>} : memref<304xf32, #tpu.memory_space<vmem>>, vector<16xf32>,
        %ge3A_1670 = arith.constant 301 : i32
        %ge3A_1671 = vector.broadcast %ge3A_1670 : i32 to vector<16xi32>
        %ge3A_1672 = arith.cmpi sge, %add3A_1667, %ge3A_1671 : vector<16xi32>
        %select_n3A_1673 = arith.select %ge3A_1672, %broadcast_in_dim3A_7, %broadcast_in_dim3A_3 : vector<16xi1>, vector<16xf32>
        %swap3A_1674 = arith.constant 272 : index
        %swap3A_1675 = tpu.vector_load %arg15[%swap3A_1674] {strides = array<i32>} : memref<304xf32, #tpu.memory_space<vmem>>, vector<16xf32>,
        tpu.vector_store %arg15[%swap3A_1674], %select_n3A_1673 {strides = array<i32>} : memref<304xf32, #tpu.memory_space<vmem>>, vector<16xf32>,
        %add3A_1676 = arith.constant 288 : i32
        %add3A_1677 = vector.broadcast %add3A_1676 : i32 to vector<16xi32>
        %add3A_1678 = arith.addi %iota3A, %add3A_1677 : vector<16xi32>
        %swap3A_1679 = arith.constant 288 : index
        %swap3A_1680 = tpu.vector_load %arg14[%swap3A_1679] {strides = array<i32>} : memref<304xf32, #tpu.memory_space<vmem>>, vector<16xf32>,
        tpu.vector_store %arg14[%swap3A_1679], %broadcast_in_dim3A_9 {strides = array<i32>} : memref<304xf32, #tpu.memory_space<vmem>>, vector<16xf32>,
        %ge3A_1681 = arith.constant 301 : i32
        %ge3A_1682 = vector.broadcast %ge3A_1681 : i32 to vector<16xi32>
        %ge3A_1683 = arith.cmpi sge, %add3A_1678, %ge3A_1682 : vector<16xi32>
        %select_n3A_1684 = arith.select %ge3A_1683, %broadcast_in_dim3A_7, %broadcast_in_dim3A_3 : vector<16xi1>, vector<16xf32>
        %swap3A_1685 = arith.constant 288 : index
        %swap3A_1686 = tpu.vector_load %arg15[%swap3A_1685] {strides = array<i32>} : memref<304xf32, #tpu.memory_space<vmem>>, vector<16xf32>,
        tpu.vector_store %arg15[%swap3A_1685], %select_n3A_1684 {strides = array<i32>} : memref<304xf32, #tpu.memory_space<vmem>>, vector<16xf32>,
        %while3A = arith.constant 0 : i32
        %while3A_1687 = arith.constant false
        %while3A_1688:2 = scf.while (%while3A_1690 = %while3A, %while3A_1691 = %while3A_1687) : (i32, i1) -> (i32, i1) {
          %not3A = arith.constant true
          %not3A_1692 = arith.xori %while3A_1691, %not3A : i1
          scf.condition(%not3A_1692) %while3A_1690, %while3A_1691 : i32, i1
        } do {
        ^bb0(%while3A_1690: i32, %while3A_1691: i1):
          %broadcast_in_dim3A_1692 = vector.broadcast %while3A_1690 : i32 to vector<16xi32>
          tpu.vector_store_idx %arg15[%broadcast_in_dim3A_1692], %broadcast_in_dim3A_7 masked %eq3A_2 : memref<304xf32, #tpu.memory_space<vmem>>[vector<16xi32>], vector<16xf32>, vector<16xi1>
          %gather3A = tpu.vector_load_idx %arg17[%broadcast_in_dim3A_1692] : memref<304xi32, #tpu.memory_space<vmem>>[vector<16xi32>], vector<16xi32>,
          %sub3A_1693 = arith.constant 1 : i32
          %sub3A_1694 = vector.broadcast %sub3A_1693 : i32 to vector<16xi32>
          %sub3A_1695 = arith.subi %gather3A, %sub3A_1694 : vector<16xi32>
          %gather3A_1696 = tpu.vector_load_idx %arg13[%broadcast_in_dim3A_1692] : memref<304xf32, #tpu.memory_space<vmem>>[vector<16xi32>], vector<16xf32>,
          %add3A_1697 = arith.constant 0 : i32
          %add3A_1698 = vector.broadcast %add3A_1697 : i32 to vector<16xi32>
          %add3A_1699 = arith.addi %iota3A, %add3A_1698 : vector<16xi32>
          %gather3A_1700 = tpu.vector_load_idx %arg11[%sub3A_1695, %add3A_1699] : memref<20x304xf32, #tpu.memory_space<vmem>>[vector<16xi32>, vector<16xi32>], vector<16xf32>,
          %get3A_1701 = arith.constant 0 : index
          %get3A_1702 = tpu.vector_load %arg12[%get3A_1701] {strides = array<i32>} : memref<304xf32, #tpu.memory_space<vmem>>, vector<16xf32>,
          %get3A_1703 = arith.constant 0 : index
          %get3A_1704 = tpu.vector_load %arg14[%get3A_1703] {strides = array<i32>} : memref<304xf32, #tpu.memory_space<vmem>>, vector<16xf32>,
          %get3A_1705 = arith.constant 0 : index
          %get3A_1706 = tpu.vector_load %arg15[%get3A_1705] {strides = array<i32>} : memref<304xf32, #tpu.memory_space<vmem>>, vector<16xf32>,
          %sub3A_1707 = arith.subf %gather3A_1700, %gather3A_1696 : vector<16xf32>
          %sub3A_1708 = arith.subf %sub3A_1707, %get3A_1702 : vector<16xf32>
          %lt3A_1709 = arith.constant 5.000000e-01 : f32
          %lt3A_1710 = vector.broadcast %lt3A_1709 : f32 to vector<16xf32>
          %lt3A_1711 = arith.cmpf olt, %get3A_1706, %lt3A_1710 : vector<16xf32>
          %lt3A_1712 = arith.cmpf olt, %sub3A_1708, %get3A_1704 : vector<16xf32>
          %and3A_1713 = arith.andi %lt3A_1711, %lt3A_1712 : vector<16xi1>
          %select_n3A_1714 = arith.select %and3A_1713, %sub3A_1708, %get3A_1704 : vector<16xi1>, vector<16xf32>
          %swap3A_1715 = arith.constant 0 : index
          %swap3A_1716 = tpu.vector_load %arg14[%swap3A_1715] {strides = array<i32>} : memref<304xf32, #tpu.memory_space<vmem>>, vector<16xf32>,
          tpu.vector_store %arg14[%swap3A_1715], %select_n3A_1714 {strides = array<i32>} : memref<304xf32, #tpu.memory_space<vmem>>, vector<16xf32>,
          %get3A_1717 = arith.constant 0 : index
          %get3A_1718 = tpu.vector_load %arg16[%get3A_1717] {strides = array<i32>} : memref<304xi32, #tpu.memory_space<vmem>>, vector<16xi32>,
          %select_n3A_1719 = arith.select %and3A_1713, %broadcast_in_dim3A_1692, %get3A_1718 : vector<16xi1>, vector<16xi32>
          %swap3A_1720 = arith.constant 0 : index
          %swap3A_1721 = tpu.vector_load %arg16[%swap3A_1720] {strides = array<i32>} : memref<304xi32, #tpu.memory_space<vmem>>, vector<16xi32>,
          tpu.vector_store %arg16[%swap3A_1720], %select_n3A_1719 {strides = array<i32>} : memref<304xi32, #tpu.memory_space<vmem>>, vector<16xi32>,
          %select_n3A_1722 = arith.select %lt3A_1711, %select_n3A_1714, %broadcast_in_dim3A_9 : vector<16xi1>, vector<16xf32>
          %lt3A_1723 = arith.cmpf olt, %select_n3A_1722, %broadcast_in_dim3A_9 : vector<16xf32>
          %select_n3A_1724 = arith.select %lt3A_1723, %select_n3A_1722, %broadcast_in_dim3A_9 : vector<16xi1>, vector<16xf32>
          %select_n3A_1725 = arith.select %lt3A_1723, %add3A_1699, %broadcast_in_dim3A_11 : vector<16xi1>, vector<16xi32>
          %add3A_1726 = arith.constant 16 : i32
          %add3A_1727 = vector.broadcast %add3A_1726 : i32 to vector<16xi32>
          %add3A_1728 = arith.addi %iota3A, %add3A_1727 : vector<16xi32>
          %gather3A_1729 = tpu.vector_load_idx %arg11[%sub3A_1695, %add3A_1728] : memref<20x304xf32, #tpu.memory_space<vmem>>[vector<16xi32>, vector<16xi32>], vector<16xf32>,
          %get3A_1730 = arith.constant 16 : index
          %get3A_1731 = tpu.vector_load %arg12[%get3A_1730] {strides = array<i32>} : memref<304xf32, #tpu.memory_space<vmem>>, vector<16xf32>,
          %get3A_1732 = arith.constant 16 : index
          %get3A_1733 = tpu.vector_load %arg14[%get3A_1732] {strides = array<i32>} : memref<304xf32, #tpu.memory_space<vmem>>, vector<16xf32>,
          %get3A_1734 = arith.constant 16 : index
          %get3A_1735 = tpu.vector_load %arg15[%get3A_1734] {strides = array<i32>} : memref<304xf32, #tpu.memory_space<vmem>>, vector<16xf32>,
          %sub3A_1736 = arith.subf %gather3A_1729, %gather3A_1696 : vector<16xf32>
          %sub3A_1737 = arith.subf %sub3A_1736, %get3A_1731 : vector<16xf32>
          %lt3A_1738 = arith.constant 5.000000e-01 : f32
          %lt3A_1739 = vector.broadcast %lt3A_1738 : f32 to vector<16xf32>
          %lt3A_1740 = arith.cmpf olt, %get3A_1735, %lt3A_1739 : vector<16xf32>
          %lt3A_1741 = arith.cmpf olt, %sub3A_1737, %get3A_1733 : vector<16xf32>
          %and3A_1742 = arith.andi %lt3A_1740, %lt3A_1741 : vector<16xi1>
          %select_n3A_1743 = arith.select %and3A_1742, %sub3A_1737, %get3A_1733 : vector<16xi1>, vector<16xf32>
          %swap3A_1744 = arith.constant 16 : index
          %swap3A_1745 = tpu.vector_load %arg14[%swap3A_1744] {strides = array<i32>} : memref<304xf32, #tpu.memory_space<vmem>>, vector<16xf32>,
          tpu.vector_store %arg14[%swap3A_1744], %select_n3A_1743 {strides = array<i32>} : memref<304xf32, #tpu.memory_space<vmem>>, vector<16xf32>,
          %get3A_1746 = arith.constant 16 : index
          %get3A_1747 = tpu.vector_load %arg16[%get3A_1746] {strides = array<i32>} : memref<304xi32, #tpu.memory_space<vmem>>, vector<16xi32>,
          %select_n3A_1748 = arith.select %and3A_1742, %broadcast_in_dim3A_1692, %get3A_1747 : vector<16xi1>, vector<16xi32>
          %swap3A_1749 = arith.constant 16 : index
          %swap3A_1750 = tpu.vector_load %arg16[%swap3A_1749] {strides = array<i32>} : memref<304xi32, #tpu.memory_space<vmem>>, vector<16xi32>,
          tpu.vector_store %arg16[%swap3A_1749], %select_n3A_1748 {strides = array<i32>} : memref<304xi32, #tpu.memory_space<vmem>>, vector<16xi32>,
          %select_n3A_1751 = arith.select %lt3A_1740, %select_n3A_1743, %broadcast_in_dim3A_9 : vector<16xi1>, vector<16xf32>
          %lt3A_1752 = arith.cmpf olt, %select_n3A_1751, %select_n3A_1724 : vector<16xf32>
          %select_n3A_1753 = arith.select %lt3A_1752, %select_n3A_1751, %select_n3A_1724 : vector<16xi1>, vector<16xf32>
          %select_n3A_1754 = arith.select %lt3A_1752, %add3A_1728, %select_n3A_1725 : vector<16xi1>, vector<16xi32>
          %add3A_1755 = arith.constant 32 : i32
          %add3A_1756 = vector.broadcast %add3A_1755 : i32 to vector<16xi32>
          %add3A_1757 = arith.addi %iota3A, %add3A_1756 : vector<16xi32>
          %gather3A_1758 = tpu.vector_load_idx %arg11[%sub3A_1695, %add3A_1757] : memref<20x304xf32, #tpu.memory_space<vmem>>[vector<16xi32>, vector<16xi32>], vector<16xf32>,
          %get3A_1759 = arith.constant 32 : index
          %get3A_1760 = tpu.vector_load %arg12[%get3A_1759] {strides = array<i32>} : memref<304xf32, #tpu.memory_space<vmem>>, vector<16xf32>,
          %get3A_1761 = arith.constant 32 : index
          %get3A_1762 = tpu.vector_load %arg14[%get3A_1761] {strides = array<i32>} : memref<304xf32, #tpu.memory_space<vmem>>, vector<16xf32>,
          %get3A_1763 = arith.constant 32 : index
          %get3A_1764 = tpu.vector_load %arg15[%get3A_1763] {strides = array<i32>} : memref<304xf32, #tpu.memory_space<vmem>>, vector<16xf32>,
          %sub3A_1765 = arith.subf %gather3A_1758, %gather3A_1696 : vector<16xf32>
          %sub3A_1766 = arith.subf %sub3A_1765, %get3A_1760 : vector<16xf32>
          %lt3A_1767 = arith.constant 5.000000e-01 : f32
          %lt3A_1768 = vector.broadcast %lt3A_1767 : f32 to vector<16xf32>
          %lt3A_1769 = arith.cmpf olt, %get3A_1764, %lt3A_1768 : vector<16xf32>
          %lt3A_1770 = arith.cmpf olt, %sub3A_1766, %get3A_1762 : vector<16xf32>
          %and3A_1771 = arith.andi %lt3A_1769, %lt3A_1770 : vector<16xi1>
          %select_n3A_1772 = arith.select %and3A_1771, %sub3A_1766, %get3A_1762 : vector<16xi1>, vector<16xf32>
          %swap3A_1773 = arith.constant 32 : index
          %swap3A_1774 = tpu.vector_load %arg14[%swap3A_1773] {strides = array<i32>} : memref<304xf32, #tpu.memory_space<vmem>>, vector<16xf32>,
          tpu.vector_store %arg14[%swap3A_1773], %select_n3A_1772 {strides = array<i32>} : memref<304xf32, #tpu.memory_space<vmem>>, vector<16xf32>,
          %get3A_1775 = arith.constant 32 : index
          %get3A_1776 = tpu.vector_load %arg16[%get3A_1775] {strides = array<i32>} : memref<304xi32, #tpu.memory_space<vmem>>, vector<16xi32>,
          %select_n3A_1777 = arith.select %and3A_1771, %broadcast_in_dim3A_1692, %get3A_1776 : vector<16xi1>, vector<16xi32>
          %swap3A_1778 = arith.constant 32 : index
          %swap3A_1779 = tpu.vector_load %arg16[%swap3A_1778] {strides = array<i32>} : memref<304xi32, #tpu.memory_space<vmem>>, vector<16xi32>,
          tpu.vector_store %arg16[%swap3A_1778], %select_n3A_1777 {strides = array<i32>} : memref<304xi32, #tpu.memory_space<vmem>>, vector<16xi32>,
          %select_n3A_1780 = arith.select %lt3A_1769, %select_n3A_1772, %broadcast_in_dim3A_9 : vector<16xi1>, vector<16xf32>
          %lt3A_1781 = arith.cmpf olt, %select_n3A_1780, %select_n3A_1753 : vector<16xf32>
          %select_n3A_1782 = arith.select %lt3A_1781, %select_n3A_1780, %select_n3A_1753 : vector<16xi1>, vector<16xf32>
          %select_n3A_1783 = arith.select %lt3A_1781, %add3A_1757, %select_n3A_1754 : vector<16xi1>, vector<16xi32>
          %add3A_1784 = arith.constant 48 : i32
          %add3A_1785 = vector.broadcast %add3A_1784 : i32 to vector<16xi32>
          %add3A_1786 = arith.addi %iota3A, %add3A_1785 : vector<16xi32>
          %gather3A_1787 = tpu.vector_load_idx %arg11[%sub3A_1695, %add3A_1786] : memref<20x304xf32, #tpu.memory_space<vmem>>[vector<16xi32>, vector<16xi32>], vector<16xf32>,
          %get3A_1788 = arith.constant 48 : index
          %get3A_1789 = tpu.vector_load %arg12[%get3A_1788] {strides = array<i32>} : memref<304xf32, #tpu.memory_space<vmem>>, vector<16xf32>,
          %get3A_1790 = arith.constant 48 : index
          %get3A_1791 = tpu.vector_load %arg14[%get3A_1790] {strides = array<i32>} : memref<304xf32, #tpu.memory_space<vmem>>, vector<16xf32>,
          %get3A_1792 = arith.constant 48 : index
          %get3A_1793 = tpu.vector_load %arg15[%get3A_1792] {strides = array<i32>} : memref<304xf32, #tpu.memory_space<vmem>>, vector<16xf32>,
          %sub3A_1794 = arith.subf %gather3A_1787, %gather3A_1696 : vector<16xf32>
          %sub3A_1795 = arith.subf %sub3A_1794, %get3A_1789 : vector<16xf32>
          %lt3A_1796 = arith.constant 5.000000e-01 : f32
          %lt3A_1797 = vector.broadcast %lt3A_1796 : f32 to vector<16xf32>
          %lt3A_1798 = arith.cmpf olt, %get3A_1793, %lt3A_1797 : vector<16xf32>
          %lt3A_1799 = arith.cmpf olt, %sub3A_1795, %get3A_1791 : vector<16xf32>
          %and3A_1800 = arith.andi %lt3A_1798, %lt3A_1799 : vector<16xi1>
          %select_n3A_1801 = arith.select %and3A_1800, %sub3A_1795, %get3A_1791 : vector<16xi1>, vector<16xf32>
          %swap3A_1802 = arith.constant 48 : index
          %swap3A_1803 = tpu.vector_load %arg14[%swap3A_1802] {strides = array<i32>} : memref<304xf32, #tpu.memory_space<vmem>>, vector<16xf32>,
          tpu.vector_store %arg14[%swap3A_1802], %select_n3A_1801 {strides = array<i32>} : memref<304xf32, #tpu.memory_space<vmem>>, vector<16xf32>,
          %get3A_1804 = arith.constant 48 : index
          %get3A_1805 = tpu.vector_load %arg16[%get3A_1804] {strides = array<i32>} : memref<304xi32, #tpu.memory_space<vmem>>, vector<16xi32>,
          %select_n3A_1806 = arith.select %and3A_1800, %broadcast_in_dim3A_1692, %get3A_1805 : vector<16xi1>, vector<16xi32>
          %swap3A_1807 = arith.constant 48 : index
          %swap3A_1808 = tpu.vector_load %arg16[%swap3A_1807] {strides = array<i32>} : memref<304xi32, #tpu.memory_space<vmem>>, vector<16xi32>,
          tpu.vector_store %arg16[%swap3A_1807], %select_n3A_1806 {strides = array<i32>} : memref<304xi32, #tpu.memory_space<vmem>>, vector<16xi32>,
          %select_n3A_1809 = arith.select %lt3A_1798, %select_n3A_1801, %broadcast_in_dim3A_9 : vector<16xi1>, vector<16xf32>
          %lt3A_1810 = arith.cmpf olt, %select_n3A_1809, %select_n3A_1782 : vector<16xf32>
          %select_n3A_1811 = arith.select %lt3A_1810, %select_n3A_1809, %select_n3A_1782 : vector<16xi1>, vector<16xf32>
          %select_n3A_1812 = arith.select %lt3A_1810, %add3A_1786, %select_n3A_1783 : vector<16xi1>, vector<16xi32>
          %add3A_1813 = arith.constant 64 : i32
          %add3A_1814 = vector.broadcast %add3A_1813 : i32 to vector<16xi32>
          %add3A_1815 = arith.addi %iota3A, %add3A_1814 : vector<16xi32>
          %gather3A_1816 = tpu.vector_load_idx %arg11[%sub3A_1695, %add3A_1815] : memref<20x304xf32, #tpu.memory_space<vmem>>[vector<16xi32>, vector<16xi32>], vector<16xf32>,
          %get3A_1817 = arith.constant 64 : index
          %get3A_1818 = tpu.vector_load %arg12[%get3A_1817] {strides = array<i32>} : memref<304xf32, #tpu.memory_space<vmem>>, vector<16xf32>,
          %get3A_1819 = arith.constant 64 : index
          %get3A_1820 = tpu.vector_load %arg14[%get3A_1819] {strides = array<i32>} : memref<304xf32, #tpu.memory_space<vmem>>, vector<16xf32>,
          %get3A_1821 = arith.constant 64 : index
          %get3A_1822 = tpu.vector_load %arg15[%get3A_1821] {strides = array<i32>} : memref<304xf32, #tpu.memory_space<vmem>>, vector<16xf32>,
          %sub3A_1823 = arith.subf %gather3A_1816, %gather3A_1696 : vector<16xf32>
          %sub3A_1824 = arith.subf %sub3A_1823, %get3A_1818 : vector<16xf32>
          %lt3A_1825 = arith.constant 5.000000e-01 : f32
          %lt3A_1826 = vector.broadcast %lt3A_1825 : f32 to vector<16xf32>
          %lt3A_1827 = arith.cmpf olt, %get3A_1822, %lt3A_1826 : vector<16xf32>
          %lt3A_1828 = arith.cmpf olt, %sub3A_1824, %get3A_1820 : vector<16xf32>
          %and3A_1829 = arith.andi %lt3A_1827, %lt3A_1828 : vector<16xi1>
          %select_n3A_1830 = arith.select %and3A_1829, %sub3A_1824, %get3A_1820 : vector<16xi1>, vector<16xf32>
          %swap3A_1831 = arith.constant 64 : index
          %swap3A_1832 = tpu.vector_load %arg14[%swap3A_1831] {strides = array<i32>} : memref<304xf32, #tpu.memory_space<vmem>>, vector<16xf32>,
          tpu.vector_store %arg14[%swap3A_1831], %select_n3A_1830 {strides = array<i32>} : memref<304xf32, #tpu.memory_space<vmem>>, vector<16xf32>,
          %get3A_1833 = arith.constant 64 : index
          %get3A_1834 = tpu.vector_load %arg16[%get3A_1833] {strides = array<i32>} : memref<304xi32, #tpu.memory_space<vmem>>, vector<16xi32>,
          %select_n3A_1835 = arith.select %and3A_1829, %broadcast_in_dim3A_1692, %get3A_1834 : vector<16xi1>, vector<16xi32>
          %swap3A_1836 = arith.constant 64 : index
          %swap3A_1837 = tpu.vector_load %arg16[%swap3A_1836] {strides = array<i32>} : memref<304xi32, #tpu.memory_space<vmem>>, vector<16xi32>,
          tpu.vector_store %arg16[%swap3A_1836], %select_n3A_1835 {strides = array<i32>} : memref<304xi32, #tpu.memory_space<vmem>>, vector<16xi32>,
          %select_n3A_1838 = arith.select %lt3A_1827, %select_n3A_1830, %broadcast_in_dim3A_9 : vector<16xi1>, vector<16xf32>
          %lt3A_1839 = arith.cmpf olt, %select_n3A_1838, %select_n3A_1811 : vector<16xf32>
          %select_n3A_1840 = arith.select %lt3A_1839, %select_n3A_1838, %select_n3A_1811 : vector<16xi1>, vector<16xf32>
          %select_n3A_1841 = arith.select %lt3A_1839, %add3A_1815, %select_n3A_1812 : vector<16xi1>, vector<16xi32>
          %add3A_1842 = arith.constant 80 : i32
          %add3A_1843 = vector.broadcast %add3A_1842 : i32 to vector<16xi32>
          %add3A_1844 = arith.addi %iota3A, %add3A_1843 : vector<16xi32>
          %gather3A_1845 = tpu.vector_load_idx %arg11[%sub3A_1695, %add3A_1844] : memref<20x304xf32, #tpu.memory_space<vmem>>[vector<16xi32>, vector<16xi32>], vector<16xf32>,
          %get3A_1846 = arith.constant 80 : index
          %get3A_1847 = tpu.vector_load %arg12[%get3A_1846] {strides = array<i32>} : memref<304xf32, #tpu.memory_space<vmem>>, vector<16xf32>,
          %get3A_1848 = arith.constant 80 : index
          %get3A_1849 = tpu.vector_load %arg14[%get3A_1848] {strides = array<i32>} : memref<304xf32, #tpu.memory_space<vmem>>, vector<16xf32>,
          %get3A_1850 = arith.constant 80 : index
          %get3A_1851 = tpu.vector_load %arg15[%get3A_1850] {strides = array<i32>} : memref<304xf32, #tpu.memory_space<vmem>>, vector<16xf32>,
          %sub3A_1852 = arith.subf %gather3A_1845, %gather3A_1696 : vector<16xf32>
          %sub3A_1853 = arith.subf %sub3A_1852, %get3A_1847 : vector<16xf32>
          %lt3A_1854 = arith.constant 5.000000e-01 : f32
          %lt3A_1855 = vector.broadcast %lt3A_1854 : f32 to vector<16xf32>
          %lt3A_1856 = arith.cmpf olt, %get3A_1851, %lt3A_1855 : vector<16xf32>
          %lt3A_1857 = arith.cmpf olt, %sub3A_1853, %get3A_1849 : vector<16xf32>
          %and3A_1858 = arith.andi %lt3A_1856, %lt3A_1857 : vector<16xi1>
          %select_n3A_1859 = arith.select %and3A_1858, %sub3A_1853, %get3A_1849 : vector<16xi1>, vector<16xf32>
          %swap3A_1860 = arith.constant 80 : index
          %swap3A_1861 = tpu.vector_load %arg14[%swap3A_1860] {strides = array<i32>} : memref<304xf32, #tpu.memory_space<vmem>>, vector<16xf32>,
          tpu.vector_store %arg14[%swap3A_1860], %select_n3A_1859 {strides = array<i32>} : memref<304xf32, #tpu.memory_space<vmem>>, vector<16xf32>,
          %get3A_1862 = arith.constant 80 : index
          %get3A_1863 = tpu.vector_load %arg16[%get3A_1862] {strides = array<i32>} : memref<304xi32, #tpu.memory_space<vmem>>, vector<16xi32>,
          %select_n3A_1864 = arith.select %and3A_1858, %broadcast_in_dim3A_1692, %get3A_1863 : vector<16xi1>, vector<16xi32>
          %swap3A_1865 = arith.constant 80 : index
          %swap3A_1866 = tpu.vector_load %arg16[%swap3A_1865] {strides = array<i32>} : memref<304xi32, #tpu.memory_space<vmem>>, vector<16xi32>,
          tpu.vector_store %arg16[%swap3A_1865], %select_n3A_1864 {strides = array<i32>} : memref<304xi32, #tpu.memory_space<vmem>>, vector<16xi32>,
          %select_n3A_1867 = arith.select %lt3A_1856, %select_n3A_1859, %broadcast_in_dim3A_9 : vector<16xi1>, vector<16xf32>
          %lt3A_1868 = arith.cmpf olt, %select_n3A_1867, %select_n3A_1840 : vector<16xf32>
          %select_n3A_1869 = arith.select %lt3A_1868, %select_n3A_1867, %select_n3A_1840 : vector<16xi1>, vector<16xf32>
          %select_n3A_1870 = arith.select %lt3A_1868, %add3A_1844, %select_n3A_1841 : vector<16xi1>, vector<16xi32>
          %add3A_1871 = arith.constant 96 : i32
          %add3A_1872 = vector.broadcast %add3A_1871 : i32 to vector<16xi32>
          %add3A_1873 = arith.addi %iota3A, %add3A_1872 : vector<16xi32>
          %gather3A_1874 = tpu.vector_load_idx %arg11[%sub3A_1695, %add3A_1873] : memref<20x304xf32, #tpu.memory_space<vmem>>[vector<16xi32>, vector<16xi32>], vector<16xf32>,
          %get3A_1875 = arith.constant 96 : index
          %get3A_1876 = tpu.vector_load %arg12[%get3A_1875] {strides = array<i32>} : memref<304xf32, #tpu.memory_space<vmem>>, vector<16xf32>,
          %get3A_1877 = arith.constant 96 : index
          %get3A_1878 = tpu.vector_load %arg14[%get3A_1877] {strides = array<i32>} : memref<304xf32, #tpu.memory_space<vmem>>, vector<16xf32>,
          %get3A_1879 = arith.constant 96 : index
          %get3A_1880 = tpu.vector_load %arg15[%get3A_1879] {strides = array<i32>} : memref<304xf32, #tpu.memory_space<vmem>>, vector<16xf32>,
          %sub3A_1881 = arith.subf %gather3A_1874, %gather3A_1696 : vector<16xf32>
          %sub3A_1882 = arith.subf %sub3A_1881, %get3A_1876 : vector<16xf32>
          %lt3A_1883 = arith.constant 5.000000e-01 : f32
          %lt3A_1884 = vector.broadcast %lt3A_1883 : f32 to vector<16xf32>
          %lt3A_1885 = arith.cmpf olt, %get3A_1880, %lt3A_1884 : vector<16xf32>
          %lt3A_1886 = arith.cmpf olt, %sub3A_1882, %get3A_1878 : vector<16xf32>
          %and3A_1887 = arith.andi %lt3A_1885, %lt3A_1886 : vector<16xi1>
          %select_n3A_1888 = arith.select %and3A_1887, %sub3A_1882, %get3A_1878 : vector<16xi1>, vector<16xf32>
          %swap3A_1889 = arith.constant 96 : index
          %swap3A_1890 = tpu.vector_load %arg14[%swap3A_1889] {strides = array<i32>} : memref<304xf32, #tpu.memory_space<vmem>>, vector<16xf32>,
          tpu.vector_store %arg14[%swap3A_1889], %select_n3A_1888 {strides = array<i32>} : memref<304xf32, #tpu.memory_space<vmem>>, vector<16xf32>,
          %get3A_1891 = arith.constant 96 : index
          %get3A_1892 = tpu.vector_load %arg16[%get3A_1891] {strides = array<i32>} : memref<304xi32, #tpu.memory_space<vmem>>, vector<16xi32>,
          %select_n3A_1893 = arith.select %and3A_1887, %broadcast_in_dim3A_1692, %get3A_1892 : vector<16xi1>, vector<16xi32>
          %swap3A_1894 = arith.constant 96 : index
          %swap3A_1895 = tpu.vector_load %arg16[%swap3A_1894] {strides = array<i32>} : memref<304xi32, #tpu.memory_space<vmem>>, vector<16xi32>,
          tpu.vector_store %arg16[%swap3A_1894], %select_n3A_1893 {strides = array<i32>} : memref<304xi32, #tpu.memory_space<vmem>>, vector<16xi32>,
          %select_n3A_1896 = arith.select %lt3A_1885, %select_n3A_1888, %broadcast_in_dim3A_9 : vector<16xi1>, vector<16xf32>
          %lt3A_1897 = arith.cmpf olt, %select_n3A_1896, %select_n3A_1869 : vector<16xf32>
          %select_n3A_1898 = arith.select %lt3A_1897, %select_n3A_1896, %select_n3A_1869 : vector<16xi1>, vector<16xf32>
          %select_n3A_1899 = arith.select %lt3A_1897, %add3A_1873, %select_n3A_1870 : vector<16xi1>, vector<16xi32>
          %add3A_1900 = arith.constant 112 : i32
          %add3A_1901 = vector.broadcast %add3A_1900 : i32 to vector<16xi32>
          %add3A_1902 = arith.addi %iota3A, %add3A_1901 : vector<16xi32>
          %gather3A_1903 = tpu.vector_load_idx %arg11[%sub3A_1695, %add3A_1902] : memref<20x304xf32, #tpu.memory_space<vmem>>[vector<16xi32>, vector<16xi32>], vector<16xf32>,
          %get3A_1904 = arith.constant 112 : index
          %get3A_1905 = tpu.vector_load %arg12[%get3A_1904] {strides = array<i32>} : memref<304xf32, #tpu.memory_space<vmem>>, vector<16xf32>,
          %get3A_1906 = arith.constant 112 : index
          %get3A_1907 = tpu.vector_load %arg14[%get3A_1906] {strides = array<i32>} : memref<304xf32, #tpu.memory_space<vmem>>, vector<16xf32>,
          %get3A_1908 = arith.constant 112 : index
          %get3A_1909 = tpu.vector_load %arg15[%get3A_1908] {strides = array<i32>} : memref<304xf32, #tpu.memory_space<vmem>>, vector<16xf32>,
          %sub3A_1910 = arith.subf %gather3A_1903, %gather3A_1696 : vector<16xf32>
          %sub3A_1911 = arith.subf %sub3A_1910, %get3A_1905 : vector<16xf32>
          %lt3A_1912 = arith.constant 5.000000e-01 : f32
          %lt3A_1913 = vector.broadcast %lt3A_1912 : f32 to vector<16xf32>
          %lt3A_1914 = arith.cmpf olt, %get3A_1909, %lt3A_1913 : vector<16xf32>
          %lt3A_1915 = arith.cmpf olt, %sub3A_1911, %get3A_1907 : vector<16xf32>
          %and3A_1916 = arith.andi %lt3A_1914, %lt3A_1915 : vector<16xi1>
          %select_n3A_1917 = arith.select %and3A_1916, %sub3A_1911, %get3A_1907 : vector<16xi1>, vector<16xf32>
          %swap3A_1918 = arith.constant 112 : index
          %swap3A_1919 = tpu.vector_load %arg14[%swap3A_1918] {strides = array<i32>} : memref<304xf32, #tpu.memory_space<vmem>>, vector<16xf32>,
          tpu.vector_store %arg14[%swap3A_1918], %select_n3A_1917 {strides = array<i32>} : memref<304xf32, #tpu.memory_space<vmem>>, vector<16xf32>,
          %get3A_1920 = arith.constant 112 : index
          %get3A_1921 = tpu.vector_load %arg16[%get3A_1920] {strides = array<i32>} : memref<304xi32, #tpu.memory_space<vmem>>, vector<16xi32>,
          %select_n3A_1922 = arith.select %and3A_1916, %broadcast_in_dim3A_1692, %get3A_1921 : vector<16xi1>, vector<16xi32>
          %swap3A_1923 = arith.constant 112 : index
          %swap3A_1924 = tpu.vector_load %arg16[%swap3A_1923] {strides = array<i32>} : memref<304xi32, #tpu.memory_space<vmem>>, vector<16xi32>,
          tpu.vector_store %arg16[%swap3A_1923], %select_n3A_1922 {strides = array<i32>} : memref<304xi32, #tpu.memory_space<vmem>>, vector<16xi32>,
          %select_n3A_1925 = arith.select %lt3A_1914, %select_n3A_1917, %broadcast_in_dim3A_9 : vector<16xi1>, vector<16xf32>
          %lt3A_1926 = arith.cmpf olt, %select_n3A_1925, %select_n3A_1898 : vector<16xf32>
          %select_n3A_1927 = arith.select %lt3A_1926, %select_n3A_1925, %select_n3A_1898 : vector<16xi1>, vector<16xf32>
          %select_n3A_1928 = arith.select %lt3A_1926, %add3A_1902, %select_n3A_1899 : vector<16xi1>, vector<16xi32>
          %add3A_1929 = arith.constant 128 : i32
          %add3A_1930 = vector.broadcast %add3A_1929 : i32 to vector<16xi32>
          %add3A_1931 = arith.addi %iota3A, %add3A_1930 : vector<16xi32>
          %gather3A_1932 = tpu.vector_load_idx %arg11[%sub3A_1695, %add3A_1931] : memref<20x304xf32, #tpu.memory_space<vmem>>[vector<16xi32>, vector<16xi32>], vector<16xf32>,
          %get3A_1933 = arith.constant 128 : index
          %get3A_1934 = tpu.vector_load %arg12[%get3A_1933] {strides = array<i32>} : memref<304xf32, #tpu.memory_space<vmem>>, vector<16xf32>,
          %get3A_1935 = arith.constant 128 : index
          %get3A_1936 = tpu.vector_load %arg14[%get3A_1935] {strides = array<i32>} : memref<304xf32, #tpu.memory_space<vmem>>, vector<16xf32>,
          %get3A_1937 = arith.constant 128 : index
          %get3A_1938 = tpu.vector_load %arg15[%get3A_1937] {strides = array<i32>} : memref<304xf32, #tpu.memory_space<vmem>>, vector<16xf32>,
          %sub3A_1939 = arith.subf %gather3A_1932, %gather3A_1696 : vector<16xf32>
          %sub3A_1940 = arith.subf %sub3A_1939, %get3A_1934 : vector<16xf32>
          %lt3A_1941 = arith.constant 5.000000e-01 : f32
          %lt3A_1942 = vector.broadcast %lt3A_1941 : f32 to vector<16xf32>
          %lt3A_1943 = arith.cmpf olt, %get3A_1938, %lt3A_1942 : vector<16xf32>
          %lt3A_1944 = arith.cmpf olt, %sub3A_1940, %get3A_1936 : vector<16xf32>
          %and3A_1945 = arith.andi %lt3A_1943, %lt3A_1944 : vector<16xi1>
          %select_n3A_1946 = arith.select %and3A_1945, %sub3A_1940, %get3A_1936 : vector<16xi1>, vector<16xf32>
          %swap3A_1947 = arith.constant 128 : index
          %swap3A_1948 = tpu.vector_load %arg14[%swap3A_1947] {strides = array<i32>} : memref<304xf32, #tpu.memory_space<vmem>>, vector<16xf32>,
          tpu.vector_store %arg14[%swap3A_1947], %select_n3A_1946 {strides = array<i32>} : memref<304xf32, #tpu.memory_space<vmem>>, vector<16xf32>,
          %get3A_1949 = arith.constant 128 : index
          %get3A_1950 = tpu.vector_load %arg16[%get3A_1949] {strides = array<i32>} : memref<304xi32, #tpu.memory_space<vmem>>, vector<16xi32>,
          %select_n3A_1951 = arith.select %and3A_1945, %broadcast_in_dim3A_1692, %get3A_1950 : vector<16xi1>, vector<16xi32>
          %swap3A_1952 = arith.constant 128 : index
          %swap3A_1953 = tpu.vector_load %arg16[%swap3A_1952] {strides = array<i32>} : memref<304xi32, #tpu.memory_space<vmem>>, vector<16xi32>,
          tpu.vector_store %arg16[%swap3A_1952], %select_n3A_1951 {strides = array<i32>} : memref<304xi32, #tpu.memory_space<vmem>>, vector<16xi32>,
          %select_n3A_1954 = arith.select %lt3A_1943, %select_n3A_1946, %broadcast_in_dim3A_9 : vector<16xi1>, vector<16xf32>
          %lt3A_1955 = arith.cmpf olt, %select_n3A_1954, %select_n3A_1927 : vector<16xf32>
          %select_n3A_1956 = arith.select %lt3A_1955, %select_n3A_1954, %select_n3A_1927 : vector<16xi1>, vector<16xf32>
          %select_n3A_1957 = arith.select %lt3A_1955, %add3A_1931, %select_n3A_1928 : vector<16xi1>, vector<16xi32>
          %add3A_1958 = arith.constant 144 : i32
          %add3A_1959 = vector.broadcast %add3A_1958 : i32 to vector<16xi32>
          %add3A_1960 = arith.addi %iota3A, %add3A_1959 : vector<16xi32>
          %gather3A_1961 = tpu.vector_load_idx %arg11[%sub3A_1695, %add3A_1960] : memref<20x304xf32, #tpu.memory_space<vmem>>[vector<16xi32>, vector<16xi32>], vector<16xf32>,
          %get3A_1962 = arith.constant 144 : index
          %get3A_1963 = tpu.vector_load %arg12[%get3A_1962] {strides = array<i32>} : memref<304xf32, #tpu.memory_space<vmem>>, vector<16xf32>,
          %get3A_1964 = arith.constant 144 : index
          %get3A_1965 = tpu.vector_load %arg14[%get3A_1964] {strides = array<i32>} : memref<304xf32, #tpu.memory_space<vmem>>, vector<16xf32>,
          %get3A_1966 = arith.constant 144 : index
          %get3A_1967 = tpu.vector_load %arg15[%get3A_1966] {strides = array<i32>} : memref<304xf32, #tpu.memory_space<vmem>>, vector<16xf32>,
          %sub3A_1968 = arith.subf %gather3A_1961, %gather3A_1696 : vector<16xf32>
          %sub3A_1969 = arith.subf %sub3A_1968, %get3A_1963 : vector<16xf32>
          %lt3A_1970 = arith.constant 5.000000e-01 : f32
          %lt3A_1971 = vector.broadcast %lt3A_1970 : f32 to vector<16xf32>
          %lt3A_1972 = arith.cmpf olt, %get3A_1967, %lt3A_1971 : vector<16xf32>
          %lt3A_1973 = arith.cmpf olt, %sub3A_1969, %get3A_1965 : vector<16xf32>
          %and3A_1974 = arith.andi %lt3A_1972, %lt3A_1973 : vector<16xi1>
          %select_n3A_1975 = arith.select %and3A_1974, %sub3A_1969, %get3A_1965 : vector<16xi1>, vector<16xf32>
          %swap3A_1976 = arith.constant 144 : index
          %swap3A_1977 = tpu.vector_load %arg14[%swap3A_1976] {strides = array<i32>} : memref<304xf32, #tpu.memory_space<vmem>>, vector<16xf32>,
          tpu.vector_store %arg14[%swap3A_1976], %select_n3A_1975 {strides = array<i32>} : memref<304xf32, #tpu.memory_space<vmem>>, vector<16xf32>,
          %get3A_1978 = arith.constant 144 : index
          %get3A_1979 = tpu.vector_load %arg16[%get3A_1978] {strides = array<i32>} : memref<304xi32, #tpu.memory_space<vmem>>, vector<16xi32>,
          %select_n3A_1980 = arith.select %and3A_1974, %broadcast_in_dim3A_1692, %get3A_1979 : vector<16xi1>, vector<16xi32>
          %swap3A_1981 = arith.constant 144 : index
          %swap3A_1982 = tpu.vector_load %arg16[%swap3A_1981] {strides = array<i32>} : memref<304xi32, #tpu.memory_space<vmem>>, vector<16xi32>,
          tpu.vector_store %arg16[%swap3A_1981], %select_n3A_1980 {strides = array<i32>} : memref<304xi32, #tpu.memory_space<vmem>>, vector<16xi32>,
          %select_n3A_1983 = arith.select %lt3A_1972, %select_n3A_1975, %broadcast_in_dim3A_9 : vector<16xi1>, vector<16xf32>
          %lt3A_1984 = arith.cmpf olt, %select_n3A_1983, %select_n3A_1956 : vector<16xf32>
          %select_n3A_1985 = arith.select %lt3A_1984, %select_n3A_1983, %select_n3A_1956 : vector<16xi1>, vector<16xf32>
          %select_n3A_1986 = arith.select %lt3A_1984, %add3A_1960, %select_n3A_1957 : vector<16xi1>, vector<16xi32>
          %add3A_1987 = arith.constant 160 : i32
          %add3A_1988 = vector.broadcast %add3A_1987 : i32 to vector<16xi32>
          %add3A_1989 = arith.addi %iota3A, %add3A_1988 : vector<16xi32>
          %gather3A_1990 = tpu.vector_load_idx %arg11[%sub3A_1695, %add3A_1989] : memref<20x304xf32, #tpu.memory_space<vmem>>[vector<16xi32>, vector<16xi32>], vector<16xf32>,
          %get3A_1991 = arith.constant 160 : index
          %get3A_1992 = tpu.vector_load %arg12[%get3A_1991] {strides = array<i32>} : memref<304xf32, #tpu.memory_space<vmem>>, vector<16xf32>,
          %get3A_1993 = arith.constant 160 : index
          %get3A_1994 = tpu.vector_load %arg14[%get3A_1993] {strides = array<i32>} : memref<304xf32, #tpu.memory_space<vmem>>, vector<16xf32>,
          %get3A_1995 = arith.constant 160 : index
          %get3A_1996 = tpu.vector_load %arg15[%get3A_1995] {strides = array<i32>} : memref<304xf32, #tpu.memory_space<vmem>>, vector<16xf32>,
          %sub3A_1997 = arith.subf %gather3A_1990, %gather3A_1696 : vector<16xf32>
          %sub3A_1998 = arith.subf %sub3A_1997, %get3A_1992 : vector<16xf32>
          %lt3A_1999 = arith.constant 5.000000e-01 : f32
          %lt3A_2000 = vector.broadcast %lt3A_1999 : f32 to vector<16xf32>
          %lt3A_2001 = arith.cmpf olt, %get3A_1996, %lt3A_2000 : vector<16xf32>
          %lt3A_2002 = arith.cmpf olt, %sub3A_1998, %get3A_1994 : vector<16xf32>
          %and3A_2003 = arith.andi %lt3A_2001, %lt3A_2002 : vector<16xi1>
          %select_n3A_2004 = arith.select %and3A_2003, %sub3A_1998, %get3A_1994 : vector<16xi1>, vector<16xf32>
          %swap3A_2005 = arith.constant 160 : index
          %swap3A_2006 = tpu.vector_load %arg14[%swap3A_2005] {strides = array<i32>} : memref<304xf32, #tpu.memory_space<vmem>>, vector<16xf32>,
          tpu.vector_store %arg14[%swap3A_2005], %select_n3A_2004 {strides = array<i32>} : memref<304xf32, #tpu.memory_space<vmem>>, vector<16xf32>,
          %get3A_2007 = arith.constant 160 : index
          %get3A_2008 = tpu.vector_load %arg16[%get3A_2007] {strides = array<i32>} : memref<304xi32, #tpu.memory_space<vmem>>, vector<16xi32>,
          %select_n3A_2009 = arith.select %and3A_2003, %broadcast_in_dim3A_1692, %get3A_2008 : vector<16xi1>, vector<16xi32>
          %swap3A_2010 = arith.constant 160 : index
          %swap3A_2011 = tpu.vector_load %arg16[%swap3A_2010] {strides = array<i32>} : memref<304xi32, #tpu.memory_space<vmem>>, vector<16xi32>,
          tpu.vector_store %arg16[%swap3A_2010], %select_n3A_2009 {strides = array<i32>} : memref<304xi32, #tpu.memory_space<vmem>>, vector<16xi32>,
          %select_n3A_2012 = arith.select %lt3A_2001, %select_n3A_2004, %broadcast_in_dim3A_9 : vector<16xi1>, vector<16xf32>
          %lt3A_2013 = arith.cmpf olt, %select_n3A_2012, %select_n3A_1985 : vector<16xf32>
          %select_n3A_2014 = arith.select %lt3A_2013, %select_n3A_2012, %select_n3A_1985 : vector<16xi1>, vector<16xf32>
          %select_n3A_2015 = arith.select %lt3A_2013, %add3A_1989, %select_n3A_1986 : vector<16xi1>, vector<16xi32>
          %add3A_2016 = arith.constant 176 : i32
          %add3A_2017 = vector.broadcast %add3A_2016 : i32 to vector<16xi32>
          %add3A_2018 = arith.addi %iota3A, %add3A_2017 : vector<16xi32>
          %gather3A_2019 = tpu.vector_load_idx %arg11[%sub3A_1695, %add3A_2018] : memref<20x304xf32, #tpu.memory_space<vmem>>[vector<16xi32>, vector<16xi32>], vector<16xf32>,
          %get3A_2020 = arith.constant 176 : index
          %get3A_2021 = tpu.vector_load %arg12[%get3A_2020] {strides = array<i32>} : memref<304xf32, #tpu.memory_space<vmem>>, vector<16xf32>,
          %get3A_2022 = arith.constant 176 : index
          %get3A_2023 = tpu.vector_load %arg14[%get3A_2022] {strides = array<i32>} : memref<304xf32, #tpu.memory_space<vmem>>, vector<16xf32>,
          %get3A_2024 = arith.constant 176 : index
          %get3A_2025 = tpu.vector_load %arg15[%get3A_2024] {strides = array<i32>} : memref<304xf32, #tpu.memory_space<vmem>>, vector<16xf32>,
          %sub3A_2026 = arith.subf %gather3A_2019, %gather3A_1696 : vector<16xf32>
          %sub3A_2027 = arith.subf %sub3A_2026, %get3A_2021 : vector<16xf32>
          %lt3A_2028 = arith.constant 5.000000e-01 : f32
          %lt3A_2029 = vector.broadcast %lt3A_2028 : f32 to vector<16xf32>
          %lt3A_2030 = arith.cmpf olt, %get3A_2025, %lt3A_2029 : vector<16xf32>
          %lt3A_2031 = arith.cmpf olt, %sub3A_2027, %get3A_2023 : vector<16xf32>
          %and3A_2032 = arith.andi %lt3A_2030, %lt3A_2031 : vector<16xi1>
          %select_n3A_2033 = arith.select %and3A_2032, %sub3A_2027, %get3A_2023 : vector<16xi1>, vector<16xf32>
          %swap3A_2034 = arith.constant 176 : index
          %swap3A_2035 = tpu.vector_load %arg14[%swap3A_2034] {strides = array<i32>} : memref<304xf32, #tpu.memory_space<vmem>>, vector<16xf32>,
          tpu.vector_store %arg14[%swap3A_2034], %select_n3A_2033 {strides = array<i32>} : memref<304xf32, #tpu.memory_space<vmem>>, vector<16xf32>,
          %get3A_2036 = arith.constant 176 : index
          %get3A_2037 = tpu.vector_load %arg16[%get3A_2036] {strides = array<i32>} : memref<304xi32, #tpu.memory_space<vmem>>, vector<16xi32>,
          %select_n3A_2038 = arith.select %and3A_2032, %broadcast_in_dim3A_1692, %get3A_2037 : vector<16xi1>, vector<16xi32>
          %swap3A_2039 = arith.constant 176 : index
          %swap3A_2040 = tpu.vector_load %arg16[%swap3A_2039] {strides = array<i32>} : memref<304xi32, #tpu.memory_space<vmem>>, vector<16xi32>,
          tpu.vector_store %arg16[%swap3A_2039], %select_n3A_2038 {strides = array<i32>} : memref<304xi32, #tpu.memory_space<vmem>>, vector<16xi32>,
          %select_n3A_2041 = arith.select %lt3A_2030, %select_n3A_2033, %broadcast_in_dim3A_9 : vector<16xi1>, vector<16xf32>
          %lt3A_2042 = arith.cmpf olt, %select_n3A_2041, %select_n3A_2014 : vector<16xf32>
          %select_n3A_2043 = arith.select %lt3A_2042, %select_n3A_2041, %select_n3A_2014 : vector<16xi1>, vector<16xf32>
          %select_n3A_2044 = arith.select %lt3A_2042, %add3A_2018, %select_n3A_2015 : vector<16xi1>, vector<16xi32>
          %add3A_2045 = arith.constant 192 : i32
          %add3A_2046 = vector.broadcast %add3A_2045 : i32 to vector<16xi32>
          %add3A_2047 = arith.addi %iota3A, %add3A_2046 : vector<16xi32>
          %gather3A_2048 = tpu.vector_load_idx %arg11[%sub3A_1695, %add3A_2047] : memref<20x304xf32, #tpu.memory_space<vmem>>[vector<16xi32>, vector<16xi32>], vector<16xf32>,
          %get3A_2049 = arith.constant 192 : index
          %get3A_2050 = tpu.vector_load %arg12[%get3A_2049] {strides = array<i32>} : memref<304xf32, #tpu.memory_space<vmem>>, vector<16xf32>,
          %get3A_2051 = arith.constant 192 : index
          %get3A_2052 = tpu.vector_load %arg14[%get3A_2051] {strides = array<i32>} : memref<304xf32, #tpu.memory_space<vmem>>, vector<16xf32>,
          %get3A_2053 = arith.constant 192 : index
          %get3A_2054 = tpu.vector_load %arg15[%get3A_2053] {strides = array<i32>} : memref<304xf32, #tpu.memory_space<vmem>>, vector<16xf32>,
          %sub3A_2055 = arith.subf %gather3A_2048, %gather3A_1696 : vector<16xf32>
          %sub3A_2056 = arith.subf %sub3A_2055, %get3A_2050 : vector<16xf32>
          %lt3A_2057 = arith.constant 5.000000e-01 : f32
          %lt3A_2058 = vector.broadcast %lt3A_2057 : f32 to vector<16xf32>
          %lt3A_2059 = arith.cmpf olt, %get3A_2054, %lt3A_2058 : vector<16xf32>
          %lt3A_2060 = arith.cmpf olt, %sub3A_2056, %get3A_2052 : vector<16xf32>
          %and3A_2061 = arith.andi %lt3A_2059, %lt3A_2060 : vector<16xi1>
          %select_n3A_2062 = arith.select %and3A_2061, %sub3A_2056, %get3A_2052 : vector<16xi1>, vector<16xf32>
          %swap3A_2063 = arith.constant 192 : index
          %swap3A_2064 = tpu.vector_load %arg14[%swap3A_2063] {strides = array<i32>} : memref<304xf32, #tpu.memory_space<vmem>>, vector<16xf32>,
          tpu.vector_store %arg14[%swap3A_2063], %select_n3A_2062 {strides = array<i32>} : memref<304xf32, #tpu.memory_space<vmem>>, vector<16xf32>,
          %get3A_2065 = arith.constant 192 : index
          %get3A_2066 = tpu.vector_load %arg16[%get3A_2065] {strides = array<i32>} : memref<304xi32, #tpu.memory_space<vmem>>, vector<16xi32>,
          %select_n3A_2067 = arith.select %and3A_2061, %broadcast_in_dim3A_1692, %get3A_2066 : vector<16xi1>, vector<16xi32>
          %swap3A_2068 = arith.constant 192 : index
          %swap3A_2069 = tpu.vector_load %arg16[%swap3A_2068] {strides = array<i32>} : memref<304xi32, #tpu.memory_space<vmem>>, vector<16xi32>,
          tpu.vector_store %arg16[%swap3A_2068], %select_n3A_2067 {strides = array<i32>} : memref<304xi32, #tpu.memory_space<vmem>>, vector<16xi32>,
          %select_n3A_2070 = arith.select %lt3A_2059, %select_n3A_2062, %broadcast_in_dim3A_9 : vector<16xi1>, vector<16xf32>
          %lt3A_2071 = arith.cmpf olt, %select_n3A_2070, %select_n3A_2043 : vector<16xf32>
          %select_n3A_2072 = arith.select %lt3A_2071, %select_n3A_2070, %select_n3A_2043 : vector<16xi1>, vector<16xf32>
          %select_n3A_2073 = arith.select %lt3A_2071, %add3A_2047, %select_n3A_2044 : vector<16xi1>, vector<16xi32>
          %add3A_2074 = arith.constant 208 : i32
          %add3A_2075 = vector.broadcast %add3A_2074 : i32 to vector<16xi32>
          %add3A_2076 = arith.addi %iota3A, %add3A_2075 : vector<16xi32>
          %gather3A_2077 = tpu.vector_load_idx %arg11[%sub3A_1695, %add3A_2076] : memref<20x304xf32, #tpu.memory_space<vmem>>[vector<16xi32>, vector<16xi32>], vector<16xf32>,
          %get3A_2078 = arith.constant 208 : index
          %get3A_2079 = tpu.vector_load %arg12[%get3A_2078] {strides = array<i32>} : memref<304xf32, #tpu.memory_space<vmem>>, vector<16xf32>,
          %get3A_2080 = arith.constant 208 : index
          %get3A_2081 = tpu.vector_load %arg14[%get3A_2080] {strides = array<i32>} : memref<304xf32, #tpu.memory_space<vmem>>, vector<16xf32>,
          %get3A_2082 = arith.constant 208 : index
          %get3A_2083 = tpu.vector_load %arg15[%get3A_2082] {strides = array<i32>} : memref<304xf32, #tpu.memory_space<vmem>>, vector<16xf32>,
          %sub3A_2084 = arith.subf %gather3A_2077, %gather3A_1696 : vector<16xf32>
          %sub3A_2085 = arith.subf %sub3A_2084, %get3A_2079 : vector<16xf32>
          %lt3A_2086 = arith.constant 5.000000e-01 : f32
          %lt3A_2087 = vector.broadcast %lt3A_2086 : f32 to vector<16xf32>
          %lt3A_2088 = arith.cmpf olt, %get3A_2083, %lt3A_2087 : vector<16xf32>
          %lt3A_2089 = arith.cmpf olt, %sub3A_2085, %get3A_2081 : vector<16xf32>
          %and3A_2090 = arith.andi %lt3A_2088, %lt3A_2089 : vector<16xi1>
          %select_n3A_2091 = arith.select %and3A_2090, %sub3A_2085, %get3A_2081 : vector<16xi1>, vector<16xf32>
          %swap3A_2092 = arith.constant 208 : index
          %swap3A_2093 = tpu.vector_load %arg14[%swap3A_2092] {strides = array<i32>} : memref<304xf32, #tpu.memory_space<vmem>>, vector<16xf32>,
          tpu.vector_store %arg14[%swap3A_2092], %select_n3A_2091 {strides = array<i32>} : memref<304xf32, #tpu.memory_space<vmem>>, vector<16xf32>,
          %get3A_2094 = arith.constant 208 : index
          %get3A_2095 = tpu.vector_load %arg16[%get3A_2094] {strides = array<i32>} : memref<304xi32, #tpu.memory_space<vmem>>, vector<16xi32>,
          %select_n3A_2096 = arith.select %and3A_2090, %broadcast_in_dim3A_1692, %get3A_2095 : vector<16xi1>, vector<16xi32>
          %swap3A_2097 = arith.constant 208 : index
          %swap3A_2098 = tpu.vector_load %arg16[%swap3A_2097] {strides = array<i32>} : memref<304xi32, #tpu.memory_space<vmem>>, vector<16xi32>,
          tpu.vector_store %arg16[%swap3A_2097], %select_n3A_2096 {strides = array<i32>} : memref<304xi32, #tpu.memory_space<vmem>>, vector<16xi32>,
          %select_n3A_2099 = arith.select %lt3A_2088, %select_n3A_2091, %broadcast_in_dim3A_9 : vector<16xi1>, vector<16xf32>
          %lt3A_2100 = arith.cmpf olt, %select_n3A_2099, %select_n3A_2072 : vector<16xf32>
          %select_n3A_2101 = arith.select %lt3A_2100, %select_n3A_2099, %select_n3A_2072 : vector<16xi1>, vector<16xf32>
          %select_n3A_2102 = arith.select %lt3A_2100, %add3A_2076, %select_n3A_2073 : vector<16xi1>, vector<16xi32>
          %add3A_2103 = arith.constant 224 : i32
          %add3A_2104 = vector.broadcast %add3A_2103 : i32 to vector<16xi32>
          %add3A_2105 = arith.addi %iota3A, %add3A_2104 : vector<16xi32>
          %gather3A_2106 = tpu.vector_load_idx %arg11[%sub3A_1695, %add3A_2105] : memref<20x304xf32, #tpu.memory_space<vmem>>[vector<16xi32>, vector<16xi32>], vector<16xf32>,
          %get3A_2107 = arith.constant 224 : index
          %get3A_2108 = tpu.vector_load %arg12[%get3A_2107] {strides = array<i32>} : memref<304xf32, #tpu.memory_space<vmem>>, vector<16xf32>,
          %get3A_2109 = arith.constant 224 : index
          %get3A_2110 = tpu.vector_load %arg14[%get3A_2109] {strides = array<i32>} : memref<304xf32, #tpu.memory_space<vmem>>, vector<16xf32>,
          %get3A_2111 = arith.constant 224 : index
          %get3A_2112 = tpu.vector_load %arg15[%get3A_2111] {strides = array<i32>} : memref<304xf32, #tpu.memory_space<vmem>>, vector<16xf32>,
          %sub3A_2113 = arith.subf %gather3A_2106, %gather3A_1696 : vector<16xf32>
          %sub3A_2114 = arith.subf %sub3A_2113, %get3A_2108 : vector<16xf32>
          %lt3A_2115 = arith.constant 5.000000e-01 : f32
          %lt3A_2116 = vector.broadcast %lt3A_2115 : f32 to vector<16xf32>
          %lt3A_2117 = arith.cmpf olt, %get3A_2112, %lt3A_2116 : vector<16xf32>
          %lt3A_2118 = arith.cmpf olt, %sub3A_2114, %get3A_2110 : vector<16xf32>
          %and3A_2119 = arith.andi %lt3A_2117, %lt3A_2118 : vector<16xi1>
          %select_n3A_2120 = arith.select %and3A_2119, %sub3A_2114, %get3A_2110 : vector<16xi1>, vector<16xf32>
          %swap3A_2121 = arith.constant 224 : index
          %swap3A_2122 = tpu.vector_load %arg14[%swap3A_2121] {strides = array<i32>} : memref<304xf32, #tpu.memory_space<vmem>>, vector<16xf32>,
          tpu.vector_store %arg14[%swap3A_2121], %select_n3A_2120 {strides = array<i32>} : memref<304xf32, #tpu.memory_space<vmem>>, vector<16xf32>,
          %get3A_2123 = arith.constant 224 : index
          %get3A_2124 = tpu.vector_load %arg16[%get3A_2123] {strides = array<i32>} : memref<304xi32, #tpu.memory_space<vmem>>, vector<16xi32>,
          %select_n3A_2125 = arith.select %and3A_2119, %broadcast_in_dim3A_1692, %get3A_2124 : vector<16xi1>, vector<16xi32>
          %swap3A_2126 = arith.constant 224 : index
          %swap3A_2127 = tpu.vector_load %arg16[%swap3A_2126] {strides = array<i32>} : memref<304xi32, #tpu.memory_space<vmem>>, vector<16xi32>,
          tpu.vector_store %arg16[%swap3A_2126], %select_n3A_2125 {strides = array<i32>} : memref<304xi32, #tpu.memory_space<vmem>>, vector<16xi32>,
          %select_n3A_2128 = arith.select %lt3A_2117, %select_n3A_2120, %broadcast_in_dim3A_9 : vector<16xi1>, vector<16xf32>
          %lt3A_2129 = arith.cmpf olt, %select_n3A_2128, %select_n3A_2101 : vector<16xf32>
          %select_n3A_2130 = arith.select %lt3A_2129, %select_n3A_2128, %select_n3A_2101 : vector<16xi1>, vector<16xf32>
          %select_n3A_2131 = arith.select %lt3A_2129, %add3A_2105, %select_n3A_2102 : vector<16xi1>, vector<16xi32>
          %add3A_2132 = arith.constant 240 : i32
          %add3A_2133 = vector.broadcast %add3A_2132 : i32 to vector<16xi32>
          %add3A_2134 = arith.addi %iota3A, %add3A_2133 : vector<16xi32>
          %gather3A_2135 = tpu.vector_load_idx %arg11[%sub3A_1695, %add3A_2134] : memref<20x304xf32, #tpu.memory_space<vmem>>[vector<16xi32>, vector<16xi32>], vector<16xf32>,
          %get3A_2136 = arith.constant 240 : index
          %get3A_2137 = tpu.vector_load %arg12[%get3A_2136] {strides = array<i32>} : memref<304xf32, #tpu.memory_space<vmem>>, vector<16xf32>,
          %get3A_2138 = arith.constant 240 : index
          %get3A_2139 = tpu.vector_load %arg14[%get3A_2138] {strides = array<i32>} : memref<304xf32, #tpu.memory_space<vmem>>, vector<16xf32>,
          %get3A_2140 = arith.constant 240 : index
          %get3A_2141 = tpu.vector_load %arg15[%get3A_2140] {strides = array<i32>} : memref<304xf32, #tpu.memory_space<vmem>>, vector<16xf32>,
          %sub3A_2142 = arith.subf %gather3A_2135, %gather3A_1696 : vector<16xf32>
          %sub3A_2143 = arith.subf %sub3A_2142, %get3A_2137 : vector<16xf32>
          %lt3A_2144 = arith.constant 5.000000e-01 : f32
          %lt3A_2145 = vector.broadcast %lt3A_2144 : f32 to vector<16xf32>
          %lt3A_2146 = arith.cmpf olt, %get3A_2141, %lt3A_2145 : vector<16xf32>
          %lt3A_2147 = arith.cmpf olt, %sub3A_2143, %get3A_2139 : vector<16xf32>
          %and3A_2148 = arith.andi %lt3A_2146, %lt3A_2147 : vector<16xi1>
          %select_n3A_2149 = arith.select %and3A_2148, %sub3A_2143, %get3A_2139 : vector<16xi1>, vector<16xf32>
          %swap3A_2150 = arith.constant 240 : index
          %swap3A_2151 = tpu.vector_load %arg14[%swap3A_2150] {strides = array<i32>} : memref<304xf32, #tpu.memory_space<vmem>>, vector<16xf32>,
          tpu.vector_store %arg14[%swap3A_2150], %select_n3A_2149 {strides = array<i32>} : memref<304xf32, #tpu.memory_space<vmem>>, vector<16xf32>,
          %get3A_2152 = arith.constant 240 : index
          %get3A_2153 = tpu.vector_load %arg16[%get3A_2152] {strides = array<i32>} : memref<304xi32, #tpu.memory_space<vmem>>, vector<16xi32>,
          %select_n3A_2154 = arith.select %and3A_2148, %broadcast_in_dim3A_1692, %get3A_2153 : vector<16xi1>, vector<16xi32>
          %swap3A_2155 = arith.constant 240 : index
          %swap3A_2156 = tpu.vector_load %arg16[%swap3A_2155] {strides = array<i32>} : memref<304xi32, #tpu.memory_space<vmem>>, vector<16xi32>,
          tpu.vector_store %arg16[%swap3A_2155], %select_n3A_2154 {strides = array<i32>} : memref<304xi32, #tpu.memory_space<vmem>>, vector<16xi32>,
          %select_n3A_2157 = arith.select %lt3A_2146, %select_n3A_2149, %broadcast_in_dim3A_9 : vector<16xi1>, vector<16xf32>
          %lt3A_2158 = arith.cmpf olt, %select_n3A_2157, %select_n3A_2130 : vector<16xf32>
          %select_n3A_2159 = arith.select %lt3A_2158, %select_n3A_2157, %select_n3A_2130 : vector<16xi1>, vector<16xf32>
          %select_n3A_2160 = arith.select %lt3A_2158, %add3A_2134, %select_n3A_2131 : vector<16xi1>, vector<16xi32>
          %add3A_2161 = arith.constant 256 : i32
          %add3A_2162 = vector.broadcast %add3A_2161 : i32 to vector<16xi32>
          %add3A_2163 = arith.addi %iota3A, %add3A_2162 : vector<16xi32>
          %gather3A_2164 = tpu.vector_load_idx %arg11[%sub3A_1695, %add3A_2163] : memref<20x304xf32, #tpu.memory_space<vmem>>[vector<16xi32>, vector<16xi32>], vector<16xf32>,
          %get3A_2165 = arith.constant 256 : index
          %get3A_2166 = tpu.vector_load %arg12[%get3A_2165] {strides = array<i32>} : memref<304xf32, #tpu.memory_space<vmem>>, vector<16xf32>,
          %get3A_2167 = arith.constant 256 : index
          %get3A_2168 = tpu.vector_load %arg14[%get3A_2167] {strides = array<i32>} : memref<304xf32, #tpu.memory_space<vmem>>, vector<16xf32>,
          %get3A_2169 = arith.constant 256 : index
          %get3A_2170 = tpu.vector_load %arg15[%get3A_2169] {strides = array<i32>} : memref<304xf32, #tpu.memory_space<vmem>>, vector<16xf32>,
          %sub3A_2171 = arith.subf %gather3A_2164, %gather3A_1696 : vector<16xf32>
          %sub3A_2172 = arith.subf %sub3A_2171, %get3A_2166 : vector<16xf32>
          %lt3A_2173 = arith.constant 5.000000e-01 : f32
          %lt3A_2174 = vector.broadcast %lt3A_2173 : f32 to vector<16xf32>
          %lt3A_2175 = arith.cmpf olt, %get3A_2170, %lt3A_2174 : vector<16xf32>
          %lt3A_2176 = arith.cmpf olt, %sub3A_2172, %get3A_2168 : vector<16xf32>
          %and3A_2177 = arith.andi %lt3A_2175, %lt3A_2176 : vector<16xi1>
          %select_n3A_2178 = arith.select %and3A_2177, %sub3A_2172, %get3A_2168 : vector<16xi1>, vector<16xf32>
          %swap3A_2179 = arith.constant 256 : index
          %swap3A_2180 = tpu.vector_load %arg14[%swap3A_2179] {strides = array<i32>} : memref<304xf32, #tpu.memory_space<vmem>>, vector<16xf32>,
          tpu.vector_store %arg14[%swap3A_2179], %select_n3A_2178 {strides = array<i32>} : memref<304xf32, #tpu.memory_space<vmem>>, vector<16xf32>,
          %get3A_2181 = arith.constant 256 : index
          %get3A_2182 = tpu.vector_load %arg16[%get3A_2181] {strides = array<i32>} : memref<304xi32, #tpu.memory_space<vmem>>, vector<16xi32>,
          %select_n3A_2183 = arith.select %and3A_2177, %broadcast_in_dim3A_1692, %get3A_2182 : vector<16xi1>, vector<16xi32>
          %swap3A_2184 = arith.constant 256 : index
          %swap3A_2185 = tpu.vector_load %arg16[%swap3A_2184] {strides = array<i32>} : memref<304xi32, #tpu.memory_space<vmem>>, vector<16xi32>,
          tpu.vector_store %arg16[%swap3A_2184], %select_n3A_2183 {strides = array<i32>} : memref<304xi32, #tpu.memory_space<vmem>>, vector<16xi32>,
          %select_n3A_2186 = arith.select %lt3A_2175, %select_n3A_2178, %broadcast_in_dim3A_9 : vector<16xi1>, vector<16xf32>
          %lt3A_2187 = arith.cmpf olt, %select_n3A_2186, %select_n3A_2159 : vector<16xf32>
          %select_n3A_2188 = arith.select %lt3A_2187, %select_n3A_2186, %select_n3A_2159 : vector<16xi1>, vector<16xf32>
          %select_n3A_2189 = arith.select %lt3A_2187, %add3A_2163, %select_n3A_2160 : vector<16xi1>, vector<16xi32>
          %add3A_2190 = arith.constant 272 : i32
          %add3A_2191 = vector.broadcast %add3A_2190 : i32 to vector<16xi32>
          %add3A_2192 = arith.addi %iota3A, %add3A_2191 : vector<16xi32>
          %gather3A_2193 = tpu.vector_load_idx %arg11[%sub3A_1695, %add3A_2192] : memref<20x304xf32, #tpu.memory_space<vmem>>[vector<16xi32>, vector<16xi32>], vector<16xf32>,
          %get3A_2194 = arith.constant 272 : index
          %get3A_2195 = tpu.vector_load %arg12[%get3A_2194] {strides = array<i32>} : memref<304xf32, #tpu.memory_space<vmem>>, vector<16xf32>,
          %get3A_2196 = arith.constant 272 : index
          %get3A_2197 = tpu.vector_load %arg14[%get3A_2196] {strides = array<i32>} : memref<304xf32, #tpu.memory_space<vmem>>, vector<16xf32>,
          %get3A_2198 = arith.constant 272 : index
          %get3A_2199 = tpu.vector_load %arg15[%get3A_2198] {strides = array<i32>} : memref<304xf32, #tpu.memory_space<vmem>>, vector<16xf32>,
          %sub3A_2200 = arith.subf %gather3A_2193, %gather3A_1696 : vector<16xf32>
          %sub3A_2201 = arith.subf %sub3A_2200, %get3A_2195 : vector<16xf32>
          %lt3A_2202 = arith.constant 5.000000e-01 : f32
          %lt3A_2203 = vector.broadcast %lt3A_2202 : f32 to vector<16xf32>
          %lt3A_2204 = arith.cmpf olt, %get3A_2199, %lt3A_2203 : vector<16xf32>
          %lt3A_2205 = arith.cmpf olt, %sub3A_2201, %get3A_2197 : vector<16xf32>
          %and3A_2206 = arith.andi %lt3A_2204, %lt3A_2205 : vector<16xi1>
          %select_n3A_2207 = arith.select %and3A_2206, %sub3A_2201, %get3A_2197 : vector<16xi1>, vector<16xf32>
          %swap3A_2208 = arith.constant 272 : index
          %swap3A_2209 = tpu.vector_load %arg14[%swap3A_2208] {strides = array<i32>} : memref<304xf32, #tpu.memory_space<vmem>>, vector<16xf32>,
          tpu.vector_store %arg14[%swap3A_2208], %select_n3A_2207 {strides = array<i32>} : memref<304xf32, #tpu.memory_space<vmem>>, vector<16xf32>,
          %get3A_2210 = arith.constant 272 : index
          %get3A_2211 = tpu.vector_load %arg16[%get3A_2210] {strides = array<i32>} : memref<304xi32, #tpu.memory_space<vmem>>, vector<16xi32>,
          %select_n3A_2212 = arith.select %and3A_2206, %broadcast_in_dim3A_1692, %get3A_2211 : vector<16xi1>, vector<16xi32>
          %swap3A_2213 = arith.constant 272 : index
          %swap3A_2214 = tpu.vector_load %arg16[%swap3A_2213] {strides = array<i32>} : memref<304xi32, #tpu.memory_space<vmem>>, vector<16xi32>,
          tpu.vector_store %arg16[%swap3A_2213], %select_n3A_2212 {strides = array<i32>} : memref<304xi32, #tpu.memory_space<vmem>>, vector<16xi32>,
          %select_n3A_2215 = arith.select %lt3A_2204, %select_n3A_2207, %broadcast_in_dim3A_9 : vector<16xi1>, vector<16xf32>
          %lt3A_2216 = arith.cmpf olt, %select_n3A_2215, %select_n3A_2188 : vector<16xf32>
          %select_n3A_2217 = arith.select %lt3A_2216, %select_n3A_2215, %select_n3A_2188 : vector<16xi1>, vector<16xf32>
          %select_n3A_2218 = arith.select %lt3A_2216, %add3A_2192, %select_n3A_2189 : vector<16xi1>, vector<16xi32>
          %add3A_2219 = arith.constant 288 : i32
          %add3A_2220 = vector.broadcast %add3A_2219 : i32 to vector<16xi32>
          %add3A_2221 = arith.addi %iota3A, %add3A_2220 : vector<16xi32>
          %gather3A_2222 = tpu.vector_load_idx %arg11[%sub3A_1695, %add3A_2221] : memref<20x304xf32, #tpu.memory_space<vmem>>[vector<16xi32>, vector<16xi32>], vector<16xf32>,
          %get3A_2223 = arith.constant 288 : index
          %get3A_2224 = tpu.vector_load %arg12[%get3A_2223] {strides = array<i32>} : memref<304xf32, #tpu.memory_space<vmem>>, vector<16xf32>,
          %get3A_2225 = arith.constant 288 : index
          %get3A_2226 = tpu.vector_load %arg14[%get3A_2225] {strides = array<i32>} : memref<304xf32, #tpu.memory_space<vmem>>, vector<16xf32>,
          %get3A_2227 = arith.constant 288 : index
          %get3A_2228 = tpu.vector_load %arg15[%get3A_2227] {strides = array<i32>} : memref<304xf32, #tpu.memory_space<vmem>>, vector<16xf32>,
          %sub3A_2229 = arith.subf %gather3A_2222, %gather3A_1696 : vector<16xf32>
          %sub3A_2230 = arith.subf %sub3A_2229, %get3A_2224 : vector<16xf32>
          %lt3A_2231 = arith.constant 5.000000e-01 : f32
          %lt3A_2232 = vector.broadcast %lt3A_2231 : f32 to vector<16xf32>
          %lt3A_2233 = arith.cmpf olt, %get3A_2228, %lt3A_2232 : vector<16xf32>
          %lt3A_2234 = arith.cmpf olt, %sub3A_2230, %get3A_2226 : vector<16xf32>
          %and3A_2235 = arith.andi %lt3A_2233, %lt3A_2234 : vector<16xi1>
          %select_n3A_2236 = arith.select %and3A_2235, %sub3A_2230, %get3A_2226 : vector<16xi1>, vector<16xf32>
          %swap3A_2237 = arith.constant 288 : index
          %swap3A_2238 = tpu.vector_load %arg14[%swap3A_2237] {strides = array<i32>} : memref<304xf32, #tpu.memory_space<vmem>>, vector<16xf32>,
          tpu.vector_store %arg14[%swap3A_2237], %select_n3A_2236 {strides = array<i32>} : memref<304xf32, #tpu.memory_space<vmem>>, vector<16xf32>,
          %get3A_2239 = arith.constant 288 : index
          %get3A_2240 = tpu.vector_load %arg16[%get3A_2239] {strides = array<i32>} : memref<304xi32, #tpu.memory_space<vmem>>, vector<16xi32>,
          %select_n3A_2241 = arith.select %and3A_2235, %broadcast_in_dim3A_1692, %get3A_2240 : vector<16xi1>, vector<16xi32>
          %swap3A_2242 = arith.constant 288 : index
          %swap3A_2243 = tpu.vector_load %arg16[%swap3A_2242] {strides = array<i32>} : memref<304xi32, #tpu.memory_space<vmem>>, vector<16xi32>,
          tpu.vector_store %arg16[%swap3A_2242], %select_n3A_2241 {strides = array<i32>} : memref<304xi32, #tpu.memory_space<vmem>>, vector<16xi32>,
          %select_n3A_2244 = arith.select %lt3A_2233, %select_n3A_2236, %broadcast_in_dim3A_9 : vector<16xi1>, vector<16xf32>
          %lt3A_2245 = arith.cmpf olt, %select_n3A_2244, %select_n3A_2217 : vector<16xf32>
          %select_n3A_2246 = arith.select %lt3A_2245, %select_n3A_2244, %select_n3A_2217 : vector<16xi1>, vector<16xf32>
          %select_n3A_2247 = arith.select %lt3A_2245, %add3A_2221, %select_n3A_2218 : vector<16xi1>, vector<16xi32>
          %reduce_min3A = arith.constant true
          %reduce_min3A_2248 = vector.broadcast %reduce_min3A : i1 to vector<16xi1>
          %reduce_min3A_2249 = tpu.scan <min>, %select_n3A_2246 masked %reduce_min3A_2248 : vector<16xf32>, vector<16xi1> -> vector<16xf32>
          %reduce_min3A_2250 = vector.extract %reduce_min3A_2249[15] : f32 from vector<16xf32>
          %eq3A_2251 = vector.broadcast %reduce_min3A_2250 : f32 to vector<16xf32>
          %eq3A_2252 = arith.cmpf oeq, %select_n3A_2246, %eq3A_2251 : vector<16xf32>
          %select_n3A_2253 = arith.select %eq3A_2252, %select_n3A_2247, %broadcast_in_dim3A_11 : vector<16xi1>, vector<16xi32>
          %reduce_min3A_2254 = arith.constant true
          %reduce_min3A_2255 = vector.broadcast %reduce_min3A_2254 : i1 to vector<16xi1>
          %reduce_min3A_2256 = arith.constant -2147483648 : i32
          %reduce_min3A_2257 = vector.broadcast %reduce_min3A_2256 : i32 to vector<16xi32>
          %reduce_min3A_2258 = arith.xori %select_n3A_2253, %reduce_min3A_2257 : vector<16xi32>
          %reduce_min3A_2259 = tpu.scan <min>, %reduce_min3A_2258 masked %reduce_min3A_2255 : vector<16xi32>, vector<16xi1> -> vector<16xi32>
          %reduce_min3A_2260 = arith.xori %reduce_min3A_2259, %reduce_min3A_2257 : vector<16xi32>
          %reduce_min3A_2261 = vector.extract %reduce_min3A_2260[15] : i32 from vector<16xi32>
          %get3A_2262 = arith.constant 0 : index
          %get3A_2263 = tpu.vector_load %arg15[%get3A_2262] {strides = array<i32>} : memref<304xf32, #tpu.memory_space<vmem>>, vector<16xf32>,
          %mul3A_2264 = vector.broadcast %reduce_min3A_2250 : f32 to vector<16xf32>
          %mul3A_2265 = arith.mulf %mul3A_2264, %get3A_2263 : vector<16xf32>
          %get3A_2266 = arith.constant 0 : index
          %get3A_2267 = tpu.vector_load %arg13[%get3A_2266] {strides = array<i32>} : memref<304xf32, #tpu.memory_space<vmem>>, vector<16xf32>,
          %add3A_2268 = arith.addf %get3A_2267, %mul3A_2265 : vector<16xf32>
          %swap3A_2269 = arith.constant 0 : index
          %swap3A_2270 = tpu.vector_load %arg13[%swap3A_2269] {strides = array<i32>} : memref<304xf32, #tpu.memory_space<vmem>>, vector<16xf32>,
          tpu.vector_store %arg13[%swap3A_2269], %add3A_2268 {strides = array<i32>} : memref<304xf32, #tpu.memory_space<vmem>>, vector<16xf32>,
          %get3A_2271 = arith.constant 0 : index
          %get3A_2272 = tpu.vector_load %arg12[%get3A_2271] {strides = array<i32>} : memref<304xf32, #tpu.memory_space<vmem>>, vector<16xf32>,
          %sub3A_2273 = arith.subf %get3A_2272, %mul3A_2265 : vector<16xf32>
          %swap3A_2274 = arith.constant 0 : index
          %swap3A_2275 = tpu.vector_load %arg12[%swap3A_2274] {strides = array<i32>} : memref<304xf32, #tpu.memory_space<vmem>>, vector<16xf32>,
          tpu.vector_store %arg12[%swap3A_2274], %sub3A_2273 {strides = array<i32>} : memref<304xf32, #tpu.memory_space<vmem>>, vector<16xf32>,
          %get3A_2276 = arith.constant 0 : index
          %get3A_2277 = tpu.vector_load %arg14[%get3A_2276] {strides = array<i32>} : memref<304xf32, #tpu.memory_space<vmem>>, vector<16xf32>,
          %sub3A_2278 = vector.broadcast %reduce_min3A_2250 : f32 to vector<16xf32>
          %sub3A_2279 = arith.subf %sub3A_2278, %mul3A_2265 : vector<16xf32>
          %sub3A_2280 = arith.subf %get3A_2277, %sub3A_2279 : vector<16xf32>
          %swap3A_2281 = arith.constant 0 : index
          %swap3A_2282 = tpu.vector_load %arg14[%swap3A_2281] {strides = array<i32>} : memref<304xf32, #tpu.memory_space<vmem>>, vector<16xf32>,
          tpu.vector_store %arg14[%swap3A_2281], %sub3A_2280 {strides = array<i32>} : memref<304xf32, #tpu.memory_space<vmem>>, vector<16xf32>,
          %get3A_2283 = arith.constant 16 : index
          %get3A_2284 = tpu.vector_load %arg15[%get3A_2283] {strides = array<i32>} : memref<304xf32, #tpu.memory_space<vmem>>, vector<16xf32>,
          %mul3A_2285 = vector.broadcast %reduce_min3A_2250 : f32 to vector<16xf32>
          %mul3A_2286 = arith.mulf %mul3A_2285, %get3A_2284 : vector<16xf32>
          %get3A_2287 = arith.constant 16 : index
          %get3A_2288 = tpu.vector_load %arg13[%get3A_2287] {strides = array<i32>} : memref<304xf32, #tpu.memory_space<vmem>>, vector<16xf32>,
          %add3A_2289 = arith.addf %get3A_2288, %mul3A_2286 : vector<16xf32>
          %swap3A_2290 = arith.constant 16 : index
          %swap3A_2291 = tpu.vector_load %arg13[%swap3A_2290] {strides = array<i32>} : memref<304xf32, #tpu.memory_space<vmem>>, vector<16xf32>,
          tpu.vector_store %arg13[%swap3A_2290], %add3A_2289 {strides = array<i32>} : memref<304xf32, #tpu.memory_space<vmem>>, vector<16xf32>,
          %get3A_2292 = arith.constant 16 : index
          %get3A_2293 = tpu.vector_load %arg12[%get3A_2292] {strides = array<i32>} : memref<304xf32, #tpu.memory_space<vmem>>, vector<16xf32>,
          %sub3A_2294 = arith.subf %get3A_2293, %mul3A_2286 : vector<16xf32>
          %swap3A_2295 = arith.constant 16 : index
          %swap3A_2296 = tpu.vector_load %arg12[%swap3A_2295] {strides = array<i32>} : memref<304xf32, #tpu.memory_space<vmem>>, vector<16xf32>,
          tpu.vector_store %arg12[%swap3A_2295], %sub3A_2294 {strides = array<i32>} : memref<304xf32, #tpu.memory_space<vmem>>, vector<16xf32>,
          %get3A_2297 = arith.constant 16 : index
          %get3A_2298 = tpu.vector_load %arg14[%get3A_2297] {strides = array<i32>} : memref<304xf32, #tpu.memory_space<vmem>>, vector<16xf32>,
          %sub3A_2299 = vector.broadcast %reduce_min3A_2250 : f32 to vector<16xf32>
          %sub3A_2300 = arith.subf %sub3A_2299, %mul3A_2286 : vector<16xf32>
          %sub3A_2301 = arith.subf %get3A_2298, %sub3A_2300 : vector<16xf32>
          %swap3A_2302 = arith.constant 16 : index
          %swap3A_2303 = tpu.vector_load %arg14[%swap3A_2302] {strides = array<i32>} : memref<304xf32, #tpu.memory_space<vmem>>, vector<16xf32>,
          tpu.vector_store %arg14[%swap3A_2302], %sub3A_2301 {strides = array<i32>} : memref<304xf32, #tpu.memory_space<vmem>>, vector<16xf32>,
          %get3A_2304 = arith.constant 32 : index
          %get3A_2305 = tpu.vector_load %arg15[%get3A_2304] {strides = array<i32>} : memref<304xf32, #tpu.memory_space<vmem>>, vector<16xf32>,
          %mul3A_2306 = vector.broadcast %reduce_min3A_2250 : f32 to vector<16xf32>
          %mul3A_2307 = arith.mulf %mul3A_2306, %get3A_2305 : vector<16xf32>
          %get3A_2308 = arith.constant 32 : index
          %get3A_2309 = tpu.vector_load %arg13[%get3A_2308] {strides = array<i32>} : memref<304xf32, #tpu.memory_space<vmem>>, vector<16xf32>,
          %add3A_2310 = arith.addf %get3A_2309, %mul3A_2307 : vector<16xf32>
          %swap3A_2311 = arith.constant 32 : index
          %swap3A_2312 = tpu.vector_load %arg13[%swap3A_2311] {strides = array<i32>} : memref<304xf32, #tpu.memory_space<vmem>>, vector<16xf32>,
          tpu.vector_store %arg13[%swap3A_2311], %add3A_2310 {strides = array<i32>} : memref<304xf32, #tpu.memory_space<vmem>>, vector<16xf32>,
          %get3A_2313 = arith.constant 32 : index
          %get3A_2314 = tpu.vector_load %arg12[%get3A_2313] {strides = array<i32>} : memref<304xf32, #tpu.memory_space<vmem>>, vector<16xf32>,
          %sub3A_2315 = arith.subf %get3A_2314, %mul3A_2307 : vector<16xf32>
          %swap3A_2316 = arith.constant 32 : index
          %swap3A_2317 = tpu.vector_load %arg12[%swap3A_2316] {strides = array<i32>} : memref<304xf32, #tpu.memory_space<vmem>>, vector<16xf32>,
          tpu.vector_store %arg12[%swap3A_2316], %sub3A_2315 {strides = array<i32>} : memref<304xf32, #tpu.memory_space<vmem>>, vector<16xf32>,
          %get3A_2318 = arith.constant 32 : index
          %get3A_2319 = tpu.vector_load %arg14[%get3A_2318] {strides = array<i32>} : memref<304xf32, #tpu.memory_space<vmem>>, vector<16xf32>,
          %sub3A_2320 = vector.broadcast %reduce_min3A_2250 : f32 to vector<16xf32>
          %sub3A_2321 = arith.subf %sub3A_2320, %mul3A_2307 : vector<16xf32>
          %sub3A_2322 = arith.subf %get3A_2319, %sub3A_2321 : vector<16xf32>
          %swap3A_2323 = arith.constant 32 : index
          %swap3A_2324 = tpu.vector_load %arg14[%swap3A_2323] {strides = array<i32>} : memref<304xf32, #tpu.memory_space<vmem>>, vector<16xf32>,
          tpu.vector_store %arg14[%swap3A_2323], %sub3A_2322 {strides = array<i32>} : memref<304xf32, #tpu.memory_space<vmem>>, vector<16xf32>,
          %get3A_2325 = arith.constant 48 : index
          %get3A_2326 = tpu.vector_load %arg15[%get3A_2325] {strides = array<i32>} : memref<304xf32, #tpu.memory_space<vmem>>, vector<16xf32>,
          %mul3A_2327 = vector.broadcast %reduce_min3A_2250 : f32 to vector<16xf32>
          %mul3A_2328 = arith.mulf %mul3A_2327, %get3A_2326 : vector<16xf32>
          %get3A_2329 = arith.constant 48 : index
          %get3A_2330 = tpu.vector_load %arg13[%get3A_2329] {strides = array<i32>} : memref<304xf32, #tpu.memory_space<vmem>>, vector<16xf32>,
          %add3A_2331 = arith.addf %get3A_2330, %mul3A_2328 : vector<16xf32>
          %swap3A_2332 = arith.constant 48 : index
          %swap3A_2333 = tpu.vector_load %arg13[%swap3A_2332] {strides = array<i32>} : memref<304xf32, #tpu.memory_space<vmem>>, vector<16xf32>,
          tpu.vector_store %arg13[%swap3A_2332], %add3A_2331 {strides = array<i32>} : memref<304xf32, #tpu.memory_space<vmem>>, vector<16xf32>,
          %get3A_2334 = arith.constant 48 : index
          %get3A_2335 = tpu.vector_load %arg12[%get3A_2334] {strides = array<i32>} : memref<304xf32, #tpu.memory_space<vmem>>, vector<16xf32>,
          %sub3A_2336 = arith.subf %get3A_2335, %mul3A_2328 : vector<16xf32>
          %swap3A_2337 = arith.constant 48 : index
          %swap3A_2338 = tpu.vector_load %arg12[%swap3A_2337] {strides = array<i32>} : memref<304xf32, #tpu.memory_space<vmem>>, vector<16xf32>,
          tpu.vector_store %arg12[%swap3A_2337], %sub3A_2336 {strides = array<i32>} : memref<304xf32, #tpu.memory_space<vmem>>, vector<16xf32>,
          %get3A_2339 = arith.constant 48 : index
          %get3A_2340 = tpu.vector_load %arg14[%get3A_2339] {strides = array<i32>} : memref<304xf32, #tpu.memory_space<vmem>>, vector<16xf32>,
          %sub3A_2341 = vector.broadcast %reduce_min3A_2250 : f32 to vector<16xf32>
          %sub3A_2342 = arith.subf %sub3A_2341, %mul3A_2328 : vector<16xf32>
          %sub3A_2343 = arith.subf %get3A_2340, %sub3A_2342 : vector<16xf32>
          %swap3A_2344 = arith.constant 48 : index
          %swap3A_2345 = tpu.vector_load %arg14[%swap3A_2344] {strides = array<i32>} : memref<304xf32, #tpu.memory_space<vmem>>, vector<16xf32>,
          tpu.vector_store %arg14[%swap3A_2344], %sub3A_2343 {strides = array<i32>} : memref<304xf32, #tpu.memory_space<vmem>>, vector<16xf32>,
          %get3A_2346 = arith.constant 64 : index
          %get3A_2347 = tpu.vector_load %arg15[%get3A_2346] {strides = array<i32>} : memref<304xf32, #tpu.memory_space<vmem>>, vector<16xf32>,
          %mul3A_2348 = vector.broadcast %reduce_min3A_2250 : f32 to vector<16xf32>
          %mul3A_2349 = arith.mulf %mul3A_2348, %get3A_2347 : vector<16xf32>
          %get3A_2350 = arith.constant 64 : index
          %get3A_2351 = tpu.vector_load %arg13[%get3A_2350] {strides = array<i32>} : memref<304xf32, #tpu.memory_space<vmem>>, vector<16xf32>,
          %add3A_2352 = arith.addf %get3A_2351, %mul3A_2349 : vector<16xf32>
          %swap3A_2353 = arith.constant 64 : index
          %swap3A_2354 = tpu.vector_load %arg13[%swap3A_2353] {strides = array<i32>} : memref<304xf32, #tpu.memory_space<vmem>>, vector<16xf32>,
          tpu.vector_store %arg13[%swap3A_2353], %add3A_2352 {strides = array<i32>} : memref<304xf32, #tpu.memory_space<vmem>>, vector<16xf32>,
          %get3A_2355 = arith.constant 64 : index
          %get3A_2356 = tpu.vector_load %arg12[%get3A_2355] {strides = array<i32>} : memref<304xf32, #tpu.memory_space<vmem>>, vector<16xf32>,
          %sub3A_2357 = arith.subf %get3A_2356, %mul3A_2349 : vector<16xf32>
          %swap3A_2358 = arith.constant 64 : index
          %swap3A_2359 = tpu.vector_load %arg12[%swap3A_2358] {strides = array<i32>} : memref<304xf32, #tpu.memory_space<vmem>>, vector<16xf32>,
          tpu.vector_store %arg12[%swap3A_2358], %sub3A_2357 {strides = array<i32>} : memref<304xf32, #tpu.memory_space<vmem>>, vector<16xf32>,
          %get3A_2360 = arith.constant 64 : index
          %get3A_2361 = tpu.vector_load %arg14[%get3A_2360] {strides = array<i32>} : memref<304xf32, #tpu.memory_space<vmem>>, vector<16xf32>,
          %sub3A_2362 = vector.broadcast %reduce_min3A_2250 : f32 to vector<16xf32>
          %sub3A_2363 = arith.subf %sub3A_2362, %mul3A_2349 : vector<16xf32>
          %sub3A_2364 = arith.subf %get3A_2361, %sub3A_2363 : vector<16xf32>
          %swap3A_2365 = arith.constant 64 : index
          %swap3A_2366 = tpu.vector_load %arg14[%swap3A_2365] {strides = array<i32>} : memref<304xf32, #tpu.memory_space<vmem>>, vector<16xf32>,
          tpu.vector_store %arg14[%swap3A_2365], %sub3A_2364 {strides = array<i32>} : memref<304xf32, #tpu.memory_space<vmem>>, vector<16xf32>,
          %get3A_2367 = arith.constant 80 : index
          %get3A_2368 = tpu.vector_load %arg15[%get3A_2367] {strides = array<i32>} : memref<304xf32, #tpu.memory_space<vmem>>, vector<16xf32>,
          %mul3A_2369 = vector.broadcast %reduce_min3A_2250 : f32 to vector<16xf32>
          %mul3A_2370 = arith.mulf %mul3A_2369, %get3A_2368 : vector<16xf32>
          %get3A_2371 = arith.constant 80 : index
          %get3A_2372 = tpu.vector_load %arg13[%get3A_2371] {strides = array<i32>} : memref<304xf32, #tpu.memory_space<vmem>>, vector<16xf32>,
          %add3A_2373 = arith.addf %get3A_2372, %mul3A_2370 : vector<16xf32>
          %swap3A_2374 = arith.constant 80 : index
          %swap3A_2375 = tpu.vector_load %arg13[%swap3A_2374] {strides = array<i32>} : memref<304xf32, #tpu.memory_space<vmem>>, vector<16xf32>,
          tpu.vector_store %arg13[%swap3A_2374], %add3A_2373 {strides = array<i32>} : memref<304xf32, #tpu.memory_space<vmem>>, vector<16xf32>,
          %get3A_2376 = arith.constant 80 : index
          %get3A_2377 = tpu.vector_load %arg12[%get3A_2376] {strides = array<i32>} : memref<304xf32, #tpu.memory_space<vmem>>, vector<16xf32>,
          %sub3A_2378 = arith.subf %get3A_2377, %mul3A_2370 : vector<16xf32>
          %swap3A_2379 = arith.constant 80 : index
          %swap3A_2380 = tpu.vector_load %arg12[%swap3A_2379] {strides = array<i32>} : memref<304xf32, #tpu.memory_space<vmem>>, vector<16xf32>,
          tpu.vector_store %arg12[%swap3A_2379], %sub3A_2378 {strides = array<i32>} : memref<304xf32, #tpu.memory_space<vmem>>, vector<16xf32>,
          %get3A_2381 = arith.constant 80 : index
          %get3A_2382 = tpu.vector_load %arg14[%get3A_2381] {strides = array<i32>} : memref<304xf32, #tpu.memory_space<vmem>>, vector<16xf32>,
          %sub3A_2383 = vector.broadcast %reduce_min3A_2250 : f32 to vector<16xf32>
          %sub3A_2384 = arith.subf %sub3A_2383, %mul3A_2370 : vector<16xf32>
          %sub3A_2385 = arith.subf %get3A_2382, %sub3A_2384 : vector<16xf32>
          %swap3A_2386 = arith.constant 80 : index
          %swap3A_2387 = tpu.vector_load %arg14[%swap3A_2386] {strides = array<i32>} : memref<304xf32, #tpu.memory_space<vmem>>, vector<16xf32>,
          tpu.vector_store %arg14[%swap3A_2386], %sub3A_2385 {strides = array<i32>} : memref<304xf32, #tpu.memory_space<vmem>>, vector<16xf32>,
          %get3A_2388 = arith.constant 96 : index
          %get3A_2389 = tpu.vector_load %arg15[%get3A_2388] {strides = array<i32>} : memref<304xf32, #tpu.memory_space<vmem>>, vector<16xf32>,
          %mul3A_2390 = vector.broadcast %reduce_min3A_2250 : f32 to vector<16xf32>
          %mul3A_2391 = arith.mulf %mul3A_2390, %get3A_2389 : vector<16xf32>
          %get3A_2392 = arith.constant 96 : index
          %get3A_2393 = tpu.vector_load %arg13[%get3A_2392] {strides = array<i32>} : memref<304xf32, #tpu.memory_space<vmem>>, vector<16xf32>,
          %add3A_2394 = arith.addf %get3A_2393, %mul3A_2391 : vector<16xf32>
          %swap3A_2395 = arith.constant 96 : index
          %swap3A_2396 = tpu.vector_load %arg13[%swap3A_2395] {strides = array<i32>} : memref<304xf32, #tpu.memory_space<vmem>>, vector<16xf32>,
          tpu.vector_store %arg13[%swap3A_2395], %add3A_2394 {strides = array<i32>} : memref<304xf32, #tpu.memory_space<vmem>>, vector<16xf32>,
          %get3A_2397 = arith.constant 96 : index
          %get3A_2398 = tpu.vector_load %arg12[%get3A_2397] {strides = array<i32>} : memref<304xf32, #tpu.memory_space<vmem>>, vector<16xf32>,
          %sub3A_2399 = arith.subf %get3A_2398, %mul3A_2391 : vector<16xf32>
          %swap3A_2400 = arith.constant 96 : index
          %swap3A_2401 = tpu.vector_load %arg12[%swap3A_2400] {strides = array<i32>} : memref<304xf32, #tpu.memory_space<vmem>>, vector<16xf32>,
          tpu.vector_store %arg12[%swap3A_2400], %sub3A_2399 {strides = array<i32>} : memref<304xf32, #tpu.memory_space<vmem>>, vector<16xf32>,
          %get3A_2402 = arith.constant 96 : index
          %get3A_2403 = tpu.vector_load %arg14[%get3A_2402] {strides = array<i32>} : memref<304xf32, #tpu.memory_space<vmem>>, vector<16xf32>,
          %sub3A_2404 = vector.broadcast %reduce_min3A_2250 : f32 to vector<16xf32>
          %sub3A_2405 = arith.subf %sub3A_2404, %mul3A_2391 : vector<16xf32>
          %sub3A_2406 = arith.subf %get3A_2403, %sub3A_2405 : vector<16xf32>
          %swap3A_2407 = arith.constant 96 : index
          %swap3A_2408 = tpu.vector_load %arg14[%swap3A_2407] {strides = array<i32>} : memref<304xf32, #tpu.memory_space<vmem>>, vector<16xf32>,
          tpu.vector_store %arg14[%swap3A_2407], %sub3A_2406 {strides = array<i32>} : memref<304xf32, #tpu.memory_space<vmem>>, vector<16xf32>,
          %get3A_2409 = arith.constant 112 : index
          %get3A_2410 = tpu.vector_load %arg15[%get3A_2409] {strides = array<i32>} : memref<304xf32, #tpu.memory_space<vmem>>, vector<16xf32>,
          %mul3A_2411 = vector.broadcast %reduce_min3A_2250 : f32 to vector<16xf32>
          %mul3A_2412 = arith.mulf %mul3A_2411, %get3A_2410 : vector<16xf32>
          %get3A_2413 = arith.constant 112 : index
          %get3A_2414 = tpu.vector_load %arg13[%get3A_2413] {strides = array<i32>} : memref<304xf32, #tpu.memory_space<vmem>>, vector<16xf32>,
          %add3A_2415 = arith.addf %get3A_2414, %mul3A_2412 : vector<16xf32>
          %swap3A_2416 = arith.constant 112 : index
          %swap3A_2417 = tpu.vector_load %arg13[%swap3A_2416] {strides = array<i32>} : memref<304xf32, #tpu.memory_space<vmem>>, vector<16xf32>,
          tpu.vector_store %arg13[%swap3A_2416], %add3A_2415 {strides = array<i32>} : memref<304xf32, #tpu.memory_space<vmem>>, vector<16xf32>,
          %get3A_2418 = arith.constant 112 : index
          %get3A_2419 = tpu.vector_load %arg12[%get3A_2418] {strides = array<i32>} : memref<304xf32, #tpu.memory_space<vmem>>, vector<16xf32>,
          %sub3A_2420 = arith.subf %get3A_2419, %mul3A_2412 : vector<16xf32>
          %swap3A_2421 = arith.constant 112 : index
          %swap3A_2422 = tpu.vector_load %arg12[%swap3A_2421] {strides = array<i32>} : memref<304xf32, #tpu.memory_space<vmem>>, vector<16xf32>,
          tpu.vector_store %arg12[%swap3A_2421], %sub3A_2420 {strides = array<i32>} : memref<304xf32, #tpu.memory_space<vmem>>, vector<16xf32>,
          %get3A_2423 = arith.constant 112 : index
          %get3A_2424 = tpu.vector_load %arg14[%get3A_2423] {strides = array<i32>} : memref<304xf32, #tpu.memory_space<vmem>>, vector<16xf32>,
          %sub3A_2425 = vector.broadcast %reduce_min3A_2250 : f32 to vector<16xf32>
          %sub3A_2426 = arith.subf %sub3A_2425, %mul3A_2412 : vector<16xf32>
          %sub3A_2427 = arith.subf %get3A_2424, %sub3A_2426 : vector<16xf32>
          %swap3A_2428 = arith.constant 112 : index
          %swap3A_2429 = tpu.vector_load %arg14[%swap3A_2428] {strides = array<i32>} : memref<304xf32, #tpu.memory_space<vmem>>, vector<16xf32>,
          tpu.vector_store %arg14[%swap3A_2428], %sub3A_2427 {strides = array<i32>} : memref<304xf32, #tpu.memory_space<vmem>>, vector<16xf32>,
          %get3A_2430 = arith.constant 128 : index
          %get3A_2431 = tpu.vector_load %arg15[%get3A_2430] {strides = array<i32>} : memref<304xf32, #tpu.memory_space<vmem>>, vector<16xf32>,
          %mul3A_2432 = vector.broadcast %reduce_min3A_2250 : f32 to vector<16xf32>
          %mul3A_2433 = arith.mulf %mul3A_2432, %get3A_2431 : vector<16xf32>
          %get3A_2434 = arith.constant 128 : index
          %get3A_2435 = tpu.vector_load %arg13[%get3A_2434] {strides = array<i32>} : memref<304xf32, #tpu.memory_space<vmem>>, vector<16xf32>,
          %add3A_2436 = arith.addf %get3A_2435, %mul3A_2433 : vector<16xf32>
          %swap3A_2437 = arith.constant 128 : index
          %swap3A_2438 = tpu.vector_load %arg13[%swap3A_2437] {strides = array<i32>} : memref<304xf32, #tpu.memory_space<vmem>>, vector<16xf32>,
          tpu.vector_store %arg13[%swap3A_2437], %add3A_2436 {strides = array<i32>} : memref<304xf32, #tpu.memory_space<vmem>>, vector<16xf32>,
          %get3A_2439 = arith.constant 128 : index
          %get3A_2440 = tpu.vector_load %arg12[%get3A_2439] {strides = array<i32>} : memref<304xf32, #tpu.memory_space<vmem>>, vector<16xf32>,
          %sub3A_2441 = arith.subf %get3A_2440, %mul3A_2433 : vector<16xf32>
          %swap3A_2442 = arith.constant 128 : index
          %swap3A_2443 = tpu.vector_load %arg12[%swap3A_2442] {strides = array<i32>} : memref<304xf32, #tpu.memory_space<vmem>>, vector<16xf32>,
          tpu.vector_store %arg12[%swap3A_2442], %sub3A_2441 {strides = array<i32>} : memref<304xf32, #tpu.memory_space<vmem>>, vector<16xf32>,
          %get3A_2444 = arith.constant 128 : index
          %get3A_2445 = tpu.vector_load %arg14[%get3A_2444] {strides = array<i32>} : memref<304xf32, #tpu.memory_space<vmem>>, vector<16xf32>,
          %sub3A_2446 = vector.broadcast %reduce_min3A_2250 : f32 to vector<16xf32>
          %sub3A_2447 = arith.subf %sub3A_2446, %mul3A_2433 : vector<16xf32>
          %sub3A_2448 = arith.subf %get3A_2445, %sub3A_2447 : vector<16xf32>
          %swap3A_2449 = arith.constant 128 : index
          %swap3A_2450 = tpu.vector_load %arg14[%swap3A_2449] {strides = array<i32>} : memref<304xf32, #tpu.memory_space<vmem>>, vector<16xf32>,
          tpu.vector_store %arg14[%swap3A_2449], %sub3A_2448 {strides = array<i32>} : memref<304xf32, #tpu.memory_space<vmem>>, vector<16xf32>,
          %get3A_2451 = arith.constant 144 : index
          %get3A_2452 = tpu.vector_load %arg15[%get3A_2451] {strides = array<i32>} : memref<304xf32, #tpu.memory_space<vmem>>, vector<16xf32>,
          %mul3A_2453 = vector.broadcast %reduce_min3A_2250 : f32 to vector<16xf32>
          %mul3A_2454 = arith.mulf %mul3A_2453, %get3A_2452 : vector<16xf32>
          %get3A_2455 = arith.constant 144 : index
          %get3A_2456 = tpu.vector_load %arg13[%get3A_2455] {strides = array<i32>} : memref<304xf32, #tpu.memory_space<vmem>>, vector<16xf32>,
          %add3A_2457 = arith.addf %get3A_2456, %mul3A_2454 : vector<16xf32>
          %swap3A_2458 = arith.constant 144 : index
          %swap3A_2459 = tpu.vector_load %arg13[%swap3A_2458] {strides = array<i32>} : memref<304xf32, #tpu.memory_space<vmem>>, vector<16xf32>,
          tpu.vector_store %arg13[%swap3A_2458], %add3A_2457 {strides = array<i32>} : memref<304xf32, #tpu.memory_space<vmem>>, vector<16xf32>,
          %get3A_2460 = arith.constant 144 : index
          %get3A_2461 = tpu.vector_load %arg12[%get3A_2460] {strides = array<i32>} : memref<304xf32, #tpu.memory_space<vmem>>, vector<16xf32>,
          %sub3A_2462 = arith.subf %get3A_2461, %mul3A_2454 : vector<16xf32>
          %swap3A_2463 = arith.constant 144 : index
          %swap3A_2464 = tpu.vector_load %arg12[%swap3A_2463] {strides = array<i32>} : memref<304xf32, #tpu.memory_space<vmem>>, vector<16xf32>,
          tpu.vector_store %arg12[%swap3A_2463], %sub3A_2462 {strides = array<i32>} : memref<304xf32, #tpu.memory_space<vmem>>, vector<16xf32>,
          %get3A_2465 = arith.constant 144 : index
          %get3A_2466 = tpu.vector_load %arg14[%get3A_2465] {strides = array<i32>} : memref<304xf32, #tpu.memory_space<vmem>>, vector<16xf32>,
          %sub3A_2467 = vector.broadcast %reduce_min3A_2250 : f32 to vector<16xf32>
          %sub3A_2468 = arith.subf %sub3A_2467, %mul3A_2454 : vector<16xf32>
          %sub3A_2469 = arith.subf %get3A_2466, %sub3A_2468 : vector<16xf32>
          %swap3A_2470 = arith.constant 144 : index
          %swap3A_2471 = tpu.vector_load %arg14[%swap3A_2470] {strides = array<i32>} : memref<304xf32, #tpu.memory_space<vmem>>, vector<16xf32>,
          tpu.vector_store %arg14[%swap3A_2470], %sub3A_2469 {strides = array<i32>} : memref<304xf32, #tpu.memory_space<vmem>>, vector<16xf32>,
          %get3A_2472 = arith.constant 160 : index
          %get3A_2473 = tpu.vector_load %arg15[%get3A_2472] {strides = array<i32>} : memref<304xf32, #tpu.memory_space<vmem>>, vector<16xf32>,
          %mul3A_2474 = vector.broadcast %reduce_min3A_2250 : f32 to vector<16xf32>
          %mul3A_2475 = arith.mulf %mul3A_2474, %get3A_2473 : vector<16xf32>
          %get3A_2476 = arith.constant 160 : index
          %get3A_2477 = tpu.vector_load %arg13[%get3A_2476] {strides = array<i32>} : memref<304xf32, #tpu.memory_space<vmem>>, vector<16xf32>,
          %add3A_2478 = arith.addf %get3A_2477, %mul3A_2475 : vector<16xf32>
          %swap3A_2479 = arith.constant 160 : index
          %swap3A_2480 = tpu.vector_load %arg13[%swap3A_2479] {strides = array<i32>} : memref<304xf32, #tpu.memory_space<vmem>>, vector<16xf32>,
          tpu.vector_store %arg13[%swap3A_2479], %add3A_2478 {strides = array<i32>} : memref<304xf32, #tpu.memory_space<vmem>>, vector<16xf32>,
          %get3A_2481 = arith.constant 160 : index
          %get3A_2482 = tpu.vector_load %arg12[%get3A_2481] {strides = array<i32>} : memref<304xf32, #tpu.memory_space<vmem>>, vector<16xf32>,
          %sub3A_2483 = arith.subf %get3A_2482, %mul3A_2475 : vector<16xf32>
          %swap3A_2484 = arith.constant 160 : index
          %swap3A_2485 = tpu.vector_load %arg12[%swap3A_2484] {strides = array<i32>} : memref<304xf32, #tpu.memory_space<vmem>>, vector<16xf32>,
          tpu.vector_store %arg12[%swap3A_2484], %sub3A_2483 {strides = array<i32>} : memref<304xf32, #tpu.memory_space<vmem>>, vector<16xf32>,
          %get3A_2486 = arith.constant 160 : index
          %get3A_2487 = tpu.vector_load %arg14[%get3A_2486] {strides = array<i32>} : memref<304xf32, #tpu.memory_space<vmem>>, vector<16xf32>,
          %sub3A_2488 = vector.broadcast %reduce_min3A_2250 : f32 to vector<16xf32>
          %sub3A_2489 = arith.subf %sub3A_2488, %mul3A_2475 : vector<16xf32>
          %sub3A_2490 = arith.subf %get3A_2487, %sub3A_2489 : vector<16xf32>
          %swap3A_2491 = arith.constant 160 : index
          %swap3A_2492 = tpu.vector_load %arg14[%swap3A_2491] {strides = array<i32>} : memref<304xf32, #tpu.memory_space<vmem>>, vector<16xf32>,
          tpu.vector_store %arg14[%swap3A_2491], %sub3A_2490 {strides = array<i32>} : memref<304xf32, #tpu.memory_space<vmem>>, vector<16xf32>,
          %get3A_2493 = arith.constant 176 : index
          %get3A_2494 = tpu.vector_load %arg15[%get3A_2493] {strides = array<i32>} : memref<304xf32, #tpu.memory_space<vmem>>, vector<16xf32>,
          %mul3A_2495 = vector.broadcast %reduce_min3A_2250 : f32 to vector<16xf32>
          %mul3A_2496 = arith.mulf %mul3A_2495, %get3A_2494 : vector<16xf32>
          %get3A_2497 = arith.constant 176 : index
          %get3A_2498 = tpu.vector_load %arg13[%get3A_2497] {strides = array<i32>} : memref<304xf32, #tpu.memory_space<vmem>>, vector<16xf32>,
          %add3A_2499 = arith.addf %get3A_2498, %mul3A_2496 : vector<16xf32>
          %swap3A_2500 = arith.constant 176 : index
          %swap3A_2501 = tpu.vector_load %arg13[%swap3A_2500] {strides = array<i32>} : memref<304xf32, #tpu.memory_space<vmem>>, vector<16xf32>,
          tpu.vector_store %arg13[%swap3A_2500], %add3A_2499 {strides = array<i32>} : memref<304xf32, #tpu.memory_space<vmem>>, vector<16xf32>,
          %get3A_2502 = arith.constant 176 : index
          %get3A_2503 = tpu.vector_load %arg12[%get3A_2502] {strides = array<i32>} : memref<304xf32, #tpu.memory_space<vmem>>, vector<16xf32>,
          %sub3A_2504 = arith.subf %get3A_2503, %mul3A_2496 : vector<16xf32>
          %swap3A_2505 = arith.constant 176 : index
          %swap3A_2506 = tpu.vector_load %arg12[%swap3A_2505] {strides = array<i32>} : memref<304xf32, #tpu.memory_space<vmem>>, vector<16xf32>,
          tpu.vector_store %arg12[%swap3A_2505], %sub3A_2504 {strides = array<i32>} : memref<304xf32, #tpu.memory_space<vmem>>, vector<16xf32>,
          %get3A_2507 = arith.constant 176 : index
          %get3A_2508 = tpu.vector_load %arg14[%get3A_2507] {strides = array<i32>} : memref<304xf32, #tpu.memory_space<vmem>>, vector<16xf32>,
          %sub3A_2509 = vector.broadcast %reduce_min3A_2250 : f32 to vector<16xf32>
          %sub3A_2510 = arith.subf %sub3A_2509, %mul3A_2496 : vector<16xf32>
          %sub3A_2511 = arith.subf %get3A_2508, %sub3A_2510 : vector<16xf32>
          %swap3A_2512 = arith.constant 176 : index
          %swap3A_2513 = tpu.vector_load %arg14[%swap3A_2512] {strides = array<i32>} : memref<304xf32, #tpu.memory_space<vmem>>, vector<16xf32>,
          tpu.vector_store %arg14[%swap3A_2512], %sub3A_2511 {strides = array<i32>} : memref<304xf32, #tpu.memory_space<vmem>>, vector<16xf32>,
          %get3A_2514 = arith.constant 192 : index
          %get3A_2515 = tpu.vector_load %arg15[%get3A_2514] {strides = array<i32>} : memref<304xf32, #tpu.memory_space<vmem>>, vector<16xf32>,
          %mul3A_2516 = vector.broadcast %reduce_min3A_2250 : f32 to vector<16xf32>
          %mul3A_2517 = arith.mulf %mul3A_2516, %get3A_2515 : vector<16xf32>
          %get3A_2518 = arith.constant 192 : index
          %get3A_2519 = tpu.vector_load %arg13[%get3A_2518] {strides = array<i32>} : memref<304xf32, #tpu.memory_space<vmem>>, vector<16xf32>,
          %add3A_2520 = arith.addf %get3A_2519, %mul3A_2517 : vector<16xf32>
          %swap3A_2521 = arith.constant 192 : index
          %swap3A_2522 = tpu.vector_load %arg13[%swap3A_2521] {strides = array<i32>} : memref<304xf32, #tpu.memory_space<vmem>>, vector<16xf32>,
          tpu.vector_store %arg13[%swap3A_2521], %add3A_2520 {strides = array<i32>} : memref<304xf32, #tpu.memory_space<vmem>>, vector<16xf32>,
          %get3A_2523 = arith.constant 192 : index
          %get3A_2524 = tpu.vector_load %arg12[%get3A_2523] {strides = array<i32>} : memref<304xf32, #tpu.memory_space<vmem>>, vector<16xf32>,
          %sub3A_2525 = arith.subf %get3A_2524, %mul3A_2517 : vector<16xf32>
          %swap3A_2526 = arith.constant 192 : index
          %swap3A_2527 = tpu.vector_load %arg12[%swap3A_2526] {strides = array<i32>} : memref<304xf32, #tpu.memory_space<vmem>>, vector<16xf32>,
          tpu.vector_store %arg12[%swap3A_2526], %sub3A_2525 {strides = array<i32>} : memref<304xf32, #tpu.memory_space<vmem>>, vector<16xf32>,
          %get3A_2528 = arith.constant 192 : index
          %get3A_2529 = tpu.vector_load %arg14[%get3A_2528] {strides = array<i32>} : memref<304xf32, #tpu.memory_space<vmem>>, vector<16xf32>,
          %sub3A_2530 = vector.broadcast %reduce_min3A_2250 : f32 to vector<16xf32>
          %sub3A_2531 = arith.subf %sub3A_2530, %mul3A_2517 : vector<16xf32>
          %sub3A_2532 = arith.subf %get3A_2529, %sub3A_2531 : vector<16xf32>
          %swap3A_2533 = arith.constant 192 : index
          %swap3A_2534 = tpu.vector_load %arg14[%swap3A_2533] {strides = array<i32>} : memref<304xf32, #tpu.memory_space<vmem>>, vector<16xf32>,
          tpu.vector_store %arg14[%swap3A_2533], %sub3A_2532 {strides = array<i32>} : memref<304xf32, #tpu.memory_space<vmem>>, vector<16xf32>,
          %get3A_2535 = arith.constant 208 : index
          %get3A_2536 = tpu.vector_load %arg15[%get3A_2535] {strides = array<i32>} : memref<304xf32, #tpu.memory_space<vmem>>, vector<16xf32>,
          %mul3A_2537 = vector.broadcast %reduce_min3A_2250 : f32 to vector<16xf32>
          %mul3A_2538 = arith.mulf %mul3A_2537, %get3A_2536 : vector<16xf32>
          %get3A_2539 = arith.constant 208 : index
          %get3A_2540 = tpu.vector_load %arg13[%get3A_2539] {strides = array<i32>} : memref<304xf32, #tpu.memory_space<vmem>>, vector<16xf32>,
          %add3A_2541 = arith.addf %get3A_2540, %mul3A_2538 : vector<16xf32>
          %swap3A_2542 = arith.constant 208 : index
          %swap3A_2543 = tpu.vector_load %arg13[%swap3A_2542] {strides = array<i32>} : memref<304xf32, #tpu.memory_space<vmem>>, vector<16xf32>,
          tpu.vector_store %arg13[%swap3A_2542], %add3A_2541 {strides = array<i32>} : memref<304xf32, #tpu.memory_space<vmem>>, vector<16xf32>,
          %get3A_2544 = arith.constant 208 : index
          %get3A_2545 = tpu.vector_load %arg12[%get3A_2544] {strides = array<i32>} : memref<304xf32, #tpu.memory_space<vmem>>, vector<16xf32>,
          %sub3A_2546 = arith.subf %get3A_2545, %mul3A_2538 : vector<16xf32>
          %swap3A_2547 = arith.constant 208 : index
          %swap3A_2548 = tpu.vector_load %arg12[%swap3A_2547] {strides = array<i32>} : memref<304xf32, #tpu.memory_space<vmem>>, vector<16xf32>,
          tpu.vector_store %arg12[%swap3A_2547], %sub3A_2546 {strides = array<i32>} : memref<304xf32, #tpu.memory_space<vmem>>, vector<16xf32>,
          %get3A_2549 = arith.constant 208 : index
          %get3A_2550 = tpu.vector_load %arg14[%get3A_2549] {strides = array<i32>} : memref<304xf32, #tpu.memory_space<vmem>>, vector<16xf32>,
          %sub3A_2551 = vector.broadcast %reduce_min3A_2250 : f32 to vector<16xf32>
          %sub3A_2552 = arith.subf %sub3A_2551, %mul3A_2538 : vector<16xf32>
          %sub3A_2553 = arith.subf %get3A_2550, %sub3A_2552 : vector<16xf32>
          %swap3A_2554 = arith.constant 208 : index
          %swap3A_2555 = tpu.vector_load %arg14[%swap3A_2554] {strides = array<i32>} : memref<304xf32, #tpu.memory_space<vmem>>, vector<16xf32>,
          tpu.vector_store %arg14[%swap3A_2554], %sub3A_2553 {strides = array<i32>} : memref<304xf32, #tpu.memory_space<vmem>>, vector<16xf32>,
          %get3A_2556 = arith.constant 224 : index
          %get3A_2557 = tpu.vector_load %arg15[%get3A_2556] {strides = array<i32>} : memref<304xf32, #tpu.memory_space<vmem>>, vector<16xf32>,
          %mul3A_2558 = vector.broadcast %reduce_min3A_2250 : f32 to vector<16xf32>
          %mul3A_2559 = arith.mulf %mul3A_2558, %get3A_2557 : vector<16xf32>
          %get3A_2560 = arith.constant 224 : index
          %get3A_2561 = tpu.vector_load %arg13[%get3A_2560] {strides = array<i32>} : memref<304xf32, #tpu.memory_space<vmem>>, vector<16xf32>,
          %add3A_2562 = arith.addf %get3A_2561, %mul3A_2559 : vector<16xf32>
          %swap3A_2563 = arith.constant 224 : index
          %swap3A_2564 = tpu.vector_load %arg13[%swap3A_2563] {strides = array<i32>} : memref<304xf32, #tpu.memory_space<vmem>>, vector<16xf32>,
          tpu.vector_store %arg13[%swap3A_2563], %add3A_2562 {strides = array<i32>} : memref<304xf32, #tpu.memory_space<vmem>>, vector<16xf32>,
          %get3A_2565 = arith.constant 224 : index
          %get3A_2566 = tpu.vector_load %arg12[%get3A_2565] {strides = array<i32>} : memref<304xf32, #tpu.memory_space<vmem>>, vector<16xf32>,
          %sub3A_2567 = arith.subf %get3A_2566, %mul3A_2559 : vector<16xf32>
          %swap3A_2568 = arith.constant 224 : index
          %swap3A_2569 = tpu.vector_load %arg12[%swap3A_2568] {strides = array<i32>} : memref<304xf32, #tpu.memory_space<vmem>>, vector<16xf32>,
          tpu.vector_store %arg12[%swap3A_2568], %sub3A_2567 {strides = array<i32>} : memref<304xf32, #tpu.memory_space<vmem>>, vector<16xf32>,
          %get3A_2570 = arith.constant 224 : index
          %get3A_2571 = tpu.vector_load %arg14[%get3A_2570] {strides = array<i32>} : memref<304xf32, #tpu.memory_space<vmem>>, vector<16xf32>,
          %sub3A_2572 = vector.broadcast %reduce_min3A_2250 : f32 to vector<16xf32>
          %sub3A_2573 = arith.subf %sub3A_2572, %mul3A_2559 : vector<16xf32>
          %sub3A_2574 = arith.subf %get3A_2571, %sub3A_2573 : vector<16xf32>
          %swap3A_2575 = arith.constant 224 : index
          %swap3A_2576 = tpu.vector_load %arg14[%swap3A_2575] {strides = array<i32>} : memref<304xf32, #tpu.memory_space<vmem>>, vector<16xf32>,
          tpu.vector_store %arg14[%swap3A_2575], %sub3A_2574 {strides = array<i32>} : memref<304xf32, #tpu.memory_space<vmem>>, vector<16xf32>,
          %get3A_2577 = arith.constant 240 : index
          %get3A_2578 = tpu.vector_load %arg15[%get3A_2577] {strides = array<i32>} : memref<304xf32, #tpu.memory_space<vmem>>, vector<16xf32>,
          %mul3A_2579 = vector.broadcast %reduce_min3A_2250 : f32 to vector<16xf32>
          %mul3A_2580 = arith.mulf %mul3A_2579, %get3A_2578 : vector<16xf32>
          %get3A_2581 = arith.constant 240 : index
          %get3A_2582 = tpu.vector_load %arg13[%get3A_2581] {strides = array<i32>} : memref<304xf32, #tpu.memory_space<vmem>>, vector<16xf32>,
          %add3A_2583 = arith.addf %get3A_2582, %mul3A_2580 : vector<16xf32>
          %swap3A_2584 = arith.constant 240 : index
          %swap3A_2585 = tpu.vector_load %arg13[%swap3A_2584] {strides = array<i32>} : memref<304xf32, #tpu.memory_space<vmem>>, vector<16xf32>,
          tpu.vector_store %arg13[%swap3A_2584], %add3A_2583 {strides = array<i32>} : memref<304xf32, #tpu.memory_space<vmem>>, vector<16xf32>,
          %get3A_2586 = arith.constant 240 : index
          %get3A_2587 = tpu.vector_load %arg12[%get3A_2586] {strides = array<i32>} : memref<304xf32, #tpu.memory_space<vmem>>, vector<16xf32>,
          %sub3A_2588 = arith.subf %get3A_2587, %mul3A_2580 : vector<16xf32>
          %swap3A_2589 = arith.constant 240 : index
          %swap3A_2590 = tpu.vector_load %arg12[%swap3A_2589] {strides = array<i32>} : memref<304xf32, #tpu.memory_space<vmem>>, vector<16xf32>,
          tpu.vector_store %arg12[%swap3A_2589], %sub3A_2588 {strides = array<i32>} : memref<304xf32, #tpu.memory_space<vmem>>, vector<16xf32>,
          %get3A_2591 = arith.constant 240 : index
          %get3A_2592 = tpu.vector_load %arg14[%get3A_2591] {strides = array<i32>} : memref<304xf32, #tpu.memory_space<vmem>>, vector<16xf32>,
          %sub3A_2593 = vector.broadcast %reduce_min3A_2250 : f32 to vector<16xf32>
          %sub3A_2594 = arith.subf %sub3A_2593, %mul3A_2580 : vector<16xf32>
          %sub3A_2595 = arith.subf %get3A_2592, %sub3A_2594 : vector<16xf32>
          %swap3A_2596 = arith.constant 240 : index
          %swap3A_2597 = tpu.vector_load %arg14[%swap3A_2596] {strides = array<i32>} : memref<304xf32, #tpu.memory_space<vmem>>, vector<16xf32>,
          tpu.vector_store %arg14[%swap3A_2596], %sub3A_2595 {strides = array<i32>} : memref<304xf32, #tpu.memory_space<vmem>>, vector<16xf32>,
          %get3A_2598 = arith.constant 256 : index
          %get3A_2599 = tpu.vector_load %arg15[%get3A_2598] {strides = array<i32>} : memref<304xf32, #tpu.memory_space<vmem>>, vector<16xf32>,
          %mul3A_2600 = vector.broadcast %reduce_min3A_2250 : f32 to vector<16xf32>
          %mul3A_2601 = arith.mulf %mul3A_2600, %get3A_2599 : vector<16xf32>
          %get3A_2602 = arith.constant 256 : index
          %get3A_2603 = tpu.vector_load %arg13[%get3A_2602] {strides = array<i32>} : memref<304xf32, #tpu.memory_space<vmem>>, vector<16xf32>,
          %add3A_2604 = arith.addf %get3A_2603, %mul3A_2601 : vector<16xf32>
          %swap3A_2605 = arith.constant 256 : index
          %swap3A_2606 = tpu.vector_load %arg13[%swap3A_2605] {strides = array<i32>} : memref<304xf32, #tpu.memory_space<vmem>>, vector<16xf32>,
          tpu.vector_store %arg13[%swap3A_2605], %add3A_2604 {strides = array<i32>} : memref<304xf32, #tpu.memory_space<vmem>>, vector<16xf32>,
          %get3A_2607 = arith.constant 256 : index
          %get3A_2608 = tpu.vector_load %arg12[%get3A_2607] {strides = array<i32>} : memref<304xf32, #tpu.memory_space<vmem>>, vector<16xf32>,
          %sub3A_2609 = arith.subf %get3A_2608, %mul3A_2601 : vector<16xf32>
          %swap3A_2610 = arith.constant 256 : index
          %swap3A_2611 = tpu.vector_load %arg12[%swap3A_2610] {strides = array<i32>} : memref<304xf32, #tpu.memory_space<vmem>>, vector<16xf32>,
          tpu.vector_store %arg12[%swap3A_2610], %sub3A_2609 {strides = array<i32>} : memref<304xf32, #tpu.memory_space<vmem>>, vector<16xf32>,
          %get3A_2612 = arith.constant 256 : index
          %get3A_2613 = tpu.vector_load %arg14[%get3A_2612] {strides = array<i32>} : memref<304xf32, #tpu.memory_space<vmem>>, vector<16xf32>,
          %sub3A_2614 = vector.broadcast %reduce_min3A_2250 : f32 to vector<16xf32>
          %sub3A_2615 = arith.subf %sub3A_2614, %mul3A_2601 : vector<16xf32>
          %sub3A_2616 = arith.subf %get3A_2613, %sub3A_2615 : vector<16xf32>
          %swap3A_2617 = arith.constant 256 : index
          %swap3A_2618 = tpu.vector_load %arg14[%swap3A_2617] {strides = array<i32>} : memref<304xf32, #tpu.memory_space<vmem>>, vector<16xf32>,
          tpu.vector_store %arg14[%swap3A_2617], %sub3A_2616 {strides = array<i32>} : memref<304xf32, #tpu.memory_space<vmem>>, vector<16xf32>,
          %get3A_2619 = arith.constant 272 : index
          %get3A_2620 = tpu.vector_load %arg15[%get3A_2619] {strides = array<i32>} : memref<304xf32, #tpu.memory_space<vmem>>, vector<16xf32>,
          %mul3A_2621 = vector.broadcast %reduce_min3A_2250 : f32 to vector<16xf32>
          %mul3A_2622 = arith.mulf %mul3A_2621, %get3A_2620 : vector<16xf32>
          %get3A_2623 = arith.constant 272 : index
          %get3A_2624 = tpu.vector_load %arg13[%get3A_2623] {strides = array<i32>} : memref<304xf32, #tpu.memory_space<vmem>>, vector<16xf32>,
          %add3A_2625 = arith.addf %get3A_2624, %mul3A_2622 : vector<16xf32>
          %swap3A_2626 = arith.constant 272 : index
          %swap3A_2627 = tpu.vector_load %arg13[%swap3A_2626] {strides = array<i32>} : memref<304xf32, #tpu.memory_space<vmem>>, vector<16xf32>,
          tpu.vector_store %arg13[%swap3A_2626], %add3A_2625 {strides = array<i32>} : memref<304xf32, #tpu.memory_space<vmem>>, vector<16xf32>,
          %get3A_2628 = arith.constant 272 : index
          %get3A_2629 = tpu.vector_load %arg12[%get3A_2628] {strides = array<i32>} : memref<304xf32, #tpu.memory_space<vmem>>, vector<16xf32>,
          %sub3A_2630 = arith.subf %get3A_2629, %mul3A_2622 : vector<16xf32>
          %swap3A_2631 = arith.constant 272 : index
          %swap3A_2632 = tpu.vector_load %arg12[%swap3A_2631] {strides = array<i32>} : memref<304xf32, #tpu.memory_space<vmem>>, vector<16xf32>,
          tpu.vector_store %arg12[%swap3A_2631], %sub3A_2630 {strides = array<i32>} : memref<304xf32, #tpu.memory_space<vmem>>, vector<16xf32>,
          %get3A_2633 = arith.constant 272 : index
          %get3A_2634 = tpu.vector_load %arg14[%get3A_2633] {strides = array<i32>} : memref<304xf32, #tpu.memory_space<vmem>>, vector<16xf32>,
          %sub3A_2635 = vector.broadcast %reduce_min3A_2250 : f32 to vector<16xf32>
          %sub3A_2636 = arith.subf %sub3A_2635, %mul3A_2622 : vector<16xf32>
          %sub3A_2637 = arith.subf %get3A_2634, %sub3A_2636 : vector<16xf32>
          %swap3A_2638 = arith.constant 272 : index
          %swap3A_2639 = tpu.vector_load %arg14[%swap3A_2638] {strides = array<i32>} : memref<304xf32, #tpu.memory_space<vmem>>, vector<16xf32>,
          tpu.vector_store %arg14[%swap3A_2638], %sub3A_2637 {strides = array<i32>} : memref<304xf32, #tpu.memory_space<vmem>>, vector<16xf32>,
          %get3A_2640 = arith.constant 288 : index
          %get3A_2641 = tpu.vector_load %arg15[%get3A_2640] {strides = array<i32>} : memref<304xf32, #tpu.memory_space<vmem>>, vector<16xf32>,
          %mul3A_2642 = vector.broadcast %reduce_min3A_2250 : f32 to vector<16xf32>
          %mul3A_2643 = arith.mulf %mul3A_2642, %get3A_2641 : vector<16xf32>
          %get3A_2644 = arith.constant 288 : index
          %get3A_2645 = tpu.vector_load %arg13[%get3A_2644] {strides = array<i32>} : memref<304xf32, #tpu.memory_space<vmem>>, vector<16xf32>,
          %add3A_2646 = arith.addf %get3A_2645, %mul3A_2643 : vector<16xf32>
          %swap3A_2647 = arith.constant 288 : index
          %swap3A_2648 = tpu.vector_load %arg13[%swap3A_2647] {strides = array<i32>} : memref<304xf32, #tpu.memory_space<vmem>>, vector<16xf32>,
          tpu.vector_store %arg13[%swap3A_2647], %add3A_2646 {strides = array<i32>} : memref<304xf32, #tpu.memory_space<vmem>>, vector<16xf32>,
          %get3A_2649 = arith.constant 288 : index
          %get3A_2650 = tpu.vector_load %arg12[%get3A_2649] {strides = array<i32>} : memref<304xf32, #tpu.memory_space<vmem>>, vector<16xf32>,
          %sub3A_2651 = arith.subf %get3A_2650, %mul3A_2643 : vector<16xf32>
          %swap3A_2652 = arith.constant 288 : index
          %swap3A_2653 = tpu.vector_load %arg12[%swap3A_2652] {strides = array<i32>} : memref<304xf32, #tpu.memory_space<vmem>>, vector<16xf32>,
          tpu.vector_store %arg12[%swap3A_2652], %sub3A_2651 {strides = array<i32>} : memref<304xf32, #tpu.memory_space<vmem>>, vector<16xf32>,
          %get3A_2654 = arith.constant 288 : index
          %get3A_2655 = tpu.vector_load %arg14[%get3A_2654] {strides = array<i32>} : memref<304xf32, #tpu.memory_space<vmem>>, vector<16xf32>,
          %sub3A_2656 = vector.broadcast %reduce_min3A_2250 : f32 to vector<16xf32>
          %sub3A_2657 = arith.subf %sub3A_2656, %mul3A_2643 : vector<16xf32>
          %sub3A_2658 = arith.subf %get3A_2655, %sub3A_2657 : vector<16xf32>
          %swap3A_2659 = arith.constant 288 : index
          %swap3A_2660 = tpu.vector_load %arg14[%swap3A_2659] {strides = array<i32>} : memref<304xf32, #tpu.memory_space<vmem>>, vector<16xf32>,
          tpu.vector_store %arg14[%swap3A_2659], %sub3A_2658 {strides = array<i32>} : memref<304xf32, #tpu.memory_space<vmem>>, vector<16xf32>,
          %broadcast_in_dim3A_2661 = vector.broadcast %reduce_min3A_2261 : i32 to vector<16xi32>
          %gather3A_2662 = tpu.vector_load_idx %arg17[%broadcast_in_dim3A_2661] : memref<304xi32, #tpu.memory_space<vmem>>[vector<16xi32>], vector<16xi32>,
          %reduce_max3A_2663 = arith.constant true
          %reduce_max3A_2664 = vector.broadcast %reduce_max3A_2663 : i1 to vector<16xi1>
          %reduce_max3A_2665 = arith.constant -2147483648 : i32
          %reduce_max3A_2666 = vector.broadcast %reduce_max3A_2665 : i32 to vector<16xi32>
          %reduce_max3A_2667 = arith.xori %gather3A_2662, %reduce_max3A_2666 : vector<16xi32>
          %reduce_max3A_2668 = tpu.scan <max>, %reduce_max3A_2667 masked %reduce_max3A_2664 : vector<16xi32>, vector<16xi1> -> vector<16xi32>
          %reduce_max3A_2669 = arith.xori %reduce_max3A_2668, %reduce_max3A_2666 : vector<16xi32>
          %reduce_max3A_2670 = vector.extract %reduce_max3A_2669[15] : i32 from vector<16xi32>
          %eq3A_2671 = arith.constant 0 : i32
          %eq3A_2672 = arith.cmpi eq, %reduce_max3A_2670, %eq3A_2671 : i32
          scf.yield %reduce_min3A_2261, %eq3A_2672 : i32, i1
        }
        %while3A_1689 = scf.while (%while3A_1690 = %while3A_1688#0) : (i32) -> i32 {
          %ne3A = arith.constant 0 : i32
          %ne3A_1691 = arith.cmpi ne, %while3A_1690, %ne3A : i32
          scf.condition(%ne3A_1691) %while3A_1690 : i32
        } do {
        ^bb0(%while3A_1690: i32):
          %broadcast_in_dim3A_1691 = vector.broadcast %while3A_1690 : i32 to vector<16xi32>
          %gather3A = tpu.vector_load_idx %arg16[%broadcast_in_dim3A_1691] : memref<304xi32, #tpu.memory_space<vmem>>[vector<16xi32>], vector<16xi32>,
          %gather3A_1692 = tpu.vector_load_idx %arg17[%gather3A] : memref<304xi32, #tpu.memory_space<vmem>>[vector<16xi32>], vector<16xi32>,
          tpu.vector_store_idx %arg17[%broadcast_in_dim3A_1691], %gather3A_1692 masked %eq3A_2 : memref<304xi32, #tpu.memory_space<vmem>>[vector<16xi32>], vector<16xi32>, vector<16xi1>
          %gather3A_1693 = tpu.vector_load_idx %arg13[%gather3A] : memref<304xf32, #tpu.memory_space<vmem>>[vector<16xi32>], vector<16xf32>,
          tpu.vector_store_idx %arg13[%broadcast_in_dim3A_1691], %gather3A_1693 masked %eq3A_2 : memref<304xf32, #tpu.memory_space<vmem>>[vector<16xi32>], vector<16xf32>, vector<16xi1>
          %reduce_max3A_1694 = arith.constant true
          %reduce_max3A_1695 = vector.broadcast %reduce_max3A_1694 : i1 to vector<16xi1>
          %reduce_max3A_1696 = arith.constant -2147483648 : i32
          %reduce_max3A_1697 = vector.broadcast %reduce_max3A_1696 : i32 to vector<16xi32>
          %reduce_max3A_1698 = arith.xori %gather3A, %reduce_max3A_1697 : vector<16xi32>
          %reduce_max3A_1699 = tpu.scan <max>, %reduce_max3A_1698 masked %reduce_max3A_1695 : vector<16xi32>, vector<16xi1> -> vector<16xi32>
          %reduce_max3A_1700 = arith.xori %reduce_max3A_1699, %reduce_max3A_1697 : vector<16xi32>
          %reduce_max3A_1701 = vector.extract %reduce_max3A_1700[15] : i32 from vector<16xi32>
          scf.yield %reduce_max3A_1701 : i32
        }
      }
      %scan3A_609 = arith.constant 20 : i32
      %swap3A_610 = arith.constant 0 : index
      %swap3A_611 = tpu.vector_load %arg19[%swap3A_610] {strides = array<i32>} : memref<32xi32, #tpu.memory_space<vmem>>, vector<16xi32>,
      tpu.vector_store %arg19[%swap3A_610], %broadcast_in_dim3A_11 {strides = array<i32>} : memref<32xi32, #tpu.memory_space<vmem>>, vector<16xi32>,
      %swap3A_612 = arith.constant 16 : index
      %swap3A_613 = tpu.vector_load %arg19[%swap3A_612] {strides = array<i32>} : memref<32xi32, #tpu.memory_space<vmem>>, vector<16xi32>,
      tpu.vector_store %arg19[%swap3A_612], %broadcast_in_dim3A_11 {strides = array<i32>} : memref<32xi32, #tpu.memory_space<vmem>>, vector<16xi32>,
      %add3A_614 = arith.constant 0 : i32
      %add3A_615 = vector.broadcast %add3A_614 : i32 to vector<16xi32>
      %add3A_616 = arith.addi %iota3A, %add3A_615 : vector<16xi32>
      %get3A_617 = arith.constant 0 : index
      %get3A_618 = tpu.vector_load %arg17[%get3A_617] {strides = array<i32>} : memref<304xi32, #tpu.memory_space<vmem>>, vector<16xi32>,
      %gt3A = arith.constant 0 : i32
      %gt3A_619 = vector.broadcast %gt3A : i32 to vector<16xi32>
      %gt3A_620 = arith.cmpi sgt, %get3A_618, %gt3A_619 : vector<16xi32>
      %gt3A_621 = arith.constant 0 : i32
      %gt3A_622 = vector.broadcast %gt3A_621 : i32 to vector<16xi32>
      %gt3A_623 = arith.cmpi sgt, %add3A_616, %gt3A_622 : vector<16xi32>
      %and3A = arith.andi %gt3A_620, %gt3A_623 : vector<16xi1>
      %sub3A_624 = arith.constant 1 : i32
      %sub3A_625 = vector.broadcast %sub3A_624 : i32 to vector<16xi32>
      %sub3A_626 = arith.subi %get3A_618, %sub3A_625 : vector<16xi32>
      %sub3A_627 = arith.constant 1 : i32
      %sub3A_628 = vector.broadcast %sub3A_627 : i32 to vector<16xi32>
      %sub3A_629 = arith.subi %add3A_616, %sub3A_628 : vector<16xi32>
      tpu.vector_store_idx %arg19[%sub3A_626], %sub3A_629 masked %and3A : memref<32xi32, #tpu.memory_space<vmem>>[vector<16xi32>], vector<16xi32>, vector<16xi1>
      %add3A_630 = arith.constant 16 : i32
      %add3A_631 = vector.broadcast %add3A_630 : i32 to vector<16xi32>
      %add3A_632 = arith.addi %iota3A, %add3A_631 : vector<16xi32>
      %get3A_633 = arith.constant 16 : index
      %get3A_634 = tpu.vector_load %arg17[%get3A_633] {strides = array<i32>} : memref<304xi32, #tpu.memory_space<vmem>>, vector<16xi32>,
      %gt3A_635 = arith.constant 0 : i32
      %gt3A_636 = vector.broadcast %gt3A_635 : i32 to vector<16xi32>
      %gt3A_637 = arith.cmpi sgt, %get3A_634, %gt3A_636 : vector<16xi32>
      %gt3A_638 = arith.constant 0 : i32
      %gt3A_639 = vector.broadcast %gt3A_638 : i32 to vector<16xi32>
      %gt3A_640 = arith.cmpi sgt, %add3A_632, %gt3A_639 : vector<16xi32>
      %and3A_641 = arith.andi %gt3A_637, %gt3A_640 : vector<16xi1>
      %sub3A_642 = arith.constant 1 : i32
      %sub3A_643 = vector.broadcast %sub3A_642 : i32 to vector<16xi32>
      %sub3A_644 = arith.subi %get3A_634, %sub3A_643 : vector<16xi32>
      %sub3A_645 = arith.constant 1 : i32
      %sub3A_646 = vector.broadcast %sub3A_645 : i32 to vector<16xi32>
      %sub3A_647 = arith.subi %add3A_632, %sub3A_646 : vector<16xi32>
      tpu.vector_store_idx %arg19[%sub3A_644], %sub3A_647 masked %and3A_641 : memref<32xi32, #tpu.memory_space<vmem>>[vector<16xi32>], vector<16xi32>, vector<16xi1>
      %add3A_648 = arith.constant 32 : i32
      %add3A_649 = vector.broadcast %add3A_648 : i32 to vector<16xi32>
      %add3A_650 = arith.addi %iota3A, %add3A_649 : vector<16xi32>
      %get3A_651 = arith.constant 32 : index
      %get3A_652 = tpu.vector_load %arg17[%get3A_651] {strides = array<i32>} : memref<304xi32, #tpu.memory_space<vmem>>, vector<16xi32>,
      %gt3A_653 = arith.constant 0 : i32
      %gt3A_654 = vector.broadcast %gt3A_653 : i32 to vector<16xi32>
      %gt3A_655 = arith.cmpi sgt, %get3A_652, %gt3A_654 : vector<16xi32>
      %gt3A_656 = arith.constant 0 : i32
      %gt3A_657 = vector.broadcast %gt3A_656 : i32 to vector<16xi32>
      %gt3A_658 = arith.cmpi sgt, %add3A_650, %gt3A_657 : vector<16xi32>
      %and3A_659 = arith.andi %gt3A_655, %gt3A_658 : vector<16xi1>
      %sub3A_660 = arith.constant 1 : i32
      %sub3A_661 = vector.broadcast %sub3A_660 : i32 to vector<16xi32>
      %sub3A_662 = arith.subi %get3A_652, %sub3A_661 : vector<16xi32>
      %sub3A_663 = arith.constant 1 : i32
      %sub3A_664 = vector.broadcast %sub3A_663 : i32 to vector<16xi32>
      %sub3A_665 = arith.subi %add3A_650, %sub3A_664 : vector<16xi32>
      tpu.vector_store_idx %arg19[%sub3A_662], %sub3A_665 masked %and3A_659 : memref<32xi32, #tpu.memory_space<vmem>>[vector<16xi32>], vector<16xi32>, vector<16xi1>
      %add3A_666 = arith.constant 48 : i32
      %add3A_667 = vector.broadcast %add3A_666 : i32 to vector<16xi32>
      %add3A_668 = arith.addi %iota3A, %add3A_667 : vector<16xi32>
      %get3A_669 = arith.constant 48 : index
      %get3A_670 = tpu.vector_load %arg17[%get3A_669] {strides = array<i32>} : memref<304xi32, #tpu.memory_space<vmem>>, vector<16xi32>,
      %gt3A_671 = arith.constant 0 : i32
      %gt3A_672 = vector.broadcast %gt3A_671 : i32 to vector<16xi32>
      %gt3A_673 = arith.cmpi sgt, %get3A_670, %gt3A_672 : vector<16xi32>
      %gt3A_674 = arith.constant 0 : i32
      %gt3A_675 = vector.broadcast %gt3A_674 : i32 to vector<16xi32>
      %gt3A_676 = arith.cmpi sgt, %add3A_668, %gt3A_675 : vector<16xi32>
      %and3A_677 = arith.andi %gt3A_673, %gt3A_676 : vector<16xi1>
      %sub3A_678 = arith.constant 1 : i32
      %sub3A_679 = vector.broadcast %sub3A_678 : i32 to vector<16xi32>
      %sub3A_680 = arith.subi %get3A_670, %sub3A_679 : vector<16xi32>
      %sub3A_681 = arith.constant 1 : i32
      %sub3A_682 = vector.broadcast %sub3A_681 : i32 to vector<16xi32>
      %sub3A_683 = arith.subi %add3A_668, %sub3A_682 : vector<16xi32>
      tpu.vector_store_idx %arg19[%sub3A_680], %sub3A_683 masked %and3A_677 : memref<32xi32, #tpu.memory_space<vmem>>[vector<16xi32>], vector<16xi32>, vector<16xi1>
      %add3A_684 = arith.constant 64 : i32
      %add3A_685 = vector.broadcast %add3A_684 : i32 to vector<16xi32>
      %add3A_686 = arith.addi %iota3A, %add3A_685 : vector<16xi32>
      %get3A_687 = arith.constant 64 : index
      %get3A_688 = tpu.vector_load %arg17[%get3A_687] {strides = array<i32>} : memref<304xi32, #tpu.memory_space<vmem>>, vector<16xi32>,
      %gt3A_689 = arith.constant 0 : i32
      %gt3A_690 = vector.broadcast %gt3A_689 : i32 to vector<16xi32>
      %gt3A_691 = arith.cmpi sgt, %get3A_688, %gt3A_690 : vector<16xi32>
      %gt3A_692 = arith.constant 0 : i32
      %gt3A_693 = vector.broadcast %gt3A_692 : i32 to vector<16xi32>
      %gt3A_694 = arith.cmpi sgt, %add3A_686, %gt3A_693 : vector<16xi32>
      %and3A_695 = arith.andi %gt3A_691, %gt3A_694 : vector<16xi1>
      %sub3A_696 = arith.constant 1 : i32
      %sub3A_697 = vector.broadcast %sub3A_696 : i32 to vector<16xi32>
      %sub3A_698 = arith.subi %get3A_688, %sub3A_697 : vector<16xi32>
      %sub3A_699 = arith.constant 1 : i32
      %sub3A_700 = vector.broadcast %sub3A_699 : i32 to vector<16xi32>
      %sub3A_701 = arith.subi %add3A_686, %sub3A_700 : vector<16xi32>
      tpu.vector_store_idx %arg19[%sub3A_698], %sub3A_701 masked %and3A_695 : memref<32xi32, #tpu.memory_space<vmem>>[vector<16xi32>], vector<16xi32>, vector<16xi1>
      %add3A_702 = arith.constant 80 : i32
      %add3A_703 = vector.broadcast %add3A_702 : i32 to vector<16xi32>
      %add3A_704 = arith.addi %iota3A, %add3A_703 : vector<16xi32>
      %get3A_705 = arith.constant 80 : index
      %get3A_706 = tpu.vector_load %arg17[%get3A_705] {strides = array<i32>} : memref<304xi32, #tpu.memory_space<vmem>>, vector<16xi32>,
      %gt3A_707 = arith.constant 0 : i32
      %gt3A_708 = vector.broadcast %gt3A_707 : i32 to vector<16xi32>
      %gt3A_709 = arith.cmpi sgt, %get3A_706, %gt3A_708 : vector<16xi32>
      %gt3A_710 = arith.constant 0 : i32
      %gt3A_711 = vector.broadcast %gt3A_710 : i32 to vector<16xi32>
      %gt3A_712 = arith.cmpi sgt, %add3A_704, %gt3A_711 : vector<16xi32>
      %and3A_713 = arith.andi %gt3A_709, %gt3A_712 : vector<16xi1>
      %sub3A_714 = arith.constant 1 : i32
      %sub3A_715 = vector.broadcast %sub3A_714 : i32 to vector<16xi32>
      %sub3A_716 = arith.subi %get3A_706, %sub3A_715 : vector<16xi32>
      %sub3A_717 = arith.constant 1 : i32
      %sub3A_718 = vector.broadcast %sub3A_717 : i32 to vector<16xi32>
      %sub3A_719 = arith.subi %add3A_704, %sub3A_718 : vector<16xi32>
      tpu.vector_store_idx %arg19[%sub3A_716], %sub3A_719 masked %and3A_713 : memref<32xi32, #tpu.memory_space<vmem>>[vector<16xi32>], vector<16xi32>, vector<16xi1>
      %add3A_720 = arith.constant 96 : i32
      %add3A_721 = vector.broadcast %add3A_720 : i32 to vector<16xi32>
      %add3A_722 = arith.addi %iota3A, %add3A_721 : vector<16xi32>
      %get3A_723 = arith.constant 96 : index
      %get3A_724 = tpu.vector_load %arg17[%get3A_723] {strides = array<i32>} : memref<304xi32, #tpu.memory_space<vmem>>, vector<16xi32>,
      %gt3A_725 = arith.constant 0 : i32
      %gt3A_726 = vector.broadcast %gt3A_725 : i32 to vector<16xi32>
      %gt3A_727 = arith.cmpi sgt, %get3A_724, %gt3A_726 : vector<16xi32>
      %gt3A_728 = arith.constant 0 : i32
      %gt3A_729 = vector.broadcast %gt3A_728 : i32 to vector<16xi32>
      %gt3A_730 = arith.cmpi sgt, %add3A_722, %gt3A_729 : vector<16xi32>
      %and3A_731 = arith.andi %gt3A_727, %gt3A_730 : vector<16xi1>
      %sub3A_732 = arith.constant 1 : i32
      %sub3A_733 = vector.broadcast %sub3A_732 : i32 to vector<16xi32>
      %sub3A_734 = arith.subi %get3A_724, %sub3A_733 : vector<16xi32>
      %sub3A_735 = arith.constant 1 : i32
      %sub3A_736 = vector.broadcast %sub3A_735 : i32 to vector<16xi32>
      %sub3A_737 = arith.subi %add3A_722, %sub3A_736 : vector<16xi32>
      tpu.vector_store_idx %arg19[%sub3A_734], %sub3A_737 masked %and3A_731 : memref<32xi32, #tpu.memory_space<vmem>>[vector<16xi32>], vector<16xi32>, vector<16xi1>
      %add3A_738 = arith.constant 112 : i32
      %add3A_739 = vector.broadcast %add3A_738 : i32 to vector<16xi32>
      %add3A_740 = arith.addi %iota3A, %add3A_739 : vector<16xi32>
      %get3A_741 = arith.constant 112 : index
      %get3A_742 = tpu.vector_load %arg17[%get3A_741] {strides = array<i32>} : memref<304xi32, #tpu.memory_space<vmem>>, vector<16xi32>,
      %gt3A_743 = arith.constant 0 : i32
      %gt3A_744 = vector.broadcast %gt3A_743 : i32 to vector<16xi32>
      %gt3A_745 = arith.cmpi sgt, %get3A_742, %gt3A_744 : vector<16xi32>
      %gt3A_746 = arith.constant 0 : i32
      %gt3A_747 = vector.broadcast %gt3A_746 : i32 to vector<16xi32>
      %gt3A_748 = arith.cmpi sgt, %add3A_740, %gt3A_747 : vector<16xi32>
      %and3A_749 = arith.andi %gt3A_745, %gt3A_748 : vector<16xi1>
      %sub3A_750 = arith.constant 1 : i32
      %sub3A_751 = vector.broadcast %sub3A_750 : i32 to vector<16xi32>
      %sub3A_752 = arith.subi %get3A_742, %sub3A_751 : vector<16xi32>
      %sub3A_753 = arith.constant 1 : i32
      %sub3A_754 = vector.broadcast %sub3A_753 : i32 to vector<16xi32>
      %sub3A_755 = arith.subi %add3A_740, %sub3A_754 : vector<16xi32>
      tpu.vector_store_idx %arg19[%sub3A_752], %sub3A_755 masked %and3A_749 : memref<32xi32, #tpu.memory_space<vmem>>[vector<16xi32>], vector<16xi32>, vector<16xi1>
      %add3A_756 = arith.constant 128 : i32
      %add3A_757 = vector.broadcast %add3A_756 : i32 to vector<16xi32>
      %add3A_758 = arith.addi %iota3A, %add3A_757 : vector<16xi32>
      %get3A_759 = arith.constant 128 : index
      %get3A_760 = tpu.vector_load %arg17[%get3A_759] {strides = array<i32>} : memref<304xi32, #tpu.memory_space<vmem>>, vector<16xi32>,
      %gt3A_761 = arith.constant 0 : i32
      %gt3A_762 = vector.broadcast %gt3A_761 : i32 to vector<16xi32>
      %gt3A_763 = arith.cmpi sgt, %get3A_760, %gt3A_762 : vector<16xi32>
      %gt3A_764 = arith.constant 0 : i32
      %gt3A_765 = vector.broadcast %gt3A_764 : i32 to vector<16xi32>
      %gt3A_766 = arith.cmpi sgt, %add3A_758, %gt3A_765 : vector<16xi32>
      %and3A_767 = arith.andi %gt3A_763, %gt3A_766 : vector<16xi1>
      %sub3A_768 = arith.constant 1 : i32
      %sub3A_769 = vector.broadcast %sub3A_768 : i32 to vector<16xi32>
      %sub3A_770 = arith.subi %get3A_760, %sub3A_769 : vector<16xi32>
      %sub3A_771 = arith.constant 1 : i32
      %sub3A_772 = vector.broadcast %sub3A_771 : i32 to vector<16xi32>
      %sub3A_773 = arith.subi %add3A_758, %sub3A_772 : vector<16xi32>
      tpu.vector_store_idx %arg19[%sub3A_770], %sub3A_773 masked %and3A_767 : memref<32xi32, #tpu.memory_space<vmem>>[vector<16xi32>], vector<16xi32>, vector<16xi1>
      %add3A_774 = arith.constant 144 : i32
      %add3A_775 = vector.broadcast %add3A_774 : i32 to vector<16xi32>
      %add3A_776 = arith.addi %iota3A, %add3A_775 : vector<16xi32>
      %get3A_777 = arith.constant 144 : index
      %get3A_778 = tpu.vector_load %arg17[%get3A_777] {strides = array<i32>} : memref<304xi32, #tpu.memory_space<vmem>>, vector<16xi32>,
      %gt3A_779 = arith.constant 0 : i32
      %gt3A_780 = vector.broadcast %gt3A_779 : i32 to vector<16xi32>
      %gt3A_781 = arith.cmpi sgt, %get3A_778, %gt3A_780 : vector<16xi32>
      %gt3A_782 = arith.constant 0 : i32
      %gt3A_783 = vector.broadcast %gt3A_782 : i32 to vector<16xi32>
      %gt3A_784 = arith.cmpi sgt, %add3A_776, %gt3A_783 : vector<16xi32>
      %and3A_785 = arith.andi %gt3A_781, %gt3A_784 : vector<16xi1>
      %sub3A_786 = arith.constant 1 : i32
      %sub3A_787 = vector.broadcast %sub3A_786 : i32 to vector<16xi32>
      %sub3A_788 = arith.subi %get3A_778, %sub3A_787 : vector<16xi32>
      %sub3A_789 = arith.constant 1 : i32
      %sub3A_790 = vector.broadcast %sub3A_789 : i32 to vector<16xi32>
      %sub3A_791 = arith.subi %add3A_776, %sub3A_790 : vector<16xi32>
      tpu.vector_store_idx %arg19[%sub3A_788], %sub3A_791 masked %and3A_785 : memref<32xi32, #tpu.memory_space<vmem>>[vector<16xi32>], vector<16xi32>, vector<16xi1>
      %add3A_792 = arith.constant 160 : i32
      %add3A_793 = vector.broadcast %add3A_792 : i32 to vector<16xi32>
      %add3A_794 = arith.addi %iota3A, %add3A_793 : vector<16xi32>
      %get3A_795 = arith.constant 160 : index
      %get3A_796 = tpu.vector_load %arg17[%get3A_795] {strides = array<i32>} : memref<304xi32, #tpu.memory_space<vmem>>, vector<16xi32>,
      %gt3A_797 = arith.constant 0 : i32
      %gt3A_798 = vector.broadcast %gt3A_797 : i32 to vector<16xi32>
      %gt3A_799 = arith.cmpi sgt, %get3A_796, %gt3A_798 : vector<16xi32>
      %gt3A_800 = arith.constant 0 : i32
      %gt3A_801 = vector.broadcast %gt3A_800 : i32 to vector<16xi32>
      %gt3A_802 = arith.cmpi sgt, %add3A_794, %gt3A_801 : vector<16xi32>
      %and3A_803 = arith.andi %gt3A_799, %gt3A_802 : vector<16xi1>
      %sub3A_804 = arith.constant 1 : i32
      %sub3A_805 = vector.broadcast %sub3A_804 : i32 to vector<16xi32>
      %sub3A_806 = arith.subi %get3A_796, %sub3A_805 : vector<16xi32>
      %sub3A_807 = arith.constant 1 : i32
      %sub3A_808 = vector.broadcast %sub3A_807 : i32 to vector<16xi32>
      %sub3A_809 = arith.subi %add3A_794, %sub3A_808 : vector<16xi32>
      tpu.vector_store_idx %arg19[%sub3A_806], %sub3A_809 masked %and3A_803 : memref<32xi32, #tpu.memory_space<vmem>>[vector<16xi32>], vector<16xi32>, vector<16xi1>
      %add3A_810 = arith.constant 176 : i32
      %add3A_811 = vector.broadcast %add3A_810 : i32 to vector<16xi32>
      %add3A_812 = arith.addi %iota3A, %add3A_811 : vector<16xi32>
      %get3A_813 = arith.constant 176 : index
      %get3A_814 = tpu.vector_load %arg17[%get3A_813] {strides = array<i32>} : memref<304xi32, #tpu.memory_space<vmem>>, vector<16xi32>,
      %gt3A_815 = arith.constant 0 : i32
      %gt3A_816 = vector.broadcast %gt3A_815 : i32 to vector<16xi32>
      %gt3A_817 = arith.cmpi sgt, %get3A_814, %gt3A_816 : vector<16xi32>
      %gt3A_818 = arith.constant 0 : i32
      %gt3A_819 = vector.broadcast %gt3A_818 : i32 to vector<16xi32>
      %gt3A_820 = arith.cmpi sgt, %add3A_812, %gt3A_819 : vector<16xi32>
      %and3A_821 = arith.andi %gt3A_817, %gt3A_820 : vector<16xi1>
      %sub3A_822 = arith.constant 1 : i32
      %sub3A_823 = vector.broadcast %sub3A_822 : i32 to vector<16xi32>
      %sub3A_824 = arith.subi %get3A_814, %sub3A_823 : vector<16xi32>
      %sub3A_825 = arith.constant 1 : i32
      %sub3A_826 = vector.broadcast %sub3A_825 : i32 to vector<16xi32>
      %sub3A_827 = arith.subi %add3A_812, %sub3A_826 : vector<16xi32>
      tpu.vector_store_idx %arg19[%sub3A_824], %sub3A_827 masked %and3A_821 : memref<32xi32, #tpu.memory_space<vmem>>[vector<16xi32>], vector<16xi32>, vector<16xi1>
      %add3A_828 = arith.constant 192 : i32
      %add3A_829 = vector.broadcast %add3A_828 : i32 to vector<16xi32>
      %add3A_830 = arith.addi %iota3A, %add3A_829 : vector<16xi32>
      %get3A_831 = arith.constant 192 : index
      %get3A_832 = tpu.vector_load %arg17[%get3A_831] {strides = array<i32>} : memref<304xi32, #tpu.memory_space<vmem>>, vector<16xi32>,
      %gt3A_833 = arith.constant 0 : i32
      %gt3A_834 = vector.broadcast %gt3A_833 : i32 to vector<16xi32>
      %gt3A_835 = arith.cmpi sgt, %get3A_832, %gt3A_834 : vector<16xi32>
      %gt3A_836 = arith.constant 0 : i32
      %gt3A_837 = vector.broadcast %gt3A_836 : i32 to vector<16xi32>
      %gt3A_838 = arith.cmpi sgt, %add3A_830, %gt3A_837 : vector<16xi32>
      %and3A_839 = arith.andi %gt3A_835, %gt3A_838 : vector<16xi1>
      %sub3A_840 = arith.constant 1 : i32
      %sub3A_841 = vector.broadcast %sub3A_840 : i32 to vector<16xi32>
      %sub3A_842 = arith.subi %get3A_832, %sub3A_841 : vector<16xi32>
      %sub3A_843 = arith.constant 1 : i32
      %sub3A_844 = vector.broadcast %sub3A_843 : i32 to vector<16xi32>
      %sub3A_845 = arith.subi %add3A_830, %sub3A_844 : vector<16xi32>
      tpu.vector_store_idx %arg19[%sub3A_842], %sub3A_845 masked %and3A_839 : memref<32xi32, #tpu.memory_space<vmem>>[vector<16xi32>], vector<16xi32>, vector<16xi1>
      %add3A_846 = arith.constant 208 : i32
      %add3A_847 = vector.broadcast %add3A_846 : i32 to vector<16xi32>
      %add3A_848 = arith.addi %iota3A, %add3A_847 : vector<16xi32>
      %get3A_849 = arith.constant 208 : index
      %get3A_850 = tpu.vector_load %arg17[%get3A_849] {strides = array<i32>} : memref<304xi32, #tpu.memory_space<vmem>>, vector<16xi32>,
      %gt3A_851 = arith.constant 0 : i32
      %gt3A_852 = vector.broadcast %gt3A_851 : i32 to vector<16xi32>
      %gt3A_853 = arith.cmpi sgt, %get3A_850, %gt3A_852 : vector<16xi32>
      %gt3A_854 = arith.constant 0 : i32
      %gt3A_855 = vector.broadcast %gt3A_854 : i32 to vector<16xi32>
      %gt3A_856 = arith.cmpi sgt, %add3A_848, %gt3A_855 : vector<16xi32>
      %and3A_857 = arith.andi %gt3A_853, %gt3A_856 : vector<16xi1>
      %sub3A_858 = arith.constant 1 : i32
      %sub3A_859 = vector.broadcast %sub3A_858 : i32 to vector<16xi32>
      %sub3A_860 = arith.subi %get3A_850, %sub3A_859 : vector<16xi32>
      %sub3A_861 = arith.constant 1 : i32
      %sub3A_862 = vector.broadcast %sub3A_861 : i32 to vector<16xi32>
      %sub3A_863 = arith.subi %add3A_848, %sub3A_862 : vector<16xi32>
      tpu.vector_store_idx %arg19[%sub3A_860], %sub3A_863 masked %and3A_857 : memref<32xi32, #tpu.memory_space<vmem>>[vector<16xi32>], vector<16xi32>, vector<16xi1>
      %add3A_864 = arith.constant 224 : i32
      %add3A_865 = vector.broadcast %add3A_864 : i32 to vector<16xi32>
      %add3A_866 = arith.addi %iota3A, %add3A_865 : vector<16xi32>
      %get3A_867 = arith.constant 224 : index
      %get3A_868 = tpu.vector_load %arg17[%get3A_867] {strides = array<i32>} : memref<304xi32, #tpu.memory_space<vmem>>, vector<16xi32>,
      %gt3A_869 = arith.constant 0 : i32
      %gt3A_870 = vector.broadcast %gt3A_869 : i32 to vector<16xi32>
      %gt3A_871 = arith.cmpi sgt, %get3A_868, %gt3A_870 : vector<16xi32>
      %gt3A_872 = arith.constant 0 : i32
      %gt3A_873 = vector.broadcast %gt3A_872 : i32 to vector<16xi32>
      %gt3A_874 = arith.cmpi sgt, %add3A_866, %gt3A_873 : vector<16xi32>
      %and3A_875 = arith.andi %gt3A_871, %gt3A_874 : vector<16xi1>
      %sub3A_876 = arith.constant 1 : i32
      %sub3A_877 = vector.broadcast %sub3A_876 : i32 to vector<16xi32>
      %sub3A_878 = arith.subi %get3A_868, %sub3A_877 : vector<16xi32>
      %sub3A_879 = arith.constant 1 : i32
      %sub3A_880 = vector.broadcast %sub3A_879 : i32 to vector<16xi32>
      %sub3A_881 = arith.subi %add3A_866, %sub3A_880 : vector<16xi32>
      tpu.vector_store_idx %arg19[%sub3A_878], %sub3A_881 masked %and3A_875 : memref<32xi32, #tpu.memory_space<vmem>>[vector<16xi32>], vector<16xi32>, vector<16xi1>
      %add3A_882 = arith.constant 240 : i32
      %add3A_883 = vector.broadcast %add3A_882 : i32 to vector<16xi32>
      %add3A_884 = arith.addi %iota3A, %add3A_883 : vector<16xi32>
      %get3A_885 = arith.constant 240 : index
      %get3A_886 = tpu.vector_load %arg17[%get3A_885] {strides = array<i32>} : memref<304xi32, #tpu.memory_space<vmem>>, vector<16xi32>,
      %gt3A_887 = arith.constant 0 : i32
      %gt3A_888 = vector.broadcast %gt3A_887 : i32 to vector<16xi32>
      %gt3A_889 = arith.cmpi sgt, %get3A_886, %gt3A_888 : vector<16xi32>
      %gt3A_890 = arith.constant 0 : i32
      %gt3A_891 = vector.broadcast %gt3A_890 : i32 to vector<16xi32>
      %gt3A_892 = arith.cmpi sgt, %add3A_884, %gt3A_891 : vector<16xi32>
      %and3A_893 = arith.andi %gt3A_889, %gt3A_892 : vector<16xi1>
      %sub3A_894 = arith.constant 1 : i32
      %sub3A_895 = vector.broadcast %sub3A_894 : i32 to vector<16xi32>
      %sub3A_896 = arith.subi %get3A_886, %sub3A_895 : vector<16xi32>
      %sub3A_897 = arith.constant 1 : i32
      %sub3A_898 = vector.broadcast %sub3A_897 : i32 to vector<16xi32>
      %sub3A_899 = arith.subi %add3A_884, %sub3A_898 : vector<16xi32>
      tpu.vector_store_idx %arg19[%sub3A_896], %sub3A_899 masked %and3A_893 : memref<32xi32, #tpu.memory_space<vmem>>[vector<16xi32>], vector<16xi32>, vector<16xi1>
      %add3A_900 = arith.constant 256 : i32
      %add3A_901 = vector.broadcast %add3A_900 : i32 to vector<16xi32>
      %add3A_902 = arith.addi %iota3A, %add3A_901 : vector<16xi32>
      %get3A_903 = arith.constant 256 : index
      %get3A_904 = tpu.vector_load %arg17[%get3A_903] {strides = array<i32>} : memref<304xi32, #tpu.memory_space<vmem>>, vector<16xi32>,
      %gt3A_905 = arith.constant 0 : i32
      %gt3A_906 = vector.broadcast %gt3A_905 : i32 to vector<16xi32>
      %gt3A_907 = arith.cmpi sgt, %get3A_904, %gt3A_906 : vector<16xi32>
      %gt3A_908 = arith.constant 0 : i32
      %gt3A_909 = vector.broadcast %gt3A_908 : i32 to vector<16xi32>
      %gt3A_910 = arith.cmpi sgt, %add3A_902, %gt3A_909 : vector<16xi32>
      %and3A_911 = arith.andi %gt3A_907, %gt3A_910 : vector<16xi1>
      %sub3A_912 = arith.constant 1 : i32
      %sub3A_913 = vector.broadcast %sub3A_912 : i32 to vector<16xi32>
      %sub3A_914 = arith.subi %get3A_904, %sub3A_913 : vector<16xi32>
      %sub3A_915 = arith.constant 1 : i32
      %sub3A_916 = vector.broadcast %sub3A_915 : i32 to vector<16xi32>
      %sub3A_917 = arith.subi %add3A_902, %sub3A_916 : vector<16xi32>
      tpu.vector_store_idx %arg19[%sub3A_914], %sub3A_917 masked %and3A_911 : memref<32xi32, #tpu.memory_space<vmem>>[vector<16xi32>], vector<16xi32>, vector<16xi1>
      %add3A_918 = arith.constant 272 : i32
      %add3A_919 = vector.broadcast %add3A_918 : i32 to vector<16xi32>
      %add3A_920 = arith.addi %iota3A, %add3A_919 : vector<16xi32>
      %get3A_921 = arith.constant 272 : index
      %get3A_922 = tpu.vector_load %arg17[%get3A_921] {strides = array<i32>} : memref<304xi32, #tpu.memory_space<vmem>>, vector<16xi32>,
      %gt3A_923 = arith.constant 0 : i32
      %gt3A_924 = vector.broadcast %gt3A_923 : i32 to vector<16xi32>
      %gt3A_925 = arith.cmpi sgt, %get3A_922, %gt3A_924 : vector<16xi32>
      %gt3A_926 = arith.constant 0 : i32
      %gt3A_927 = vector.broadcast %gt3A_926 : i32 to vector<16xi32>
      %gt3A_928 = arith.cmpi sgt, %add3A_920, %gt3A_927 : vector<16xi32>
      %and3A_929 = arith.andi %gt3A_925, %gt3A_928 : vector<16xi1>
      %sub3A_930 = arith.constant 1 : i32
      %sub3A_931 = vector.broadcast %sub3A_930 : i32 to vector<16xi32>
      %sub3A_932 = arith.subi %get3A_922, %sub3A_931 : vector<16xi32>
      %sub3A_933 = arith.constant 1 : i32
      %sub3A_934 = vector.broadcast %sub3A_933 : i32 to vector<16xi32>
      %sub3A_935 = arith.subi %add3A_920, %sub3A_934 : vector<16xi32>
      tpu.vector_store_idx %arg19[%sub3A_932], %sub3A_935 masked %and3A_929 : memref<32xi32, #tpu.memory_space<vmem>>[vector<16xi32>], vector<16xi32>, vector<16xi1>
      %add3A_936 = arith.constant 288 : i32
      %add3A_937 = vector.broadcast %add3A_936 : i32 to vector<16xi32>
      %add3A_938 = arith.addi %iota3A, %add3A_937 : vector<16xi32>
      %get3A_939 = arith.constant 288 : index
      %get3A_940 = tpu.vector_load %arg17[%get3A_939] {strides = array<i32>} : memref<304xi32, #tpu.memory_space<vmem>>, vector<16xi32>,
      %gt3A_941 = arith.constant 0 : i32
      %gt3A_942 = vector.broadcast %gt3A_941 : i32 to vector<16xi32>
      %gt3A_943 = arith.cmpi sgt, %get3A_940, %gt3A_942 : vector<16xi32>
      %gt3A_944 = arith.constant 0 : i32
      %gt3A_945 = vector.broadcast %gt3A_944 : i32 to vector<16xi32>
      %gt3A_946 = arith.cmpi sgt, %add3A_938, %gt3A_945 : vector<16xi32>
      %and3A_947 = arith.andi %gt3A_943, %gt3A_946 : vector<16xi1>
      %sub3A_948 = arith.constant 1 : i32
      %sub3A_949 = vector.broadcast %sub3A_948 : i32 to vector<16xi32>
      %sub3A_950 = arith.subi %get3A_940, %sub3A_949 : vector<16xi32>
      %sub3A_951 = arith.constant 1 : i32
      %sub3A_952 = vector.broadcast %sub3A_951 : i32 to vector<16xi32>
      %sub3A_953 = arith.subi %add3A_938, %sub3A_952 : vector<16xi32>
      tpu.vector_store_idx %arg19[%sub3A_950], %sub3A_953 masked %and3A_947 : memref<32xi32, #tpu.memory_space<vmem>>[vector<16xi32>], vector<16xi32>, vector<16xi1>
      %get3A_954 = arith.constant 0 : index
      %get3A_955 = tpu.vector_load %arg19[%get3A_954] {strides = array<i32>} : memref<32xi32, #tpu.memory_space<vmem>>, vector<16xi32>,
      %get3A_956 = arith.constant 16 : index
      %get3A_957 = tpu.vector_load %arg19[%get3A_956] {strides = array<i32>} : memref<32xi32, #tpu.memory_space<vmem>>, vector<16xi32>,
      %eq3A_958 = arith.constant 0 : i32
      %eq3A_959 = vector.broadcast %eq3A_958 : i32 to vector<16xi32>
      %eq3A_960 = arith.cmpi eq, %iota3A, %eq3A_959 : vector<16xi32>
      %sub3A_961 = arith.constant 1 : i32
      %sub3A_962 = vector.broadcast %sub3A_961 : i32 to vector<16xi32>
      %sub3A_963 = arith.subi %broadcast_in_dim3A_5, %sub3A_962 : vector<16xi32>
      %select_n3A_964 = arith.select %eq3A_960, %get3A_955, %sub3A_963 : vector<16xi1>, vector<16xi32>
      %reduce_max3A_965 = arith.constant true
      %reduce_max3A_966 = vector.broadcast %reduce_max3A_965 : i1 to vector<16xi1>
      %reduce_max3A_967 = arith.constant -2147483648 : i32
      %reduce_max3A_968 = vector.broadcast %reduce_max3A_967 : i32 to vector<16xi32>
      %reduce_max3A_969 = arith.xori %select_n3A_964, %reduce_max3A_968 : vector<16xi32>
      %reduce_max3A_970 = tpu.scan <max>, %reduce_max3A_969 masked %reduce_max3A_966 : vector<16xi32>, vector<16xi1> -> vector<16xi32>
      %reduce_max3A_971 = arith.xori %reduce_max3A_970, %reduce_max3A_968 : vector<16xi32>
      %reduce_max3A_972 = vector.extract %reduce_max3A_971[15] : i32 from vector<16xi32>
      %broadcast_in_dim3A_973 = vector.broadcast %reduce_max3A_972 : i32 to vector<16xi32>
      %lt3A_974 = arith.cmpi slt, %get3A_955, %broadcast_in_dim3A_973 : vector<16xi32>
      %all_reduce_population_count3A = tpu.all_reduce %lt3A_974 {dim = 0 : i64, kind = #tpu.reduction_kind<sum>} : vector<16xi1> -> vector<16xi32>
      %lt3A_975 = arith.cmpi slt, %get3A_957, %broadcast_in_dim3A_973 : vector<16xi32>
      %all_reduce_population_count3A_976 = tpu.all_reduce %lt3A_975 {dim = 0 : i64, kind = #tpu.reduction_kind<sum>} : vector<16xi1> -> vector<16xi32>
      %add3A_977 = arith.addi %all_reduce_population_count3A, %all_reduce_population_count3A_976 : vector<16xi32>
      tpu.vector_store_idx %arg18[%add3A_977], %broadcast_in_dim3A_973 masked %eq3A_2 : memref<64xi32, #tpu.memory_space<vmem>>[vector<16xi32>], vector<16xi32>, vector<16xi1>
      %add3A_978 = arith.constant 32 : i32
      %add3A_979 = vector.broadcast %add3A_978 : i32 to vector<16xi32>
      %add3A_980 = arith.addi %add3A_977, %add3A_979 : vector<16xi32>
      %broadcast_in_dim3A_981 = arith.constant 0 : i32
      %broadcast_in_dim3A_982 = vector.broadcast %broadcast_in_dim3A_981 : i32 to vector<16xi32>
      tpu.vector_store_idx %arg18[%add3A_980], %broadcast_in_dim3A_982 masked %eq3A_2 : memref<64xi32, #tpu.memory_space<vmem>>[vector<16xi32>], vector<16xi32>, vector<16xi1>
      %eq3A_983 = arith.constant 1 : i32
      %eq3A_984 = vector.broadcast %eq3A_983 : i32 to vector<16xi32>
      %eq3A_985 = arith.cmpi eq, %iota3A, %eq3A_984 : vector<16xi32>
      %sub3A_986 = arith.constant 1 : i32
      %sub3A_987 = vector.broadcast %sub3A_986 : i32 to vector<16xi32>
      %sub3A_988 = arith.subi %broadcast_in_dim3A_5, %sub3A_987 : vector<16xi32>
      %select_n3A_989 = arith.select %eq3A_985, %get3A_955, %sub3A_988 : vector<16xi1>, vector<16xi32>
      %reduce_max3A_990 = arith.constant true
      %reduce_max3A_991 = vector.broadcast %reduce_max3A_990 : i1 to vector<16xi1>
      %reduce_max3A_992 = arith.constant -2147483648 : i32
      %reduce_max3A_993 = vector.broadcast %reduce_max3A_992 : i32 to vector<16xi32>
      %reduce_max3A_994 = arith.xori %select_n3A_989, %reduce_max3A_993 : vector<16xi32>
      %reduce_max3A_995 = tpu.scan <max>, %reduce_max3A_994 masked %reduce_max3A_991 : vector<16xi32>, vector<16xi1> -> vector<16xi32>
      %reduce_max3A_996 = arith.xori %reduce_max3A_995, %reduce_max3A_993 : vector<16xi32>
      %reduce_max3A_997 = vector.extract %reduce_max3A_996[15] : i32 from vector<16xi32>
      %broadcast_in_dim3A_998 = vector.broadcast %reduce_max3A_997 : i32 to vector<16xi32>
      %lt3A_999 = arith.cmpi slt, %get3A_955, %broadcast_in_dim3A_998 : vector<16xi32>
      %all_reduce_population_count3A_1000 = tpu.all_reduce %lt3A_999 {dim = 0 : i64, kind = #tpu.reduction_kind<sum>} : vector<16xi1> -> vector<16xi32>
      %lt3A_1001 = arith.cmpi slt, %get3A_957, %broadcast_in_dim3A_998 : vector<16xi32>
      %all_reduce_population_count3A_1002 = tpu.all_reduce %lt3A_1001 {dim = 0 : i64, kind = #tpu.reduction_kind<sum>} : vector<16xi1> -> vector<16xi32>
      %add3A_1003 = arith.addi %all_reduce_population_count3A_1000, %all_reduce_population_count3A_1002 : vector<16xi32>
      tpu.vector_store_idx %arg18[%add3A_1003], %broadcast_in_dim3A_998 masked %eq3A_2 : memref<64xi32, #tpu.memory_space<vmem>>[vector<16xi32>], vector<16xi32>, vector<16xi1>
      %add3A_1004 = arith.constant 32 : i32
      %add3A_1005 = vector.broadcast %add3A_1004 : i32 to vector<16xi32>
      %add3A_1006 = arith.addi %add3A_1003, %add3A_1005 : vector<16xi32>
      %broadcast_in_dim3A_1007 = arith.constant 1 : i32
      %broadcast_in_dim3A_1008 = vector.broadcast %broadcast_in_dim3A_1007 : i32 to vector<16xi32>
      tpu.vector_store_idx %arg18[%add3A_1006], %broadcast_in_dim3A_1008 masked %eq3A_2 : memref<64xi32, #tpu.memory_space<vmem>>[vector<16xi32>], vector<16xi32>, vector<16xi1>
      %eq3A_1009 = arith.constant 2 : i32
      %eq3A_1010 = vector.broadcast %eq3A_1009 : i32 to vector<16xi32>
      %eq3A_1011 = arith.cmpi eq, %iota3A, %eq3A_1010 : vector<16xi32>
      %sub3A_1012 = arith.constant 1 : i32
      %sub3A_1013 = vector.broadcast %sub3A_1012 : i32 to vector<16xi32>
      %sub3A_1014 = arith.subi %broadcast_in_dim3A_5, %sub3A_1013 : vector<16xi32>
      %select_n3A_1015 = arith.select %eq3A_1011, %get3A_955, %sub3A_1014 : vector<16xi1>, vector<16xi32>
      %reduce_max3A_1016 = arith.constant true
      %reduce_max3A_1017 = vector.broadcast %reduce_max3A_1016 : i1 to vector<16xi1>
      %reduce_max3A_1018 = arith.constant -2147483648 : i32
      %reduce_max3A_1019 = vector.broadcast %reduce_max3A_1018 : i32 to vector<16xi32>
      %reduce_max3A_1020 = arith.xori %select_n3A_1015, %reduce_max3A_1019 : vector<16xi32>
      %reduce_max3A_1021 = tpu.scan <max>, %reduce_max3A_1020 masked %reduce_max3A_1017 : vector<16xi32>, vector<16xi1> -> vector<16xi32>
      %reduce_max3A_1022 = arith.xori %reduce_max3A_1021, %reduce_max3A_1019 : vector<16xi32>
      %reduce_max3A_1023 = vector.extract %reduce_max3A_1022[15] : i32 from vector<16xi32>
      %broadcast_in_dim3A_1024 = vector.broadcast %reduce_max3A_1023 : i32 to vector<16xi32>
      %lt3A_1025 = arith.cmpi slt, %get3A_955, %broadcast_in_dim3A_1024 : vector<16xi32>
      %all_reduce_population_count3A_1026 = tpu.all_reduce %lt3A_1025 {dim = 0 : i64, kind = #tpu.reduction_kind<sum>} : vector<16xi1> -> vector<16xi32>
      %lt3A_1027 = arith.cmpi slt, %get3A_957, %broadcast_in_dim3A_1024 : vector<16xi32>
      %all_reduce_population_count3A_1028 = tpu.all_reduce %lt3A_1027 {dim = 0 : i64, kind = #tpu.reduction_kind<sum>} : vector<16xi1> -> vector<16xi32>
      %add3A_1029 = arith.addi %all_reduce_population_count3A_1026, %all_reduce_population_count3A_1028 : vector<16xi32>
      tpu.vector_store_idx %arg18[%add3A_1029], %broadcast_in_dim3A_1024 masked %eq3A_2 : memref<64xi32, #tpu.memory_space<vmem>>[vector<16xi32>], vector<16xi32>, vector<16xi1>
      %add3A_1030 = arith.constant 32 : i32
      %add3A_1031 = vector.broadcast %add3A_1030 : i32 to vector<16xi32>
      %add3A_1032 = arith.addi %add3A_1029, %add3A_1031 : vector<16xi32>
      %broadcast_in_dim3A_1033 = arith.constant 2 : i32
      %broadcast_in_dim3A_1034 = vector.broadcast %broadcast_in_dim3A_1033 : i32 to vector<16xi32>
      tpu.vector_store_idx %arg18[%add3A_1032], %broadcast_in_dim3A_1034 masked %eq3A_2 : memref<64xi32, #tpu.memory_space<vmem>>[vector<16xi32>], vector<16xi32>, vector<16xi1>
      %eq3A_1035 = arith.constant 3 : i32
      %eq3A_1036 = vector.broadcast %eq3A_1035 : i32 to vector<16xi32>
      %eq3A_1037 = arith.cmpi eq, %iota3A, %eq3A_1036 : vector<16xi32>
      %sub3A_1038 = arith.constant 1 : i32
      %sub3A_1039 = vector.broadcast %sub3A_1038 : i32 to vector<16xi32>
      %sub3A_1040 = arith.subi %broadcast_in_dim3A_5, %sub3A_1039 : vector<16xi32>
      %select_n3A_1041 = arith.select %eq3A_1037, %get3A_955, %sub3A_1040 : vector<16xi1>, vector<16xi32>
      %reduce_max3A_1042 = arith.constant true
      %reduce_max3A_1043 = vector.broadcast %reduce_max3A_1042 : i1 to vector<16xi1>
      %reduce_max3A_1044 = arith.constant -2147483648 : i32
      %reduce_max3A_1045 = vector.broadcast %reduce_max3A_1044 : i32 to vector<16xi32>
      %reduce_max3A_1046 = arith.xori %select_n3A_1041, %reduce_max3A_1045 : vector<16xi32>
      %reduce_max3A_1047 = tpu.scan <max>, %reduce_max3A_1046 masked %reduce_max3A_1043 : vector<16xi32>, vector<16xi1> -> vector<16xi32>
      %reduce_max3A_1048 = arith.xori %reduce_max3A_1047, %reduce_max3A_1045 : vector<16xi32>
      %reduce_max3A_1049 = vector.extract %reduce_max3A_1048[15] : i32 from vector<16xi32>
      %broadcast_in_dim3A_1050 = vector.broadcast %reduce_max3A_1049 : i32 to vector<16xi32>
      %lt3A_1051 = arith.cmpi slt, %get3A_955, %broadcast_in_dim3A_1050 : vector<16xi32>
      %all_reduce_population_count3A_1052 = tpu.all_reduce %lt3A_1051 {dim = 0 : i64, kind = #tpu.reduction_kind<sum>} : vector<16xi1> -> vector<16xi32>
      %lt3A_1053 = arith.cmpi slt, %get3A_957, %broadcast_in_dim3A_1050 : vector<16xi32>
      %all_reduce_population_count3A_1054 = tpu.all_reduce %lt3A_1053 {dim = 0 : i64, kind = #tpu.reduction_kind<sum>} : vector<16xi1> -> vector<16xi32>
      %add3A_1055 = arith.addi %all_reduce_population_count3A_1052, %all_reduce_population_count3A_1054 : vector<16xi32>
      tpu.vector_store_idx %arg18[%add3A_1055], %broadcast_in_dim3A_1050 masked %eq3A_2 : memref<64xi32, #tpu.memory_space<vmem>>[vector<16xi32>], vector<16xi32>, vector<16xi1>
      %add3A_1056 = arith.constant 32 : i32
      %add3A_1057 = vector.broadcast %add3A_1056 : i32 to vector<16xi32>
      %add3A_1058 = arith.addi %add3A_1055, %add3A_1057 : vector<16xi32>
      %broadcast_in_dim3A_1059 = arith.constant 3 : i32
      %broadcast_in_dim3A_1060 = vector.broadcast %broadcast_in_dim3A_1059 : i32 to vector<16xi32>
      tpu.vector_store_idx %arg18[%add3A_1058], %broadcast_in_dim3A_1060 masked %eq3A_2 : memref<64xi32, #tpu.memory_space<vmem>>[vector<16xi32>], vector<16xi32>, vector<16xi1>
      %eq3A_1061 = arith.constant 4 : i32
      %eq3A_1062 = vector.broadcast %eq3A_1061 : i32 to vector<16xi32>
      %eq3A_1063 = arith.cmpi eq, %iota3A, %eq3A_1062 : vector<16xi32>
      %sub3A_1064 = arith.constant 1 : i32
      %sub3A_1065 = vector.broadcast %sub3A_1064 : i32 to vector<16xi32>
      %sub3A_1066 = arith.subi %broadcast_in_dim3A_5, %sub3A_1065 : vector<16xi32>
      %select_n3A_1067 = arith.select %eq3A_1063, %get3A_955, %sub3A_1066 : vector<16xi1>, vector<16xi32>
      %reduce_max3A_1068 = arith.constant true
      %reduce_max3A_1069 = vector.broadcast %reduce_max3A_1068 : i1 to vector<16xi1>
      %reduce_max3A_1070 = arith.constant -2147483648 : i32
      %reduce_max3A_1071 = vector.broadcast %reduce_max3A_1070 : i32 to vector<16xi32>
      %reduce_max3A_1072 = arith.xori %select_n3A_1067, %reduce_max3A_1071 : vector<16xi32>
      %reduce_max3A_1073 = tpu.scan <max>, %reduce_max3A_1072 masked %reduce_max3A_1069 : vector<16xi32>, vector<16xi1> -> vector<16xi32>
      %reduce_max3A_1074 = arith.xori %reduce_max3A_1073, %reduce_max3A_1071 : vector<16xi32>
      %reduce_max3A_1075 = vector.extract %reduce_max3A_1074[15] : i32 from vector<16xi32>
      %broadcast_in_dim3A_1076 = vector.broadcast %reduce_max3A_1075 : i32 to vector<16xi32>
      %lt3A_1077 = arith.cmpi slt, %get3A_955, %broadcast_in_dim3A_1076 : vector<16xi32>
      %all_reduce_population_count3A_1078 = tpu.all_reduce %lt3A_1077 {dim = 0 : i64, kind = #tpu.reduction_kind<sum>} : vector<16xi1> -> vector<16xi32>
      %lt3A_1079 = arith.cmpi slt, %get3A_957, %broadcast_in_dim3A_1076 : vector<16xi32>
      %all_reduce_population_count3A_1080 = tpu.all_reduce %lt3A_1079 {dim = 0 : i64, kind = #tpu.reduction_kind<sum>} : vector<16xi1> -> vector<16xi32>
      %add3A_1081 = arith.addi %all_reduce_population_count3A_1078, %all_reduce_population_count3A_1080 : vector<16xi32>
      tpu.vector_store_idx %arg18[%add3A_1081], %broadcast_in_dim3A_1076 masked %eq3A_2 : memref<64xi32, #tpu.memory_space<vmem>>[vector<16xi32>], vector<16xi32>, vector<16xi1>
      %add3A_1082 = arith.constant 32 : i32
      %add3A_1083 = vector.broadcast %add3A_1082 : i32 to vector<16xi32>
      %add3A_1084 = arith.addi %add3A_1081, %add3A_1083 : vector<16xi32>
      %broadcast_in_dim3A_1085 = arith.constant 4 : i32
      %broadcast_in_dim3A_1086 = vector.broadcast %broadcast_in_dim3A_1085 : i32 to vector<16xi32>
      tpu.vector_store_idx %arg18[%add3A_1084], %broadcast_in_dim3A_1086 masked %eq3A_2 : memref<64xi32, #tpu.memory_space<vmem>>[vector<16xi32>], vector<16xi32>, vector<16xi1>
      %eq3A_1087 = arith.constant 5 : i32
      %eq3A_1088 = vector.broadcast %eq3A_1087 : i32 to vector<16xi32>
      %eq3A_1089 = arith.cmpi eq, %iota3A, %eq3A_1088 : vector<16xi32>
      %sub3A_1090 = arith.constant 1 : i32
      %sub3A_1091 = vector.broadcast %sub3A_1090 : i32 to vector<16xi32>
      %sub3A_1092 = arith.subi %broadcast_in_dim3A_5, %sub3A_1091 : vector<16xi32>
      %select_n3A_1093 = arith.select %eq3A_1089, %get3A_955, %sub3A_1092 : vector<16xi1>, vector<16xi32>
      %reduce_max3A_1094 = arith.constant true
      %reduce_max3A_1095 = vector.broadcast %reduce_max3A_1094 : i1 to vector<16xi1>
      %reduce_max3A_1096 = arith.constant -2147483648 : i32
      %reduce_max3A_1097 = vector.broadcast %reduce_max3A_1096 : i32 to vector<16xi32>
      %reduce_max3A_1098 = arith.xori %select_n3A_1093, %reduce_max3A_1097 : vector<16xi32>
      %reduce_max3A_1099 = tpu.scan <max>, %reduce_max3A_1098 masked %reduce_max3A_1095 : vector<16xi32>, vector<16xi1> -> vector<16xi32>
      %reduce_max3A_1100 = arith.xori %reduce_max3A_1099, %reduce_max3A_1097 : vector<16xi32>
      %reduce_max3A_1101 = vector.extract %reduce_max3A_1100[15] : i32 from vector<16xi32>
      %broadcast_in_dim3A_1102 = vector.broadcast %reduce_max3A_1101 : i32 to vector<16xi32>
      %lt3A_1103 = arith.cmpi slt, %get3A_955, %broadcast_in_dim3A_1102 : vector<16xi32>
      %all_reduce_population_count3A_1104 = tpu.all_reduce %lt3A_1103 {dim = 0 : i64, kind = #tpu.reduction_kind<sum>} : vector<16xi1> -> vector<16xi32>
      %lt3A_1105 = arith.cmpi slt, %get3A_957, %broadcast_in_dim3A_1102 : vector<16xi32>
      %all_reduce_population_count3A_1106 = tpu.all_reduce %lt3A_1105 {dim = 0 : i64, kind = #tpu.reduction_kind<sum>} : vector<16xi1> -> vector<16xi32>
      %add3A_1107 = arith.addi %all_reduce_population_count3A_1104, %all_reduce_population_count3A_1106 : vector<16xi32>
      tpu.vector_store_idx %arg18[%add3A_1107], %broadcast_in_dim3A_1102 masked %eq3A_2 : memref<64xi32, #tpu.memory_space<vmem>>[vector<16xi32>], vector<16xi32>, vector<16xi1>
      %add3A_1108 = arith.constant 32 : i32
      %add3A_1109 = vector.broadcast %add3A_1108 : i32 to vector<16xi32>
      %add3A_1110 = arith.addi %add3A_1107, %add3A_1109 : vector<16xi32>
      %broadcast_in_dim3A_1111 = arith.constant 5 : i32
      %broadcast_in_dim3A_1112 = vector.broadcast %broadcast_in_dim3A_1111 : i32 to vector<16xi32>
      tpu.vector_store_idx %arg18[%add3A_1110], %broadcast_in_dim3A_1112 masked %eq3A_2 : memref<64xi32, #tpu.memory_space<vmem>>[vector<16xi32>], vector<16xi32>, vector<16xi1>
      %eq3A_1113 = arith.constant 6 : i32
      %eq3A_1114 = vector.broadcast %eq3A_1113 : i32 to vector<16xi32>
      %eq3A_1115 = arith.cmpi eq, %iota3A, %eq3A_1114 : vector<16xi32>
      %sub3A_1116 = arith.constant 1 : i32
      %sub3A_1117 = vector.broadcast %sub3A_1116 : i32 to vector<16xi32>
      %sub3A_1118 = arith.subi %broadcast_in_dim3A_5, %sub3A_1117 : vector<16xi32>
      %select_n3A_1119 = arith.select %eq3A_1115, %get3A_955, %sub3A_1118 : vector<16xi1>, vector<16xi32>
      %reduce_max3A_1120 = arith.constant true
      %reduce_max3A_1121 = vector.broadcast %reduce_max3A_1120 : i1 to vector<16xi1>
      %reduce_max3A_1122 = arith.constant -2147483648 : i32
      %reduce_max3A_1123 = vector.broadcast %reduce_max3A_1122 : i32 to vector<16xi32>
      %reduce_max3A_1124 = arith.xori %select_n3A_1119, %reduce_max3A_1123 : vector<16xi32>
      %reduce_max3A_1125 = tpu.scan <max>, %reduce_max3A_1124 masked %reduce_max3A_1121 : vector<16xi32>, vector<16xi1> -> vector<16xi32>
      %reduce_max3A_1126 = arith.xori %reduce_max3A_1125, %reduce_max3A_1123 : vector<16xi32>
      %reduce_max3A_1127 = vector.extract %reduce_max3A_1126[15] : i32 from vector<16xi32>
      %broadcast_in_dim3A_1128 = vector.broadcast %reduce_max3A_1127 : i32 to vector<16xi32>
      %lt3A_1129 = arith.cmpi slt, %get3A_955, %broadcast_in_dim3A_1128 : vector<16xi32>
      %all_reduce_population_count3A_1130 = tpu.all_reduce %lt3A_1129 {dim = 0 : i64, kind = #tpu.reduction_kind<sum>} : vector<16xi1> -> vector<16xi32>
      %lt3A_1131 = arith.cmpi slt, %get3A_957, %broadcast_in_dim3A_1128 : vector<16xi32>
      %all_reduce_population_count3A_1132 = tpu.all_reduce %lt3A_1131 {dim = 0 : i64, kind = #tpu.reduction_kind<sum>} : vector<16xi1> -> vector<16xi32>
      %add3A_1133 = arith.addi %all_reduce_population_count3A_1130, %all_reduce_population_count3A_1132 : vector<16xi32>
      tpu.vector_store_idx %arg18[%add3A_1133], %broadcast_in_dim3A_1128 masked %eq3A_2 : memref<64xi32, #tpu.memory_space<vmem>>[vector<16xi32>], vector<16xi32>, vector<16xi1>
      %add3A_1134 = arith.constant 32 : i32
      %add3A_1135 = vector.broadcast %add3A_1134 : i32 to vector<16xi32>
      %add3A_1136 = arith.addi %add3A_1133, %add3A_1135 : vector<16xi32>
      %broadcast_in_dim3A_1137 = arith.constant 6 : i32
      %broadcast_in_dim3A_1138 = vector.broadcast %broadcast_in_dim3A_1137 : i32 to vector<16xi32>
      tpu.vector_store_idx %arg18[%add3A_1136], %broadcast_in_dim3A_1138 masked %eq3A_2 : memref<64xi32, #tpu.memory_space<vmem>>[vector<16xi32>], vector<16xi32>, vector<16xi1>
      %eq3A_1139 = arith.constant 7 : i32
      %eq3A_1140 = vector.broadcast %eq3A_1139 : i32 to vector<16xi32>
      %eq3A_1141 = arith.cmpi eq, %iota3A, %eq3A_1140 : vector<16xi32>
      %sub3A_1142 = arith.constant 1 : i32
      %sub3A_1143 = vector.broadcast %sub3A_1142 : i32 to vector<16xi32>
      %sub3A_1144 = arith.subi %broadcast_in_dim3A_5, %sub3A_1143 : vector<16xi32>
      %select_n3A_1145 = arith.select %eq3A_1141, %get3A_955, %sub3A_1144 : vector<16xi1>, vector<16xi32>
      %reduce_max3A_1146 = arith.constant true
      %reduce_max3A_1147 = vector.broadcast %reduce_max3A_1146 : i1 to vector<16xi1>
      %reduce_max3A_1148 = arith.constant -2147483648 : i32
      %reduce_max3A_1149 = vector.broadcast %reduce_max3A_1148 : i32 to vector<16xi32>
      %reduce_max3A_1150 = arith.xori %select_n3A_1145, %reduce_max3A_1149 : vector<16xi32>
      %reduce_max3A_1151 = tpu.scan <max>, %reduce_max3A_1150 masked %reduce_max3A_1147 : vector<16xi32>, vector<16xi1> -> vector<16xi32>
      %reduce_max3A_1152 = arith.xori %reduce_max3A_1151, %reduce_max3A_1149 : vector<16xi32>
      %reduce_max3A_1153 = vector.extract %reduce_max3A_1152[15] : i32 from vector<16xi32>
      %broadcast_in_dim3A_1154 = vector.broadcast %reduce_max3A_1153 : i32 to vector<16xi32>
      %lt3A_1155 = arith.cmpi slt, %get3A_955, %broadcast_in_dim3A_1154 : vector<16xi32>
      %all_reduce_population_count3A_1156 = tpu.all_reduce %lt3A_1155 {dim = 0 : i64, kind = #tpu.reduction_kind<sum>} : vector<16xi1> -> vector<16xi32>
      %lt3A_1157 = arith.cmpi slt, %get3A_957, %broadcast_in_dim3A_1154 : vector<16xi32>
      %all_reduce_population_count3A_1158 = tpu.all_reduce %lt3A_1157 {dim = 0 : i64, kind = #tpu.reduction_kind<sum>} : vector<16xi1> -> vector<16xi32>
      %add3A_1159 = arith.addi %all_reduce_population_count3A_1156, %all_reduce_population_count3A_1158 : vector<16xi32>
      tpu.vector_store_idx %arg18[%add3A_1159], %broadcast_in_dim3A_1154 masked %eq3A_2 : memref<64xi32, #tpu.memory_space<vmem>>[vector<16xi32>], vector<16xi32>, vector<16xi1>
      %add3A_1160 = arith.constant 32 : i32
      %add3A_1161 = vector.broadcast %add3A_1160 : i32 to vector<16xi32>
      %add3A_1162 = arith.addi %add3A_1159, %add3A_1161 : vector<16xi32>
      %broadcast_in_dim3A_1163 = arith.constant 7 : i32
      %broadcast_in_dim3A_1164 = vector.broadcast %broadcast_in_dim3A_1163 : i32 to vector<16xi32>
      tpu.vector_store_idx %arg18[%add3A_1162], %broadcast_in_dim3A_1164 masked %eq3A_2 : memref<64xi32, #tpu.memory_space<vmem>>[vector<16xi32>], vector<16xi32>, vector<16xi1>
      %eq3A_1165 = arith.constant 8 : i32
      %eq3A_1166 = vector.broadcast %eq3A_1165 : i32 to vector<16xi32>
      %eq3A_1167 = arith.cmpi eq, %iota3A, %eq3A_1166 : vector<16xi32>
      %sub3A_1168 = arith.constant 1 : i32
      %sub3A_1169 = vector.broadcast %sub3A_1168 : i32 to vector<16xi32>
      %sub3A_1170 = arith.subi %broadcast_in_dim3A_5, %sub3A_1169 : vector<16xi32>
      %select_n3A_1171 = arith.select %eq3A_1167, %get3A_955, %sub3A_1170 : vector<16xi1>, vector<16xi32>
      %reduce_max3A_1172 = arith.constant true
      %reduce_max3A_1173 = vector.broadcast %reduce_max3A_1172 : i1 to vector<16xi1>
      %reduce_max3A_1174 = arith.constant -2147483648 : i32
      %reduce_max3A_1175 = vector.broadcast %reduce_max3A_1174 : i32 to vector<16xi32>
      %reduce_max3A_1176 = arith.xori %select_n3A_1171, %reduce_max3A_1175 : vector<16xi32>
      %reduce_max3A_1177 = tpu.scan <max>, %reduce_max3A_1176 masked %reduce_max3A_1173 : vector<16xi32>, vector<16xi1> -> vector<16xi32>
      %reduce_max3A_1178 = arith.xori %reduce_max3A_1177, %reduce_max3A_1175 : vector<16xi32>
      %reduce_max3A_1179 = vector.extract %reduce_max3A_1178[15] : i32 from vector<16xi32>
      %broadcast_in_dim3A_1180 = vector.broadcast %reduce_max3A_1179 : i32 to vector<16xi32>
      %lt3A_1181 = arith.cmpi slt, %get3A_955, %broadcast_in_dim3A_1180 : vector<16xi32>
      %all_reduce_population_count3A_1182 = tpu.all_reduce %lt3A_1181 {dim = 0 : i64, kind = #tpu.reduction_kind<sum>} : vector<16xi1> -> vector<16xi32>
      %lt3A_1183 = arith.cmpi slt, %get3A_957, %broadcast_in_dim3A_1180 : vector<16xi32>
      %all_reduce_population_count3A_1184 = tpu.all_reduce %lt3A_1183 {dim = 0 : i64, kind = #tpu.reduction_kind<sum>} : vector<16xi1> -> vector<16xi32>
      %add3A_1185 = arith.addi %all_reduce_population_count3A_1182, %all_reduce_population_count3A_1184 : vector<16xi32>
      tpu.vector_store_idx %arg18[%add3A_1185], %broadcast_in_dim3A_1180 masked %eq3A_2 : memref<64xi32, #tpu.memory_space<vmem>>[vector<16xi32>], vector<16xi32>, vector<16xi1>
      %add3A_1186 = arith.constant 32 : i32
      %add3A_1187 = vector.broadcast %add3A_1186 : i32 to vector<16xi32>
      %add3A_1188 = arith.addi %add3A_1185, %add3A_1187 : vector<16xi32>
      %broadcast_in_dim3A_1189 = arith.constant 8 : i32
      %broadcast_in_dim3A_1190 = vector.broadcast %broadcast_in_dim3A_1189 : i32 to vector<16xi32>
      tpu.vector_store_idx %arg18[%add3A_1188], %broadcast_in_dim3A_1190 masked %eq3A_2 : memref<64xi32, #tpu.memory_space<vmem>>[vector<16xi32>], vector<16xi32>, vector<16xi1>
      %eq3A_1191 = arith.constant 9 : i32
      %eq3A_1192 = vector.broadcast %eq3A_1191 : i32 to vector<16xi32>
      %eq3A_1193 = arith.cmpi eq, %iota3A, %eq3A_1192 : vector<16xi32>
      %sub3A_1194 = arith.constant 1 : i32
      %sub3A_1195 = vector.broadcast %sub3A_1194 : i32 to vector<16xi32>
      %sub3A_1196 = arith.subi %broadcast_in_dim3A_5, %sub3A_1195 : vector<16xi32>
      %select_n3A_1197 = arith.select %eq3A_1193, %get3A_955, %sub3A_1196 : vector<16xi1>, vector<16xi32>
      %reduce_max3A_1198 = arith.constant true
      %reduce_max3A_1199 = vector.broadcast %reduce_max3A_1198 : i1 to vector<16xi1>
      %reduce_max3A_1200 = arith.constant -2147483648 : i32
      %reduce_max3A_1201 = vector.broadcast %reduce_max3A_1200 : i32 to vector<16xi32>
      %reduce_max3A_1202 = arith.xori %select_n3A_1197, %reduce_max3A_1201 : vector<16xi32>
      %reduce_max3A_1203 = tpu.scan <max>, %reduce_max3A_1202 masked %reduce_max3A_1199 : vector<16xi32>, vector<16xi1> -> vector<16xi32>
      %reduce_max3A_1204 = arith.xori %reduce_max3A_1203, %reduce_max3A_1201 : vector<16xi32>
      %reduce_max3A_1205 = vector.extract %reduce_max3A_1204[15] : i32 from vector<16xi32>
      %broadcast_in_dim3A_1206 = vector.broadcast %reduce_max3A_1205 : i32 to vector<16xi32>
      %lt3A_1207 = arith.cmpi slt, %get3A_955, %broadcast_in_dim3A_1206 : vector<16xi32>
      %all_reduce_population_count3A_1208 = tpu.all_reduce %lt3A_1207 {dim = 0 : i64, kind = #tpu.reduction_kind<sum>} : vector<16xi1> -> vector<16xi32>
      %lt3A_1209 = arith.cmpi slt, %get3A_957, %broadcast_in_dim3A_1206 : vector<16xi32>
      %all_reduce_population_count3A_1210 = tpu.all_reduce %lt3A_1209 {dim = 0 : i64, kind = #tpu.reduction_kind<sum>} : vector<16xi1> -> vector<16xi32>
      %add3A_1211 = arith.addi %all_reduce_population_count3A_1208, %all_reduce_population_count3A_1210 : vector<16xi32>
      tpu.vector_store_idx %arg18[%add3A_1211], %broadcast_in_dim3A_1206 masked %eq3A_2 : memref<64xi32, #tpu.memory_space<vmem>>[vector<16xi32>], vector<16xi32>, vector<16xi1>
      %add3A_1212 = arith.constant 32 : i32
      %add3A_1213 = vector.broadcast %add3A_1212 : i32 to vector<16xi32>
      %add3A_1214 = arith.addi %add3A_1211, %add3A_1213 : vector<16xi32>
      %broadcast_in_dim3A_1215 = arith.constant 9 : i32
      %broadcast_in_dim3A_1216 = vector.broadcast %broadcast_in_dim3A_1215 : i32 to vector<16xi32>
      tpu.vector_store_idx %arg18[%add3A_1214], %broadcast_in_dim3A_1216 masked %eq3A_2 : memref<64xi32, #tpu.memory_space<vmem>>[vector<16xi32>], vector<16xi32>, vector<16xi1>
      %eq3A_1217 = arith.constant 10 : i32
      %eq3A_1218 = vector.broadcast %eq3A_1217 : i32 to vector<16xi32>
      %eq3A_1219 = arith.cmpi eq, %iota3A, %eq3A_1218 : vector<16xi32>
      %sub3A_1220 = arith.constant 1 : i32
      %sub3A_1221 = vector.broadcast %sub3A_1220 : i32 to vector<16xi32>
      %sub3A_1222 = arith.subi %broadcast_in_dim3A_5, %sub3A_1221 : vector<16xi32>
      %select_n3A_1223 = arith.select %eq3A_1219, %get3A_955, %sub3A_1222 : vector<16xi1>, vector<16xi32>
      %reduce_max3A_1224 = arith.constant true
      %reduce_max3A_1225 = vector.broadcast %reduce_max3A_1224 : i1 to vector<16xi1>
      %reduce_max3A_1226 = arith.constant -2147483648 : i32
      %reduce_max3A_1227 = vector.broadcast %reduce_max3A_1226 : i32 to vector<16xi32>
      %reduce_max3A_1228 = arith.xori %select_n3A_1223, %reduce_max3A_1227 : vector<16xi32>
      %reduce_max3A_1229 = tpu.scan <max>, %reduce_max3A_1228 masked %reduce_max3A_1225 : vector<16xi32>, vector<16xi1> -> vector<16xi32>
      %reduce_max3A_1230 = arith.xori %reduce_max3A_1229, %reduce_max3A_1227 : vector<16xi32>
      %reduce_max3A_1231 = vector.extract %reduce_max3A_1230[15] : i32 from vector<16xi32>
      %broadcast_in_dim3A_1232 = vector.broadcast %reduce_max3A_1231 : i32 to vector<16xi32>
      %lt3A_1233 = arith.cmpi slt, %get3A_955, %broadcast_in_dim3A_1232 : vector<16xi32>
      %all_reduce_population_count3A_1234 = tpu.all_reduce %lt3A_1233 {dim = 0 : i64, kind = #tpu.reduction_kind<sum>} : vector<16xi1> -> vector<16xi32>
      %lt3A_1235 = arith.cmpi slt, %get3A_957, %broadcast_in_dim3A_1232 : vector<16xi32>
      %all_reduce_population_count3A_1236 = tpu.all_reduce %lt3A_1235 {dim = 0 : i64, kind = #tpu.reduction_kind<sum>} : vector<16xi1> -> vector<16xi32>
      %add3A_1237 = arith.addi %all_reduce_population_count3A_1234, %all_reduce_population_count3A_1236 : vector<16xi32>
      tpu.vector_store_idx %arg18[%add3A_1237], %broadcast_in_dim3A_1232 masked %eq3A_2 : memref<64xi32, #tpu.memory_space<vmem>>[vector<16xi32>], vector<16xi32>, vector<16xi1>
      %add3A_1238 = arith.constant 32 : i32
      %add3A_1239 = vector.broadcast %add3A_1238 : i32 to vector<16xi32>
      %add3A_1240 = arith.addi %add3A_1237, %add3A_1239 : vector<16xi32>
      %broadcast_in_dim3A_1241 = arith.constant 10 : i32
      %broadcast_in_dim3A_1242 = vector.broadcast %broadcast_in_dim3A_1241 : i32 to vector<16xi32>
      tpu.vector_store_idx %arg18[%add3A_1240], %broadcast_in_dim3A_1242 masked %eq3A_2 : memref<64xi32, #tpu.memory_space<vmem>>[vector<16xi32>], vector<16xi32>, vector<16xi1>
      %eq3A_1243 = arith.constant 11 : i32
      %eq3A_1244 = vector.broadcast %eq3A_1243 : i32 to vector<16xi32>
      %eq3A_1245 = arith.cmpi eq, %iota3A, %eq3A_1244 : vector<16xi32>
      %sub3A_1246 = arith.constant 1 : i32
      %sub3A_1247 = vector.broadcast %sub3A_1246 : i32 to vector<16xi32>
      %sub3A_1248 = arith.subi %broadcast_in_dim3A_5, %sub3A_1247 : vector<16xi32>
      %select_n3A_1249 = arith.select %eq3A_1245, %get3A_955, %sub3A_1248 : vector<16xi1>, vector<16xi32>
      %reduce_max3A_1250 = arith.constant true
      %reduce_max3A_1251 = vector.broadcast %reduce_max3A_1250 : i1 to vector<16xi1>
      %reduce_max3A_1252 = arith.constant -2147483648 : i32
      %reduce_max3A_1253 = vector.broadcast %reduce_max3A_1252 : i32 to vector<16xi32>
      %reduce_max3A_1254 = arith.xori %select_n3A_1249, %reduce_max3A_1253 : vector<16xi32>
      %reduce_max3A_1255 = tpu.scan <max>, %reduce_max3A_1254 masked %reduce_max3A_1251 : vector<16xi32>, vector<16xi1> -> vector<16xi32>
      %reduce_max3A_1256 = arith.xori %reduce_max3A_1255, %reduce_max3A_1253 : vector<16xi32>
      %reduce_max3A_1257 = vector.extract %reduce_max3A_1256[15] : i32 from vector<16xi32>
      %broadcast_in_dim3A_1258 = vector.broadcast %reduce_max3A_1257 : i32 to vector<16xi32>
      %lt3A_1259 = arith.cmpi slt, %get3A_955, %broadcast_in_dim3A_1258 : vector<16xi32>
      %all_reduce_population_count3A_1260 = tpu.all_reduce %lt3A_1259 {dim = 0 : i64, kind = #tpu.reduction_kind<sum>} : vector<16xi1> -> vector<16xi32>
      %lt3A_1261 = arith.cmpi slt, %get3A_957, %broadcast_in_dim3A_1258 : vector<16xi32>
      %all_reduce_population_count3A_1262 = tpu.all_reduce %lt3A_1261 {dim = 0 : i64, kind = #tpu.reduction_kind<sum>} : vector<16xi1> -> vector<16xi32>
      %add3A_1263 = arith.addi %all_reduce_population_count3A_1260, %all_reduce_population_count3A_1262 : vector<16xi32>
      tpu.vector_store_idx %arg18[%add3A_1263], %broadcast_in_dim3A_1258 masked %eq3A_2 : memref<64xi32, #tpu.memory_space<vmem>>[vector<16xi32>], vector<16xi32>, vector<16xi1>
      %add3A_1264 = arith.constant 32 : i32
      %add3A_1265 = vector.broadcast %add3A_1264 : i32 to vector<16xi32>
      %add3A_1266 = arith.addi %add3A_1263, %add3A_1265 : vector<16xi32>
      %broadcast_in_dim3A_1267 = arith.constant 11 : i32
      %broadcast_in_dim3A_1268 = vector.broadcast %broadcast_in_dim3A_1267 : i32 to vector<16xi32>
      tpu.vector_store_idx %arg18[%add3A_1266], %broadcast_in_dim3A_1268 masked %eq3A_2 : memref<64xi32, #tpu.memory_space<vmem>>[vector<16xi32>], vector<16xi32>, vector<16xi1>
      %eq3A_1269 = arith.constant 12 : i32
      %eq3A_1270 = vector.broadcast %eq3A_1269 : i32 to vector<16xi32>
      %eq3A_1271 = arith.cmpi eq, %iota3A, %eq3A_1270 : vector<16xi32>
      %sub3A_1272 = arith.constant 1 : i32
      %sub3A_1273 = vector.broadcast %sub3A_1272 : i32 to vector<16xi32>
      %sub3A_1274 = arith.subi %broadcast_in_dim3A_5, %sub3A_1273 : vector<16xi32>
      %select_n3A_1275 = arith.select %eq3A_1271, %get3A_955, %sub3A_1274 : vector<16xi1>, vector<16xi32>
      %reduce_max3A_1276 = arith.constant true
      %reduce_max3A_1277 = vector.broadcast %reduce_max3A_1276 : i1 to vector<16xi1>
      %reduce_max3A_1278 = arith.constant -2147483648 : i32
      %reduce_max3A_1279 = vector.broadcast %reduce_max3A_1278 : i32 to vector<16xi32>
      %reduce_max3A_1280 = arith.xori %select_n3A_1275, %reduce_max3A_1279 : vector<16xi32>
      %reduce_max3A_1281 = tpu.scan <max>, %reduce_max3A_1280 masked %reduce_max3A_1277 : vector<16xi32>, vector<16xi1> -> vector<16xi32>
      %reduce_max3A_1282 = arith.xori %reduce_max3A_1281, %reduce_max3A_1279 : vector<16xi32>
      %reduce_max3A_1283 = vector.extract %reduce_max3A_1282[15] : i32 from vector<16xi32>
      %broadcast_in_dim3A_1284 = vector.broadcast %reduce_max3A_1283 : i32 to vector<16xi32>
      %lt3A_1285 = arith.cmpi slt, %get3A_955, %broadcast_in_dim3A_1284 : vector<16xi32>
      %all_reduce_population_count3A_1286 = tpu.all_reduce %lt3A_1285 {dim = 0 : i64, kind = #tpu.reduction_kind<sum>} : vector<16xi1> -> vector<16xi32>
      %lt3A_1287 = arith.cmpi slt, %get3A_957, %broadcast_in_dim3A_1284 : vector<16xi32>
      %all_reduce_population_count3A_1288 = tpu.all_reduce %lt3A_1287 {dim = 0 : i64, kind = #tpu.reduction_kind<sum>} : vector<16xi1> -> vector<16xi32>
      %add3A_1289 = arith.addi %all_reduce_population_count3A_1286, %all_reduce_population_count3A_1288 : vector<16xi32>
      tpu.vector_store_idx %arg18[%add3A_1289], %broadcast_in_dim3A_1284 masked %eq3A_2 : memref<64xi32, #tpu.memory_space<vmem>>[vector<16xi32>], vector<16xi32>, vector<16xi1>
      %add3A_1290 = arith.constant 32 : i32
      %add3A_1291 = vector.broadcast %add3A_1290 : i32 to vector<16xi32>
      %add3A_1292 = arith.addi %add3A_1289, %add3A_1291 : vector<16xi32>
      %broadcast_in_dim3A_1293 = arith.constant 12 : i32
      %broadcast_in_dim3A_1294 = vector.broadcast %broadcast_in_dim3A_1293 : i32 to vector<16xi32>
      tpu.vector_store_idx %arg18[%add3A_1292], %broadcast_in_dim3A_1294 masked %eq3A_2 : memref<64xi32, #tpu.memory_space<vmem>>[vector<16xi32>], vector<16xi32>, vector<16xi1>
      %eq3A_1295 = arith.constant 13 : i32
      %eq3A_1296 = vector.broadcast %eq3A_1295 : i32 to vector<16xi32>
      %eq3A_1297 = arith.cmpi eq, %iota3A, %eq3A_1296 : vector<16xi32>
      %sub3A_1298 = arith.constant 1 : i32
      %sub3A_1299 = vector.broadcast %sub3A_1298 : i32 to vector<16xi32>
      %sub3A_1300 = arith.subi %broadcast_in_dim3A_5, %sub3A_1299 : vector<16xi32>
      %select_n3A_1301 = arith.select %eq3A_1297, %get3A_955, %sub3A_1300 : vector<16xi1>, vector<16xi32>
      %reduce_max3A_1302 = arith.constant true
      %reduce_max3A_1303 = vector.broadcast %reduce_max3A_1302 : i1 to vector<16xi1>
      %reduce_max3A_1304 = arith.constant -2147483648 : i32
      %reduce_max3A_1305 = vector.broadcast %reduce_max3A_1304 : i32 to vector<16xi32>
      %reduce_max3A_1306 = arith.xori %select_n3A_1301, %reduce_max3A_1305 : vector<16xi32>
      %reduce_max3A_1307 = tpu.scan <max>, %reduce_max3A_1306 masked %reduce_max3A_1303 : vector<16xi32>, vector<16xi1> -> vector<16xi32>
      %reduce_max3A_1308 = arith.xori %reduce_max3A_1307, %reduce_max3A_1305 : vector<16xi32>
      %reduce_max3A_1309 = vector.extract %reduce_max3A_1308[15] : i32 from vector<16xi32>
      %broadcast_in_dim3A_1310 = vector.broadcast %reduce_max3A_1309 : i32 to vector<16xi32>
      %lt3A_1311 = arith.cmpi slt, %get3A_955, %broadcast_in_dim3A_1310 : vector<16xi32>
      %all_reduce_population_count3A_1312 = tpu.all_reduce %lt3A_1311 {dim = 0 : i64, kind = #tpu.reduction_kind<sum>} : vector<16xi1> -> vector<16xi32>
      %lt3A_1313 = arith.cmpi slt, %get3A_957, %broadcast_in_dim3A_1310 : vector<16xi32>
      %all_reduce_population_count3A_1314 = tpu.all_reduce %lt3A_1313 {dim = 0 : i64, kind = #tpu.reduction_kind<sum>} : vector<16xi1> -> vector<16xi32>
      %add3A_1315 = arith.addi %all_reduce_population_count3A_1312, %all_reduce_population_count3A_1314 : vector<16xi32>
      tpu.vector_store_idx %arg18[%add3A_1315], %broadcast_in_dim3A_1310 masked %eq3A_2 : memref<64xi32, #tpu.memory_space<vmem>>[vector<16xi32>], vector<16xi32>, vector<16xi1>
      %add3A_1316 = arith.constant 32 : i32
      %add3A_1317 = vector.broadcast %add3A_1316 : i32 to vector<16xi32>
      %add3A_1318 = arith.addi %add3A_1315, %add3A_1317 : vector<16xi32>
      %broadcast_in_dim3A_1319 = arith.constant 13 : i32
      %broadcast_in_dim3A_1320 = vector.broadcast %broadcast_in_dim3A_1319 : i32 to vector<16xi32>
      tpu.vector_store_idx %arg18[%add3A_1318], %broadcast_in_dim3A_1320 masked %eq3A_2 : memref<64xi32, #tpu.memory_space<vmem>>[vector<16xi32>], vector<16xi32>, vector<16xi1>
      %eq3A_1321 = arith.constant 14 : i32
      %eq3A_1322 = vector.broadcast %eq3A_1321 : i32 to vector<16xi32>
      %eq3A_1323 = arith.cmpi eq, %iota3A, %eq3A_1322 : vector<16xi32>
      %sub3A_1324 = arith.constant 1 : i32
      %sub3A_1325 = vector.broadcast %sub3A_1324 : i32 to vector<16xi32>
      %sub3A_1326 = arith.subi %broadcast_in_dim3A_5, %sub3A_1325 : vector<16xi32>
      %select_n3A_1327 = arith.select %eq3A_1323, %get3A_955, %sub3A_1326 : vector<16xi1>, vector<16xi32>
      %reduce_max3A_1328 = arith.constant true
      %reduce_max3A_1329 = vector.broadcast %reduce_max3A_1328 : i1 to vector<16xi1>
      %reduce_max3A_1330 = arith.constant -2147483648 : i32
      %reduce_max3A_1331 = vector.broadcast %reduce_max3A_1330 : i32 to vector<16xi32>
      %reduce_max3A_1332 = arith.xori %select_n3A_1327, %reduce_max3A_1331 : vector<16xi32>
      %reduce_max3A_1333 = tpu.scan <max>, %reduce_max3A_1332 masked %reduce_max3A_1329 : vector<16xi32>, vector<16xi1> -> vector<16xi32>
      %reduce_max3A_1334 = arith.xori %reduce_max3A_1333, %reduce_max3A_1331 : vector<16xi32>
      %reduce_max3A_1335 = vector.extract %reduce_max3A_1334[15] : i32 from vector<16xi32>
      %broadcast_in_dim3A_1336 = vector.broadcast %reduce_max3A_1335 : i32 to vector<16xi32>
      %lt3A_1337 = arith.cmpi slt, %get3A_955, %broadcast_in_dim3A_1336 : vector<16xi32>
      %all_reduce_population_count3A_1338 = tpu.all_reduce %lt3A_1337 {dim = 0 : i64, kind = #tpu.reduction_kind<sum>} : vector<16xi1> -> vector<16xi32>
      %lt3A_1339 = arith.cmpi slt, %get3A_957, %broadcast_in_dim3A_1336 : vector<16xi32>
      %all_reduce_population_count3A_1340 = tpu.all_reduce %lt3A_1339 {dim = 0 : i64, kind = #tpu.reduction_kind<sum>} : vector<16xi1> -> vector<16xi32>
      %add3A_1341 = arith.addi %all_reduce_population_count3A_1338, %all_reduce_population_count3A_1340 : vector<16xi32>
      tpu.vector_store_idx %arg18[%add3A_1341], %broadcast_in_dim3A_1336 masked %eq3A_2 : memref<64xi32, #tpu.memory_space<vmem>>[vector<16xi32>], vector<16xi32>, vector<16xi1>
      %add3A_1342 = arith.constant 32 : i32
      %add3A_1343 = vector.broadcast %add3A_1342 : i32 to vector<16xi32>
      %add3A_1344 = arith.addi %add3A_1341, %add3A_1343 : vector<16xi32>
      %broadcast_in_dim3A_1345 = arith.constant 14 : i32
      %broadcast_in_dim3A_1346 = vector.broadcast %broadcast_in_dim3A_1345 : i32 to vector<16xi32>
      tpu.vector_store_idx %arg18[%add3A_1344], %broadcast_in_dim3A_1346 masked %eq3A_2 : memref<64xi32, #tpu.memory_space<vmem>>[vector<16xi32>], vector<16xi32>, vector<16xi1>
      %eq3A_1347 = arith.constant 15 : i32
      %eq3A_1348 = vector.broadcast %eq3A_1347 : i32 to vector<16xi32>
      %eq3A_1349 = arith.cmpi eq, %iota3A, %eq3A_1348 : vector<16xi32>
      %sub3A_1350 = arith.constant 1 : i32
      %sub3A_1351 = vector.broadcast %sub3A_1350 : i32 to vector<16xi32>
      %sub3A_1352 = arith.subi %broadcast_in_dim3A_5, %sub3A_1351 : vector<16xi32>
      %select_n3A_1353 = arith.select %eq3A_1349, %get3A_955, %sub3A_1352 : vector<16xi1>, vector<16xi32>
      %reduce_max3A_1354 = arith.constant true
      %reduce_max3A_1355 = vector.broadcast %reduce_max3A_1354 : i1 to vector<16xi1>
      %reduce_max3A_1356 = arith.constant -2147483648 : i32
      %reduce_max3A_1357 = vector.broadcast %reduce_max3A_1356 : i32 to vector<16xi32>
      %reduce_max3A_1358 = arith.xori %select_n3A_1353, %reduce_max3A_1357 : vector<16xi32>
      %reduce_max3A_1359 = tpu.scan <max>, %reduce_max3A_1358 masked %reduce_max3A_1355 : vector<16xi32>, vector<16xi1> -> vector<16xi32>
      %reduce_max3A_1360 = arith.xori %reduce_max3A_1359, %reduce_max3A_1357 : vector<16xi32>
      %reduce_max3A_1361 = vector.extract %reduce_max3A_1360[15] : i32 from vector<16xi32>
      %broadcast_in_dim3A_1362 = vector.broadcast %reduce_max3A_1361 : i32 to vector<16xi32>
      %lt3A_1363 = arith.cmpi slt, %get3A_955, %broadcast_in_dim3A_1362 : vector<16xi32>
      %all_reduce_population_count3A_1364 = tpu.all_reduce %lt3A_1363 {dim = 0 : i64, kind = #tpu.reduction_kind<sum>} : vector<16xi1> -> vector<16xi32>
      %lt3A_1365 = arith.cmpi slt, %get3A_957, %broadcast_in_dim3A_1362 : vector<16xi32>
      %all_reduce_population_count3A_1366 = tpu.all_reduce %lt3A_1365 {dim = 0 : i64, kind = #tpu.reduction_kind<sum>} : vector<16xi1> -> vector<16xi32>
      %add3A_1367 = arith.addi %all_reduce_population_count3A_1364, %all_reduce_population_count3A_1366 : vector<16xi32>
      tpu.vector_store_idx %arg18[%add3A_1367], %broadcast_in_dim3A_1362 masked %eq3A_2 : memref<64xi32, #tpu.memory_space<vmem>>[vector<16xi32>], vector<16xi32>, vector<16xi1>
      %add3A_1368 = arith.constant 32 : i32
      %add3A_1369 = vector.broadcast %add3A_1368 : i32 to vector<16xi32>
      %add3A_1370 = arith.addi %add3A_1367, %add3A_1369 : vector<16xi32>
      %broadcast_in_dim3A_1371 = arith.constant 15 : i32
      %broadcast_in_dim3A_1372 = vector.broadcast %broadcast_in_dim3A_1371 : i32 to vector<16xi32>
      tpu.vector_store_idx %arg18[%add3A_1370], %broadcast_in_dim3A_1372 masked %eq3A_2 : memref<64xi32, #tpu.memory_space<vmem>>[vector<16xi32>], vector<16xi32>, vector<16xi1>
      %eq3A_1373 = arith.constant 0 : i32
      %eq3A_1374 = vector.broadcast %eq3A_1373 : i32 to vector<16xi32>
      %eq3A_1375 = arith.cmpi eq, %iota3A, %eq3A_1374 : vector<16xi32>
      %sub3A_1376 = arith.constant 1 : i32
      %sub3A_1377 = vector.broadcast %sub3A_1376 : i32 to vector<16xi32>
      %sub3A_1378 = arith.subi %broadcast_in_dim3A_5, %sub3A_1377 : vector<16xi32>
      %select_n3A_1379 = arith.select %eq3A_1375, %get3A_957, %sub3A_1378 : vector<16xi1>, vector<16xi32>
      %reduce_max3A_1380 = arith.constant true
      %reduce_max3A_1381 = vector.broadcast %reduce_max3A_1380 : i1 to vector<16xi1>
      %reduce_max3A_1382 = arith.constant -2147483648 : i32
      %reduce_max3A_1383 = vector.broadcast %reduce_max3A_1382 : i32 to vector<16xi32>
      %reduce_max3A_1384 = arith.xori %select_n3A_1379, %reduce_max3A_1383 : vector<16xi32>
      %reduce_max3A_1385 = tpu.scan <max>, %reduce_max3A_1384 masked %reduce_max3A_1381 : vector<16xi32>, vector<16xi1> -> vector<16xi32>
      %reduce_max3A_1386 = arith.xori %reduce_max3A_1385, %reduce_max3A_1383 : vector<16xi32>
      %reduce_max3A_1387 = vector.extract %reduce_max3A_1386[15] : i32 from vector<16xi32>
      %broadcast_in_dim3A_1388 = vector.broadcast %reduce_max3A_1387 : i32 to vector<16xi32>
      %lt3A_1389 = arith.cmpi slt, %get3A_955, %broadcast_in_dim3A_1388 : vector<16xi32>
      %all_reduce_population_count3A_1390 = tpu.all_reduce %lt3A_1389 {dim = 0 : i64, kind = #tpu.reduction_kind<sum>} : vector<16xi1> -> vector<16xi32>
      %lt3A_1391 = arith.cmpi slt, %get3A_957, %broadcast_in_dim3A_1388 : vector<16xi32>
      %all_reduce_population_count3A_1392 = tpu.all_reduce %lt3A_1391 {dim = 0 : i64, kind = #tpu.reduction_kind<sum>} : vector<16xi1> -> vector<16xi32>
      %add3A_1393 = arith.addi %all_reduce_population_count3A_1390, %all_reduce_population_count3A_1392 : vector<16xi32>
      tpu.vector_store_idx %arg18[%add3A_1393], %broadcast_in_dim3A_1388 masked %eq3A_2 : memref<64xi32, #tpu.memory_space<vmem>>[vector<16xi32>], vector<16xi32>, vector<16xi1>
      %add3A_1394 = arith.constant 32 : i32
      %add3A_1395 = vector.broadcast %add3A_1394 : i32 to vector<16xi32>
      %add3A_1396 = arith.addi %add3A_1393, %add3A_1395 : vector<16xi32>
      %broadcast_in_dim3A_1397 = arith.constant 16 : i32
      %broadcast_in_dim3A_1398 = vector.broadcast %broadcast_in_dim3A_1397 : i32 to vector<16xi32>
      tpu.vector_store_idx %arg18[%add3A_1396], %broadcast_in_dim3A_1398 masked %eq3A_2 : memref<64xi32, #tpu.memory_space<vmem>>[vector<16xi32>], vector<16xi32>, vector<16xi1>
      %eq3A_1399 = arith.constant 1 : i32
      %eq3A_1400 = vector.broadcast %eq3A_1399 : i32 to vector<16xi32>
      %eq3A_1401 = arith.cmpi eq, %iota3A, %eq3A_1400 : vector<16xi32>
      %sub3A_1402 = arith.constant 1 : i32
      %sub3A_1403 = vector.broadcast %sub3A_1402 : i32 to vector<16xi32>
      %sub3A_1404 = arith.subi %broadcast_in_dim3A_5, %sub3A_1403 : vector<16xi32>
      %select_n3A_1405 = arith.select %eq3A_1401, %get3A_957, %sub3A_1404 : vector<16xi1>, vector<16xi32>
      %reduce_max3A_1406 = arith.constant true
      %reduce_max3A_1407 = vector.broadcast %reduce_max3A_1406 : i1 to vector<16xi1>
      %reduce_max3A_1408 = arith.constant -2147483648 : i32
      %reduce_max3A_1409 = vector.broadcast %reduce_max3A_1408 : i32 to vector<16xi32>
      %reduce_max3A_1410 = arith.xori %select_n3A_1405, %reduce_max3A_1409 : vector<16xi32>
      %reduce_max3A_1411 = tpu.scan <max>, %reduce_max3A_1410 masked %reduce_max3A_1407 : vector<16xi32>, vector<16xi1> -> vector<16xi32>
      %reduce_max3A_1412 = arith.xori %reduce_max3A_1411, %reduce_max3A_1409 : vector<16xi32>
      %reduce_max3A_1413 = vector.extract %reduce_max3A_1412[15] : i32 from vector<16xi32>
      %broadcast_in_dim3A_1414 = vector.broadcast %reduce_max3A_1413 : i32 to vector<16xi32>
      %lt3A_1415 = arith.cmpi slt, %get3A_955, %broadcast_in_dim3A_1414 : vector<16xi32>
      %all_reduce_population_count3A_1416 = tpu.all_reduce %lt3A_1415 {dim = 0 : i64, kind = #tpu.reduction_kind<sum>} : vector<16xi1> -> vector<16xi32>
      %lt3A_1417 = arith.cmpi slt, %get3A_957, %broadcast_in_dim3A_1414 : vector<16xi32>
      %all_reduce_population_count3A_1418 = tpu.all_reduce %lt3A_1417 {dim = 0 : i64, kind = #tpu.reduction_kind<sum>} : vector<16xi1> -> vector<16xi32>
      %add3A_1419 = arith.addi %all_reduce_population_count3A_1416, %all_reduce_population_count3A_1418 : vector<16xi32>
      tpu.vector_store_idx %arg18[%add3A_1419], %broadcast_in_dim3A_1414 masked %eq3A_2 : memref<64xi32, #tpu.memory_space<vmem>>[vector<16xi32>], vector<16xi32>, vector<16xi1>
      %add3A_1420 = arith.constant 32 : i32
      %add3A_1421 = vector.broadcast %add3A_1420 : i32 to vector<16xi32>
      %add3A_1422 = arith.addi %add3A_1419, %add3A_1421 : vector<16xi32>
      %broadcast_in_dim3A_1423 = arith.constant 17 : i32
      %broadcast_in_dim3A_1424 = vector.broadcast %broadcast_in_dim3A_1423 : i32 to vector<16xi32>
      tpu.vector_store_idx %arg18[%add3A_1422], %broadcast_in_dim3A_1424 masked %eq3A_2 : memref<64xi32, #tpu.memory_space<vmem>>[vector<16xi32>], vector<16xi32>, vector<16xi1>
      %eq3A_1425 = arith.constant 2 : i32
      %eq3A_1426 = vector.broadcast %eq3A_1425 : i32 to vector<16xi32>
      %eq3A_1427 = arith.cmpi eq, %iota3A, %eq3A_1426 : vector<16xi32>
      %sub3A_1428 = arith.constant 1 : i32
      %sub3A_1429 = vector.broadcast %sub3A_1428 : i32 to vector<16xi32>
      %sub3A_1430 = arith.subi %broadcast_in_dim3A_5, %sub3A_1429 : vector<16xi32>
      %select_n3A_1431 = arith.select %eq3A_1427, %get3A_957, %sub3A_1430 : vector<16xi1>, vector<16xi32>
      %reduce_max3A_1432 = arith.constant true
      %reduce_max3A_1433 = vector.broadcast %reduce_max3A_1432 : i1 to vector<16xi1>
      %reduce_max3A_1434 = arith.constant -2147483648 : i32
      %reduce_max3A_1435 = vector.broadcast %reduce_max3A_1434 : i32 to vector<16xi32>
      %reduce_max3A_1436 = arith.xori %select_n3A_1431, %reduce_max3A_1435 : vector<16xi32>
      %reduce_max3A_1437 = tpu.scan <max>, %reduce_max3A_1436 masked %reduce_max3A_1433 : vector<16xi32>, vector<16xi1> -> vector<16xi32>
      %reduce_max3A_1438 = arith.xori %reduce_max3A_1437, %reduce_max3A_1435 : vector<16xi32>
      %reduce_max3A_1439 = vector.extract %reduce_max3A_1438[15] : i32 from vector<16xi32>
      %broadcast_in_dim3A_1440 = vector.broadcast %reduce_max3A_1439 : i32 to vector<16xi32>
      %lt3A_1441 = arith.cmpi slt, %get3A_955, %broadcast_in_dim3A_1440 : vector<16xi32>
      %all_reduce_population_count3A_1442 = tpu.all_reduce %lt3A_1441 {dim = 0 : i64, kind = #tpu.reduction_kind<sum>} : vector<16xi1> -> vector<16xi32>
      %lt3A_1443 = arith.cmpi slt, %get3A_957, %broadcast_in_dim3A_1440 : vector<16xi32>
      %all_reduce_population_count3A_1444 = tpu.all_reduce %lt3A_1443 {dim = 0 : i64, kind = #tpu.reduction_kind<sum>} : vector<16xi1> -> vector<16xi32>
      %add3A_1445 = arith.addi %all_reduce_population_count3A_1442, %all_reduce_population_count3A_1444 : vector<16xi32>
      tpu.vector_store_idx %arg18[%add3A_1445], %broadcast_in_dim3A_1440 masked %eq3A_2 : memref<64xi32, #tpu.memory_space<vmem>>[vector<16xi32>], vector<16xi32>, vector<16xi1>
      %add3A_1446 = arith.constant 32 : i32
      %add3A_1447 = vector.broadcast %add3A_1446 : i32 to vector<16xi32>
      %add3A_1448 = arith.addi %add3A_1445, %add3A_1447 : vector<16xi32>
      %broadcast_in_dim3A_1449 = arith.constant 18 : i32
      %broadcast_in_dim3A_1450 = vector.broadcast %broadcast_in_dim3A_1449 : i32 to vector<16xi32>
      tpu.vector_store_idx %arg18[%add3A_1448], %broadcast_in_dim3A_1450 masked %eq3A_2 : memref<64xi32, #tpu.memory_space<vmem>>[vector<16xi32>], vector<16xi32>, vector<16xi1>
      %eq3A_1451 = arith.constant 3 : i32
      %eq3A_1452 = vector.broadcast %eq3A_1451 : i32 to vector<16xi32>
      %eq3A_1453 = arith.cmpi eq, %iota3A, %eq3A_1452 : vector<16xi32>
      %sub3A_1454 = arith.constant 1 : i32
      %sub3A_1455 = vector.broadcast %sub3A_1454 : i32 to vector<16xi32>
      %sub3A_1456 = arith.subi %broadcast_in_dim3A_5, %sub3A_1455 : vector<16xi32>
      %select_n3A_1457 = arith.select %eq3A_1453, %get3A_957, %sub3A_1456 : vector<16xi1>, vector<16xi32>
      %reduce_max3A_1458 = arith.constant true
      %reduce_max3A_1459 = vector.broadcast %reduce_max3A_1458 : i1 to vector<16xi1>
      %reduce_max3A_1460 = arith.constant -2147483648 : i32
      %reduce_max3A_1461 = vector.broadcast %reduce_max3A_1460 : i32 to vector<16xi32>
      %reduce_max3A_1462 = arith.xori %select_n3A_1457, %reduce_max3A_1461 : vector<16xi32>
      %reduce_max3A_1463 = tpu.scan <max>, %reduce_max3A_1462 masked %reduce_max3A_1459 : vector<16xi32>, vector<16xi1> -> vector<16xi32>
      %reduce_max3A_1464 = arith.xori %reduce_max3A_1463, %reduce_max3A_1461 : vector<16xi32>
      %reduce_max3A_1465 = vector.extract %reduce_max3A_1464[15] : i32 from vector<16xi32>
      %broadcast_in_dim3A_1466 = vector.broadcast %reduce_max3A_1465 : i32 to vector<16xi32>
      %lt3A_1467 = arith.cmpi slt, %get3A_955, %broadcast_in_dim3A_1466 : vector<16xi32>
      %all_reduce_population_count3A_1468 = tpu.all_reduce %lt3A_1467 {dim = 0 : i64, kind = #tpu.reduction_kind<sum>} : vector<16xi1> -> vector<16xi32>
      %lt3A_1469 = arith.cmpi slt, %get3A_957, %broadcast_in_dim3A_1466 : vector<16xi32>
      %all_reduce_population_count3A_1470 = tpu.all_reduce %lt3A_1469 {dim = 0 : i64, kind = #tpu.reduction_kind<sum>} : vector<16xi1> -> vector<16xi32>
      %add3A_1471 = arith.addi %all_reduce_population_count3A_1468, %all_reduce_population_count3A_1470 : vector<16xi32>
      tpu.vector_store_idx %arg18[%add3A_1471], %broadcast_in_dim3A_1466 masked %eq3A_2 : memref<64xi32, #tpu.memory_space<vmem>>[vector<16xi32>], vector<16xi32>, vector<16xi1>
      %add3A_1472 = arith.constant 32 : i32
      %add3A_1473 = vector.broadcast %add3A_1472 : i32 to vector<16xi32>
      %add3A_1474 = arith.addi %add3A_1471, %add3A_1473 : vector<16xi32>
      %broadcast_in_dim3A_1475 = arith.constant 19 : i32
      %broadcast_in_dim3A_1476 = vector.broadcast %broadcast_in_dim3A_1475 : i32 to vector<16xi32>
      tpu.vector_store_idx %arg18[%add3A_1474], %broadcast_in_dim3A_1476 masked %eq3A_2 : memref<64xi32, #tpu.memory_space<vmem>>[vector<16xi32>], vector<16xi32>, vector<16xi1>
      "tpu.region"() ({
        %run_scoped3A = tpu.sem_alloc : memref<!tpu.dma_semaphore, #tpu.memory_space<semaphore_mem>>
        %dma_start3A = arith.constant 0 : i32
        %dma_start3A_1477 = tpu.memref_slice %arg6[%add3A, %dma_start3A] : memref<16x64xi32, #tpu.memory_space<hbm>> -> memref<1x64xi32, #tpu.memory_space<hbm>>
        %dma_start3A_1478 = tpu.memref_squeeze %dma_start3A_1477 : memref<1x64xi32, #tpu.memory_space<hbm>> -> memref<64xi32, #tpu.memory_space<hbm>>
        %dma_start3A_1479 = arith.constant 0 : i32
        %dma_start3A_1480 = tpu.memref_slice %arg6[%add3A, %dma_start3A_1479] : memref<16x64xi32, #tpu.memory_space<hbm>> -> memref<1x64xi32, #tpu.memory_space<hbm>>
        %dma_start3A_1481 = tpu.memref_squeeze %dma_start3A_1480 : memref<1x64xi32, #tpu.memory_space<hbm>> -> memref<64xi32, #tpu.memory_space<hbm>>
        tpu.enqueue_dma source(%arg18 : memref<64xi32, #tpu.memory_space<vmem>>) target(%dma_start3A_1481 : memref<64xi32, #tpu.memory_space<hbm>>) target_semaphore(%run_scoped3A : memref<!tpu.dma_semaphore, #tpu.memory_space<semaphore_mem>>)
        %dma_wait3A = arith.constant 0 : i32
        %dma_wait3A_1482 = tpu.memref_slice %arg6[%add3A, %dma_wait3A] : memref<16x64xi32, #tpu.memory_space<hbm>> -> memref<1x64xi32, #tpu.memory_space<hbm>>
        %dma_wait3A_1483 = tpu.memref_squeeze %dma_wait3A_1482 : memref<1x64xi32, #tpu.memory_space<hbm>> -> memref<64xi32, #tpu.memory_space<hbm>>
        %dma_wait3A_1484 = arith.constant 0 : i32
        %dma_wait3A_1485 = tpu.memref_slice %arg6[%add3A, %dma_wait3A_1484] : memref<16x64xi32, #tpu.memory_space<hbm>> -> memref<1x64xi32, #tpu.memory_space<hbm>>
        %dma_wait3A_1486 = tpu.memref_squeeze %dma_wait3A_1485 : memref<1x64xi32, #tpu.memory_space<hbm>> -> memref<64xi32, #tpu.memory_space<hbm>>
        tpu.wait_dma2 semaphore(%run_scoped3A : memref<!tpu.dma_semaphore, #tpu.memory_space<semaphore_mem>>) src(%arg18 : memref<64xi32, #tpu.memory_space<vmem>>) dst(%dma_wait3A_1486 : memref<64xi32, #tpu.memory_space<hbm>>)
        tpu.yield
      }) : () -> ()
    } else {
    }
    return
  }
}

module attributes {stable_mosaic.version = 14 : i64} {
  func.func @_cost_block_kernel(%arg0: i32, %arg1: memref<1x80x304xf32, #tpu.memory_space<vmem>>, %arg2: memref<1x4x304xf32, #tpu.memory_space<vmem>>, %arg3: memref<1x20x4xf32, #tpu.memory_space<vmem>>, %arg4: memref<1x80x304xf32, #tpu.memory_space<vmem>>, %arg5: memref<1x20x304xf32, #tpu.memory_space<vmem>>, %arg6: memref<1x20x304xf32, #tpu.memory_space<vmem>>) attributes {dimension_semantics = [#tpu.dimension_semantics<arbitrary>], iteration_bounds = array<i64: 16>, scalar_prefetch = 0 : i64, scratch_operands = 0 : i64, tpu.core_type = #tpu.core_type<tc>, window_params = [{transform_indices = @transform_0, window_bounds = array<i64: 1, 80, 304>}, {transform_indices = @transform_1, window_bounds = array<i64: 1, 4, 304>}, {transform_indices = @transform_2, window_bounds = array<i64: 1, 20, 4>}, {transform_indices = @transform_3, window_bounds = array<i64: 1, 80, 304>}, {transform_indices = @transform_4, window_bounds = array<i64: 1, 20, 304>}, {transform_indices = @transform_5, window_bounds = array<i64: 1, 20, 304>}]} {
    %get3A = arith.constant 0 : index
    %get3A_0 = arith.constant 0 : index
    %get3A_1 = arith.constant 0 : index
    %get3A_2 = vector.load %arg1[%get3A, %get3A_0, %get3A_1] : memref<1x80x304xf32, #tpu.memory_space<vmem>>, vector<1x80x304xf32>
    %get3A_3 = vector.shape_cast %get3A_2 : vector<1x80x304xf32> to vector<80x304xf32>
    %logistic3A = arith.negf %get3A_3 : vector<80x304xf32>
    %logistic3A_4 = math.exp %logistic3A : vector<80x304xf32>
    %logistic3A_5 = arith.constant 1.000000e+00 : f32
    %logistic3A_6 = vector.broadcast %logistic3A_5 : f32 to vector<80x304xf32>
    %logistic3A_7 = arith.addf %logistic3A_6, %logistic3A_4 : vector<80x304xf32>
    %logistic3A_8 = arith.divf %logistic3A_6, %logistic3A_7 : vector<80x304xf32>
    %sub3A = arith.constant 1.000000e+00 : f32
    %sub3A_9 = vector.broadcast %sub3A : f32 to vector<80x304xf32>
    %sub3A_10 = arith.subf %sub3A_9, %logistic3A_8 : vector<80x304xf32>
    %sub3A_11 = arith.constant 1.000000e+00 : f32
    %sub3A_12 = vector.broadcast %sub3A_11 : f32 to vector<80x304xf32>
    %sub3A_13 = arith.subf %sub3A_12, %logistic3A_8 : vector<80x304xf32>
    %mul3A = arith.mulf %sub3A_10, %sub3A_13 : vector<80x304xf32>
    %mul3A_14 = arith.constant 2.500000e-01 : f32
    %mul3A_15 = vector.broadcast %mul3A_14 : f32 to vector<80x304xf32>
    %mul3A_16 = arith.mulf %mul3A_15, %mul3A : vector<80x304xf32>
    %add3A = arith.constant 9.99999993E-9 : f32
    %add3A_17 = vector.broadcast %add3A : f32 to vector<80x304xf32>
    %add3A_18 = arith.addf %logistic3A_8, %add3A_17 : vector<80x304xf32>
    %log3A = math.log %add3A_18 : vector<80x304xf32>
    %neg3A = arith.constant 0.000000e+00 : f32
    %neg3A_19 = vector.broadcast %neg3A : f32 to vector<80x304xf32>
    %neg3A_20 = arith.subf %neg3A_19, %log3A : vector<80x304xf32>
    %mul3A_21 = arith.mulf %mul3A_16, %neg3A_20 : vector<80x304xf32>
    %mul3A_22 = arith.mulf %logistic3A_8, %logistic3A_8 : vector<80x304xf32>
    %mul3A_23 = arith.constant 7.500000e-01 : f32
    %mul3A_24 = vector.broadcast %mul3A_23 : f32 to vector<80x304xf32>
    %mul3A_25 = arith.mulf %mul3A_24, %mul3A_22 : vector<80x304xf32>
    %sub3A_26 = arith.constant 1.000000e+00 : f32
    %sub3A_27 = vector.broadcast %sub3A_26 : f32 to vector<80x304xf32>
    %sub3A_28 = arith.subf %sub3A_27, %logistic3A_8 : vector<80x304xf32>
    %log3A_29 = math.log %sub3A_28 : vector<80x304xf32>
    %neg3A_30 = arith.constant 0.000000e+00 : f32
    %neg3A_31 = vector.broadcast %neg3A_30 : f32 to vector<80x304xf32>
    %neg3A_32 = arith.subf %neg3A_31, %log3A_29 : vector<80x304xf32>
    %mul3A_33 = arith.mulf %mul3A_25, %neg3A_32 : vector<80x304xf32>
    %sub3A_34 = arith.subf %mul3A_21, %mul3A_33 : vector<80x304xf32>
    %swap3A = arith.constant 0 : index
    %swap3A_35 = arith.constant 0 : index
    %swap3A_36 = arith.constant 0 : index
    %swap3A_37 = vector.load %arg4[%swap3A, %swap3A_35, %swap3A_36] : memref<1x80x304xf32, #tpu.memory_space<vmem>>, vector<1x80x304xf32>
    %swap3A_38 = vector.shape_cast %swap3A_37 : vector<1x80x304xf32> to vector<80x304xf32>
    %swap3A_39 = vector.shape_cast %sub3A_34 : vector<80x304xf32> to vector<1x80x304xf32>
    tpu.vector_store %arg4[%swap3A, %swap3A_35, %swap3A_36], %swap3A_39 {strides = array<i32>} : memref<1x80x304xf32, #tpu.memory_space<vmem>>, vector<1x80x304xf32>,
    %get3A_40 = arith.constant 0 : index
    %get3A_41 = arith.constant 0 : index
    %get3A_42 = arith.constant 0 : index
    %get3A_43 = vector.load %arg2[%get3A_40, %get3A_41, %get3A_42] : memref<1x4x304xf32, #tpu.memory_space<vmem>>, vector<1x4x304xf32>
    %get3A_44 = vector.shape_cast %get3A_43 : vector<1x4x304xf32> to vector<4x304xf32>
    %slice3A = vector.extract_strided_slice %get3A_44 {offsets = [0, 0], sizes = [1, 304], strides = [1, 1]} : vector<4x304xf32> to vector<1x304xf32>
    %slice3A_45 = vector.extract_strided_slice %get3A_44 {offsets = [1, 0], sizes = [1, 304], strides = [1, 1]} : vector<4x304xf32> to vector<1x304xf32>
    %slice3A_46 = vector.extract_strided_slice %get3A_44 {offsets = [2, 0], sizes = [1, 304], strides = [1, 1]} : vector<4x304xf32> to vector<1x304xf32>
    %slice3A_47 = vector.extract_strided_slice %get3A_44 {offsets = [3, 0], sizes = [1, 304], strides = [1, 1]} : vector<4x304xf32> to vector<1x304xf32>
    %get3A_48 = arith.constant 0 : index
    %get3A_49 = arith.constant 0 : index
    %get3A_50 = arith.constant 0 : index
    %get3A_51 = vector.load %arg3[%get3A_48, %get3A_49, %get3A_50] : memref<1x20x4xf32, #tpu.memory_space<vmem>>, vector<1x20x4xf32>
    %get3A_52 = vector.shape_cast %get3A_51 : vector<1x20x4xf32> to vector<20x4xf32>
    %slice3A_53 = vector.extract_strided_slice %get3A_52 {offsets = [0, 0], sizes = [20, 1], strides = [1, 1]} : vector<20x4xf32> to vector<20x1xf32>
    %slice3A_54 = vector.extract_strided_slice %get3A_52 {offsets = [0, 1], sizes = [20, 1], strides = [1, 1]} : vector<20x4xf32> to vector<20x1xf32>
    %slice3A_55 = vector.extract_strided_slice %get3A_52 {offsets = [0, 2], sizes = [20, 1], strides = [1, 1]} : vector<20x4xf32> to vector<20x1xf32>
    %slice3A_56 = vector.extract_strided_slice %get3A_52 {offsets = [0, 3], sizes = [20, 1], strides = [1, 1]} : vector<20x4xf32> to vector<20x1xf32>
    %sub3A_57 = vector.broadcast %slice3A : vector<1x304xf32> to vector<20x304xf32>
    %sub3A_58 = vector.broadcast %slice3A_53 : vector<20x1xf32> to vector<20x304xf32>
    %sub3A_59 = arith.subf %sub3A_57, %sub3A_58 : vector<20x304xf32>
    %abs3A = math.absf %sub3A_59 : vector<20x304xf32>
    %sub3A_60 = vector.broadcast %slice3A_46 : vector<1x304xf32> to vector<20x304xf32>
    %sub3A_61 = vector.broadcast %slice3A_55 : vector<20x1xf32> to vector<20x304xf32>
    %sub3A_62 = arith.subf %sub3A_60, %sub3A_61 : vector<20x304xf32>
    %abs3A_63 = math.absf %sub3A_62 : vector<20x304xf32>
    %add3A_64 = arith.addf %abs3A, %abs3A_63 : vector<20x304xf32>
    %sub3A_65 = vector.broadcast %slice3A_45 : vector<1x304xf32> to vector<20x304xf32>
    %sub3A_66 = vector.broadcast %slice3A_54 : vector<20x1xf32> to vector<20x304xf32>
    %sub3A_67 = arith.subf %sub3A_65, %sub3A_66 : vector<20x304xf32>
    %abs3A_68 = math.absf %sub3A_67 : vector<20x304xf32>
    %sub3A_69 = vector.broadcast %slice3A_47 : vector<1x304xf32> to vector<20x304xf32>
    %sub3A_70 = vector.broadcast %slice3A_56 : vector<20x1xf32> to vector<20x304xf32>
    %sub3A_71 = arith.subf %sub3A_69, %sub3A_70 : vector<20x304xf32>
    %abs3A_72 = math.absf %sub3A_71 : vector<20x304xf32>
    %add3A_73 = arith.addf %abs3A_68, %abs3A_72 : vector<20x304xf32>
    %add3A_74 = arith.addf %add3A_64, %add3A_73 : vector<20x304xf32>
    %mul3A_75 = arith.constant 5.000000e-01 : f32
    %mul3A_76 = vector.broadcast %mul3A_75 : f32 to vector<1x304xf32>
    %mul3A_77 = arith.mulf %mul3A_76, %slice3A_46 : vector<1x304xf32>
    %sub3A_78 = arith.subf %slice3A, %mul3A_77 : vector<1x304xf32>
    %mul3A_79 = arith.constant 5.000000e-01 : f32
    %mul3A_80 = vector.broadcast %mul3A_79 : f32 to vector<1x304xf32>
    %mul3A_81 = arith.mulf %mul3A_80, %slice3A_47 : vector<1x304xf32>
    %sub3A_82 = arith.subf %slice3A_45, %mul3A_81 : vector<1x304xf32>
    %mul3A_83 = arith.constant 5.000000e-01 : f32
    %mul3A_84 = vector.broadcast %mul3A_83 : f32 to vector<1x304xf32>
    %mul3A_85 = arith.mulf %mul3A_84, %slice3A_46 : vector<1x304xf32>
    %add3A_86 = arith.addf %slice3A, %mul3A_85 : vector<1x304xf32>
    %mul3A_87 = arith.constant 5.000000e-01 : f32
    %mul3A_88 = vector.broadcast %mul3A_87 : f32 to vector<1x304xf32>
    %mul3A_89 = arith.mulf %mul3A_88, %slice3A_47 : vector<1x304xf32>
    %add3A_90 = arith.addf %slice3A_45, %mul3A_89 : vector<1x304xf32>
    %mul3A_91 = arith.constant 5.000000e-01 : f32
    %mul3A_92 = vector.broadcast %mul3A_91 : f32 to vector<20x1xf32>
    %mul3A_93 = arith.mulf %mul3A_92, %slice3A_55 : vector<20x1xf32>
    %sub3A_94 = arith.subf %slice3A_53, %mul3A_93 : vector<20x1xf32>
    %mul3A_95 = arith.constant 5.000000e-01 : f32
    %mul3A_96 = vector.broadcast %mul3A_95 : f32 to vector<20x1xf32>
    %mul3A_97 = arith.mulf %mul3A_96, %slice3A_56 : vector<20x1xf32>
    %sub3A_98 = arith.subf %slice3A_54, %mul3A_97 : vector<20x1xf32>
    %mul3A_99 = arith.constant 5.000000e-01 : f32
    %mul3A_100 = vector.broadcast %mul3A_99 : f32 to vector<20x1xf32>
    %mul3A_101 = arith.mulf %mul3A_100, %slice3A_55 : vector<20x1xf32>
    %add3A_102 = arith.addf %slice3A_53, %mul3A_101 : vector<20x1xf32>
    %mul3A_103 = arith.constant 5.000000e-01 : f32
    %mul3A_104 = vector.broadcast %mul3A_103 : f32 to vector<20x1xf32>
    %mul3A_105 = arith.mulf %mul3A_104, %slice3A_56 : vector<20x1xf32>
    %add3A_106 = arith.addf %slice3A_54, %mul3A_105 : vector<20x1xf32>
    %sub3A_107 = arith.subf %add3A_86, %sub3A_78 : vector<1x304xf32>
    %sub3A_108 = arith.subf %add3A_90, %sub3A_82 : vector<1x304xf32>
    %mul3A_109 = arith.mulf %sub3A_107, %sub3A_108 : vector<1x304xf32>
    %sub3A_110 = arith.subf %add3A_102, %sub3A_94 : vector<20x1xf32>
    %sub3A_111 = arith.subf %add3A_106, %sub3A_98 : vector<20x1xf32>
    %mul3A_112 = arith.mulf %sub3A_110, %sub3A_111 : vector<20x1xf32>
    %max3A = vector.broadcast %sub3A_78 : vector<1x304xf32> to vector<20x304xf32>
    %max3A_113 = vector.broadcast %sub3A_94 : vector<20x1xf32> to vector<20x304xf32>
    %max3A_114 = arith.maximumf %max3A, %max3A_113 : vector<20x304xf32>
    %max3A_115 = vector.broadcast %sub3A_82 : vector<1x304xf32> to vector<20x304xf32>
    %max3A_116 = vector.broadcast %sub3A_98 : vector<20x1xf32> to vector<20x304xf32>
    %max3A_117 = arith.maximumf %max3A_115, %max3A_116 : vector<20x304xf32>
    %min3A = vector.broadcast %add3A_86 : vector<1x304xf32> to vector<20x304xf32>
    %min3A_118 = vector.broadcast %add3A_102 : vector<20x1xf32> to vector<20x304xf32>
    %min3A_119 = arith.minimumf %min3A, %min3A_118 : vector<20x304xf32>
    %min3A_120 = vector.broadcast %add3A_90 : vector<1x304xf32> to vector<20x304xf32>
    %min3A_121 = vector.broadcast %add3A_106 : vector<20x1xf32> to vector<20x304xf32>
    %min3A_122 = arith.minimumf %min3A_120, %min3A_121 : vector<20x304xf32>
    %sub3A_123 = arith.subf %min3A_119, %max3A_114 : vector<20x304xf32>
    %max3A_124 = arith.constant 0.000000e+00 : f32
    %max3A_125 = vector.broadcast %max3A_124 : f32 to vector<20x304xf32>
    %max3A_126 = arith.maximumf %sub3A_123, %max3A_125 : vector<20x304xf32>
    %sub3A_127 = arith.subf %min3A_122, %max3A_117 : vector<20x304xf32>
    %max3A_128 = arith.constant 0.000000e+00 : f32
    %max3A_129 = vector.broadcast %max3A_128 : f32 to vector<20x304xf32>
    %max3A_130 = arith.maximumf %sub3A_127, %max3A_129 : vector<20x304xf32>
    %mul3A_131 = arith.mulf %max3A_126, %max3A_130 : vector<20x304xf32>
    %add3A_132 = vector.broadcast %mul3A_109 : vector<1x304xf32> to vector<20x304xf32>
    %add3A_133 = vector.broadcast %mul3A_112 : vector<20x1xf32> to vector<20x304xf32>
    %add3A_134 = arith.addf %add3A_132, %add3A_133 : vector<20x304xf32>
    %sub3A_135 = arith.subf %add3A_134, %mul3A_131 : vector<20x304xf32>
    %div3A = arith.divf %mul3A_131, %sub3A_135 : vector<20x304xf32>
    %min3A_136 = vector.broadcast %sub3A_78 : vector<1x304xf32> to vector<20x304xf32>
    %min3A_137 = vector.broadcast %sub3A_94 : vector<20x1xf32> to vector<20x304xf32>
    %min3A_138 = arith.minimumf %min3A_136, %min3A_137 : vector<20x304xf32>
    %min3A_139 = vector.broadcast %sub3A_82 : vector<1x304xf32> to vector<20x304xf32>
    %min3A_140 = vector.broadcast %sub3A_98 : vector<20x1xf32> to vector<20x304xf32>
    %min3A_141 = arith.minimumf %min3A_139, %min3A_140 : vector<20x304xf32>
    %max3A_142 = vector.broadcast %add3A_86 : vector<1x304xf32> to vector<20x304xf32>
    %max3A_143 = vector.broadcast %add3A_102 : vector<20x1xf32> to vector<20x304xf32>
    %max3A_144 = arith.maximumf %max3A_142, %max3A_143 : vector<20x304xf32>
    %max3A_145 = vector.broadcast %add3A_90 : vector<1x304xf32> to vector<20x304xf32>
    %max3A_146 = vector.broadcast %add3A_106 : vector<20x1xf32> to vector<20x304xf32>
    %max3A_147 = arith.maximumf %max3A_145, %max3A_146 : vector<20x304xf32>
    %sub3A_148 = arith.subf %max3A_144, %min3A_138 : vector<20x304xf32>
    %max3A_149 = arith.constant 0.000000e+00 : f32
    %max3A_150 = vector.broadcast %max3A_149 : f32 to vector<20x304xf32>
    %max3A_151 = arith.maximumf %sub3A_148, %max3A_150 : vector<20x304xf32>
    %sub3A_152 = arith.subf %max3A_147, %min3A_141 : vector<20x304xf32>
    %max3A_153 = arith.constant 0.000000e+00 : f32
    %max3A_154 = vector.broadcast %max3A_153 : f32 to vector<20x304xf32>
    %max3A_155 = arith.maximumf %sub3A_152, %max3A_154 : vector<20x304xf32>
    %mul3A_156 = arith.mulf %max3A_151, %max3A_155 : vector<20x304xf32>
    %sub3A_157 = arith.subf %mul3A_156, %sub3A_135 : vector<20x304xf32>
    %div3A_158 = arith.divf %sub3A_157, %mul3A_156 : vector<20x304xf32>
    %sub3A_159 = arith.subf %div3A, %div3A_158 : vector<20x304xf32>
    %mul3A_160 = arith.constant 5.000000e+00 : f32
    %mul3A_161 = vector.broadcast %mul3A_160 : f32 to vector<20x304xf32>
    %mul3A_162 = arith.mulf %mul3A_161, %add3A_74 : vector<20x304xf32>
    %swap3A_163 = arith.constant 0 : index
    %swap3A_164 = arith.constant 0 : index
    %swap3A_165 = arith.constant 0 : index
    %swap3A_166 = vector.load %arg5[%swap3A_163, %swap3A_164, %swap3A_165] : memref<1x20x304xf32, #tpu.memory_space<vmem>>, vector<1x20x304xf32>
    %swap3A_167 = vector.shape_cast %swap3A_166 : vector<1x20x304xf32> to vector<20x304xf32>
    %swap3A_168 = vector.shape_cast %mul3A_162 : vector<20x304xf32> to vector<1x20x304xf32>
    tpu.vector_store %arg5[%swap3A_163, %swap3A_164, %swap3A_165], %swap3A_168 {strides = array<i32>} : memref<1x20x304xf32, #tpu.memory_space<vmem>>, vector<1x20x304xf32>,
    %neg3A_169 = arith.constant 0.000000e+00 : f32
    %neg3A_170 = vector.broadcast %neg3A_169 : f32 to vector<20x304xf32>
    %neg3A_171 = arith.subf %neg3A_170, %sub3A_159 : vector<20x304xf32>
    %mul3A_172 = arith.constant 2.000000e+00 : f32
    %mul3A_173 = vector.broadcast %mul3A_172 : f32 to vector<20x304xf32>
    %mul3A_174 = arith.mulf %mul3A_173, %neg3A_171 : vector<20x304xf32>
    %swap3A_175 = arith.constant 0 : index
    %swap3A_176 = arith.constant 0 : index
    %swap3A_177 = arith.constant 0 : index
    %swap3A_178 = vector.load %arg6[%swap3A_175, %swap3A_176, %swap3A_177] : memref<1x20x304xf32, #tpu.memory_space<vmem>>, vector<1x20x304xf32>
    %swap3A_179 = vector.shape_cast %swap3A_178 : vector<1x20x304xf32> to vector<20x304xf32>
    %swap3A_180 = vector.shape_cast %mul3A_174 : vector<20x304xf32> to vector<1x20x304xf32>
    tpu.vector_store %arg6[%swap3A_175, %swap3A_176, %swap3A_177], %swap3A_180 {strides = array<i32>} : memref<1x20x304xf32, #tpu.memory_space<vmem>>, vector<1x20x304xf32>,
    return
  }
  func.func @transform_0(%arg0: i32) -> (i32, i32, i32) {
    %c0_i32 = arith.constant 0 : i32
    %c0_i32_0 = arith.constant 0 : i32
    %c0_i32_1 = arith.constant 0 : i32
    return %arg0, %c0_i32, %c0_i32_0 : i32, i32, i32
  }
  func.func @transform_1(%arg0: i32) -> (i32, i32, i32) {
    %c0_i32 = arith.constant 0 : i32
    %c0_i32_0 = arith.constant 0 : i32
    %c0_i32_1 = arith.constant 0 : i32
    return %arg0, %c0_i32, %c0_i32_0 : i32, i32, i32
  }
  func.func @transform_2(%arg0: i32) -> (i32, i32, i32) {
    %c0_i32 = arith.constant 0 : i32
    %c0_i32_0 = arith.constant 0 : i32
    %c0_i32_1 = arith.constant 0 : i32
    return %arg0, %c0_i32, %c0_i32_0 : i32, i32, i32
  }
  func.func @transform_3(%arg0: i32) -> (i32, i32, i32) {
    %c0_i32 = arith.constant 0 : i32
    %c0_i32_0 = arith.constant 0 : i32
    %c0_i32_1 = arith.constant 0 : i32
    return %arg0, %c0_i32, %c0_i32_0 : i32, i32, i32
  }
  func.func @transform_4(%arg0: i32) -> (i32, i32, i32) {
    %c0_i32 = arith.constant 0 : i32
    %c0_i32_0 = arith.constant 0 : i32
    %c0_i32_1 = arith.constant 0 : i32
    return %arg0, %c0_i32, %c0_i32_0 : i32, i32, i32
  }
  func.func @transform_5(%arg0: i32) -> (i32, i32, i32) {
    %c0_i32 = arith.constant 0 : i32
    %c0_i32_0 = arith.constant 0 : i32
    %c0_i32_1 = arith.constant 0 : i32
    return %arg0, %c0_i32, %c0_i32_0 : i32, i32, i32
  }
}

</mosaic_0001>

<sc_bundles>
// kernel: kernel.4.cloned.1.call-start
scs
__scs_entry_jumppad:
0x0: {  	(pc) =	sbr.rel $0x88, $3  }
0x1: {  	(tag) =	ssettag $0x0;
	lr =	simm.s32 $0x1  }
0x2: {  	[smem:$0x3F9B] =	sst lr;
	_ =	strace $0xD0000000  }
0x3: {  	_ = 	snop  }
0x4: {  	_ = 	snop  }
0x5: {  	_ = 	snop  }
0x6: {  	_ = 	snop  }
0x7: {  	_ = 	snop  }
__scs_overlays_trampoline_lowered:
0x8: {  	[smem:$0x3FAA] =	sst s0  }
0x9: {  	[smem:$0x3FAB] =	sst s1  }
0xa: {  	[smem:$0x3FAC] =	sst s2  }
0xb: {  	[smem:$0x3FAD] =	sst s3  }
0xc: {  	[smem:$0x3FAE] =	sst s4  }
0xd: {  	[smem:$0x3FAF] =	sst s5  }
0xe: {  	[smem:$0x3FB0] =	sst s6  }
0xf: {  	[smem:$0x3FB1] =	sst s7  }
0x10: {  	[smem:$0x3FB2] =	sst s8  }
0x11: {  	[smem:$0x3FB3] =	sst s9;
	s0 =	simm.s32 @!p0 $0x0  }
0x12: {  	s1 =	sld [smem:$0x3F99];
	s0 =	simm.s32 @p0 $0x1  }
0x13: {  	[smem:$0x3FB4] =	sst s0;
	s0 =	simm.s32 @!p1 $0x0  }
0x14: {  	s2 =	sld [smem:$0x3F98];
	s0 =	simm.s32 @p1 $0x1  }
0x15: {  	[smem:$0x3FB5] =	sst s0;
	s0 =	simm.s32 @!p2 $0x0  }
0x16: {  	s3 =	sld [smem:$0x3FDB];
	s0 =	simm.s32 @p2 $0x1  }
0x17: {  	s4 =	simm.s32 $0x1BF5;
	[smem:$0x3FB7] =	sst s0  }
0x18: {  	s0 =	sld [smem:$0x3F9A];
	_ =	swait.ge [sflag:s4], $0x0  }
0x19: {  	s7 =	sld [smem:$0x3F9B]  }
0x1a: {  	s8 =	sadd.s32 $0xFFFFE003, lr  }
0x1b: {  	s9 =	sadd.s32 $0xFFFFFEF7, lr;
	s5 =	simm.s32 $0xFFFFFFFF;
	p2 =	slt.u32 s8, $0xFFFFF086  }
0x1c: {  	p1 =	slt.u32 s9, $0xF7A;
	s5 =	simm.s32 @!p2 $0x0  }
0x1d: {  	s5 =	simm.s32 @p1 $0x1;
	p0 =	seq.s32 s7, s2  }
0x1e: {  	s7 =	smul.u32 @!p0 $0xF7A, s2;
	p2 =	seq.s32 @!p0 s5, $0x0  }
0x1f: {  	s9 =	smul.u32 $0xF7A, s1;
	s8 =	simm.s32 @!p0 $0x1BF5;
	p2 =	por !p2, p0  }
0x20: {  	[sflag:s8] =	ssyncset.s32 @!p0 $0xFFFFF086;
	s6 =	sadd.s32 @!p0 s3, s7;
	s7 =	simm.s32 @!p0 $0x108  }
0x21: {  	s3 =	sadd.s32 s3, s9;
	s6 =	sadd.s32 @!p0 $0x88, s6;
	s7 =	simm.s32 @p2 $0x1082  }
0x22: {  	[simem:s7], [sflag:s8] =	dma.local @!p0 [hbm:s6], $0xF7A  }
0x23: {  	s9 =	sor.u32 $0xD0000000, s2;
	s6 =	simm.s32 $0x108;
	_ =	swait.ge @!p0 [sflag:s8], $0x0  }
0x24: {  	s3 =	sadd.s32 $0x88, s3;
	s6 =	simm.s32 @!p1 $0x1082;
	[sflag:s4] =	ssyncset.s32 $0xFFFFF086  }
0x25: {  	[simem:s6], [sflag:s4] =	dma.local [hbm:s3], $0xF7A  }
0x26: {  	[smem:$0x3F9B] =	sst s1;
	(tag) =	ssettag s2;
	_ =	strace s9  }
0x27: {  	s1 =	sld [smem:$0x3FAB]  }
0x28: {  	s2 =	sld [smem:$0x3FAC]  }
0x29: {  	s4 =	sld [smem:$0x3FAE]  }
0x2a: {  	p0 =	seq.s32 s5, $0x0;
	s5 =	sld [smem:$0x3FAF]  }
0x2b: {  	s6 =	sld [smem:$0x3FB0]  }
0x2c: {  	s7 =	sld [smem:$0x3FB1]  }
0x2d: {  	s3 =	simm.s32 $0x108;
	s8 =	sld [smem:$0x3FB2]  }
0x2e: {  	s3 =	simm.s32 @!p0 $0x1082;
	s9 =	sld [smem:$0x3FB3]  }
0x2f: {  	lr =	sadd.s32 s0, s3;
	s0 =	sld [smem:$0x3FAA]  }
0x30: {  	s3 =	sld [smem:$0x3FAD]  }
0x31: {  	[smem:$0x3FB6] =	sst s10  }
0x32: {  	s10 =	sld [smem:$0x3FB4];
	_ =	sdelay $0x3  }
0x33: {  	p0 =	seq.s32 s10, $0x1;
	s10 =	sld [smem:$0x3FB6];
	_ =	sdelay $0x3  }
0x34: {  	[smem:$0x3FB6] =	sst s10  }
0x35: {  	s10 =	sld [smem:$0x3FB5];
	_ =	sdelay $0x3  }
0x36: {  	p1 =	seq.s32 s10, $0x1;
	s10 =	sld [smem:$0x3FB6];
	_ =	sdelay $0x3  }
0x37: {  	[smem:$0x3FB6] =	sst s10  }
0x38: {  	s10 =	sld [smem:$0x3FB7]  }
0x39: {  	_ = 	snop;
	(pc) =	sbr.ind lr, $3  }
0x3a: {  	_ = 	snop  }
0x3b: {  	_ = 	snop  }
0x3c: {  	p2 =	seq.s32 s10, $0x1;
	s10 =	sld [smem:$0x3FB6]  }
0x3d: {  	_ =	shalt  }
0x3e: {  	_ =	shalt  }
0x3f: {  	_ =	shalt  }
0x40: {  	_ =	shalt  }
0x41: {  	_ =	shalt  }
0x42: {  	_ =	shalt  }
0x43: {  	_ =	shalt  }
0x44: {  	_ =	shalt  }
0x45: {  	_ =	shalt  }
0x46: {  	_ =	shalt  }
0x47: {  	_ =	shalt  }
0x48: {  	_ =	shalt  }
0x49: {  	_ =	shalt  }
0x4a: {  	_ =	shalt  }
0x4b: {  	_ =	shalt  }
0x4c: {  	_ =	shalt  }
0x4d: {  	_ =	shalt  }
0x4e: {  	_ =	shalt  }
0x4f: {  	_ =	shalt  }
0x50: {  	_ =	shalt  }
0x51: {  	_ =	shalt  }
0x52: {  	_ =	shalt  }
0x53: {  	_ =	shalt  }
0x54: {  	_ =	shalt  }
0x55: {  	_ =	shalt  }
0x56: {  	_ =	shalt  }
0x57: {  	_ =	shalt  }
0x58: {  	_ =	shalt  }
0x59: {  	_ =	shalt  }
0x5a: {  	_ =	shalt  }
0x5b: {  	_ =	shalt  }
0x5c: {  	_ =	shalt  }
0x5d: {  	_ =	shalt  }
0x5e: {  	_ =	shalt  }
0x5f: {  	_ =	shalt  }
0x60: {  	_ =	shalt  }
0x61: {  	_ =	shalt  }
0x62: {  	_ =	shalt  }
0x63: {  	_ =	shalt  }
0x64: {  	_ =	shalt  }
0x65: {  	_ =	shalt  }
0x66: {  	_ =	shalt  }
0x67: {  	_ =	shalt  }
0x68: {  	_ =	shalt  }
0x69: {  	_ =	shalt  }
0x6a: {  	_ =	shalt  }
0x6b: {  	_ =	shalt  }
0x6c: {  	_ =	shalt  }
0x6d: {  	_ =	shalt  }
0x6e: {  	_ =	shalt  }
0x6f: {  	_ =	shalt  }
0x70: {  	_ =	shalt  }
0x71: {  	_ =	shalt  }
0x72: {  	_ =	shalt  }
0x73: {  	_ =	shalt  }
0x74: {  	_ =	shalt  }
0x75: {  	_ =	shalt  }
0x76: {  	_ =	shalt  }
0x77: {  	_ =	shalt  }
0x78: {  	_ =	shalt  }
0x79: {  	_ =	shalt  }
0x7a: {  	_ =	shalt  }
0x7b: {  	_ =	shalt  }
0x7c: {  	_ =	shalt  }
0x7d: {  	_ =	shalt  }
0x7e: {  	_ =	shalt  }
0x7f: {  	_ =	shalt  }
0x80: {  	_ =	shalt  }
0x81: {  	_ =	shalt  }
0x82: {  	_ =	shalt  }
0x83: {  	_ =	shalt  }
0x84: {  	_ =	shalt  }
0x85: {  	_ =	shalt  }
0x86: {  	_ =	shalt  }
0x87: {  	_ =	shalt  }
.Lfunc_end0:
.L_simem_size_0:
called_computation_lowered:
.L_overlay_start_0:
0x88: {  	s2 =	sld [smem:$0x3FD9]  }
0x89: {  	s3 =	sld [smem:$0x3FFE];
	_ =	sdelay $0x1  }
0x8a: {  	s1 =	srdreg.scid  }
0x8b: {  	s0 =	sand.u32 $0x1, s1  }
0x8c: {  	s16 =	sshll.u32 s0, $0xA;
	s2 =	sadd.s32 s3, s2  }
0x8d: {  	s2 =	sadd.s32 s2, s16  }
0x8e: {  	[smem:$0x3FC2] =	sst s2  }
0x8f: {  	_ = 	snop  }
0x90: {  	(tm) =	ssettm $0x1  }
0x91: {  	s17 =	sld [smem:$0x3FFB];
	_ =	sdelay $0x3  }
0x92: {  	_ =	strace s17  }
0x93: {  	s2 =	sld [smem:$0x3FFC];
	_ =	sdelay $0x3  }
0x94: {  	_ =	strace s2  }
0x95: {  	s2 =	sld [smem:$0x3FFD];
	_ =	sdelay $0x3  }
0x96: {  	_ =	strace s2  }
0x97: {  	_ =	strace $0x8FFFFFFF  }
0x98: {  	s18 =	sld [smem:$0x3FDB];
	_ =	sdelay $0x1  }
0x99: {  	s19 =	simm.s32 $_scs_section_size  }
0x9a: {  	s4 =	simm.s32 $_size__tile_overlayer_lowered;
	s5 =	simm.s32 $_tile_overlayer_lowered  }
0x9b: {  	s22 =	simm.s32 $0x1BFF;
	s21 =	sshll.u32 s5, $0x1;
	s2 =	sadd.s32 s19, s18  }
0x9c: {  	s6 =	simm.s32 $0x0;
	s20 =	sshll.u32 s4, $0x1;
	s4 =	sadd.s32 s21, s2  }
0x9d: {  	[timem:s6], [sflag:s22] =	dma.local [hbm:s4], s20  }
0x9e: {  	_ =	swait.ge [sflag:s22], s20  }
0x9f: {  	s3 =	ssub.s32 $0x0, s20;
	[sflag:s22] =	ssyncset.done $0x0  }
0xa0: {  	[sflag:s22] =	ssyncadd.s32 s3;
	_ =	sdelay $0x1  }
0xa1: {  	s23 =	simm.s32 $0x1B8B  }
0xa2: {  	_ =	swait.ge [sflag:s23], $0x1  }
0xa3: {  	[sflag:s23] =	ssyncset.done $0x0  }
0xa4: {  	s25 =	simm.s32 $0x1B8E;
	s24 =	sld [smem:$0x3FFE];
	[sflag:s23] =	ssyncadd.s32 $0xFFFFFFFF  }
0xa5: {  	s26 =	simm.s32 $execute0_lowered;
	[smem:$0x3FD2] =	sst s25  }
0xa6: {  	s4 =	sshll.u32 s26, $0x1;
	_ =	strace $0x80000046;
	[dreg:$0x1] =	wrdreg $0xFFFFFFFF  }
0xa7: {  	s28 =	simm.s32 $_size_execute0_lowered;
	s2 =	sadd.s32 s2, s4;
	[dreg:$0x0] =	wrdreg $0x0  }
0xa8: {  	s4 =	sshll.u32 s28, $0x1;
	[dreg:$0x2] =	wrdreg s2  }
0xa9: {  	[dreg:$0x3] =	wrdreg s4  }
0xaa: {  	[dreg:$0x4] =	wrdreg $0xC0  }
0xab: {  	_ =	task [dreg:s6], $0x5FFFF  }
0xac: {  	[dreg:$0x1] =	wrdreg $0xFFFFFFFF  }
0xad: {  	[dreg:$0x0] =	wrdreg $0x60  }
0xae: {  	[dreg:$0x2] =	wrdreg s24  }
0xaf: {  	[dreg:$0x3] =	wrdreg $0x9  }
0xb0: {  	_ =	task.clear_ibuf [dreg:s6], $0x4FFFF;
	_ =	strace $0x90000046  }
0xb1: {  	s29 =	simm.s32 $0x9;
	_ =	strace $0x80000048  }
0xb2: {  	_ =	swait.ge [sflag:s29], $0x1  }
0xb3: {  	[sflag:s29] =	ssyncadd.s32 $0xFFFFFFFF  }
0xb4: {  	_ =	strace $0x90000048  }
0xb5: {  	_ =	sfence  }
0xb6: {  	s30 =	sld [smem:$0x0];
	_ =	sdelay $0x2  }
0xb7: {  	s31 =	sshll.u32 s1, $0xD;
	s1 =	sshrl.u32 s1, $0x2  }
0xb8: {  	s3 =	sand.u32 $0x4000, s31;
	s1 =	sadd.s32 s1, s30  }
0xb9: {  	s0 =	sor.u32 s3, s0;
	s1 =	sshll.u32 s1, $0x11  }
0xba: {  	s0 =	sor.u32 s1, s0  }
0xbb: {  	s0 =	sadd.s32 $0x8F2B, s0  }
0xbc: {  	[sflag:s0] =	ssyncadd.remote.s32 $0x1  }
0xbd: {  	_ =	sfence.sel $0xFFFF  }
0xbe: {  	[dreg:$0x0] =	wrdreg $0xFFFFFFFF;
	(pc) =	sbr.abs _section_cstart, $3  }
0xbf: {  	[dreg:$0x1] =	wrdreg $0xFFFFFFFF  }
0xc0: {  	_ =	task.clear_ibuf [dreg:s6], $0x2FFFF;
	_ =	strace $0x9FFFFFFF  }
0xc1: {  	(tm) =	ssettm $0x7FFFFFFF  }
tec
execute0_lowered:
.L_overlay_start_1:
0x0: {  	(tag) =	ssettag $0x1  }
0x1: {  	s1 =	stileid.u32  }
0x2: {  	p0 =	sgt.u32 s1, $0x7  }
.Ltmp0:
0x3: {  	_ = 	snop;
	(pc) =	sbr.rel @p0 .LBB2_49-.Ltmp0, $4  }
0x4: {  	_ = 	snop  }
0x5: {  	s3 =	rddreg [dreg:$0x0];
	s2 =	simm.s32 $0x0  }
0x6: {  	[smem:$0x7FF] =	sst s2  }
0x7: {  	s0 =	rddreg [dreg:$0x1];
	_ =	strace $0x80000047  }
0x8: {  	vm2 =	vmmov $0x1;
	v0 =	vlaneseq.u32  }
0x9: {  	vm3 =	vcmask $0x308;
	vm4 =	vcmask $0x70C;
	vm5 =	vcmask $0xB10  }
0xa: {  	vm6 =	vcmask $0xF14;
	vm7 =	vcmask $0x1318;
	vm8 =	vcmask $0x171C  }
0xb: {  	vm9 =	vcmask $0x1B20;
	vm1 =	vcmask $0x1F24;
	vm10 =	vcmask $0x2328  }
0xc: {  	vm11 =	vcmask $0x272C;
	vm12 =	vcmask $0x2B30;
	vm13 =	vcmask $0x2F34  }
0xd: {  	s4 =	srdreg.scid;
	s5 =	sshll.u32 s1, $0x1;
	vm14 =	vcmask $0x3338;
	v1 =	vimm.f32 $1.000000000e+00;
	vm0 =	vcmask $0x3300  }
0xe: {  	s7 =	sadd.s32 $0x1400, s3;
	vm15 =	vcmask $0x373C;
	v3 =	vimm.s32 $0x0;
	v4 =	vimm.s32 $0x0;
	s12 =	simm.s32 $0xC000;
	s13 =	simm.s32 $0xEC00  }
0xf: {  	v5 =	vimm.f32 $9.999999840e+17;
	v6 =	vimm.s32 $0x3FFFFFFF;
	v7 =	vimm.s32 $0x1;
	s14 =	simm.s32 $0xE600;
	s15 =	simm.s32 $0xE900;
	s4 =	sand.u32 $0x1, s4  }
0x10: {  	v8 =	vimm.s32 $0x2;
	v9 =	vimm.s32 $0x3;
	v10 =	vimm.s32 $0x4;
	s16 =	simm.s32 $0xC080;
	s17 =	simm.s32 $0xEE00;
	s5 =	sor.u32 s4, s5  }
0x11: {  	v11 =	vimm.s32 $0x5;
	v12 =	vimm.s32 $0x6;
	v13 =	vimm.s32 $0x7;
	s18 =	simm.s32 $0xED80;
	s19 =	simm.s32 $0xEA80;
	s6 =	smul.u32 $0x480, s5  }
0x12: {  	v14 =	vimm.s32 $0x8;
	v15 =	vimm.s32 $0x9;
	v16 =	vimm.s32 $0xA;
	s20 =	simm.s32 $0x0;
	s9 =	ssub.s32 $0x2, s4;
	s11 =	smul.u32 $0xF00, s5  }
.Ltmp1:
0x13: {  	v17 =	vimm.s32 $0xB;
	v18 =	vimm.s32 $0xC;
	v19 =	vimm.s32 $0xD;
	s8 =	sshll.u32 s5, $0x4;
	s10 =	sshrl.u32 s9, $0x1;
	(pc) =	sbr.rel .LBB2_2-.Ltmp1, $4  }
0x14: {  	v20 =	vimm.s32 $0xE;
	v21 =	vimm.s32 $0xF;
	v26 =	vimm.s32 $0x0;
	s8 =	sadd.s32 s8, s3;
	s9 =	ssub.s32 s9, s10;
	s10 =	simm.s32 $0x7800  }
0x15: {  	v2 =	vsel vm0, $0x0, v1;
	vm0 =	vmmov $0x7fff;
	v26 =	vsel vm2, $0xFFFFFFFF, v26;
	s6 =	sadd.s32 s6, s3;
	s5 =	sadd.s32 $0x1200, s8;
	s7 =	sadd.s32 s7, s11  }
0x16: {  	v22 =	vimm.s32 $0x10;
	v23 =	vimm.s32 $0x11;
	v3 =	vsel vm0, $0xFFFFFFFF, v3;
	[tilespmem:$0x1FFF0] =	vst v26;
	s11 =	simm.s32 $0x9C00;
	s3 =	sadd.s32 $0x10400, s6;
	s4 =	sadd.s32 $0x14C00, s6  }
0x17: {  	v24 =	vimm.s32 $0x12;
	v25 =	vimm.s32 $0x13;
	[tilespmem:$0x1FFE0] =	vst v3;
	v3 =	vimm.f32 $0.0e+00;
	s6 =	sadd.s32 $0x19400, s8;
	s8 =	smax.u32 s9, $0x1;
	s9 =	simm.s32 $0x1  }
.LBB2_48:
0x18: {  	v26 =	vld [tilespmem:$0xEC00];
	_ =	sdelay $0x4  }
0x19: {  	vm1 =	vcmask $0x3F04;
	vm0 =	vgt.s32 v26, $0x0  }
0x1a: {  	vm0 =	vmand vm0, vm1  }
0x1b: {  	v26 =	vadd.s32 $0xFFFFFFFF, v26;
	_ =	sdelay $0x2  }
0x1c: {  	[tilespmem:$0xEE00] =	vst v6  }
0x1d: {  	[tilespmem:$0xEE10] =	vst v6;
	v27 =	vadd.s32 $0xFFFFFFFF, v0  }
0x1e: {  	[tilespmem:v26+s17+$0x0] =	vst.idx.msk vm0, v27  }
0x1f: {  	v26 =	vld [tilespmem:$0xEC10];
	_ =	sdelay $0x4  }
0x20: {  	vm0 =	vgt.s32 v26, $0x0  }
0x21: {  	v26 =	vadd.s32 $0xFFFFFFFF, v26;
	_ =	sdelay $0x3  }
0x22: {  	v27 =	vadd.s32 $0xF, v0  }
0x23: {  	[tilespmem:v26+s17+$0x0] =	vst.idx.msk vm0, v27  }
0x24: {  	v26 =	vld [tilespmem:$0xEC20];
	_ =	sdelay $0x4  }
0x25: {  	vm0 =	vgt.s32 v26, $0x0  }
0x26: {  	v26 =	vadd.s32 $0xFFFFFFFF, v26;
	_ =	sdelay $0x3  }
0x27: {  	v27 =	vadd.s32 $0x1F, v0  }
0x28: {  	[tilespmem:v26+s17+$0x0] =	vst.idx.msk vm0, v27  }
0x29: {  	v26 =	vld [tilespmem:$0xEC30];
	_ =	sdelay $0x4  }
0x2a: {  	vm0 =	vgt.s32 v26, $0x0  }
0x2b: {  	v26 =	vadd.s32 $0xFFFFFFFF, v26;
	_ =	sdelay $0x3  }
0x2c: {  	v27 =	vadd.s32 $0x2F, v0  }
0x2d: {  	[tilespmem:v26+s17+$0x0] =	vst.idx.msk vm0, v27  }
0x2e: {  	v26 =	vld [tilespmem:$0xEC40];
	_ =	sdelay $0x4  }
0x2f: {  	vm0 =	vgt.s32 v26, $0x0  }
0x30: {  	v26 =	vadd.s32 $0xFFFFFFFF, v26;
	_ =	sdelay $0x3  }
0x31: {  	v27 =	vadd.s32 $0x3F, v0  }
0x32: {  	[tilespmem:v26+s17+$0x0] =	vst.idx.msk vm0, v27  }
0x33: {  	v26 =	vld [tilespmem:$0xEC50];
	_ =	sdelay $0x4  }
0x34: {  	vm0 =	vgt.s32 v26, $0x0  }
0x35: {  	v26 =	vadd.s32 $0xFFFFFFFF, v26;
	_ =	sdelay $0x3  }
0x36: {  	v27 =	vadd.s32 $0x4F, v0  }
0x37: {  	[tilespmem:v26+s17+$0x0] =	vst.idx.msk vm0, v27  }
0x38: {  	v26 =	vld [tilespmem:$0xEC60];
	_ =	sdelay $0x4  }
0x39: {  	vm0 =	vgt.s32 v26, $0x0  }
0x3a: {  	v26 =	vadd.s32 $0xFFFFFFFF, v26;
	_ =	sdelay $0x3  }
0x3b: {  	v27 =	vadd.s32 $0x5F, v0  }
0x3c: {  	[tilespmem:v26+s17+$0x0] =	vst.idx.msk vm0, v27  }
0x3d: {  	v26 =	vld [tilespmem:$0xEC70];
	_ =	sdelay $0x4  }
0x3e: {  	vm0 =	vgt.s32 v26, $0x0  }
0x3f: {  	v26 =	vadd.s32 $0xFFFFFFFF, v26;
	_ =	sdelay $0x3  }
0x40: {  	v27 =	vadd.s32 $0x6F, v0  }
0x41: {  	[tilespmem:v26+s17+$0x0] =	vst.idx.msk vm0, v27  }
0x42: {  	v26 =	vld [tilespmem:$0xEC80];
	_ =	sdelay $0x4  }
0x43: {  	vm0 =	vgt.s32 v26, $0x0  }
0x44: {  	v26 =	vadd.s32 $0xFFFFFFFF, v26;
	_ =	sdelay $0x3  }
0x45: {  	v27 =	vadd.s32 $0x7F, v0  }
0x46: {  	[tilespmem:v26+s17+$0x0] =	vst.idx.msk vm0, v27  }
0x47: {  	v26 =	vld [tilespmem:$0xEC90];
	_ =	sdelay $0x4  }
0x48: {  	vm0 =	vgt.s32 v26, $0x0  }
0x49: {  	v26 =	vadd.s32 $0xFFFFFFFF, v26;
	_ =	sdelay $0x3  }
0x4a: {  	v27 =	vadd.s32 $0x8F, v0  }
0x4b: {  	[tilespmem:v26+s17+$0x0] =	vst.idx.msk vm0, v27  }
0x4c: {  	v26 =	vld [tilespmem:$0xECA0];
	_ =	sdelay $0x4  }
0x4d: {  	vm0 =	vgt.s32 v26, $0x0  }
0x4e: {  	v26 =	vadd.s32 $0xFFFFFFFF, v26;
	_ =	sdelay $0x3  }
0x4f: {  	v27 =	vadd.s32 $0x9F, v0  }
0x50: {  	[tilespmem:v26+s17+$0x0] =	vst.idx.msk vm0, v27  }
0x51: {  	v26 =	vld [tilespmem:$0xECB0];
	_ =	sdelay $0x4  }
0x52: {  	vm0 =	vgt.s32 v26, $0x0  }
0x53: {  	v26 =	vadd.s32 $0xFFFFFFFF, v26;
	_ =	sdelay $0x3  }
0x54: {  	v27 =	vadd.s32 $0xAF, v0  }
0x55: {  	[tilespmem:v26+s17+$0x0] =	vst.idx.msk vm0, v27  }
0x56: {  	v26 =	vld [tilespmem:$0xECC0];
	_ =	sdelay $0x4  }
0x57: {  	vm0 =	vgt.s32 v26, $0x0  }
0x58: {  	v26 =	vadd.s32 $0xFFFFFFFF, v26;
	_ =	sdelay $0x3  }
0x59: {  	v27 =	vadd.s32 $0xBF, v0  }
0x5a: {  	[tilespmem:v26+s17+$0x0] =	vst.idx.msk vm0, v27  }
0x5b: {  	v26 =	vld [tilespmem:$0xECD0];
	_ =	sdelay $0x4  }
0x5c: {  	vm0 =	vgt.s32 v26, $0x0  }
0x5d: {  	v26 =	vadd.s32 $0xFFFFFFFF, v26;
	_ =	sdelay $0x3  }
0x5e: {  	v27 =	vadd.s32 $0xCF, v0  }
0x5f: {  	[tilespmem:v26+s17+$0x0] =	vst.idx.msk vm0, v27  }
0x60: {  	v26 =	vld [tilespmem:$0xECE0];
	_ =	sdelay $0x4  }
0x61: {  	vm0 =	vgt.s32 v26, $0x0  }
0x62: {  	v26 =	vadd.s32 $0xFFFFFFFF, v26;
	_ =	sdelay $0x3  }
0x63: {  	v27 =	vadd.s32 $0xDF, v0  }
0x64: {  	[tilespmem:v26+s17+$0x0] =	vst.idx.msk vm0, v27  }
0x65: {  	v26 =	vld [tilespmem:$0xECF0];
	_ =	sdelay $0x4  }
0x66: {  	vm0 =	vgt.s32 v26, $0x0  }
0x67: {  	v26 =	vadd.s32 $0xFFFFFFFF, v26;
	_ =	sdelay $0x3  }
0x68: {  	v27 =	vadd.s32 $0xEF, v0  }
0x69: {  	[tilespmem:v26+s17+$0x0] =	vst.idx.msk vm0, v27  }
0x6a: {  	v26 =	vld [tilespmem:$0xED00];
	_ =	sdelay $0x4  }
0x6b: {  	vm0 =	vgt.s32 v26, $0x0  }
0x6c: {  	v26 =	vadd.s32 $0xFFFFFFFF, v26;
	_ =	sdelay $0x3  }
0x6d: {  	v27 =	vadd.s32 $0xFF, v0  }
0x6e: {  	[tilespmem:v26+s17+$0x0] =	vst.idx.msk vm0, v27  }
0x6f: {  	v26 =	vld [tilespmem:$0xED10];
	_ =	sdelay $0x4  }
0x70: {  	vm0 =	vgt.s32 v26, $0x0  }
0x71: {  	v26 =	vadd.s32 $0xFFFFFFFF, v26;
	_ =	sdelay $0x3  }
0x72: {  	v27 =	vadd.s32 $0x10F, v0  }
0x73: {  	[tilespmem:v26+s17+$0x0] =	vst.idx.msk vm0, v27  }
0x74: {  	v26 =	vld [tilespmem:$0xED20];
	_ =	sdelay $0x4  }
0x75: {  	vm0 =	vgt.s32 v26, $0x0  }
0x76: {  	v26 =	vadd.s32 $0xFFFFFFFF, v26;
	_ =	sdelay $0x3  }
0x77: {  	v27 =	vadd.s32 $0x11F, v0  }
0x78: {  	[tilespmem:v26+s17+$0x0] =	vst.idx.msk vm0, v27;
	v27 =	vld [tilespmem:$0x1FFF0]  }
0x79: {  	v26 =	vld [tilespmem:$0xEE00];
	_ =	sdelay $0x3  }
0x7a: {  	vm2 =	vnez.u8 v27  }
0x7b: {  	v27 =	vnsel vm2, $0xFFFFFFFF, v26  }
0x7c: {  	vm3 =	vcmask $0x308;
	v27 =	vxor.u32 $0x80000000, v27  }
0x7d: {  	(xrf0) =	vmax.scan.msk.u32 $0xffff, v27;
	v27 =	vsel vm3, $0xFFFFFFFF, v26  }
0x7e: {  	v27 =	vxor.u32 $0x80000000, v27  }
0x7f: {  	vm4 =	vcmask $0x70C;
	(xrf0) =	vmax.scan.msk.u32 $0xffff, v27  }
0x80: {  	v27 =	vsel vm4, $0xFFFFFFFF, v26  }
0x81: {  	v27 =	vxor.u32 $0x80000000, v27;
	_ =	sdelay $0x1  }
0x82: {  	(xrf0) =	vmax.scan.msk.u32 $0xffff, v27  }
0x83: {  	vm5 =	vcmask $0xB10;
	v27, _, _ =	vpop (xrf0)  }
0x84: {  	v28 =	vsel vm5, $0xFFFFFFFF, v26;
	(v2sf) =	vpush v27, $0xF;
	v27, _, _ =	vpop (xrf0)  }
0x85: {  	(v2sf) =	vpush v27, $0xF;
	v27 =	vxor.u32 $0x80000000, v28;
	_ =	sdelay $0x1  }
0x86: {  	vm6 =	vcmask $0xF14;
	(xrf0) =	vmax.scan.msk.u32 $0xffff, v27  }
0x87: {  	v54 =	vsel vm6, $0xFFFFFFFF, v26;
	v27, _, _ =	vpop (xrf0)  }
0x88: {  	(v2sf) =	vpush v27, $0xF;
	v27 =	vxor.u32 $0x80000000, v54  }
0x89: {  	vm7 =	vcmask $0x1318;
	(xrf0) =	vmax.scan.msk.u32 $0xffff, v27  }
0x8a: {  	v27 =	vsel vm7, $0xFFFFFFFF, v26  }
0x8b: {  	v27 =	vxor.u32 $0x80000000, v27  }
0x8c: {  	v55, _, _ =	vpop (xrf0);
	(xrf0) =	vmax.scan.msk.u32 $0xffff, v27  }
0x8d: {  	(v2sf) =	vpush v55, $0xF  }
0x8e: {  	vm8 =	vcmask $0x171C;
	vm9 =	vcmask $0x1B20  }
0x8f: {  	vm10 =	vcmask $0x2328;
	vm11 =	vcmask $0x272C;
	v56 =	vsel vm8, $0xFFFFFFFF, v26;
	v27, _, _ =	vpop (xrf0)  }
0x90: {  	vm12 =	vcmask $0x2B30;
	v28 =	vxor.u32 $0x80000000, v56;
	(v2sf) =	vpush v27, $0xF  }
0x91: {  	vm13 =	vcmask $0x2F34;
	vm14 =	vcmask $0x3338;
	vm15 =	vcmask $0x373C;
	(xrf0) =	vmax.scan.msk.u32 $0xffff, v28;
	v27 =	vld [tilespmem:$0xEE10]  }
0x92: {  	v29 =	vsel vm9, $0xFFFFFFFF, v26;
	v61 =	vsel vm10, $0xFFFFFFFF, v26;
	v47 =	vsel vm11, $0xFFFFFFFF, v26;
	s21 =	spop (v2sf);
	v57, _, _ =	vpop (xrf0)  }
0x93: {  	v48 =	vsel vm12, $0xFFFFFFFF, v26;
	v50 =	vsel vm13, $0xFFFFFFFF, v26;
	s21 =	sxor.u32 $0x80000000, s21;
	s22 =	spop (v2sf);
	(v2sf) =	vpush v57, $0xF  }
0x94: {  	v51 =	vsel vm14, $0xFFFFFFFF, v26;
	v29 =	vxor.u32 $0x80000000, v29;
	vm0 =	vlt.s32 v26, s21;
	s22 =	sxor.u32 $0x80000000, s22  }
0x95: {  	v53 =	vsel vm15, $0xFFFFFFFF, v26;
	(xrf0) =	vmax.scan.msk.u32 $0xffff, v29;
	v58 =	vmpcnt.ones.xlane vm0;
	vm1 =	vlt.s32 v26, s22  }
0x96: {  	vm0 =	vlt.s32 v27, s21;
	v32 =	vmpcnt.ones.xlane vm1;
	vm1 =	vcmask $0x1F24  }
0x97: {  	v31 =	vmov s21;
	v33, _, _ =	vpop (xrf0);
	v30 =	vmpcnt.ones.xlane vm0;
	s30 =	spop (v2sf);
	v59 =	vsel vm1, $0xFFFFFFFF, v26  }
0x98: {  	vm0 =	vlt.s32 v27, s22;
	(v2sf) =	vpush v33, $0xF;
	s21 =	sxor.u32 $0x80000000, s30;
	v29 =	vxor.u32 $0x80000000, v59  }
0x99: {  	v60 =	vmpcnt.ones.xlane vm0;
	vm0 =	vlt.s32 v26, s21;
	(xrf0) =	vmax.scan.msk.u32 $0xffff, v29;
	v29 =	vxor.u32 $0x80000000, v61  }
0x9a: {  	v36 =	vmov s22;
	v34 =	vmpcnt.ones.xlane vm0;
	vm0 =	vlt.s32 v27, s21;
	(xrf0) =	vmax.scan.msk.u32 $0xffff, v29  }
0x9b: {  	v46, _, _ =	vpop (xrf0);
	v28 =	vadd.s32 v58, v30;
	v59 =	vnsel vm2, $0xFFFFFFFF, v27;
	v62 =	vmpcnt.ones.xlane vm0  }
0x9c: {  	v35 =	vadd.s32 $0x20, v28;
	v32 =	vadd.s32 v32, v60;
	s31 =	spop (v2sf);
	(v2sf) =	vpush v46, $0xF  }
0x9d: {  	v33 =	vmov s21;
	s23 =	sxor.u32 $0x80000000, s31;
	v30 =	vadd.s32 v34, v62;
	v34 =	vxor.u32 $0x80000000, v47  }
0x9e: {  	v61 =	vsel vm3, $0xFFFFFFFF, v27;
	v63 =	vadd.s32 $0x20, v32;
	vm0 =	vlt.s32 v26, s23;
	(xrf0) =	vmax.scan.msk.u32 $0xffff, v34  }
0x9f: {  	v37 =	vmpcnt.ones.xlane vm0;
	vm0 =	vlt.s32 v27, s23;
	v34 =	vxor.u32 $0x80000000, v48;
	s24 =	spop (v2sf);
	v40, _, _ =	vpop (xrf0)  }
0xa0: {  	v38 =	vadd.s32 $0x20, v30;
	v39 =	vmpcnt.ones.xlane vm0;
	s22 =	sxor.u32 $0x80000000, s24;
	(v2sf) =	vpush v40, $0xF;
	v41, _, _ =	vpop (xrf0);
	(xrf0) =	vmax.scan.msk.u32 $0xffff, v34  }
0xa1: {  	v46 =	vld [tilespmem:$0x1FFE0];
	v40 =	vmov s23;
	v34 =	vxor.u32 $0x80000000, v50;
	vm0 =	vlt.s32 v26, s22  }
0xa2: {  	v37 =	vadd.s32 v37, v39;
	(v2sf) =	vpush v41, $0xF;
	v43 =	vmov s22;
	(xrf0) =	vmax.scan.msk.u32 $0xffff, v34;
	s25 =	spop (v2sf)  }
0xa3: {  	v34 =	vxor.u32 $0x80000000, v51;
	v49 =	vmpcnt.ones.xlane vm0;
	vm0 =	vlt.s32 v27, s22;
	s21 =	sxor.u32 $0x80000000, s25  }
0xa4: {  	v41 =	vadd.s32 $0x20, v37;
	(xrf0) =	vmax.scan.msk.u32 $0xffff, v34;
	v42 =	vmpcnt.ones.xlane vm0;
	vm0 =	vlt.s32 v26, s21;
	v44, _, _ =	vpop (xrf0)  }
0xa5: {  	v52 =	vmpcnt.ones.xlane vm0;
	vm0 =	vlt.s32 v27, s21;
	(v2sf) =	vpush v44, $0xF  }
0xa6: {  	[tilespmem:v28+s18+$0x0] =	vst.idx.msk $0x1, v31;
	v34 =	vxor.u32 $0x80000000, v53;
	v54 =	vmpcnt.ones.xlane vm0;
	v45, _, _ =	vpop (xrf0);
	vm0 =	vnez.u8 v46  }
0xa7: {  	[tilespmem:v35+s18+$0x0] =	vst.idx.msk $0x1, v4;
	v28 =	vmov s21;
	v46 =	vsel vm0, $0xFFFFFFFF, v26;
	(v2sf) =	vpush v45, $0xF  }
0xa8: {  	(xrf0) =	vmax.scan.msk.u32 $0xffff, v34;
	v39 =	vadd.s32 v49, v42;
	v49 =	vsel vm4, $0xFFFFFFFF, v27;
	s26 =	spop (v2sf);
	v57, _, _ =	vpop (xrf0);
	v55 =	vxor.u32 $0x80000000, v46  }
0xa9: {  	v34 =	vxor.u32 $0x80000000, v59;
	v50 =	vxor.u32 $0x80000000, v49;
	s22 =	sxor.u32 $0x80000000, s26;
	(v2sf) =	vpush v57, $0xF;
	(xrf0) =	vmax.scan.msk.u32 $0xffff, v55  }
0xaa: {  	v45 =	vadd.s32 $0x20, v39;
	vm0 =	vlt.s32 v26, s22;
	v31 =	vadd.s32 v52, v54;
	v60, _, _ =	vpop (xrf0);
	(xrf0) =	vmax.scan.msk.u32 $0xffff, v34  }
0xab: {  	[tilespmem:v32+s18+$0x0] =	vst.idx.msk $0x1, v36;
	v32 =	vmov s22;
	v52 =	vsel vm5, $0xFFFFFFFF, v27;
	(v2sf) =	vpush v60, $0xF;
	s28 =	spop (v2sf)  }
0xac: {  	[tilespmem:v63+s18+$0x0] =	vst.idx.msk $0x1, v7;
	v56 =	vmpcnt.ones.xlane vm0;
	vm0 =	vlt.s32 v27, s22;
	v35 =	vadd.s32 $0x20, v31;
	s21 =	sxor.u32 $0x80000000, s28  }
0xad: {  	[tilespmem:v30+s18+$0x0] =	vst.idx.msk $0x1, v33;
	v58 =	vmpcnt.ones.xlane vm0;
	v34 =	vxor.u32 $0x80000000, v61;
	vm0 =	vlt.s32 v26, s21  }
0xae: {  	v30 =	vxor.u32 $0x80000000, v52;
	v62, _, _ =	vpop (xrf0);
	(xrf0) =	vmax.scan.msk.u32 $0xffff, v34;
	v63 =	vmpcnt.ones.xlane vm0;
	vm0 =	vlt.s32 v27, s21  }
0xaf: {  	(v2sf) =	vpush v62, $0xF;
	v36 =	vadd.s32 v56, v58;
	(xrf0) =	vmax.scan.msk.u32 $0xffff, v50;
	v51 =	vmpcnt.ones.xlane vm0;
	s29 =	spop (v2sf);
	v48, _, _ =	vpop (xrf0)  }
0xb0: {  	[tilespmem:v38+s18+$0x0] =	vst.idx.msk $0x1, v8;
	v29 =	vmov s21;
	v44 =	vadd.s32 $0x20, v36;
	s30 =	sxor.u32 $0x80000000, s29;
	(v2sf) =	vpush v48, $0xF;
	v54, _, _ =	vpop (xrf0)  }
0xb1: {  	s31 =	spop (v2sf);
	v33 =	vadd.s32 v63, v51;
	(xrf0) =	vmax.scan.msk.u32 $0xffff, v30;
	vm0 =	vlt.s32 v26, s30;
	(v2sf) =	vpush v54, $0xF  }
0xb2: {  	[tilespmem:v37+s18+$0x0] =	vst.idx.msk $0x1, v40;
	s22 =	sxor.u32 $0x80000000, s31;
	v58 =	vadd.s32 $0x20, v33;
	v53 =	vmpcnt.ones.xlane vm0;
	vm0 =	vlt.s32 v27, s30  }
0xb3: {  	[tilespmem:v41+s18+$0x0] =	vst.idx.msk $0x1, v9;
	v60 =	vmov s30;
	v55 =	vmpcnt.ones.xlane vm0;
	vm0 =	vlt.s32 v26, s22  }
0xb4: {  	[tilespmem:v39+s18+$0x0] =	vst.idx.msk $0x1, v43;
	v57, _, _ =	vpop (xrf0);
	v63 =	vmov s22;
	v56 =	vmpcnt.ones.xlane vm0;
	vm0 =	vlt.s32 v27, s22;
	s23 =	spop (v2sf)  }
0xb5: {  	[tilespmem:v45+s18+$0x0] =	vst.idx.msk $0x1, v10;
	v62, _, _ =	vpop (xrf0);
	(v2sf) =	vpush v57, $0xF;
	v30 =	vadd.s32 v53, v55;
	v59 =	vmpcnt.ones.xlane vm0;
	s23 =	sxor.u32 $0x80000000, s23  }
0xb6: {  	[tilespmem:v31+s18+$0x0] =	vst.idx.msk $0x1, v28;
	v61 =	vadd.s32 $0x20, v30;
	vm0 =	vlt.s32 v26, s23;
	s24 =	spop (v2sf);
	(v2sf) =	vpush v62, $0xF  }
0xb7: {  	[tilespmem:v35+s18+$0x0] =	vst.idx.msk $0x1, v11;
	v46, _, _ =	vpop (xrf0);
	v48 =	vmov s23;
	v37 =	vadd.s32 v56, v59;
	v42 =	vmpcnt.ones.xlane vm0  }
0xb8: {  	[tilespmem:v36+s18+$0x0] =	vst.idx.msk $0x1, v32;
	vm0 =	vlt.s32 v27, s23;
	s22 =	sxor.u32 $0x80000000, s24;
	s25 =	spop (v2sf);
	(v2sf) =	vpush v46, $0xF;
	v43 =	vadd.s32 $0x20, v37  }
0xb9: {  	[tilespmem:v44+s18+$0x0] =	vst.idx.msk $0x1, v12;
	v45 =	vmpcnt.ones.xlane vm0;
	vm0 =	vlt.s32 v26, s22;
	s26 =	sxor.u32 $0x80000000, s25;
	v51 =	vmov s22  }
0xba: {  	[tilespmem:v33+s18+$0x0] =	vst.idx.msk $0x1, v29;
	s28 =	spop (v2sf);
	v47 =	vmpcnt.ones.xlane vm0;
	vm0 =	vlt.s32 v27, s22;
	v55 =	vmov s26  }
0xbb: {  	[tilespmem:v58+s18+$0x0] =	vst.idx.msk $0x1, v13;
	s29 =	sxor.u32 $0x80000000, s28;
	v28 =	vadd.s32 v42, v45;
	v49 =	vmpcnt.ones.xlane vm0;
	vm0 =	vlt.s32 v26, s26  }
0xbc: {  	[tilespmem:v30+s18+$0x0] =	vst.idx.msk $0x1, v60;
	v60 =	vmov s29;
	v52 =	vmpcnt.ones.xlane vm0;
	vm0 =	vlt.s32 v27, s26  }
0xbd: {  	v50 =	vadd.s32 $0x20, v28;
	v54 =	vmpcnt.ones.xlane vm0;
	vm0 =	vlt.s32 v26, s29  }
0xbe: {  	s30 =	spop (v2sf);
	[tilespmem:v61+s18+$0x0] =	vst.idx.msk $0x1, v14;
	v32 =	vadd.s32 v47, v49;
	v56 =	vmpcnt.ones.xlane vm0;
	vm0 =	vlt.s32 v27, s29  }
0xbf: {  	s31 =	sxor.u32 $0x80000000, s30;
	[tilespmem:v37+s18+$0x0] =	vst.idx.msk $0x1, v63;
	v53 =	vadd.s32 $0x20, v32;
	v34 =	vadd.s32 v52, v54;
	v57 =	vmpcnt.ones.xlane vm0  }
0xc0: {  	v63 =	vmov s31;
	[tilespmem:v43+s18+$0x0] =	vst.idx.msk $0x1, v15;
	vm0 =	vlt.s32 v26, s31;
	s24 =	spop (v2sf);
	v58 =	vadd.s32 $0x20, v34  }
0xc1: {  	v59 =	vmpcnt.ones.xlane vm0;
	vm0 =	vlt.s32 v27, s31;
	[tilespmem:v28+s18+$0x0] =	vst.idx.msk $0x1, v48;
	v35 =	vadd.s32 v56, v57;
	s25 =	sxor.u32 $0x80000000, s24  }
0xc2: {  	v61 =	vmpcnt.ones.xlane vm0;
	s26 =	spop (v2sf);
	[tilespmem:v50+s18+$0x0] =	vst.idx.msk $0x1, v16;
	v62 =	vadd.s32 $0x20, v35;
	vm0 =	vlt.s32 v26, s25  }
0xc3: {  	[tilespmem:v32+s18+$0x0] =	vst.idx.msk $0x1, v51;
	s28 =	sxor.u32 $0x80000000, s26;
	v45 =	vmov s25;
	v42 =	vmpcnt.ones.xlane vm0;
	vm0 =	vlt.s32 v27, s25  }
0xc4: {  	v41 =	vadd.s32 v59, v61;
	[tilespmem:v53+s18+$0x0] =	vst.idx.msk $0x1, v17;
	s29 =	spop (v2sf);
	v44 =	vmpcnt.ones.xlane vm0;
	vm0 =	vlt.s32 v26, s28  }
0xc5: {  	v43 =	vadd.s32 $0x20, v41;
	[tilespmem:v34+s18+$0x0] =	vst.idx.msk $0x1, v55;
	v46 =	vmpcnt.ones.xlane vm0;
	vm0 =	vlt.s32 v27, s28;
	s30 =	sxor.u32 $0x80000000, s29  }
0xc6: {  	[tilespmem:v58+s18+$0x0] =	vst.idx.msk $0x1, v18;
	s31 =	spop (v2sf);
	v47 =	vadd.s32 v42, v44;
	v48 =	vmpcnt.ones.xlane vm0;
	vm0 =	vlt.s32 v26, s30  }
0xc7: {  	[tilespmem:v35+s18+$0x0] =	vst.idx.msk $0x1, v60;
	v49 =	vadd.s32 $0x20, v47;
	v50 =	vmpcnt.ones.xlane vm0;
	vm0 =	vlt.s32 v27, s30;
	s23 =	sxor.u32 $0x80000000, s31  }
0xc8: {  	[tilespmem:v62+s18+$0x0] =	vst.idx.msk $0x1, v19;
	s24 =	spop (v2sf);
	v51 =	vadd.s32 v46, v48;
	v52 =	vmpcnt.ones.xlane vm0;
	vm0 =	vlt.s32 v26, s23  }
0xc9: {  	[tilespmem:v41+s18+$0x0] =	vst.idx.msk $0x1, v63;
	s24 =	sxor.u32 $0x80000000, s24;
	v53 =	vadd.s32 $0x20, v51;
	v54 =	vmpcnt.ones.xlane vm0;
	vm0 =	vlt.s32 v27, s23  }
0xca: {  	[tilespmem:v43+s18+$0x0] =	vst.idx.msk $0x1, v20;
	v55 =	vadd.s32 v50, v52;
	v56 =	vmpcnt.ones.xlane vm0;
	vm0 =	vlt.s32 v26, s24  }
0xcb: {  	[tilespmem:v47+s18+$0x0] =	vst.idx.msk $0x1, v45;
	v26 =	vadd.s32 $0x20, v55;
	v57 =	vmpcnt.ones.xlane vm0;
	vm0 =	vlt.s32 v27, s24  }
0xcc: {  	v58 =	vmov s28;
	v27 =	vmpcnt.ones.xlane vm0;
	[tilespmem:v49+s18+$0x0] =	vst.idx.msk $0x1, v21;
	v59 =	vadd.s32 v54, v56  }
0xcd: {  	[tilespmem:v51+s18+$0x0] =	vst.idx.msk $0x1, v58;
	v60 =	vadd.s32 $0x20, v59  }
0xce: {  	v61 =	vmov s30;
	[tilespmem:v53+s18+$0x0] =	vst.idx.msk $0x1, v22;
	v27 =	vadd.s32 v57, v27  }
0xcf: {  	[tilespmem:v55+s18+$0x0] =	vst.idx.msk $0x1, v61;
	v62 =	vadd.s32 $0x20, v27  }
0xd0: {  	v63 =	vmov s23;
	[tilespmem:v26+s18+$0x0] =	vst.idx.msk $0x1, v23  }
0xd1: {  	[tilespmem:v59+s18+$0x0] =	vst.idx.msk $0x1, v63  }
0xd2: {  	s20 =	sadd.s32 $0x1, s20;
	v26 =	vmov s24;
	[tilespmem:v60+s18+$0x0] =	vst.idx.msk $0x1, v24  }
0xd3: {  	p0 =	sne.s32 s20, s8;
	[tilespmem:v27+s18+$0x0] =	vst.idx.msk $0x1, v26  }
.Ltmp2:
0xd4: {  	[tilespmem:v62+s18+$0x0] =	vst.idx.msk $0x1, v25;
	(pc) =	sbr.rel @!p0 .LBB2_49-.Ltmp2, $4  }
0xd5: {  	[hbm4b:s6+s2] =	stream.linear.scatter [tilespmem:s18], [sflag:$0x1], $0x80, $0x38;
	[tilespmem:$0xEE80] =	vst v63  }
0xd6: {  	_ =	swait.ge [sflag:s9], $0x80  }
0xd7: {  	[sflag:s9] =	ssyncset.done $0x0  }
0xd8: {  	[sflag:s9] =	ssyncadd.s32 $0xFFFFFF80  }
.LBB2_2:
0xd9: {  	s21 =	simm.s32 $0x0  }
0xda: {  	[tilespmem:s21], [sflag:$0x1] =	stream.linear.gather [hbm4b:s7+s21], $0x7800, $0x38;
	[tilespmem:$0xEE80] =	vst v63  }
0xdb: {  	_ =	swait.ge [sflag:s9], $0x7800  }
0xdc: {  	[sflag:s9] =	ssyncset.done $0x0  }
0xdd: {  	[sflag:s9] =	ssyncadd.s32 $0xFFFF8800  }
0xde: {  	[tilespmem:s10], [sflag:$0x1] =	stream.linear.gather [hbm4b:s3+s21], $0x2400, $0x38;
	[tilespmem:$0xEE80] =	vst v63  }
0xdf: {  	_ =	swait.ge [sflag:s9], $0x2400  }
0xe0: {  	[sflag:s9] =	ssyncset.done $0x0  }
0xe1: {  	[sflag:s9] =	ssyncadd.s32 $0xFFFFDC00  }
0xe2: {  	[tilespmem:s11], [sflag:$0x1] =	stream.linear.gather [hbm4b:s4+s21], $0x2400, $0x38;
	[tilespmem:$0xEE80] =	vst v63  }
0xe3: {  	_ =	swait.ge [sflag:s9], $0x2400  }
0xe4: {  	[sflag:s9] =	ssyncset.done $0x0  }
0xe5: {  	[sflag:s9] =	ssyncadd.s32 $0xFFFFDC00  }
0xe6: {  	[tilespmem:s12], [sflag:$0x1] =	stream.linear.gather [hbm4b:s5+s21], $0x80, $0x38;
	[tilespmem:$0xEE80] =	vst v63  }
0xe7: {  	_ =	swait.ge [sflag:s9], $0x80  }
0xe8: {  	[sflag:s9] =	ssyncset.done $0x0  }
0xe9: {  	[sflag:s9] =	ssyncadd.s32 $0xFFFFFF80  }
0xea: {  	v27 =	vld [tilespmem:$0xC000];
	_ =	sdelay $0x4  }
0xeb: {  	v26 =	vnsel vm2, $0xFFFFFFFF, v27  }
0xec: {  	v26 =	vxor.u32 $0x80000000, v26  }
0xed: {  	(xrf0) =	vmax.scan.msk.u32 $0xffff, v26;
	_ =	sdelay $0x5  }
0xee: {  	v26, _, _ =	vpop (xrf0)  }
0xef: {  	(v2sf) =	vpush v26, $0xF;
	_ =	sdelay $0xe  }
0xf0: {  	s22 =	spop (v2sf)  }
0xf1: {  	s22 =	sxor.u32 $0x80000000, s22  }
0xf2: {  	v26 =	vmov s22  }
0xf3: {  	v28 =	vshrl.u32 v26, $0x3  }
0xf4: {  	v29 =	vmov s21;
	v26 =	vshll.u32 v26, $0x7;
	v28 =	vmul.u32 $0xC00, v28  }
0xf5: {  	v29 =	vshll.u32 v29, $0x3;
	v26 =	vand.u32 $0x380, v26  }
0xf6: {  	v29 =	vand.u32 $0xC00, v29;
	v28 =	vor.u32 v26, v28;
	v26 =	vor.u32 s21, v0  }
0xf7: {  	v26 =	vand.u32 $0x7F, v26;
	v29 =	vadd.s32 v28, v29  }
0xf8: {  	v29 =	vor.u32 v26, v29;
	_ =	sdelay $0x4  }
0xf9: {  	s23 =	sand.u32 $0x70, s21;
	s24 =	sand.u32 $0xC00, s21;
	v29 =	vld.idx.msk [tilespmem:v29+s2+$0x0], $0xffff  }
0xfa: {  	s23 =	sor.u32 s23, s24  }
0xfb: {  	v30 =	vld [tilespmem:s23+$0x7800];
	s22 =	simm.s32 $0x10  }
0xfc: {  	s24 =	simm.s32 $0x20;
	v31 =	vmov s22;
	v26 =	vld [tilespmem:$0xC010]  }
.LBB2_3:
0xfd: {  	p0 =	sne.s32 s24, $0x120;
	v31 =	vshll.u32 v31, $0x3;
	v32 =	vld [tilespmem:s23+$0x9C00]  }
0xfe: {  	v33 =	vor.u32 s22, v0;
	v29 =	vadd.f32 v29, v29;
	v31 =	vand.u32 $0xC00, v31  }
0xff: {  	v33 =	vand.u32 $0x7F, v33;
	v31 =	vadd.s32 v28, v31  }
0x100: {  	v31 =	vor.u32 v33, v31;
	v29 =	vadd.f32 v29, v30;
	_ =	sdelay $0x1  }
0x101: {  	v29 =	vadd.f32 v32, v29;
	_ =	sdelay $0x1  }
0x102: {  	[tilespmem:s23+$0xC080] =	vst v29  }
.Ltmp3:
0x103: {  	s21 =	sadd.s32 $0x80, s21;
	v29 =	vld.idx.msk [tilespmem:v31+s2+$0x0], $0xffff;
	(pc) =	sbr.rel @p0 .LBB2_3-.Ltmp3, $4  }
0x104: {  	s25 =	sand.u32 $0xC00, s21;
	s23 =	sand.u32 $0x70, s22;
	s22 =	smov.u32 s24  }
0x105: {  	s23 =	sor.u32 s23, s25  }
0x106: {  	v30 =	vld [tilespmem:s23+$0x7800]  }
0x107: {  	s24 =	sadd.s32 $0x10, s24;
	v31 =	vmov s22  }
0x108: {  	v32 =	vsel vm3, $0xFFFFFFFF, v27  }
0x109: {  	v32 =	vxor.u32 $0x80000000, v32  }
0x10a: {  	(xrf0) =	vmax.scan.msk.u32 $0xffff, v32;
	_ =	sdelay $0x5  }
0x10b: {  	v32, _, _ =	vpop (xrf0)  }
0x10c: {  	(v2sf) =	vpush v32, $0xF;
	_ =	sdelay $0x6  }
0x10d: {  	v31 =	vshll.u32 v31, $0x3;
	v61 =	vld [tilespmem:s23+$0x9C00]  }
0x10e: {  	v33 =	vor.u32 s22, v0;
	v29 =	vadd.f32 v29, v29;
	v31 =	vand.u32 $0xC00, v31  }
0x10f: {  	v33 =	vand.u32 $0x7F, v33;
	v28 =	vadd.s32 v28, v31  }
0x110: {  	v28 =	vor.u32 v33, v28;
	v29 =	vadd.f32 v29, v30;
	_ =	sdelay $0x1  }
0x111: {  	v29 =	vadd.f32 v61, v29;
	_ =	sdelay $0x1  }
0x112: {  	[tilespmem:s23+$0xC080] =	vst v29  }
0x113: {  	s21 =	sadd.s32 $0x80, s21;
	v28 =	vld.idx.msk [tilespmem:v28+s2+$0x0], $0xffff;
	s29 =	spop (v2sf)  }
0x114: {  	s30 =	sand.u32 $0x70, s22;
	s21 =	sand.u32 $0xC00, s21;
	s23 =	sxor.u32 $0x80000000, s29  }
0x115: {  	s22 =	sor.u32 s30, s21;
	v29 =	vmov s23  }
0x116: {  	s21 =	simm.s32 $0x0;
	v30 =	vld [tilespmem:s22+$0x7800];
	v31 =	vshrl.u32 v29, $0x3  }
0x117: {  	v62 =	vmov s21;
	v29 =	vshll.u32 v29, $0x7;
	v31 =	vmul.u32 $0xC00, v31  }
0x118: {  	v63 =	vld [tilespmem:s22+$0x9C00];
	v34 =	vadd.f32 v28, v28;
	v28 =	vand.u32 $0x380, v29;
	v29 =	vshll.u32 v62, $0x3  }
0x119: {  	v29 =	vand.u32 $0xC00, v29;
	v28 =	vor.u32 v28, v31;
	v31 =	vor.u32 s21, v0  }
0x11a: {  	v31 =	vand.u32 $0x7F, v31;
	v29 =	vadd.s32 v28, v29  }
0x11b: {  	v30 =	vadd.f32 v34, v30;
	v29 =	vor.u32 v31, v29;
	_ =	sdelay $0x1  }
0x11c: {  	v30 =	vadd.f32 v63, v30;
	_ =	sdelay $0x1  }
0x11d: {  	[tilespmem:s22+$0xC080] =	vst v30  }
0x11e: {  	s31 =	sand.u32 $0x70, s21;
	s24 =	sand.u32 $0xC00, s21;
	v29 =	vld.idx.msk [tilespmem:v29+s2+$0x0], $0xffff  }
0x11f: {  	s23 =	sor.u32 s24, s31  }
0x120: {  	s22 =	simm.s32 $0x10;
	v30 =	vld [tilespmem:s23+$0x7880]  }
0x121: {  	s24 =	simm.s32 $0x20;
	v31 =	vmov s22  }
.LBB2_5:
0x122: {  	p0 =	sne.s32 s24, $0x120;
	v31 =	vshll.u32 v31, $0x3;
	v32 =	vld [tilespmem:s23+$0x9C80]  }
0x123: {  	v33 =	vor.u32 s22, v0;
	v29 =	vadd.f32 v29, v29;
	v31 =	vand.u32 $0xC00, v31  }
0x124: {  	v33 =	vand.u32 $0x7F, v33;
	v31 =	vadd.s32 v28, v31  }
0x125: {  	v31 =	vor.u32 v33, v31;
	v29 =	vadd.f32 v29, v30;
	_ =	sdelay $0x1  }
0x126: {  	v29 =	vadd.f32 v32, v29;
	_ =	sdelay $0x1  }
0x127: {  	[tilespmem:s23+$0xC100] =	vst v29  }
.Ltmp4:
0x128: {  	s21 =	sadd.s32 $0x80, s21;
	v29 =	vld.idx.msk [tilespmem:v31+s2+$0x0], $0xffff;
	(pc) =	sbr.rel @p0 .LBB2_5-.Ltmp4, $4  }
0x129: {  	s25 =	sand.u32 $0xC00, s21;
	s23 =	sand.u32 $0x70, s22;
	s22 =	smov.u32 s24  }
0x12a: {  	s23 =	sor.u32 s25, s23  }
0x12b: {  	v30 =	vld [tilespmem:s23+$0x7880]  }
0x12c: {  	s24 =	sadd.s32 $0x10, s24;
	v31 =	vmov s22  }
0x12d: {  	v32 =	vsel vm4, $0xFFFFFFFF, v27  }
0x12e: {  	v32 =	vxor.u32 $0x80000000, v32  }
0x12f: {  	(xrf0) =	vmax.scan.msk.u32 $0xffff, v32;
	_ =	sdelay $0x5  }
0x130: {  	v32, _, _ =	vpop (xrf0)  }
0x131: {  	(v2sf) =	vpush v32, $0xF;
	_ =	sdelay $0x6  }
0x132: {  	v31 =	vshll.u32 v31, $0x3;
	v61 =	vld [tilespmem:s23+$0x9C80]  }
0x133: {  	v33 =	vor.u32 s22, v0;
	v29 =	vadd.f32 v29, v29;
	v31 =	vand.u32 $0xC00, v31  }
0x134: {  	v33 =	vand.u32 $0x7F, v33;
	v28 =	vadd.s32 v28, v31  }
0x135: {  	v28 =	vor.u32 v33, v28;
	v29 =	vadd.f32 v29, v30;
	_ =	sdelay $0x1  }
0x136: {  	v29 =	vadd.f32 v61, v29;
	_ =	sdelay $0x1  }
0x137: {  	[tilespmem:s23+$0xC100] =	vst v29  }
0x138: {  	s21 =	sadd.s32 $0x80, s21;
	v28 =	vld.idx.msk [tilespmem:v28+s2+$0x0], $0xffff;
	s29 =	spop (v2sf)  }
0x139: {  	s30 =	sand.u32 $0x70, s22;
	s21 =	sand.u32 $0xC00, s21;
	s23 =	sxor.u32 $0x80000000, s29  }
0x13a: {  	s22 =	sor.u32 s21, s30;
	v29 =	vmov s23  }
0x13b: {  	s21 =	simm.s32 $0x0;
	v30 =	vld [tilespmem:s22+$0x7880];
	v31 =	vshrl.u32 v29, $0x3  }
0x13c: {  	v62 =	vmov s21;
	v29 =	vshll.u32 v29, $0x7;
	v31 =	vmul.u32 $0xC00, v31  }
0x13d: {  	v63 =	vld [tilespmem:s22+$0x9C80];
	v34 =	vadd.f32 v28, v28;
	v28 =	vand.u32 $0x380, v29;
	v29 =	vshll.u32 v62, $0x3  }
0x13e: {  	v29 =	vand.u32 $0xC00, v29;
	v28 =	vor.u32 v28, v31;
	v31 =	vor.u32 s21, v0  }
0x13f: {  	v31 =	vand.u32 $0x7F, v31;
	v29 =	vadd.s32 v28, v29  }
0x140: {  	v30 =	vadd.f32 v34, v30;
	v29 =	vor.u32 v31, v29;
	_ =	sdelay $0x1  }
0x141: {  	v30 =	vadd.f32 v63, v30;
	_ =	sdelay $0x1  }
0x142: {  	[tilespmem:s22+$0xC100] =	vst v30  }
0x143: {  	s31 =	sand.u32 $0x70, s21;
	s24 =	sand.u32 $0xC00, s21;
	v29 =	vld.idx.msk [tilespmem:v29+s2+$0x0], $0xffff  }
0x144: {  	s23 =	sor.u32 s24, s31  }
0x145: {  	s22 =	simm.s32 $0x10;
	v30 =	vld [tilespmem:s23+$0x7900]  }
0x146: {  	s24 =	simm.s32 $0x20;
	v31 =	vmov s22  }
.LBB2_7:
0x147: {  	p0 =	sne.s32 s24, $0x120;
	v31 =	vshll.u32 v31, $0x3;
	v32 =	vld [tilespmem:s23+$0x9D00]  }
0x148: {  	v33 =	vor.u32 s22, v0;
	v29 =	vadd.f32 v29, v29;
	v31 =	vand.u32 $0xC00, v31  }
0x149: {  	v33 =	vand.u32 $0x7F, v33;
	v31 =	vadd.s32 v28, v31  }
0x14a: {  	v31 =	vor.u32 v33, v31;
	v29 =	vadd.f32 v29, v30;
	_ =	sdelay $0x1  }
0x14b: {  	v29 =	vadd.f32 v32, v29;
	_ =	sdelay $0x1  }
0x14c: {  	[tilespmem:s23+$0xC180] =	vst v29  }
.Ltmp5:
0x14d: {  	s21 =	sadd.s32 $0x80, s21;
	v29 =	vld.idx.msk [tilespmem:v31+s2+$0x0], $0xffff;
	(pc) =	sbr.rel @p0 .LBB2_7-.Ltmp5, $4  }
0x14e: {  	s25 =	sand.u32 $0xC00, s21;
	s23 =	sand.u32 $0x70, s22;
	s22 =	smov.u32 s24  }
0x14f: {  	s23 =	sor.u32 s25, s23  }
0x150: {  	v30 =	vld [tilespmem:s23+$0x7900]  }
0x151: {  	s24 =	sadd.s32 $0x10, s24;
	v31 =	vmov s22  }
0x152: {  	v32 =	vsel vm5, $0xFFFFFFFF, v27  }
0x153: {  	v32 =	vxor.u32 $0x80000000, v32  }
0x154: {  	(xrf0) =	vmax.scan.msk.u32 $0xffff, v32;
	_ =	sdelay $0x5  }
0x155: {  	v32, _, _ =	vpop (xrf0)  }
0x156: {  	(v2sf) =	vpush v32, $0xF;
	_ =	sdelay $0x6  }
0x157: {  	v31 =	vshll.u32 v31, $0x3;
	v61 =	vld [tilespmem:s23+$0x9D00]  }
0x158: {  	v33 =	vor.u32 s22, v0;
	v29 =	vadd.f32 v29, v29;
	v31 =	vand.u32 $0xC00, v31  }
0x159: {  	v33 =	vand.u32 $0x7F, v33;
	v28 =	vadd.s32 v28, v31  }
0x15a: {  	v28 =	vor.u32 v33, v28;
	v29 =	vadd.f32 v29, v30;
	_ =	sdelay $0x1  }
0x15b: {  	v29 =	vadd.f32 v61, v29;
	_ =	sdelay $0x1  }
0x15c: {  	[tilespmem:s23+$0xC180] =	vst v29  }
0x15d: {  	s21 =	sadd.s32 $0x80, s21;
	v28 =	vld.idx.msk [tilespmem:v28+s2+$0x0], $0xffff;
	s29 =	spop (v2sf)  }
0x15e: {  	s30 =	sand.u32 $0x70, s22;
	s21 =	sand.u32 $0xC00, s21;
	s23 =	sxor.u32 $0x80000000, s29  }
0x15f: {  	s22 =	sor.u32 s21, s30;
	v29 =	vmov s23  }
0x160: {  	s21 =	simm.s32 $0x0;
	v30 =	vld [tilespmem:s22+$0x7900];
	v31 =	vshrl.u32 v29, $0x3  }
0x161: {  	v62 =	vmov s21;
	v29 =	vshll.u32 v29, $0x7;
	v31 =	vmul.u32 $0xC00, v31  }
0x162: {  	v63 =	vld [tilespmem:s22+$0x9D00];
	v34 =	vadd.f32 v28, v28;
	v28 =	vand.u32 $0x380, v29;
	v29 =	vshll.u32 v62, $0x3  }
0x163: {  	v29 =	vand.u32 $0xC00, v29;
	v28 =	vor.u32 v28, v31;
	v31 =	vor.u32 s21, v0  }
0x164: {  	v31 =	vand.u32 $0x7F, v31;
	v29 =	vadd.s32 v28, v29  }
0x165: {  	v30 =	vadd.f32 v34, v30;
	v29 =	vor.u32 v31, v29;
	_ =	sdelay $0x1  }
0x166: {  	v30 =	vadd.f32 v63, v30;
	_ =	sdelay $0x1  }
0x167: {  	s31 =	sand.u32 $0xC00, s21;
	[tilespmem:s22+$0xC180] =	vst v30  }
0x168: {  	s23 =	sor.u32 s31, s21;
	v29 =	vld.idx.msk [tilespmem:v29+s2+$0x0], $0xffff  }
0x169: {  	s23 =	sor.u32 $0x180, s23  }
0x16a: {  	s22 =	simm.s32 $0x10;
	v30 =	vld [tilespmem:s23+$0x7800]  }
0x16b: {  	s24 =	simm.s32 $0x20;
	v31 =	vmov s22  }
.LBB2_9:
0x16c: {  	p0 =	sne.s32 s24, $0x120;
	v31 =	vshll.u32 v31, $0x3;
	v32 =	vld [tilespmem:s23+$0x9C00]  }
0x16d: {  	v33 =	vor.u32 s22, v0;
	v29 =	vadd.f32 v29, v29;
	v31 =	vand.u32 $0xC00, v31  }
0x16e: {  	v33 =	vand.u32 $0x7F, v33;
	v31 =	vadd.s32 v28, v31  }
0x16f: {  	v31 =	vor.u32 v33, v31;
	v29 =	vadd.f32 v29, v30;
	_ =	sdelay $0x1  }
0x170: {  	v29 =	vadd.f32 v32, v29;
	_ =	sdelay $0x1  }
0x171: {  	s21 =	sadd.s32 $0x80, s21;
	[tilespmem:s23+$0xC080] =	vst v29  }
.Ltmp6:
0x172: {  	s23 =	sand.u32 $0xC00, s21;
	v29 =	vld.idx.msk [tilespmem:v31+s2+$0x0], $0xffff;
	(pc) =	sbr.rel @p0 .LBB2_9-.Ltmp6, $4  }
0x173: {  	s23 =	sor.u32 s23, s22;
	s22 =	smov.u32 s24  }
0x174: {  	s23 =	sor.u32 $0x180, s23  }
0x175: {  	v30 =	vld [tilespmem:s23+$0x7800]  }
0x176: {  	s24 =	sadd.s32 $0x10, s24;
	v31 =	vmov s22  }
0x177: {  	v32 =	vsel vm6, $0xFFFFFFFF, v27  }
0x178: {  	v32 =	vxor.u32 $0x80000000, v32  }
0x179: {  	(xrf0) =	vmax.scan.msk.u32 $0xffff, v32;
	_ =	sdelay $0x5  }
0x17a: {  	v32, _, _ =	vpop (xrf0)  }
0x17b: {  	(v2sf) =	vpush v32, $0xF;
	_ =	sdelay $0x6  }
0x17c: {  	v31 =	vshll.u32 v31, $0x3;
	v61 =	vld [tilespmem:s23+$0x9C00]  }
0x17d: {  	v33 =	vor.u32 s22, v0;
	v29 =	vadd.f32 v29, v29;
	v31 =	vand.u32 $0xC00, v31  }
0x17e: {  	v33 =	vand.u32 $0x7F, v33;
	v28 =	vadd.s32 v28, v31  }
0x17f: {  	v28 =	vor.u32 v33, v28;
	v29 =	vadd.f32 v29, v30;
	_ =	sdelay $0x1  }
0x180: {  	v29 =	vadd.f32 v61, v29;
	_ =	sdelay $0x1  }
0x181: {  	s21 =	sadd.s32 $0x80, s21;
	[tilespmem:s23+$0xC080] =	vst v29  }
0x182: {  	s21 =	sand.u32 $0xC00, s21;
	v28 =	vld.idx.msk [tilespmem:v28+s2+$0x0], $0xffff;
	s28 =	spop (v2sf)  }
0x183: {  	s21 =	sor.u32 s21, s22;
	s29 =	sxor.u32 $0x80000000, s28  }
0x184: {  	s30 =	sor.u32 $0x180, s21;
	v29 =	vmov s29  }
0x185: {  	s21 =	simm.s32 $0x0;
	v30 =	vld [tilespmem:s30+$0x7800];
	v31 =	vshrl.u32 v29, $0x3  }
0x186: {  	v62 =	vmov s21;
	v29 =	vshll.u32 v29, $0x7;
	v31 =	vmul.u32 $0xC00, v31  }
0x187: {  	v63 =	vld [tilespmem:s30+$0x9C00];
	v34 =	vadd.f32 v28, v28;
	v28 =	vand.u32 $0x380, v29;
	v29 =	vshll.u32 v62, $0x3  }
0x188: {  	v29 =	vand.u32 $0xC00, v29;
	v28 =	vor.u32 v28, v31;
	v31 =	vor.u32 s21, v0  }
0x189: {  	v31 =	vand.u32 $0x7F, v31;
	v29 =	vadd.s32 v28, v29  }
0x18a: {  	v30 =	vadd.f32 v34, v30;
	v29 =	vor.u32 v31, v29;
	_ =	sdelay $0x1  }
0x18b: {  	v30 =	vadd.f32 v63, v30;
	_ =	sdelay $0x1  }
0x18c: {  	[tilespmem:s30+$0xC080] =	vst v30  }
0x18d: {  	s31 =	sand.u32 $0x70, s21;
	s24 =	sand.u32 $0xC00, s21;
	v29 =	vld.idx.msk [tilespmem:v29+s2+$0x0], $0xffff  }
0x18e: {  	s23 =	sor.u32 s24, s31  }
0x18f: {  	s22 =	simm.s32 $0x10;
	v30 =	vld [tilespmem:s23+$0x7A00]  }
0x190: {  	s24 =	simm.s32 $0x20;
	v31 =	vmov s22  }
.LBB2_11:
0x191: {  	p0 =	sne.s32 s24, $0x120;
	v31 =	vshll.u32 v31, $0x3;
	v32 =	vld [tilespmem:s23+$0x9E00]  }
0x192: {  	v33 =	vor.u32 s22, v0;
	v29 =	vadd.f32 v29, v29;
	v31 =	vand.u32 $0xC00, v31  }
0x193: {  	v33 =	vand.u32 $0x7F, v33;
	v31 =	vadd.s32 v28, v31  }
0x194: {  	v31 =	vor.u32 v33, v31;
	v29 =	vadd.f32 v29, v30;
	_ =	sdelay $0x1  }
0x195: {  	v29 =	vadd.f32 v32, v29;
	_ =	sdelay $0x1  }
0x196: {  	[tilespmem:s23+$0xC280] =	vst v29  }
.Ltmp7:
0x197: {  	s21 =	sadd.s32 $0x80, s21;
	v29 =	vld.idx.msk [tilespmem:v31+s2+$0x0], $0xffff;
	(pc) =	sbr.rel @p0 .LBB2_11-.Ltmp7, $4  }
0x198: {  	s25 =	sand.u32 $0xC00, s21;
	s23 =	sand.u32 $0x70, s22;
	s22 =	smov.u32 s24  }
0x199: {  	s23 =	sor.u32 s25, s23  }
0x19a: {  	v30 =	vld [tilespmem:s23+$0x7A00]  }
0x19b: {  	s24 =	sadd.s32 $0x10, s24;
	v31 =	vmov s22  }
0x19c: {  	v32 =	vsel vm7, $0xFFFFFFFF, v27  }
0x19d: {  	v32 =	vxor.u32 $0x80000000, v32  }
0x19e: {  	(xrf0) =	vmax.scan.msk.u32 $0xffff, v32;
	_ =	sdelay $0x5  }
0x19f: {  	v32, _, _ =	vpop (xrf0)  }
0x1a0: {  	(v2sf) =	vpush v32, $0xF;
	_ =	sdelay $0x6  }
0x1a1: {  	v31 =	vshll.u32 v31, $0x3;
	v61 =	vld [tilespmem:s23+$0x9E00]  }
0x1a2: {  	v33 =	vor.u32 s22, v0;
	v29 =	vadd.f32 v29, v29;
	v31 =	vand.u32 $0xC00, v31  }
0x1a3: {  	v33 =	vand.u32 $0x7F, v33;
	v28 =	vadd.s32 v28, v31  }
0x1a4: {  	v28 =	vor.u32 v33, v28;
	v29 =	vadd.f32 v29, v30;
	_ =	sdelay $0x1  }
0x1a5: {  	v29 =	vadd.f32 v61, v29;
	_ =	sdelay $0x1  }
0x1a6: {  	[tilespmem:s23+$0xC280] =	vst v29  }
0x1a7: {  	s21 =	sadd.s32 $0x80, s21;
	v28 =	vld.idx.msk [tilespmem:v28+s2+$0x0], $0xffff;
	s29 =	spop (v2sf)  }
0x1a8: {  	s30 =	sand.u32 $0x70, s22;
	s21 =	sand.u32 $0xC00, s21;
	s23 =	sxor.u32 $0x80000000, s29  }
0x1a9: {  	s22 =	sor.u32 s21, s30;
	v29 =	vmov s23  }
0x1aa: {  	s21 =	simm.s32 $0x0;
	v30 =	vld [tilespmem:s22+$0x7A00];
	v31 =	vshrl.u32 v29, $0x3  }
0x1ab: {  	v62 =	vmov s21;
	v29 =	vshll.u32 v29, $0x7;
	v31 =	vmul.u32 $0xC00, v31  }
0x1ac: {  	v63 =	vld [tilespmem:s22+$0x9E00];
	v34 =	vadd.f32 v28, v28;
	v28 =	vand.u32 $0x380, v29;
	v29 =	vshll.u32 v62, $0x3  }
0x1ad: {  	v29 =	vand.u32 $0xC00, v29;
	v28 =	vor.u32 v28, v31;
	v31 =	vor.u32 s21, v0  }
0x1ae: {  	v31 =	vand.u32 $0x7F, v31;
	v29 =	vadd.s32 v28, v29  }
0x1af: {  	v30 =	vadd.f32 v34, v30;
	v29 =	vor.u32 v31, v29;
	_ =	sdelay $0x1  }
0x1b0: {  	v30 =	vadd.f32 v63, v30;
	_ =	sdelay $0x1  }
0x1b1: {  	[tilespmem:s22+$0xC280] =	vst v30  }
0x1b2: {  	s31 =	sand.u32 $0x70, s21;
	s24 =	sand.u32 $0xC00, s21;
	v29 =	vld.idx.msk [tilespmem:v29+s2+$0x0], $0xffff  }
0x1b3: {  	s23 =	sor.u32 s24, s31  }
0x1b4: {  	s22 =	simm.s32 $0x10;
	v30 =	vld [tilespmem:s23+$0x7A80]  }
0x1b5: {  	s24 =	simm.s32 $0x20;
	v31 =	vmov s22  }
.LBB2_13:
0x1b6: {  	p0 =	sne.s32 s24, $0x120;
	v31 =	vshll.u32 v31, $0x3;
	v32 =	vld [tilespmem:s23+$0x9E80]  }
0x1b7: {  	v33 =	vor.u32 s22, v0;
	v29 =	vadd.f32 v29, v29;
	v31 =	vand.u32 $0xC00, v31  }
0x1b8: {  	v33 =	vand.u32 $0x7F, v33;
	v31 =	vadd.s32 v28, v31  }
0x1b9: {  	v31 =	vor.u32 v33, v31;
	v29 =	vadd.f32 v29, v30;
	_ =	sdelay $0x1  }
0x1ba: {  	v29 =	vadd.f32 v32, v29;
	_ =	sdelay $0x1  }
0x1bb: {  	[tilespmem:s23+$0xC300] =	vst v29  }
.Ltmp8:
0x1bc: {  	s21 =	sadd.s32 $0x80, s21;
	v29 =	vld.idx.msk [tilespmem:v31+s2+$0x0], $0xffff;
	(pc) =	sbr.rel @p0 .LBB2_13-.Ltmp8, $4  }
0x1bd: {  	s25 =	sand.u32 $0xC00, s21;
	s23 =	sand.u32 $0x70, s22;
	s22 =	smov.u32 s24  }
0x1be: {  	s23 =	sor.u32 s25, s23  }
0x1bf: {  	v30 =	vld [tilespmem:s23+$0x7A80]  }
0x1c0: {  	s24 =	sadd.s32 $0x10, s24;
	v31 =	vmov s22  }
0x1c1: {  	v32 =	vsel vm8, $0xFFFFFFFF, v27  }
0x1c2: {  	v32 =	vxor.u32 $0x80000000, v32  }
0x1c3: {  	(xrf0) =	vmax.scan.msk.u32 $0xffff, v32;
	_ =	sdelay $0x5  }
0x1c4: {  	v32, _, _ =	vpop (xrf0)  }
0x1c5: {  	(v2sf) =	vpush v32, $0xF;
	_ =	sdelay $0x6  }
0x1c6: {  	v31 =	vshll.u32 v31, $0x3;
	v61 =	vld [tilespmem:s23+$0x9E80]  }
0x1c7: {  	v33 =	vor.u32 s22, v0;
	v29 =	vadd.f32 v29, v29;
	v31 =	vand.u32 $0xC00, v31  }
0x1c8: {  	v33 =	vand.u32 $0x7F, v33;
	v28 =	vadd.s32 v28, v31  }
0x1c9: {  	v28 =	vor.u32 v33, v28;
	v29 =	vadd.f32 v29, v30;
	_ =	sdelay $0x1  }
0x1ca: {  	v29 =	vadd.f32 v61, v29;
	_ =	sdelay $0x1  }
0x1cb: {  	[tilespmem:s23+$0xC300] =	vst v29  }
0x1cc: {  	s21 =	sadd.s32 $0x80, s21;
	v28 =	vld.idx.msk [tilespmem:v28+s2+$0x0], $0xffff;
	s29 =	spop (v2sf)  }
0x1cd: {  	s30 =	sand.u32 $0x70, s22;
	s21 =	sand.u32 $0xC00, s21;
	s23 =	sxor.u32 $0x80000000, s29  }
0x1ce: {  	s22 =	sor.u32 s21, s30;
	v29 =	vmov s23  }
0x1cf: {  	s21 =	simm.s32 $0x0;
	v30 =	vld [tilespmem:s22+$0x7A80];
	v31 =	vshrl.u32 v29, $0x3  }
0x1d0: {  	v62 =	vmov s21;
	v29 =	vshll.u32 v29, $0x7;
	v31 =	vmul.u32 $0xC00, v31  }
0x1d1: {  	v63 =	vld [tilespmem:s22+$0x9E80];
	v34 =	vadd.f32 v28, v28;
	v28 =	vand.u32 $0x380, v29;
	v29 =	vshll.u32 v62, $0x3  }
0x1d2: {  	v29 =	vand.u32 $0xC00, v29;
	v28 =	vor.u32 v28, v31;
	v31 =	vor.u32 s21, v0  }
0x1d3: {  	v31 =	vand.u32 $0x7F, v31;
	v29 =	vadd.s32 v28, v29  }
0x1d4: {  	v30 =	vadd.f32 v34, v30;
	v29 =	vor.u32 v31, v29;
	_ =	sdelay $0x1  }
0x1d5: {  	v30 =	vadd.f32 v63, v30;
	_ =	sdelay $0x1  }
0x1d6: {  	[tilespmem:s22+$0xC300] =	vst v30  }
0x1d7: {  	s31 =	sand.u32 $0x70, s21;
	s24 =	sand.u32 $0xC00, s21;
	v29 =	vld.idx.msk [tilespmem:v29+s2+$0x0], $0xffff  }
0x1d8: {  	s23 =	sor.u32 s24, s31  }
0x1d9: {  	s22 =	simm.s32 $0x10;
	v30 =	vld [tilespmem:s23+$0x7B00]  }
0x1da: {  	s24 =	simm.s32 $0x20;
	v31 =	vmov s22  }
.LBB2_15:
0x1db: {  	p0 =	sne.s32 s24, $0x120;
	v31 =	vshll.u32 v31, $0x3;
	v32 =	vld [tilespmem:s23+$0x9F00]  }
0x1dc: {  	v33 =	vor.u32 s22, v0;
	v29 =	vadd.f32 v29, v29;
	v31 =	vand.u32 $0xC00, v31  }
0x1dd: {  	v33 =	vand.u32 $0x7F, v33;
	v31 =	vadd.s32 v28, v31  }
0x1de: {  	v31 =	vor.u32 v33, v31;
	v29 =	vadd.f32 v29, v30;
	_ =	sdelay $0x1  }
0x1df: {  	v29 =	vadd.f32 v32, v29;
	_ =	sdelay $0x1  }
0x1e0: {  	[tilespmem:s23+$0xC380] =	vst v29  }
.Ltmp9:
0x1e1: {  	s21 =	sadd.s32 $0x80, s21;
	v29 =	vld.idx.msk [tilespmem:v31+s2+$0x0], $0xffff;
	(pc) =	sbr.rel @p0 .LBB2_15-.Ltmp9, $4  }
0x1e2: {  	s25 =	sand.u32 $0xC00, s21;
	s23 =	sand.u32 $0x70, s22;
	s22 =	smov.u32 s24  }
0x1e3: {  	s23 =	sor.u32 s25, s23  }
0x1e4: {  	v30 =	vld [tilespmem:s23+$0x7B00]  }
0x1e5: {  	s24 =	sadd.s32 $0x10, s24;
	v31 =	vmov s22  }
0x1e6: {  	v32 =	vsel vm9, $0xFFFFFFFF, v27  }
0x1e7: {  	v32 =	vxor.u32 $0x80000000, v32  }
0x1e8: {  	(xrf0) =	vmax.scan.msk.u32 $0xffff, v32;
	_ =	sdelay $0x5  }
0x1e9: {  	v32, _, _ =	vpop (xrf0)  }
0x1ea: {  	(v2sf) =	vpush v32, $0xF;
	_ =	sdelay $0x6  }
0x1eb: {  	v31 =	vshll.u32 v31, $0x3;
	v61 =	vld [tilespmem:s23+$0x9F00]  }
0x1ec: {  	v33 =	vor.u32 s22, v0;
	v29 =	vadd.f32 v29, v29;
	v31 =	vand.u32 $0xC00, v31  }
0x1ed: {  	v33 =	vand.u32 $0x7F, v33;
	v28 =	vadd.s32 v28, v31  }
0x1ee: {  	v28 =	vor.u32 v33, v28;
	v29 =	vadd.f32 v29, v30;
	_ =	sdelay $0x1  }
0x1ef: {  	v29 =	vadd.f32 v61, v29;
	_ =	sdelay $0x1  }
0x1f0: {  	[tilespmem:s23+$0xC380] =	vst v29  }
0x1f1: {  	s21 =	sadd.s32 $0x80, s21;
	v28 =	vld.idx.msk [tilespmem:v28+s2+$0x0], $0xffff;
	s29 =	spop (v2sf)  }
0x1f2: {  	s30 =	sand.u32 $0x70, s22;
	s21 =	sand.u32 $0xC00, s21;
	s23 =	sxor.u32 $0x80000000, s29  }
0x1f3: {  	s22 =	sor.u32 s21, s30;
	v29 =	vmov s23  }
0x1f4: {  	s21 =	simm.s32 $0x0;
	v30 =	vld [tilespmem:s22+$0x7B00];
	v31 =	vshrl.u32 v29, $0x3  }
0x1f5: {  	v62 =	vmov s21;
	v29 =	vshll.u32 v29, $0x7;
	v31 =	vmul.u32 $0xC00, v31  }
0x1f6: {  	v63 =	vld [tilespmem:s22+$0x9F00];
	v34 =	vadd.f32 v28, v28;
	v28 =	vand.u32 $0x380, v29;
	v29 =	vshll.u32 v62, $0x3  }
0x1f7: {  	v29 =	vand.u32 $0xC00, v29;
	v28 =	vor.u32 v28, v31;
	v31 =	vor.u32 s21, v0  }
0x1f8: {  	v31 =	vand.u32 $0x7F, v31;
	v29 =	vadd.s32 v28, v29  }
0x1f9: {  	v30 =	vadd.f32 v34, v30;
	v29 =	vor.u32 v31, v29;
	_ =	sdelay $0x1  }
0x1fa: {  	v30 =	vadd.f32 v63, v30;
	_ =	sdelay $0x1  }
0x1fb: {  	[tilespmem:s22+$0xC380] =	vst v30  }
0x1fc: {  	s31 =	sor.u32 s21, s21;
	v29 =	vld.idx.msk [tilespmem:v29+s2+$0x0], $0xffff  }
0x1fd: {  	s23 =	sor.u32 $0x380, s31  }
0x1fe: {  	s22 =	simm.s32 $0x10;
	v30 =	vld [tilespmem:s23+$0x7800]  }
0x1ff: {  	s24 =	simm.s32 $0x20;
	v31 =	vmov s22  }
.LBB2_17:
0x200: {  	p0 =	sne.s32 s24, $0x120;
	v31 =	vshll.u32 v31, $0x3;
	v32 =	vld [tilespmem:s23+$0x9C00]  }
0x201: {  	v33 =	vor.u32 s22, v0;
	v29 =	vadd.f32 v29, v29;
	v31 =	vand.u32 $0xC00, v31  }
0x202: {  	v33 =	vand.u32 $0x7F, v33;
	v31 =	vadd.s32 v28, v31  }
0x203: {  	v31 =	vor.u32 v33, v31;
	v29 =	vadd.f32 v29, v30;
	_ =	sdelay $0x1  }
0x204: {  	v29 =	vadd.f32 v32, v29;
	_ =	sdelay $0x1  }
0x205: {  	[tilespmem:s23+$0xC080] =	vst v29  }
.Ltmp10:
0x206: {  	s21 =	sadd.s32 $0x80, s21;
	v29 =	vld.idx.msk [tilespmem:v31+s2+$0x0], $0xffff;
	(pc) =	sbr.rel @p0 .LBB2_17-.Ltmp10, $4  }
0x207: {  	s23 =	sor.u32 s21, s22;
	s22 =	smov.u32 s24  }
0x208: {  	s23 =	sor.u32 $0x380, s23  }
0x209: {  	v30 =	vld [tilespmem:s23+$0x7800]  }
0x20a: {  	s24 =	sadd.s32 $0x10, s24;
	v31 =	vmov s22  }
0x20b: {  	v32 =	vsel vm1, $0xFFFFFFFF, v27  }
0x20c: {  	v32 =	vxor.u32 $0x80000000, v32  }
0x20d: {  	(xrf0) =	vmax.scan.msk.u32 $0xffff, v32;
	_ =	sdelay $0x5  }
0x20e: {  	v32, _, _ =	vpop (xrf0)  }
0x20f: {  	(v2sf) =	vpush v32, $0xF;
	_ =	sdelay $0x6  }
0x210: {  	v31 =	vshll.u32 v31, $0x3;
	v61 =	vld [tilespmem:s23+$0x9C00]  }
0x211: {  	v33 =	vor.u32 s22, v0;
	v29 =	vadd.f32 v29, v29;
	v31 =	vand.u32 $0xC00, v31  }
0x212: {  	v33 =	vand.u32 $0x7F, v33;
	v28 =	vadd.s32 v28, v31  }
0x213: {  	v28 =	vor.u32 v33, v28;
	v29 =	vadd.f32 v29, v30;
	_ =	sdelay $0x1  }
0x214: {  	v29 =	vadd.f32 v61, v29;
	_ =	sdelay $0x1  }
0x215: {  	[tilespmem:s23+$0xC080] =	vst v29  }
0x216: {  	s21 =	sadd.s32 $0x80, s21;
	v28 =	vld.idx.msk [tilespmem:v28+s2+$0x0], $0xffff;
	s28 =	spop (v2sf)  }
0x217: {  	s21 =	sor.u32 s21, s22;
	s29 =	sxor.u32 $0x80000000, s28  }
0x218: {  	s30 =	sor.u32 $0x380, s21;
	v29 =	vmov s29  }
0x219: {  	s21 =	simm.s32 $0x0;
	v30 =	vld [tilespmem:s30+$0x7800];
	v31 =	vshrl.u32 v29, $0x3  }
0x21a: {  	v62 =	vmov s21;
	v29 =	vshll.u32 v29, $0x7;
	v31 =	vmul.u32 $0xC00, v31  }
0x21b: {  	v63 =	vld [tilespmem:s30+$0x9C00];
	v34 =	vadd.f32 v28, v28;
	v28 =	vand.u32 $0x380, v29;
	v29 =	vshll.u32 v62, $0x3  }
0x21c: {  	v29 =	vand.u32 $0xC00, v29;
	v28 =	vor.u32 v28, v31;
	v31 =	vor.u32 s21, v0  }
0x21d: {  	v31 =	vand.u32 $0x7F, v31;
	v29 =	vadd.s32 v28, v29  }
0x21e: {  	v30 =	vadd.f32 v34, v30;
	v29 =	vor.u32 v31, v29;
	_ =	sdelay $0x1  }
0x21f: {  	v30 =	vadd.f32 v63, v30;
	_ =	sdelay $0x1  }
0x220: {  	[tilespmem:s30+$0xC080] =	vst v30  }
0x221: {  	s31 =	sand.u32 $0x70, s21;
	s24 =	sand.u32 $0xC00, s21;
	v29 =	vld.idx.msk [tilespmem:v29+s2+$0x0], $0xffff  }
0x222: {  	s23 =	sor.u32 s31, s24  }
0x223: {  	s22 =	simm.s32 $0x10;
	v30 =	vld [tilespmem:s23+$0x8400]  }
0x224: {  	s24 =	simm.s32 $0x20;
	v31 =	vmov s22  }
.LBB2_19:
0x225: {  	p0 =	sne.s32 s24, $0x120;
	v31 =	vshll.u32 v31, $0x3;
	v32 =	vld [tilespmem:s23+$0xA800]  }
0x226: {  	v33 =	vor.u32 s22, v0;
	v29 =	vadd.f32 v29, v29;
	v31 =	vand.u32 $0xC00, v31  }
0x227: {  	v33 =	vand.u32 $0x7F, v33;
	v31 =	vadd.s32 v28, v31  }
0x228: {  	v31 =	vor.u32 v33, v31;
	v29 =	vadd.f32 v29, v30;
	_ =	sdelay $0x1  }
0x229: {  	v29 =	vadd.f32 v32, v29;
	_ =	sdelay $0x1  }
0x22a: {  	[tilespmem:s23+$0xCC80] =	vst v29  }
.Ltmp11:
0x22b: {  	s21 =	sadd.s32 $0x80, s21;
	v29 =	vld.idx.msk [tilespmem:v31+s2+$0x0], $0xffff;
	(pc) =	sbr.rel @p0 .LBB2_19-.Ltmp11, $4  }
0x22c: {  	s25 =	sand.u32 $0xC00, s21;
	s23 =	sand.u32 $0x70, s22;
	s22 =	smov.u32 s24  }
0x22d: {  	s23 =	sor.u32 s23, s25  }
0x22e: {  	v30 =	vld [tilespmem:s23+$0x8400]  }
0x22f: {  	s24 =	sadd.s32 $0x10, s24;
	v31 =	vmov s22  }
0x230: {  	v32 =	vsel vm10, $0xFFFFFFFF, v27  }
0x231: {  	v32 =	vxor.u32 $0x80000000, v32  }
0x232: {  	(xrf0) =	vmax.scan.msk.u32 $0xffff, v32;
	_ =	sdelay $0x5  }
0x233: {  	v32, _, _ =	vpop (xrf0)  }
0x234: {  	(v2sf) =	vpush v32, $0xF;
	_ =	sdelay $0x6  }
0x235: {  	v31 =	vshll.u32 v31, $0x3;
	v61 =	vld [tilespmem:s23+$0xA800]  }
0x236: {  	v33 =	vor.u32 s22, v0;
	v29 =	vadd.f32 v29, v29;
	v31 =	vand.u32 $0xC00, v31  }
0x237: {  	v33 =	vand.u32 $0x7F, v33;
	v28 =	vadd.s32 v28, v31  }
0x238: {  	v28 =	vor.u32 v33, v28;
	v29 =	vadd.f32 v29, v30;
	_ =	sdelay $0x1  }
0x239: {  	v29 =	vadd.f32 v61, v29;
	_ =	sdelay $0x1  }
0x23a: {  	[tilespmem:s23+$0xCC80] =	vst v29  }
0x23b: {  	s21 =	sadd.s32 $0x80, s21;
	v28 =	vld.idx.msk [tilespmem:v28+s2+$0x0], $0xffff;
	s29 =	spop (v2sf)  }
0x23c: {  	s30 =	sand.u32 $0x70, s22;
	s21 =	sand.u32 $0xC00, s21;
	s23 =	sxor.u32 $0x80000000, s29  }
0x23d: {  	s22 =	sor.u32 s30, s21;
	v29 =	vmov s23  }
0x23e: {  	s21 =	simm.s32 $0x0;
	v30 =	vld [tilespmem:s22+$0x8400];
	v31 =	vshrl.u32 v29, $0x3  }
0x23f: {  	v62 =	vmov s21;
	v29 =	vshll.u32 v29, $0x7;
	v31 =	vmul.u32 $0xC00, v31  }
0x240: {  	v63 =	vld [tilespmem:s22+$0xA800];
	v34 =	vadd.f32 v28, v28;
	v28 =	vand.u32 $0x380, v29;
	v29 =	vshll.u32 v62, $0x3  }
0x241: {  	v29 =	vand.u32 $0xC00, v29;
	v28 =	vor.u32 v28, v31;
	v31 =	vor.u32 s21, v0  }
0x242: {  	v31 =	vand.u32 $0x7F, v31;
	v29 =	vadd.s32 v28, v29  }
0x243: {  	v30 =	vadd.f32 v34, v30;
	v29 =	vor.u32 v31, v29;
	_ =	sdelay $0x1  }
0x244: {  	v30 =	vadd.f32 v63, v30;
	_ =	sdelay $0x1  }
0x245: {  	[tilespmem:s22+$0xCC80] =	vst v30  }
0x246: {  	s31 =	sand.u32 $0x70, s21;
	s24 =	sand.u32 $0xC00, s21;
	v29 =	vld.idx.msk [tilespmem:v29+s2+$0x0], $0xffff  }
0x247: {  	s23 =	sor.u32 s31, s24  }
0x248: {  	s22 =	simm.s32 $0x10;
	v30 =	vld [tilespmem:s23+$0x8480]  }
0x249: {  	s24 =	simm.s32 $0x20;
	v31 =	vmov s22  }
.LBB2_21:
0x24a: {  	p0 =	sne.s32 s24, $0x120;
	v31 =	vshll.u32 v31, $0x3;
	v32 =	vld [tilespmem:s23+$0xA880]  }
0x24b: {  	v33 =	vor.u32 s22, v0;
	v29 =	vadd.f32 v29, v29;
	v31 =	vand.u32 $0xC00, v31  }
0x24c: {  	v33 =	vand.u32 $0x7F, v33;
	v31 =	vadd.s32 v28, v31  }
0x24d: {  	v31 =	vor.u32 v33, v31;
	v29 =	vadd.f32 v29, v30;
	_ =	sdelay $0x1  }
0x24e: {  	v29 =	vadd.f32 v32, v29;
	_ =	sdelay $0x1  }
0x24f: {  	[tilespmem:s23+$0xCD00] =	vst v29  }
.Ltmp12:
0x250: {  	s21 =	sadd.s32 $0x80, s21;
	v29 =	vld.idx.msk [tilespmem:v31+s2+$0x0], $0xffff;
	(pc) =	sbr.rel @p0 .LBB2_21-.Ltmp12, $4  }
0x251: {  	s25 =	sand.u32 $0xC00, s21;
	s23 =	sand.u32 $0x70, s22;
	s22 =	smov.u32 s24  }
0x252: {  	s23 =	sor.u32 s23, s25  }
0x253: {  	v30 =	vld [tilespmem:s23+$0x8480]  }
0x254: {  	s24 =	sadd.s32 $0x10, s24;
	v31 =	vmov s22  }
0x255: {  	v32 =	vsel vm11, $0xFFFFFFFF, v27  }
0x256: {  	v32 =	vxor.u32 $0x80000000, v32  }
0x257: {  	(xrf0) =	vmax.scan.msk.u32 $0xffff, v32;
	_ =	sdelay $0x5  }
0x258: {  	v32, _, _ =	vpop (xrf0)  }
0x259: {  	(v2sf) =	vpush v32, $0xF;
	_ =	sdelay $0x6  }
0x25a: {  	v31 =	vshll.u32 v31, $0x3;
	v61 =	vld [tilespmem:s23+$0xA880]  }
0x25b: {  	v33 =	vor.u32 s22, v0;
	v29 =	vadd.f32 v29, v29;
	v31 =	vand.u32 $0xC00, v31  }
0x25c: {  	v33 =	vand.u32 $0x7F, v33;
	v28 =	vadd.s32 v28, v31  }
0x25d: {  	v28 =	vor.u32 v33, v28;
	v29 =	vadd.f32 v29, v30;
	_ =	sdelay $0x1  }
0x25e: {  	v29 =	vadd.f32 v61, v29;
	_ =	sdelay $0x1  }
0x25f: {  	[tilespmem:s23+$0xCD00] =	vst v29  }
0x260: {  	s21 =	sadd.s32 $0x80, s21;
	v28 =	vld.idx.msk [tilespmem:v28+s2+$0x0], $0xffff;
	s29 =	spop (v2sf)  }
0x261: {  	s30 =	sand.u32 $0x70, s22;
	s21 =	sand.u32 $0xC00, s21;
	s23 =	sxor.u32 $0x80000000, s29  }
0x262: {  	s22 =	sor.u32 s30, s21;
	v29 =	vmov s23  }
0x263: {  	s21 =	simm.s32 $0x0;
	v30 =	vld [tilespmem:s22+$0x8480];
	v31 =	vshrl.u32 v29, $0x3  }
0x264: {  	v62 =	vmov s21;
	v29 =	vshll.u32 v29, $0x7;
	v31 =	vmul.u32 $0xC00, v31  }
0x265: {  	v63 =	vld [tilespmem:s22+$0xA880];
	v34 =	vadd.f32 v28, v28;
	v28 =	vand.u32 $0x380, v29;
	v29 =	vshll.u32 v62, $0x3  }
0x266: {  	v29 =	vand.u32 $0xC00, v29;
	v28 =	vor.u32 v28, v31;
	v31 =	vor.u32 s21, v0  }
0x267: {  	v31 =	vand.u32 $0x7F, v31;
	v29 =	vadd.s32 v28, v29  }
0x268: {  	v30 =	vadd.f32 v34, v30;
	v29 =	vor.u32 v31, v29;
	_ =	sdelay $0x1  }
0x269: {  	v30 =	vadd.f32 v63, v30;
	_ =	sdelay $0x1  }
0x26a: {  	[tilespmem:s22+$0xCD00] =	vst v30  }
0x26b: {  	s31 =	sand.u32 $0x70, s21;
	s24 =	sand.u32 $0xC00, s21;
	v29 =	vld.idx.msk [tilespmem:v29+s2+$0x0], $0xffff  }
0x26c: {  	s23 =	sor.u32 s31, s24  }
0x26d: {  	s22 =	simm.s32 $0x10;
	v30 =	vld [tilespmem:s23+$0x8500]  }
0x26e: {  	s24 =	simm.s32 $0x20;
	v31 =	vmov s22  }
.LBB2_23:
0x26f: {  	p0 =	sne.s32 s24, $0x120;
	v31 =	vshll.u32 v31, $0x3;
	v32 =	vld [tilespmem:s23+$0xA900]  }
0x270: {  	v33 =	vor.u32 s22, v0;
	v29 =	vadd.f32 v29, v29;
	v31 =	vand.u32 $0xC00, v31  }
0x271: {  	v33 =	vand.u32 $0x7F, v33;
	v31 =	vadd.s32 v28, v31  }
0x272: {  	v31 =	vor.u32 v33, v31;
	v29 =	vadd.f32 v29, v30;
	_ =	sdelay $0x1  }
0x273: {  	v29 =	vadd.f32 v32, v29;
	_ =	sdelay $0x1  }
0x274: {  	[tilespmem:s23+$0xCD80] =	vst v29  }
.Ltmp13:
0x275: {  	s21 =	sadd.s32 $0x80, s21;
	v29 =	vld.idx.msk [tilespmem:v31+s2+$0x0], $0xffff;
	(pc) =	sbr.rel @p0 .LBB2_23-.Ltmp13, $4  }
0x276: {  	s25 =	sand.u32 $0xC00, s21;
	s23 =	sand.u32 $0x70, s22;
	s22 =	smov.u32 s24  }
0x277: {  	s23 =	sor.u32 s23, s25  }
0x278: {  	v30 =	vld [tilespmem:s23+$0x8500]  }
0x279: {  	s24 =	sadd.s32 $0x10, s24;
	v31 =	vmov s22  }
0x27a: {  	v32 =	vsel vm12, $0xFFFFFFFF, v27  }
0x27b: {  	v32 =	vxor.u32 $0x80000000, v32  }
0x27c: {  	(xrf0) =	vmax.scan.msk.u32 $0xffff, v32;
	_ =	sdelay $0x5  }
0x27d: {  	v32, _, _ =	vpop (xrf0)  }
0x27e: {  	(v2sf) =	vpush v32, $0xF;
	_ =	sdelay $0x6  }
0x27f: {  	v31 =	vshll.u32 v31, $0x3;
	v61 =	vld [tilespmem:s23+$0xA900]  }
0x280: {  	v33 =	vor.u32 s22, v0;
	v29 =	vadd.f32 v29, v29;
	v31 =	vand.u32 $0xC00, v31  }
0x281: {  	v33 =	vand.u32 $0x7F, v33;
	v28 =	vadd.s32 v28, v31  }
0x282: {  	v28 =	vor.u32 v33, v28;
	v29 =	vadd.f32 v29, v30;
	_ =	sdelay $0x1  }
0x283: {  	v29 =	vadd.f32 v61, v29;
	_ =	sdelay $0x1  }
0x284: {  	[tilespmem:s23+$0xCD80] =	vst v29  }
0x285: {  	s21 =	sadd.s32 $0x80, s21;
	v28 =	vld.idx.msk [tilespmem:v28+s2+$0x0], $0xffff;
	s29 =	spop (v2sf)  }
0x286: {  	s30 =	sand.u32 $0x70, s22;
	s21 =	sand.u32 $0xC00, s21;
	s23 =	sxor.u32 $0x80000000, s29  }
0x287: {  	s22 =	sor.u32 s30, s21;
	v29 =	vmov s23  }
0x288: {  	s21 =	simm.s32 $0x0;
	v30 =	vld [tilespmem:s22+$0x8500];
	v31 =	vshrl.u32 v29, $0x3  }
0x289: {  	v62 =	vmov s21;
	v29 =	vshll.u32 v29, $0x7;
	v31 =	vmul.u32 $0xC00, v31  }
0x28a: {  	v63 =	vld [tilespmem:s22+$0xA900];
	v34 =	vadd.f32 v28, v28;
	v28 =	vand.u32 $0x380, v29;
	v29 =	vshll.u32 v62, $0x3  }
0x28b: {  	v29 =	vand.u32 $0xC00, v29;
	v28 =	vor.u32 v28, v31;
	v31 =	vor.u32 s21, v0  }
0x28c: {  	v31 =	vand.u32 $0x7F, v31;
	v29 =	vadd.s32 v28, v29  }
0x28d: {  	v30 =	vadd.f32 v34, v30;
	v29 =	vor.u32 v31, v29;
	_ =	sdelay $0x1  }
0x28e: {  	v30 =	vadd.f32 v63, v30;
	_ =	sdelay $0x1  }
0x28f: {  	[tilespmem:s22+$0xCD80] =	vst v30  }
0x290: {  	s31 =	sand.u32 $0x70, s21;
	s24 =	sand.u32 $0xC00, s21;
	v29 =	vld.idx.msk [tilespmem:v29+s2+$0x0], $0xffff  }
0x291: {  	s23 =	sor.u32 s31, s24  }
0x292: {  	s22 =	simm.s32 $0x10;
	v30 =	vld [tilespmem:s23+$0x8580]  }
0x293: {  	s24 =	simm.s32 $0x20;
	v31 =	vmov s22  }
.LBB2_25:
0x294: {  	p0 =	sne.s32 s24, $0x120;
	v31 =	vshll.u32 v31, $0x3;
	v32 =	vld [tilespmem:s23+$0xA980]  }
0x295: {  	v33 =	vor.u32 s22, v0;
	v29 =	vadd.f32 v29, v29;
	v31 =	vand.u32 $0xC00, v31  }
0x296: {  	v33 =	vand.u32 $0x7F, v33;
	v31 =	vadd.s32 v28, v31  }
0x297: {  	v31 =	vor.u32 v33, v31;
	v29 =	vadd.f32 v29, v30;
	_ =	sdelay $0x1  }
0x298: {  	v29 =	vadd.f32 v32, v29;
	_ =	sdelay $0x1  }
0x299: {  	[tilespmem:s23+$0xCE00] =	vst v29  }
.Ltmp14:
0x29a: {  	s21 =	sadd.s32 $0x80, s21;
	v29 =	vld.idx.msk [tilespmem:v31+s2+$0x0], $0xffff;
	(pc) =	sbr.rel @p0 .LBB2_25-.Ltmp14, $4  }
0x29b: {  	s25 =	sand.u32 $0xC00, s21;
	s23 =	sand.u32 $0x70, s22;
	s22 =	smov.u32 s24  }
0x29c: {  	s23 =	sor.u32 s23, s25  }
0x29d: {  	v30 =	vld [tilespmem:s23+$0x8580]  }
0x29e: {  	s24 =	sadd.s32 $0x10, s24;
	v31 =	vmov s22  }
0x29f: {  	v32 =	vsel vm13, $0xFFFFFFFF, v27  }
0x2a0: {  	v32 =	vxor.u32 $0x80000000, v32  }
0x2a1: {  	(xrf0) =	vmax.scan.msk.u32 $0xffff, v32;
	_ =	sdelay $0x5  }
0x2a2: {  	v32, _, _ =	vpop (xrf0)  }
0x2a3: {  	(v2sf) =	vpush v32, $0xF;
	_ =	sdelay $0x6  }
0x2a4: {  	v31 =	vshll.u32 v31, $0x3;
	v61 =	vld [tilespmem:s23+$0xA980]  }
0x2a5: {  	v33 =	vor.u32 s22, v0;
	v29 =	vadd.f32 v29, v29;
	v31 =	vand.u32 $0xC00, v31  }
0x2a6: {  	v33 =	vand.u32 $0x7F, v33;
	v28 =	vadd.s32 v28, v31  }
0x2a7: {  	v28 =	vor.u32 v33, v28;
	v29 =	vadd.f32 v29, v30;
	_ =	sdelay $0x1  }
0x2a8: {  	v29 =	vadd.f32 v61, v29;
	_ =	sdelay $0x1  }
0x2a9: {  	[tilespmem:s23+$0xCE00] =	vst v29  }
0x2aa: {  	s21 =	sadd.s32 $0x80, s21;
	v28 =	vld.idx.msk [tilespmem:v28+s2+$0x0], $0xffff;
	s29 =	spop (v2sf)  }
0x2ab: {  	s30 =	sand.u32 $0x70, s22;
	s21 =	sand.u32 $0xC00, s21;
	s23 =	sxor.u32 $0x80000000, s29  }
0x2ac: {  	s22 =	sor.u32 s30, s21;
	v29 =	vmov s23  }
0x2ad: {  	s21 =	simm.s32 $0x0;
	v30 =	vld [tilespmem:s22+$0x8580];
	v31 =	vshrl.u32 v29, $0x3  }
0x2ae: {  	v62 =	vmov s21;
	v29 =	vshll.u32 v29, $0x7;
	v31 =	vmul.u32 $0xC00, v31  }
0x2af: {  	v63 =	vld [tilespmem:s22+$0xA980];
	v34 =	vadd.f32 v28, v28;
	v28 =	vand.u32 $0x380, v29;
	v29 =	vshll.u32 v62, $0x3  }
0x2b0: {  	v29 =	vand.u32 $0xC00, v29;
	v28 =	vor.u32 v28, v31;
	v31 =	vor.u32 s21, v0  }
0x2b1: {  	v31 =	vand.u32 $0x7F, v31;
	v29 =	vadd.s32 v28, v29  }
0x2b2: {  	v30 =	vadd.f32 v34, v30;
	v29 =	vor.u32 v31, v29;
	_ =	sdelay $0x1  }
0x2b3: {  	v30 =	vadd.f32 v63, v30;
	_ =	sdelay $0x1  }
0x2b4: {  	[tilespmem:s22+$0xCE00] =	vst v30  }
0x2b5: {  	s31 =	sand.u32 $0x70, s21;
	s24 =	sand.u32 $0xC00, s21;
	v29 =	vld.idx.msk [tilespmem:v29+s2+$0x0], $0xffff  }
0x2b6: {  	s23 =	sor.u32 s31, s24  }
0x2b7: {  	s22 =	simm.s32 $0x10;
	v30 =	vld [tilespmem:s23+$0x8600]  }
0x2b8: {  	s24 =	simm.s32 $0x20;
	v31 =	vmov s22  }
.LBB2_27:
0x2b9: {  	p0 =	sne.s32 s24, $0x120;
	v31 =	vshll.u32 v31, $0x3;
	v32 =	vld [tilespmem:s23+$0xAA00]  }
0x2ba: {  	v33 =	vor.u32 s22, v0;
	v29 =	vadd.f32 v29, v29;
	v31 =	vand.u32 $0xC00, v31  }
0x2bb: {  	v33 =	vand.u32 $0x7F, v33;
	v31 =	vadd.s32 v28, v31  }
0x2bc: {  	v31 =	vor.u32 v33, v31;
	v29 =	vadd.f32 v29, v30;
	_ =	sdelay $0x1  }
0x2bd: {  	v29 =	vadd.f32 v32, v29;
	_ =	sdelay $0x1  }
0x2be: {  	[tilespmem:s23+$0xCE80] =	vst v29  }
.Ltmp15:
0x2bf: {  	s21 =	sadd.s32 $0x80, s21;
	v29 =	vld.idx.msk [tilespmem:v31+s2+$0x0], $0xffff;
	(pc) =	sbr.rel @p0 .LBB2_27-.Ltmp15, $4  }
0x2c0: {  	s25 =	sand.u32 $0xC00, s21;
	s23 =	sand.u32 $0x70, s22;
	s22 =	smov.u32 s24  }
0x2c1: {  	s23 =	sor.u32 s23, s25  }
0x2c2: {  	v30 =	vld [tilespmem:s23+$0x8600]  }
0x2c3: {  	s24 =	sadd.s32 $0x10, s24;
	v31 =	vmov s22  }
0x2c4: {  	v32 =	vsel vm14, $0xFFFFFFFF, v27  }
0x2c5: {  	v32 =	vxor.u32 $0x80000000, v32  }
0x2c6: {  	(xrf0) =	vmax.scan.msk.u32 $0xffff, v32;
	_ =	sdelay $0x5  }
0x2c7: {  	v32, _, _ =	vpop (xrf0)  }
0x2c8: {  	(v2sf) =	vpush v32, $0xF;
	_ =	sdelay $0x6  }
0x2c9: {  	v31 =	vshll.u32 v31, $0x3;
	v61 =	vld [tilespmem:s23+$0xAA00]  }
0x2ca: {  	v33 =	vor.u32 s22, v0;
	v29 =	vadd.f32 v29, v29;
	v31 =	vand.u32 $0xC00, v31  }
0x2cb: {  	v33 =	vand.u32 $0x7F, v33;
	v28 =	vadd.s32 v28, v31  }
0x2cc: {  	v28 =	vor.u32 v33, v28;
	v29 =	vadd.f32 v29, v30;
	_ =	sdelay $0x1  }
0x2cd: {  	v29 =	vadd.f32 v61, v29;
	_ =	sdelay $0x1  }
0x2ce: {  	[tilespmem:s23+$0xCE80] =	vst v29  }
0x2cf: {  	s21 =	sadd.s32 $0x80, s21;
	v28 =	vld.idx.msk [tilespmem:v28+s2+$0x0], $0xffff;
	s29 =	spop (v2sf)  }
0x2d0: {  	s30 =	sand.u32 $0x70, s22;
	s21 =	sand.u32 $0xC00, s21;
	s23 =	sxor.u32 $0x80000000, s29  }
0x2d1: {  	s22 =	sor.u32 s30, s21;
	v29 =	vmov s23  }
0x2d2: {  	s21 =	simm.s32 $0x0;
	v30 =	vld [tilespmem:s22+$0x8600];
	v31 =	vshrl.u32 v29, $0x3  }
0x2d3: {  	v62 =	vmov s21;
	v29 =	vshll.u32 v29, $0x7;
	v31 =	vmul.u32 $0xC00, v31  }
0x2d4: {  	v63 =	vld [tilespmem:s22+$0xAA00];
	v34 =	vadd.f32 v28, v28;
	v28 =	vand.u32 $0x380, v29;
	v29 =	vshll.u32 v62, $0x3  }
0x2d5: {  	v29 =	vand.u32 $0xC00, v29;
	v28 =	vor.u32 v28, v31;
	v31 =	vor.u32 s21, v0  }
0x2d6: {  	v31 =	vand.u32 $0x7F, v31;
	v29 =	vadd.s32 v28, v29  }
0x2d7: {  	v30 =	vadd.f32 v34, v30;
	v29 =	vor.u32 v31, v29;
	_ =	sdelay $0x1  }
0x2d8: {  	v30 =	vadd.f32 v63, v30;
	_ =	sdelay $0x1  }
0x2d9: {  	[tilespmem:s22+$0xCE80] =	vst v30  }
0x2da: {  	s31 =	sand.u32 $0x70, s21;
	s24 =	sand.u32 $0xC00, s21;
	v29 =	vld.idx.msk [tilespmem:v29+s2+$0x0], $0xffff  }
0x2db: {  	s23 =	sor.u32 s31, s24  }
0x2dc: {  	s22 =	simm.s32 $0x10;
	v30 =	vld [tilespmem:s23+$0x8680]  }
0x2dd: {  	s24 =	simm.s32 $0x20;
	v31 =	vmov s22  }
.LBB2_29:
0x2de: {  	p0 =	sne.s32 s24, $0x120;
	v31 =	vshll.u32 v31, $0x3;
	v32 =	vld [tilespmem:s23+$0xAA80]  }
0x2df: {  	v33 =	vor.u32 s22, v0;
	v29 =	vadd.f32 v29, v29;
	v31 =	vand.u32 $0xC00, v31  }
0x2e0: {  	v33 =	vand.u32 $0x7F, v33;
	v31 =	vadd.s32 v28, v31  }
0x2e1: {  	v31 =	vor.u32 v33, v31;
	v29 =	vadd.f32 v29, v30;
	_ =	sdelay $0x1  }
0x2e2: {  	v29 =	vadd.f32 v32, v29;
	_ =	sdelay $0x1  }
0x2e3: {  	[tilespmem:s23+$0xCF00] =	vst v29  }
.Ltmp16:
0x2e4: {  	s21 =	sadd.s32 $0x80, s21;
	v29 =	vld.idx.msk [tilespmem:v31+s2+$0x0], $0xffff;
	(pc) =	sbr.rel @p0 .LBB2_29-.Ltmp16, $4  }
0x2e5: {  	s25 =	sand.u32 $0xC00, s21;
	s23 =	sand.u32 $0x70, s22;
	s22 =	smov.u32 s24  }
0x2e6: {  	s23 =	sor.u32 s23, s25  }
0x2e7: {  	v30 =	vld [tilespmem:s23+$0x8680]  }
0x2e8: {  	s24 =	sadd.s32 $0x10, s24;
	v31 =	vmov s22  }
0x2e9: {  	v32 =	vsel vm15, $0xFFFFFFFF, v27  }
0x2ea: {  	v32 =	vxor.u32 $0x80000000, v32  }
0x2eb: {  	(xrf0) =	vmax.scan.msk.u32 $0xffff, v32;
	_ =	sdelay $0x5  }
0x2ec: {  	v32, _, _ =	vpop (xrf0)  }
0x2ed: {  	(v2sf) =	vpush v32, $0xF;
	_ =	sdelay $0x6  }
0x2ee: {  	v31 =	vshll.u32 v31, $0x3;
	v61 =	vld [tilespmem:s23+$0xAA80]  }
0x2ef: {  	v33 =	vor.u32 s22, v0;
	v29 =	vadd.f32 v29, v29;
	v31 =	vand.u32 $0xC00, v31  }
0x2f0: {  	v33 =	vand.u32 $0x7F, v33;
	v28 =	vadd.s32 v28, v31  }
0x2f1: {  	v28 =	vor.u32 v33, v28;
	v29 =	vadd.f32 v29, v30;
	_ =	sdelay $0x1  }
0x2f2: {  	v29 =	vadd.f32 v61, v29;
	_ =	sdelay $0x1  }
0x2f3: {  	[tilespmem:s23+$0xCF00] =	vst v29  }
0x2f4: {  	s21 =	sadd.s32 $0x80, s21;
	v28 =	vld.idx.msk [tilespmem:v28+s2+$0x0], $0xffff;
	s29 =	spop (v2sf)  }
0x2f5: {  	s30 =	sand.u32 $0x70, s22;
	s21 =	sand.u32 $0xC00, s21;
	s23 =	sxor.u32 $0x80000000, s29  }
0x2f6: {  	s22 =	sor.u32 s30, s21;
	v29 =	vmov s23  }
0x2f7: {  	s21 =	simm.s32 $0x0;
	v30 =	vld [tilespmem:s22+$0x8680];
	v31 =	vshrl.u32 v29, $0x3  }
0x2f8: {  	v62 =	vmov s21;
	v29 =	vshll.u32 v29, $0x7;
	v31 =	vmul.u32 $0xC00, v31  }
0x2f9: {  	v63 =	vld [tilespmem:s22+$0xAA80];
	v34 =	vadd.f32 v28, v28;
	v28 =	vand.u32 $0x380, v29;
	v29 =	vshll.u32 v62, $0x3  }
0x2fa: {  	v29 =	vand.u32 $0xC00, v29;
	v28 =	vor.u32 v28, v31;
	v31 =	vor.u32 s21, v0  }
0x2fb: {  	v31 =	vand.u32 $0x7F, v31;
	v29 =	vadd.s32 v28, v29  }
0x2fc: {  	v30 =	vadd.f32 v34, v30;
	v29 =	vor.u32 v31, v29;
	_ =	sdelay $0x1  }
0x2fd: {  	v30 =	vadd.f32 v63, v30;
	_ =	sdelay $0x1  }
0x2fe: {  	[tilespmem:s22+$0xCF00] =	vst v30  }
0x2ff: {  	s31 =	sand.u32 $0x70, s21;
	s24 =	sand.u32 $0xC00, s21;
	v29 =	vld.idx.msk [tilespmem:v29+s2+$0x0], $0xffff  }
0x300: {  	s23 =	sor.u32 s31, s24  }
0x301: {  	s22 =	simm.s32 $0x10;
	v30 =	vld [tilespmem:s23+$0x8700]  }
0x302: {  	s24 =	simm.s32 $0x20;
	v31 =	vmov s22  }
.LBB2_31:
0x303: {  	p0 =	sne.s32 s24, $0x120;
	v31 =	vshll.u32 v31, $0x3;
	v32 =	vld [tilespmem:s23+$0xAB00]  }
0x304: {  	v33 =	vor.u32 s22, v0;
	v29 =	vadd.f32 v29, v29;
	v31 =	vand.u32 $0xC00, v31  }
0x305: {  	v33 =	vand.u32 $0x7F, v33;
	v31 =	vadd.s32 v28, v31  }
0x306: {  	v31 =	vor.u32 v33, v31;
	v29 =	vadd.f32 v29, v30;
	_ =	sdelay $0x1  }
0x307: {  	v29 =	vadd.f32 v32, v29;
	_ =	sdelay $0x1  }
0x308: {  	[tilespmem:s23+$0xCF80] =	vst v29  }
.Ltmp17:
0x309: {  	s21 =	sadd.s32 $0x80, s21;
	v29 =	vld.idx.msk [tilespmem:v31+s2+$0x0], $0xffff;
	(pc) =	sbr.rel @p0 .LBB2_31-.Ltmp17, $4  }
0x30a: {  	s25 =	sand.u32 $0xC00, s21;
	s23 =	sand.u32 $0x70, s22;
	s22 =	smov.u32 s24  }
0x30b: {  	s23 =	sor.u32 s23, s25  }
0x30c: {  	v30 =	vld [tilespmem:s23+$0x8700]  }
0x30d: {  	s24 =	sadd.s32 $0x10, s24;
	v31 =	vmov s22  }
0x30e: {  	v32 =	vld [tilespmem:$0x1FFE0];
	_ =	sdelay $0x4  }
0x30f: {  	vm0 =	vnez.u8 v32  }
0x310: {  	v27 =	vsel vm0, $0xFFFFFFFF, v27  }
0x311: {  	v27 =	vxor.u32 $0x80000000, v27  }
0x312: {  	(xrf0) =	vmax.scan.msk.u32 $0xffff, v27;
	_ =	sdelay $0x5  }
0x313: {  	v27, _, _ =	vpop (xrf0)  }
0x314: {  	(v2sf) =	vpush v27, $0xF;
	_ =	sdelay $0x6  }
0x315: {  	v27 =	vshll.u32 v31, $0x3;
	v31 =	vld [tilespmem:s23+$0xAB00]  }
0x316: {  	v62 =	vor.u32 s22, v0;
	v29 =	vadd.f32 v29, v29;
	v27 =	vand.u32 $0xC00, v27  }
0x317: {  	v32 =	vand.u32 $0x7F, v62;
	v27 =	vadd.s32 v28, v27  }
0x318: {  	v28 =	vadd.f32 v29, v30;
	v27 =	vor.u32 v32, v27;
	_ =	sdelay $0x1  }
0x319: {  	v28 =	vadd.f32 v31, v28;
	_ =	sdelay $0x1  }
0x31a: {  	[tilespmem:s23+$0xCF80] =	vst v28  }
0x31b: {  	s21 =	sadd.s32 $0x80, s21;
	v27 =	vld.idx.msk [tilespmem:v27+s2+$0x0], $0xffff;
	s29 =	spop (v2sf)  }
0x31c: {  	s30 =	sand.u32 $0x70, s22;
	s21 =	sand.u32 $0xC00, s21;
	s23 =	sxor.u32 $0x80000000, s29  }
0x31d: {  	s22 =	sor.u32 s30, s21;
	v28 =	vmov s23  }
0x31e: {  	s21 =	simm.s32 $0x0;
	v29 =	vld [tilespmem:s22+$0x8700];
	v30 =	vshrl.u32 v28, $0x3  }
0x31f: {  	v31 =	vmov s21;
	v28 =	vshll.u32 v28, $0x7;
	v30 =	vmul.u32 $0xC00, v30  }
0x320: {  	v63 =	vld [tilespmem:s22+$0xAB00];
	v33 =	vadd.f32 v27, v27;
	v27 =	vand.u32 $0x380, v28;
	v28 =	vshll.u32 v31, $0x3  }
0x321: {  	v28 =	vand.u32 $0xC00, v28;
	v27 =	vor.u32 v27, v30;
	v30 =	vor.u32 s21, v0  }
0x322: {  	v30 =	vand.u32 $0x7F, v30;
	v28 =	vadd.s32 v27, v28  }
0x323: {  	v29 =	vadd.f32 v33, v29;
	v28 =	vor.u32 v30, v28;
	_ =	sdelay $0x1  }
0x324: {  	v29 =	vadd.f32 v63, v29;
	_ =	sdelay $0x1  }
0x325: {  	[tilespmem:s22+$0xCF80] =	vst v29  }
0x326: {  	s31 =	sand.u32 $0x70, s21;
	s24 =	sand.u32 $0xC00, s21;
	v28 =	vld.idx.msk [tilespmem:v28+s2+$0x0], $0xffff  }
0x327: {  	s23 =	sor.u32 s31, s24  }
0x328: {  	s22 =	simm.s32 $0x10;
	v29 =	vld [tilespmem:s23+$0x8780]  }
0x329: {  	s24 =	simm.s32 $0x20;
	v30 =	vmov s22  }
.LBB2_33:
0x32a: {  	p0 =	sne.s32 s24, $0x120;
	v30 =	vshll.u32 v30, $0x3;
	v31 =	vld [tilespmem:s23+$0xAB80]  }
0x32b: {  	v32 =	vor.u32 s22, v0;
	v28 =	vadd.f32 v28, v28;
	v30 =	vand.u32 $0xC00, v30  }
0x32c: {  	v32 =	vand.u32 $0x7F, v32;
	v30 =	vadd.s32 v27, v30  }
0x32d: {  	v30 =	vor.u32 v32, v30;
	v28 =	vadd.f32 v28, v29;
	_ =	sdelay $0x1  }
0x32e: {  	v28 =	vadd.f32 v31, v28;
	_ =	sdelay $0x1  }
0x32f: {  	[tilespmem:s23+$0xD000] =	vst v28  }
.Ltmp18:
0x330: {  	s21 =	sadd.s32 $0x80, s21;
	v28 =	vld.idx.msk [tilespmem:v30+s2+$0x0], $0xffff;
	(pc) =	sbr.rel @p0 .LBB2_33-.Ltmp18, $4  }
0x331: {  	s25 =	sand.u32 $0xC00, s21;
	s23 =	sand.u32 $0x70, s22;
	s22 =	smov.u32 s24  }
0x332: {  	s23 =	sor.u32 s23, s25  }
0x333: {  	v29 =	vld [tilespmem:s23+$0x8780]  }
0x334: {  	s24 =	sadd.s32 $0x10, s24;
	v30 =	vmov s22  }
0x335: {  	v31 =	vnsel vm2, $0xFFFFFFFF, v26  }
0x336: {  	v31 =	vxor.u32 $0x80000000, v31  }
0x337: {  	(xrf0) =	vmax.scan.msk.u32 $0xffff, v31;
	_ =	sdelay $0x5  }
0x338: {  	v31, _, _ =	vpop (xrf0)  }
0x339: {  	(v2sf) =	vpush v31, $0xF;
	_ =	sdelay $0x6  }
0x33a: {  	v30 =	vshll.u32 v30, $0x3;
	v31 =	vld [tilespmem:s23+$0xAB80]  }
0x33b: {  	v32 =	vor.u32 s22, v0;
	v28 =	vadd.f32 v28, v28;
	v30 =	vand.u32 $0xC00, v30  }
0x33c: {  	v32 =	vand.u32 $0x7F, v32;
	v27 =	vadd.s32 v27, v30  }
0x33d: {  	v27 =	vor.u32 v32, v27;
	v28 =	vadd.f32 v28, v29;
	_ =	sdelay $0x1  }
0x33e: {  	v28 =	vadd.f32 v31, v28;
	_ =	sdelay $0x1  }
0x33f: {  	[tilespmem:s23+$0xD000] =	vst v28  }
0x340: {  	s21 =	sadd.s32 $0x80, s21;
	v27 =	vld.idx.msk [tilespmem:v27+s2+$0x0], $0xffff;
	s29 =	spop (v2sf)  }
0x341: {  	s30 =	sand.u32 $0x70, s22;
	s21 =	sand.u32 $0xC00, s21;
	s23 =	sxor.u32 $0x80000000, s29  }
0x342: {  	s22 =	sor.u32 s30, s21;
	v28 =	vmov s23  }
0x343: {  	s21 =	simm.s32 $0x0;
	v29 =	vld [tilespmem:s22+$0x8780];
	v30 =	vshrl.u32 v28, $0x3  }
0x344: {  	v31 =	vmov s21;
	v28 =	vshll.u32 v28, $0x7;
	v30 =	vmul.u32 $0xC00, v30  }
0x345: {  	v63 =	vld [tilespmem:s22+$0xAB80];
	v33 =	vadd.f32 v27, v27;
	v27 =	vand.u32 $0x380, v28;
	v28 =	vshll.u32 v31, $0x3  }
0x346: {  	v28 =	vand.u32 $0xC00, v28;
	v27 =	vor.u32 v27, v30;
	v30 =	vor.u32 s21, v0  }
0x347: {  	v30 =	vand.u32 $0x7F, v30;
	v28 =	vadd.s32 v27, v28  }
0x348: {  	v29 =	vadd.f32 v33, v29;
	v28 =	vor.u32 v30, v28;
	_ =	sdelay $0x1  }
0x349: {  	v29 =	vadd.f32 v63, v29;
	_ =	sdelay $0x1  }
0x34a: {  	[tilespmem:s22+$0xD000] =	vst v29  }
0x34b: {  	s31 =	sand.u32 $0x70, s21;
	s24 =	sand.u32 $0xC00, s21;
	v28 =	vld.idx.msk [tilespmem:v28+s2+$0x0], $0xffff  }
0x34c: {  	s23 =	sor.u32 s31, s24  }
0x34d: {  	s22 =	simm.s32 $0x10;
	v29 =	vld [tilespmem:s23+$0x9000]  }
0x34e: {  	s24 =	simm.s32 $0x20;
	v30 =	vmov s22  }
.LBB2_35:
0x34f: {  	p0 =	sne.s32 s24, $0x120;
	v30 =	vshll.u32 v30, $0x3;
	v31 =	vld [tilespmem:s23+$0xB400]  }
0x350: {  	v32 =	vor.u32 s22, v0;
	v28 =	vadd.f32 v28, v28;
	v30 =	vand.u32 $0xC00, v30  }
0x351: {  	v32 =	vand.u32 $0x7F, v32;
	v30 =	vadd.s32 v27, v30  }
0x352: {  	v30 =	vor.u32 v32, v30;
	v28 =	vadd.f32 v28, v29;
	_ =	sdelay $0x1  }
0x353: {  	v28 =	vadd.f32 v31, v28;
	_ =	sdelay $0x1  }
0x354: {  	[tilespmem:s23+$0xD880] =	vst v28  }
.Ltmp19:
0x355: {  	s21 =	sadd.s32 $0x80, s21;
	v28 =	vld.idx.msk [tilespmem:v30+s2+$0x0], $0xffff;
	(pc) =	sbr.rel @p0 .LBB2_35-.Ltmp19, $4  }
0x356: {  	s25 =	sand.u32 $0xC00, s21;
	s23 =	sand.u32 $0x70, s22;
	s22 =	smov.u32 s24  }
0x357: {  	s23 =	sor.u32 s23, s25  }
0x358: {  	v29 =	vld [tilespmem:s23+$0x9000]  }
0x359: {  	s24 =	sadd.s32 $0x10, s24;
	v30 =	vmov s22  }
0x35a: {  	v31 =	vsel vm3, $0xFFFFFFFF, v26  }
0x35b: {  	v31 =	vxor.u32 $0x80000000, v31  }
0x35c: {  	(xrf0) =	vmax.scan.msk.u32 $0xffff, v31;
	_ =	sdelay $0x5  }
0x35d: {  	v31, _, _ =	vpop (xrf0)  }
0x35e: {  	(v2sf) =	vpush v31, $0xF;
	_ =	sdelay $0x6  }
0x35f: {  	v30 =	vshll.u32 v30, $0x3;
	v31 =	vld [tilespmem:s23+$0xB400]  }
0x360: {  	v32 =	vor.u32 s22, v0;
	v28 =	vadd.f32 v28, v28;
	v30 =	vand.u32 $0xC00, v30  }
0x361: {  	v32 =	vand.u32 $0x7F, v32;
	v27 =	vadd.s32 v27, v30  }
0x362: {  	v27 =	vor.u32 v32, v27;
	v28 =	vadd.f32 v28, v29;
	_ =	sdelay $0x1  }
0x363: {  	v28 =	vadd.f32 v31, v28;
	_ =	sdelay $0x1  }
0x364: {  	[tilespmem:s23+$0xD880] =	vst v28  }
0x365: {  	s21 =	sadd.s32 $0x80, s21;
	v27 =	vld.idx.msk [tilespmem:v27+s2+$0x0], $0xffff;
	s29 =	spop (v2sf)  }
0x366: {  	s30 =	sand.u32 $0x70, s22;
	s21 =	sand.u32 $0xC00, s21;
	s23 =	sxor.u32 $0x80000000, s29  }
0x367: {  	s22 =	sor.u32 s30, s21;
	v28 =	vmov s23  }
0x368: {  	s21 =	simm.s32 $0x0;
	v29 =	vld [tilespmem:s22+$0x9000];
	v30 =	vshrl.u32 v28, $0x3  }
0x369: {  	v31 =	vmov s21;
	v28 =	vshll.u32 v28, $0x7;
	v30 =	vmul.u32 $0xC00, v30  }
0x36a: {  	v63 =	vld [tilespmem:s22+$0xB400];
	v33 =	vadd.f32 v27, v27;
	v27 =	vand.u32 $0x380, v28;
	v28 =	vshll.u32 v31, $0x3  }
0x36b: {  	v28 =	vand.u32 $0xC00, v28;
	v27 =	vor.u32 v27, v30;
	v30 =	vor.u32 s21, v0  }
0x36c: {  	v30 =	vand.u32 $0x7F, v30;
	v28 =	vadd.s32 v27, v28  }
0x36d: {  	v29 =	vadd.f32 v33, v29;
	v28 =	vor.u32 v30, v28;
	_ =	sdelay $0x1  }
0x36e: {  	v29 =	vadd.f32 v63, v29;
	_ =	sdelay $0x1  }
0x36f: {  	[tilespmem:s22+$0xD880] =	vst v29  }
0x370: {  	s31 =	sand.u32 $0x70, s21;
	s24 =	sand.u32 $0xC00, s21;
	v28 =	vld.idx.msk [tilespmem:v28+s2+$0x0], $0xffff  }
0x371: {  	s23 =	sor.u32 s31, s24  }
0x372: {  	s22 =	simm.s32 $0x10;
	v29 =	vld [tilespmem:s23+$0x9080]  }
0x373: {  	s24 =	simm.s32 $0x20;
	v30 =	vmov s22  }
.LBB2_37:
0x374: {  	p0 =	sne.s32 s24, $0x120;
	v30 =	vshll.u32 v30, $0x3;
	v31 =	vld [tilespmem:s23+$0xB480]  }
0x375: {  	v32 =	vor.u32 s22, v0;
	v28 =	vadd.f32 v28, v28;
	v30 =	vand.u32 $0xC00, v30  }
0x376: {  	v32 =	vand.u32 $0x7F, v32;
	v30 =	vadd.s32 v27, v30  }
0x377: {  	v30 =	vor.u32 v32, v30;
	v28 =	vadd.f32 v28, v29;
	_ =	sdelay $0x1  }
0x378: {  	v28 =	vadd.f32 v31, v28;
	_ =	sdelay $0x1  }
0x379: {  	[tilespmem:s23+$0xD900] =	vst v28  }
.Ltmp20:
0x37a: {  	s21 =	sadd.s32 $0x80, s21;
	v28 =	vld.idx.msk [tilespmem:v30+s2+$0x0], $0xffff;
	(pc) =	sbr.rel @p0 .LBB2_37-.Ltmp20, $4  }
0x37b: {  	s25 =	sand.u32 $0xC00, s21;
	s23 =	sand.u32 $0x70, s22;
	s22 =	smov.u32 s24  }
0x37c: {  	s23 =	sor.u32 s23, s25  }
0x37d: {  	v29 =	vld [tilespmem:s23+$0x9080]  }
0x37e: {  	s24 =	sadd.s32 $0x10, s24;
	v30 =	vmov s22  }
0x37f: {  	v31 =	vsel vm4, $0xFFFFFFFF, v26  }
0x380: {  	v31 =	vxor.u32 $0x80000000, v31  }
0x381: {  	(xrf0) =	vmax.scan.msk.u32 $0xffff, v31;
	_ =	sdelay $0x5  }
0x382: {  	v31, _, _ =	vpop (xrf0)  }
0x383: {  	(v2sf) =	vpush v31, $0xF;
	_ =	sdelay $0x6  }
0x384: {  	v30 =	vshll.u32 v30, $0x3;
	v31 =	vld [tilespmem:s23+$0xB480]  }
0x385: {  	v32 =	vor.u32 s22, v0;
	v28 =	vadd.f32 v28, v28;
	v30 =	vand.u32 $0xC00, v30  }
0x386: {  	v32 =	vand.u32 $0x7F, v32;
	v27 =	vadd.s32 v27, v30  }
0x387: {  	v27 =	vor.u32 v32, v27;
	v28 =	vadd.f32 v28, v29;
	_ =	sdelay $0x1  }
0x388: {  	v28 =	vadd.f32 v31, v28;
	_ =	sdelay $0x1  }
0x389: {  	[tilespmem:s23+$0xD900] =	vst v28  }
0x38a: {  	s21 =	sadd.s32 $0x80, s21;
	v27 =	vld.idx.msk [tilespmem:v27+s2+$0x0], $0xffff;
	s29 =	spop (v2sf)  }
0x38b: {  	s30 =	sand.u32 $0x70, s22;
	s21 =	sand.u32 $0xC00, s21;
	s23 =	sxor.u32 $0x80000000, s29  }
0x38c: {  	s22 =	sor.u32 s30, s21;
	v28 =	vmov s23  }
0x38d: {  	s21 =	simm.s32 $0x0;
	v29 =	vld [tilespmem:s22+$0x9080];
	v30 =	vshrl.u32 v28, $0x3  }
0x38e: {  	v31 =	vmov s21;
	v28 =	vshll.u32 v28, $0x7;
	v30 =	vmul.u32 $0xC00, v30  }
0x38f: {  	v63 =	vld [tilespmem:s22+$0xB480];
	v33 =	vadd.f32 v27, v27;
	v27 =	vand.u32 $0x380, v28;
	v28 =	vshll.u32 v31, $0x3  }
0x390: {  	v28 =	vand.u32 $0xC00, v28;
	v27 =	vor.u32 v27, v30;
	v30 =	vor.u32 s21, v0  }
0x391: {  	v30 =	vand.u32 $0x7F, v30;
	v28 =	vadd.s32 v27, v28  }
0x392: {  	v29 =	vadd.f32 v33, v29;
	v28 =	vor.u32 v30, v28;
	_ =	sdelay $0x1  }
0x393: {  	v29 =	vadd.f32 v63, v29;
	_ =	sdelay $0x1  }
0x394: {  	[tilespmem:s22+$0xD900] =	vst v29  }
0x395: {  	s31 =	sand.u32 $0x70, s21;
	s24 =	sand.u32 $0xC00, s21;
	v28 =	vld.idx.msk [tilespmem:v28+s2+$0x0], $0xffff  }
0x396: {  	s23 =	sor.u32 s31, s24  }
0x397: {  	s22 =	simm.s32 $0x10;
	v29 =	vld [tilespmem:s23+$0x9100]  }
0x398: {  	s24 =	simm.s32 $0x20;
	v30 =	vmov s22  }
.LBB2_39:
0x399: {  	p0 =	sne.s32 s24, $0x120;
	v30 =	vshll.u32 v30, $0x3;
	v31 =	vld [tilespmem:s23+$0xB500]  }
0x39a: {  	v32 =	vor.u32 s22, v0;
	v28 =	vadd.f32 v28, v28;
	v30 =	vand.u32 $0xC00, v30  }
0x39b: {  	v32 =	vand.u32 $0x7F, v32;
	v30 =	vadd.s32 v27, v30  }
0x39c: {  	v30 =	vor.u32 v32, v30;
	v28 =	vadd.f32 v28, v29;
	_ =	sdelay $0x1  }
0x39d: {  	v28 =	vadd.f32 v31, v28;
	_ =	sdelay $0x1  }
0x39e: {  	[tilespmem:s23+$0xD980] =	vst v28  }
.Ltmp21:
0x39f: {  	s21 =	sadd.s32 $0x80, s21;
	v28 =	vld.idx.msk [tilespmem:v30+s2+$0x0], $0xffff;
	(pc) =	sbr.rel @p0 .LBB2_39-.Ltmp21, $4  }
0x3a0: {  	s25 =	sand.u32 $0xC00, s21;
	s23 =	sand.u32 $0x70, s22;
	s22 =	smov.u32 s24  }
0x3a1: {  	s23 =	sor.u32 s23, s25  }
0x3a2: {  	v29 =	vld [tilespmem:s23+$0x9100]  }
0x3a3: {  	s24 =	sadd.s32 $0x10, s24;
	v30 =	vmov s22  }
0x3a4: {  	v26 =	vsel vm5, $0xFFFFFFFF, v26  }
0x3a5: {  	v26 =	vxor.u32 $0x80000000, v26  }
0x3a6: {  	(xrf0) =	vmax.scan.msk.u32 $0xffff, v26;
	_ =	sdelay $0x5  }
0x3a7: {  	v26, _, _ =	vpop (xrf0)  }
0x3a8: {  	(v2sf) =	vpush v26, $0xF;
	_ =	sdelay $0x6  }
0x3a9: {  	v26 =	vshll.u32 v30, $0x3;
	v30 =	vld [tilespmem:s23+$0xB500]  }
0x3aa: {  	v31 =	vor.u32 s22, v0;
	v28 =	vadd.f32 v28, v28;
	v26 =	vand.u32 $0xC00, v26  }
0x3ab: {  	v31 =	vand.u32 $0x7F, v31;
	v26 =	vadd.s32 v27, v26  }
0x3ac: {  	v27 =	vadd.f32 v28, v29;
	v26 =	vor.u32 v31, v26;
	_ =	sdelay $0x1  }
0x3ad: {  	v27 =	vadd.f32 v30, v27;
	_ =	sdelay $0x1  }
0x3ae: {  	[tilespmem:s23+$0xD980] =	vst v27  }
0x3af: {  	s21 =	sadd.s32 $0x80, s21;
	v26 =	vld.idx.msk [tilespmem:v26+s2+$0x0], $0xffff;
	s29 =	spop (v2sf)  }
0x3b0: {  	s30 =	sand.u32 $0x70, s22;
	s21 =	sand.u32 $0xC00, s21;
	s23 =	sxor.u32 $0x80000000, s29  }
0x3b1: {  	s22 =	sor.u32 s30, s21;
	v27 =	vmov s23  }
0x3b2: {  	s21 =	simm.s32 $0x0;
	v28 =	vld [tilespmem:s22+$0x9100];
	v29 =	vshrl.u32 v27, $0x3  }
0x3b3: {  	v30 =	vmov s21;
	v27 =	vshll.u32 v27, $0x7;
	v29 =	vmul.u32 $0xC00, v29  }
0x3b4: {  	v31 =	vld [tilespmem:s22+$0xB500];
	v32 =	vadd.f32 v26, v26;
	v26 =	vand.u32 $0x380, v27;
	v27 =	vshll.u32 v30, $0x3  }
0x3b5: {  	v27 =	vand.u32 $0xC00, v27;
	v26 =	vor.u32 v26, v29;
	v29 =	vor.u32 s21, v0  }
0x3b6: {  	v29 =	vand.u32 $0x7F, v29;
	v27 =	vadd.s32 v26, v27  }
0x3b7: {  	v28 =	vadd.f32 v32, v28;
	v27 =	vor.u32 v29, v27;
	_ =	sdelay $0x1  }
0x3b8: {  	v28 =	vadd.f32 v31, v28;
	_ =	sdelay $0x1  }
0x3b9: {  	[tilespmem:s22+$0xD980] =	vst v28  }
0x3ba: {  	s31 =	sand.u32 $0x70, s21;
	s24 =	sand.u32 $0xC00, s21;
	v27 =	vld.idx.msk [tilespmem:v27+s2+$0x0], $0xffff  }
0x3bb: {  	s23 =	sor.u32 s31, s24  }
0x3bc: {  	s22 =	simm.s32 $0x10;
	v28 =	vld [tilespmem:s23+$0x9180]  }
0x3bd: {  	s24 =	simm.s32 $0x20;
	v29 =	vmov s22  }
.LBB2_41:
0x3be: {  	p0 =	sne.s32 s24, $0x120;
	v29 =	vshll.u32 v29, $0x3;
	v30 =	vld [tilespmem:s23+$0xB580]  }
0x3bf: {  	v31 =	vor.u32 s22, v0;
	v27 =	vadd.f32 v27, v27;
	v29 =	vand.u32 $0xC00, v29  }
0x3c0: {  	v31 =	vand.u32 $0x7F, v31;
	v29 =	vadd.s32 v26, v29  }
0x3c1: {  	v29 =	vor.u32 v31, v29;
	v27 =	vadd.f32 v27, v28;
	_ =	sdelay $0x1  }
0x3c2: {  	v27 =	vadd.f32 v30, v27;
	_ =	sdelay $0x1  }
0x3c3: {  	[tilespmem:s23+$0xDA00] =	vst v27  }
.Ltmp22:
0x3c4: {  	s21 =	sadd.s32 $0x80, s21;
	v27 =	vld.idx.msk [tilespmem:v29+s2+$0x0], $0xffff;
	(pc) =	sbr.rel @p0 .LBB2_41-.Ltmp22, $4  }
0x3c5: {  	s25 =	sand.u32 $0xC00, s21;
	s23 =	sand.u32 $0x70, s22;
	s22 =	smov.u32 s24  }
0x3c6: {  	s23 =	sor.u32 s23, s25  }
0x3c7: {  	v28 =	vld [tilespmem:s23+$0x9180]  }
0x3c8: {  	s24 =	sadd.s32 $0x10, s24;
	v29 =	vmov s22  }
0x3c9: {  	v29 =	vshll.u32 v29, $0x3;
	v30 =	vld [tilespmem:s23+$0xB580]  }
0x3ca: {  	v31 =	vor.u32 s22, v0;
	v27 =	vadd.f32 v27, v27;
	v29 =	vand.u32 $0xC00, v29  }
0x3cb: {  	v31 =	vand.u32 $0x7F, v31;
	v26 =	vadd.s32 v26, v29  }
0x3cc: {  	v26 =	vor.u32 v31, v26;
	v27 =	vadd.f32 v27, v28;
	_ =	sdelay $0x1  }
0x3cd: {  	v27 =	vadd.f32 v30, v27;
	_ =	sdelay $0x1  }
0x3ce: {  	s21 =	sadd.s32 $0x80, s21;
	[tilespmem:s23+$0xDA00] =	vst v27  }
0x3cf: {  	s31 =	sand.u32 $0x70, s22;
	s21 =	sand.u32 $0xC00, s21;
	v26 =	vld.idx.msk [tilespmem:v26+s2+$0x0], $0xffff  }
0x3d0: {  	s21 =	sor.u32 s31, s21  }
0x3d1: {  	v27 =	vld [tilespmem:s21+$0x9180];
	_ =	sdelay $0x1  }
0x3d2: {  	v63 =	vld [tilespmem:s21+$0xB580]  }
0x3d3: {  	v26 =	vadd.f32 v26, v26;
	_ =	sdelay $0x1  }
0x3d4: {  	v26 =	vadd.f32 v26, v27;
	_ =	sdelay $0x1  }
0x3d5: {  	v26 =	vadd.f32 v63, v26;
	_ =	sdelay $0x1  }
0x3d6: {  	[tilespmem:s21+$0xDA00] =	vst v26  }
0x3d7: {  	[tilespmem:$0xE480] =	vst v3  }
0x3d8: {  	[tilespmem:$0xE600] =	vst v3  }
0x3d9: {  	[tilespmem:$0xEC00] =	vst v4  }
0x3da: {  	[tilespmem:$0xEA80] =	vst v4  }
0x3db: {  	[tilespmem:$0xE490] =	vst v3  }
0x3dc: {  	[tilespmem:$0xE610] =	vst v3  }
0x3dd: {  	[tilespmem:$0xEC10] =	vst v4  }
0x3de: {  	[tilespmem:$0xEA90] =	vst v4  }
0x3df: {  	[tilespmem:$0xE4A0] =	vst v3  }
0x3e0: {  	[tilespmem:$0xE620] =	vst v3  }
0x3e1: {  	[tilespmem:$0xEC20] =	vst v4  }
0x3e2: {  	[tilespmem:$0xEAA0] =	vst v4  }
0x3e3: {  	[tilespmem:$0xE4B0] =	vst v3  }
0x3e4: {  	[tilespmem:$0xE630] =	vst v3  }
0x3e5: {  	[tilespmem:$0xEC30] =	vst v4  }
0x3e6: {  	[tilespmem:$0xEAB0] =	vst v4  }
0x3e7: {  	[tilespmem:$0xE4C0] =	vst v3  }
0x3e8: {  	[tilespmem:$0xE640] =	vst v3  }
0x3e9: {  	[tilespmem:$0xEC40] =	vst v4  }
0x3ea: {  	[tilespmem:$0xEAC0] =	vst v4  }
0x3eb: {  	[tilespmem:$0xE4D0] =	vst v3  }
0x3ec: {  	[tilespmem:$0xE650] =	vst v3  }
0x3ed: {  	[tilespmem:$0xEC50] =	vst v4  }
0x3ee: {  	[tilespmem:$0xEAD0] =	vst v4  }
0x3ef: {  	[tilespmem:$0xE4E0] =	vst v3  }
0x3f0: {  	[tilespmem:$0xE660] =	vst v3  }
0x3f1: {  	[tilespmem:$0xEC60] =	vst v4  }
0x3f2: {  	[tilespmem:$0xEAE0] =	vst v4  }
0x3f3: {  	[tilespmem:$0xE4F0] =	vst v3  }
0x3f4: {  	[tilespmem:$0xE670] =	vst v3  }
0x3f5: {  	[tilespmem:$0xEC70] =	vst v4  }
0x3f6: {  	[tilespmem:$0xEAF0] =	vst v4  }
0x3f7: {  	[tilespmem:$0xE500] =	vst v3  }
0x3f8: {  	[tilespmem:$0xE680] =	vst v3  }
0x3f9: {  	[tilespmem:$0xEC80] =	vst v4  }
0x3fa: {  	[tilespmem:$0xEB00] =	vst v4  }
0x3fb: {  	[tilespmem:$0xE510] =	vst v3  }
0x3fc: {  	[tilespmem:$0xE690] =	vst v3  }
0x3fd: {  	[tilespmem:$0xEC90] =	vst v4  }
0x3fe: {  	[tilespmem:$0xEB10] =	vst v4  }
0x3ff: {  	[tilespmem:$0xE520] =	vst v3  }
0x400: {  	[tilespmem:$0xE6A0] =	vst v3  }
0x401: {  	[tilespmem:$0xECA0] =	vst v4  }
0x402: {  	[tilespmem:$0xEB20] =	vst v4  }
0x403: {  	[tilespmem:$0xE530] =	vst v3  }
0x404: {  	[tilespmem:$0xE6B0] =	vst v3  }
0x405: {  	[tilespmem:$0xECB0] =	vst v4  }
0x406: {  	[tilespmem:$0xEB30] =	vst v4  }
0x407: {  	[tilespmem:$0xE540] =	vst v3  }
0x408: {  	[tilespmem:$0xE6C0] =	vst v3  }
0x409: {  	[tilespmem:$0xECC0] =	vst v4  }
0x40a: {  	[tilespmem:$0xEB40] =	vst v4  }
0x40b: {  	[tilespmem:$0xE550] =	vst v3  }
0x40c: {  	[tilespmem:$0xE6D0] =	vst v3  }
0x40d: {  	[tilespmem:$0xECD0] =	vst v4  }
0x40e: {  	[tilespmem:$0xEB50] =	vst v4  }
0x40f: {  	[tilespmem:$0xE560] =	vst v3  }
0x410: {  	[tilespmem:$0xE6E0] =	vst v3  }
0x411: {  	[tilespmem:$0xECE0] =	vst v4  }
0x412: {  	[tilespmem:$0xEB60] =	vst v4  }
0x413: {  	[tilespmem:$0xE570] =	vst v3  }
0x414: {  	[tilespmem:$0xE6F0] =	vst v3  }
0x415: {  	[tilespmem:$0xECF0] =	vst v4  }
0x416: {  	[tilespmem:$0xEB70] =	vst v4  }
0x417: {  	[tilespmem:$0xE580] =	vst v3  }
0x418: {  	[tilespmem:$0xE700] =	vst v3  }
0x419: {  	[tilespmem:$0xED00] =	vst v4  }
0x41a: {  	[tilespmem:$0xEB80] =	vst v4  }
0x41b: {  	[tilespmem:$0xE590] =	vst v3  }
0x41c: {  	[tilespmem:$0xE710] =	vst v3  }
0x41d: {  	[tilespmem:$0xED10] =	vst v4  }
.Ltmp23:
0x41e: {  	[tilespmem:$0xEB90] =	vst v4;
	(pc) =	sbr.rel .LBB2_43-.Ltmp23, $4  }
0x41f: {  	[tilespmem:$0xE5A0] =	vst v3  }
0x420: {  	[tilespmem:$0xE720] =	vst v3  }
0x421: {  	[tilespmem:$0xED20] =	vst v4  }
0x422: {  	s21 =	simm.s32 $0x1;
	[tilespmem:$0xEBA0] =	vst v4  }
.LBB2_47:
0x423: {  	s21 =	sadd.s32 $0x1, s21  }
0x424: {  	p0 =	sne.s32 s21, $0x15  }
.Ltmp24:
0x425: {  	_ = 	snop;
	(pc) =	sbr.rel @!p0 .LBB2_48-.Ltmp24, $1  }
0x426: {  	_ =	sdelay $0x3  }
.LBB2_43:
0x427: {  	_ =	sdelay $0x2  }
0x428: {  	v26 =	vmov s21  }
0x429: {  	[tilespmem:v4+s13+$0x0] =	vst.idx.msk $0x1, v26  }
0x42a: {  	[tilespmem:v4+s14+$0x0] =	vst.idx.msk $0x1, v3  }
0x42b: {  	[tilespmem:$0xE780] =	vst v5  }
0x42c: {  	[tilespmem:$0xE900] =	vst v3  }
0x42d: {  	[tilespmem:$0xE790] =	vst v5  }
0x42e: {  	[tilespmem:$0xE910] =	vst v3  }
0x42f: {  	[tilespmem:$0xE7A0] =	vst v5  }
0x430: {  	[tilespmem:$0xE920] =	vst v3  }
0x431: {  	[tilespmem:$0xE7B0] =	vst v5  }
0x432: {  	[tilespmem:$0xE930] =	vst v3  }
0x433: {  	[tilespmem:$0xE7C0] =	vst v5  }
0x434: {  	[tilespmem:$0xE940] =	vst v3  }
0x435: {  	[tilespmem:$0xE7D0] =	vst v5  }
0x436: {  	[tilespmem:$0xE950] =	vst v3  }
0x437: {  	[tilespmem:$0xE7E0] =	vst v5  }
0x438: {  	[tilespmem:$0xE960] =	vst v3  }
0x439: {  	[tilespmem:$0xE7F0] =	vst v5  }
0x43a: {  	[tilespmem:$0xE970] =	vst v3  }
0x43b: {  	[tilespmem:$0xE800] =	vst v5  }
0x43c: {  	[tilespmem:$0xE980] =	vst v3  }
0x43d: {  	[tilespmem:$0xE810] =	vst v5  }
0x43e: {  	[tilespmem:$0xE990] =	vst v3  }
0x43f: {  	[tilespmem:$0xE820] =	vst v5  }
0x440: {  	[tilespmem:$0xE9A0] =	vst v3  }
0x441: {  	[tilespmem:$0xE830] =	vst v5  }
0x442: {  	[tilespmem:$0xE9B0] =	vst v3  }
0x443: {  	[tilespmem:$0xE840] =	vst v5  }
0x444: {  	[tilespmem:$0xE9C0] =	vst v3  }
0x445: {  	[tilespmem:$0xE850] =	vst v5  }
0x446: {  	[tilespmem:$0xE9D0] =	vst v3  }
0x447: {  	[tilespmem:$0xE860] =	vst v5  }
0x448: {  	[tilespmem:$0xE9E0] =	vst v3  }
0x449: {  	[tilespmem:$0xE870] =	vst v5  }
0x44a: {  	[tilespmem:$0xE9F0] =	vst v3  }
0x44b: {  	[tilespmem:$0xE880] =	vst v5  }
0x44c: {  	[tilespmem:$0xEA00] =	vst v3  }
0x44d: {  	[tilespmem:$0xE890] =	vst v5  }
0x44e: {  	[tilespmem:$0xEA10] =	vst v3  }
0x44f: {  	[tilespmem:$0xE8A0] =	vst v5  }
0x450: {  	s22 =	simm.s32 $0x0;
	[tilespmem:$0xEA20] =	vst v2  }
.LBB2_44:
0x451: {  	v26 =	vmov s22;
	_ =	sdelay $0x4  }
0x452: {  	[tilespmem:v26+s15+$0x0] =	vst.idx.msk $0x1, v1  }
0x453: {  	v27 =	vld.idx.msk [tilespmem:v26+s13+$0x0], $0xffff;
	_ =	sdelay $0x4  }
0x454: {  	v27 =	vadd.s32 $0xFFFFFFFF, v27  }
0x455: {  	v28 =	vshrl.u32 v27, $0x3  }
0x456: {  	v27 =	vshll.u32 v27, $0x7;
	v28 =	vmul.u32 $0xC00, v28  }
0x457: {  	v27 =	vand.u32 $0x380, v27  }
0x458: {  	v27 =	vor.u32 v27, v28  }
0x459: {  	v28 =	vor.u32 v0, v27;
	_ =	sdelay $0x3  }
0x45a: {  	v26 =	vld.idx.msk [tilespmem:v26+s14+$0x0], $0xffff  }
0x45b: {  	v28 =	vld.idx.msk [tilespmem:v28+s16+$0x0], $0xffff;
	_ =	sdelay $0x1  }
0x45c: {  	v29 =	vld [tilespmem:$0xE480]  }
0x45d: {  	v30 =	vld [tilespmem:$0xE780]  }
0x45e: {  	v31 =	vld [tilespmem:$0xE900]  }
0x45f: {  	v28 =	vsub.f32 v28, v26;
	_ =	sdelay $0x1  }
0x460: {  	v40 =	vld [tilespmem:$0xEA80];
	v28 =	vsub.f32 v28, v29  }
0x461: {  	v32 =	vor.u32 $0x10, v0  }
0x462: {  	vm0 =	vlt.f32 v31, $5.000000000e-01;
	v41 =	vor.u32 v32, v27;
	vm1 =	vlt.f32 v28, v30  }
0x463: {  	vm1 =	vmand vm1, vm0  }
0x464: {  	v28 =	vsel vm1, v28, v30  }
0x465: {  	v29 =	vsel vm1, s22, v40;
	[tilespmem:$0xE780] =	vst v28  }
0x466: {  	[tilespmem:$0xEA80] =	vst v29  }
0x467: {  	v29 =	vld.idx.msk [tilespmem:v41+s16+$0x0], $0xffff;
	_ =	sdelay $0x1  }
0x468: {  	v42 =	vld [tilespmem:$0xE490]  }
0x469: {  	v43 =	vld [tilespmem:$0xE790]  }
0x46a: {  	v44 =	vld [tilespmem:$0xE910]  }
0x46b: {  	v29 =	vsub.f32 v29, v26;
	_ =	sdelay $0x1  }
0x46c: {  	v45 =	vld [tilespmem:$0xEA90];
	v29 =	vsub.f32 v29, v42  }
0x46d: {  	v33 =	vor.u32 $0x20, v0  }
0x46e: {  	v46 =	vor.u32 v33, v27;
	vm1 =	vlt.f32 v44, $5.000000000e-01;
	vm2 =	vlt.f32 v29, v43  }
0x46f: {  	vm2 =	vmand vm2, vm1  }
0x470: {  	v29 =	vsel vm2, v29, v43  }
0x471: {  	v30 =	vsel vm2, s22, v45;
	[tilespmem:$0xE790] =	vst v29  }
0x472: {  	[tilespmem:$0xEA90] =	vst v30  }
0x473: {  	v30 =	vld.idx.msk [tilespmem:v46+s16+$0x0], $0xffff;
	_ =	sdelay $0x1  }
0x474: {  	v47 =	vld [tilespmem:$0xE4A0]  }
0x475: {  	v48 =	vld [tilespmem:$0xE7A0]  }
0x476: {  	v49 =	vld [tilespmem:$0xE920]  }
0x477: {  	v30 =	vsub.f32 v30, v26;
	_ =	sdelay $0x1  }
0x478: {  	v50 =	vld [tilespmem:$0xEAA0];
	v30 =	vsub.f32 v30, v47  }
0x479: {  	v34 =	vor.u32 $0x30, v0  }
0x47a: {  	vm12 =	vlt.f32 v49, $5.000000000e-01;
	v51 =	vor.u32 v34, v27;
	vm5 =	vlt.f32 v30, v48  }
0x47b: {  	vm2 =	vmand vm5, vm12  }
0x47c: {  	v30 =	vsel vm2, v30, v48  }
0x47d: {  	v31 =	vsel vm2, s22, v50;
	[tilespmem:$0xE7A0] =	vst v30  }
0x47e: {  	[tilespmem:$0xEAA0] =	vst v31  }
0x47f: {  	v31 =	vld.idx.msk [tilespmem:v51+s16+$0x0], $0xffff;
	_ =	sdelay $0x1  }
0x480: {  	v52 =	vld [tilespmem:$0xE4B0]  }
0x481: {  	v53 =	vld [tilespmem:$0xE7B0]  }
0x482: {  	v54 =	vld [tilespmem:$0xE930]  }
0x483: {  	v31 =	vsub.f32 v31, v26;
	_ =	sdelay $0x1  }
0x484: {  	v55 =	vld [tilespmem:$0xEAB0];
	v31 =	vsub.f32 v31, v52  }
0x485: {  	v35 =	vor.u32 $0x40, v0  }
0x486: {  	vm4 =	vlt.f32 v54, $5.000000000e-01;
	v56 =	vor.u32 v35, v27;
	vm6 =	vlt.f32 v31, v53  }
0x487: {  	vm2 =	vmand vm6, vm4  }
0x488: {  	v31 =	vsel vm2, v31, v53  }
0x489: {  	v32 =	vsel vm2, s22, v55;
	[tilespmem:$0xE7B0] =	vst v31  }
0x48a: {  	[tilespmem:$0xEAB0] =	vst v32  }
0x48b: {  	v32 =	vld.idx.msk [tilespmem:v56+s16+$0x0], $0xffff;
	_ =	sdelay $0x1  }
0x48c: {  	v57 =	vld [tilespmem:$0xE4C0]  }
0x48d: {  	v58 =	vld [tilespmem:$0xE7C0]  }
0x48e: {  	v59 =	vld [tilespmem:$0xE940]  }
0x48f: {  	v32 =	vsub.f32 v32, v26;
	_ =	sdelay $0x1  }
0x490: {  	v60 =	vld [tilespmem:$0xEAC0];
	v32 =	vsub.f32 v32, v57  }
0x491: {  	v36 =	vor.u32 $0x50, v0  }
0x492: {  	vm13 =	vlt.f32 v59, $5.000000000e-01;
	v61 =	vor.u32 v36, v27;
	vm7 =	vlt.f32 v32, v58  }
0x493: {  	vm2 =	vmand vm7, vm13  }
0x494: {  	v32 =	vsel vm2, v32, v58  }
0x495: {  	v33 =	vsel vm2, s22, v60;
	[tilespmem:$0xE7C0] =	vst v32  }
0x496: {  	[tilespmem:$0xEAC0] =	vst v33  }
0x497: {  	v33 =	vld.idx.msk [tilespmem:v61+s16+$0x0], $0xffff;
	_ =	sdelay $0x1  }
0x498: {  	v62 =	vld [tilespmem:$0xE4D0]  }
0x499: {  	v63 =	vld [tilespmem:$0xE7D0]  }
0x49a: {  	v40 =	vld [tilespmem:$0xE950]  }
0x49b: {  	v33 =	vsub.f32 v33, v26;
	_ =	sdelay $0x1  }
0x49c: {  	v41 =	vld [tilespmem:$0xEAD0];
	v33 =	vsub.f32 v33, v62  }
0x49d: {  	v37 =	vor.u32 $0x60, v0  }
0x49e: {  	vm15 =	vlt.f32 v40, $5.000000000e-01;
	v42 =	vor.u32 v37, v27;
	vm8 =	vlt.f32 v33, v63  }
0x49f: {  	vm2 =	vmand vm8, vm15  }
0x4a0: {  	v33 =	vsel vm2, v33, v63  }
0x4a1: {  	v34 =	vsel vm2, s22, v41;
	[tilespmem:$0xE7D0] =	vst v33  }
0x4a2: {  	[tilespmem:$0xEAD0] =	vst v34  }
0x4a3: {  	v34 =	vld.idx.msk [tilespmem:v42+s16+$0x0], $0xffff;
	_ =	sdelay $0x1  }
0x4a4: {  	v43 =	vld [tilespmem:$0xE4E0]  }
0x4a5: {  	v44 =	vld [tilespmem:$0xE7E0]  }
0x4a6: {  	v45 =	vld [tilespmem:$0xE960]  }
0x4a7: {  	v34 =	vsub.f32 v34, v26;
	_ =	sdelay $0x1  }
0x4a8: {  	v46 =	vld [tilespmem:$0xEAE0];
	v34 =	vsub.f32 v34, v43  }
0x4a9: {  	v38 =	vor.u32 $0x70, v0  }
0x4aa: {  	vm14 =	vlt.f32 v45, $5.000000000e-01;
	v47 =	vor.u32 v38, v27;
	vm9 =	vlt.f32 v34, v44  }
0x4ab: {  	vm2 =	vmand vm9, vm14  }
0x4ac: {  	v34 =	vsel vm2, v34, v44  }
0x4ad: {  	v35 =	vsel vm2, s22, v46;
	[tilespmem:$0xE7E0] =	vst v34  }
0x4ae: {  	[tilespmem:$0xEAE0] =	vst v35  }
0x4af: {  	v35 =	vld.idx.msk [tilespmem:v47+s16+$0x0], $0xffff;
	_ =	sdelay $0x1  }
0x4b0: {  	v48 =	vld [tilespmem:$0xE4F0]  }
0x4b1: {  	v49 =	vld [tilespmem:$0xE7F0]  }
0x4b2: {  	v50 =	vld [tilespmem:$0xE970]  }
0x4b3: {  	v35 =	vsub.f32 v35, v26;
	_ =	sdelay $0x1  }
0x4b4: {  	v51 =	vld [tilespmem:$0xEAF0];
	v35 =	vsub.f32 v35, v48  }
0x4b5: {  	v39 =	vor.u32 $0x400, v0  }
0x4b6: {  	vm3 =	vlt.f32 v50, $5.000000000e-01;
	v53 =	vadd.s32 v39, v27;
	vm10 =	vlt.f32 v35, v49  }
0x4b7: {  	vm2 =	vmand vm10, vm3  }
0x4b8: {  	v35 =	vsel vm2, v35, v49  }
0x4b9: {  	v36 =	vsel vm2, s22, v51;
	[tilespmem:$0xE7F0] =	vst v35  }
0x4ba: {  	[tilespmem:$0xEAF0] =	vst v36  }
0x4bb: {  	v36 =	vld.idx.msk [tilespmem:v53+s16+$0x0], $0xffff;
	_ =	sdelay $0x1  }
0x4bc: {  	v54 =	vld [tilespmem:$0xE500]  }
0x4bd: {  	v55 =	vld [tilespmem:$0xE800]  }
0x4be: {  	v56 =	vld [tilespmem:$0xE980]  }
0x4bf: {  	v36 =	vsub.f32 v36, v26;
	_ =	sdelay $0x1  }
0x4c0: {  	v57 =	vld [tilespmem:$0xEB00];
	v36 =	vsub.f32 v36, v54  }
0x4c1: {  	v40 =	vor.u32 $0x410, v0  }
0x4c2: {  	v59 =	vadd.s32 v40, v27;
	vm11 =	vlt.f32 v56, $5.000000000e-01;
	vm6 =	vlt.f32 v36, v55  }
0x4c3: {  	vm2 =	vmand vm6, vm11  }
0x4c4: {  	v36 =	vsel vm2, v36, v55  }
0x4c5: {  	v37 =	vsel vm2, s22, v57;
	[tilespmem:$0xE800] =	vst v36  }
0x4c6: {  	[tilespmem:$0xEB00] =	vst v37  }
0x4c7: {  	v37 =	vld.idx.msk [tilespmem:v59+s16+$0x0], $0xffff;
	_ =	sdelay $0x1  }
0x4c8: {  	v60 =	vld [tilespmem:$0xE510]  }
0x4c9: {  	v61 =	vld [tilespmem:$0xE810]  }
0x4ca: {  	v62 =	vld [tilespmem:$0xE990]  }
0x4cb: {  	v37 =	vsub.f32 v37, v26;
	_ =	sdelay $0x1  }
0x4cc: {  	v63 =	vld [tilespmem:$0xEB10];
	v37 =	vsub.f32 v37, v60  }
0x4cd: {  	v52 =	vimm.s32 $0x0;
	v41 =	vor.u32 $0x420, v0  }
0x4ce: {  	vm7 =	vlt.f32 v62, $5.000000000e-01;
	v45 =	vadd.s32 v41, v27;
	vm8 =	vlt.f32 v37, v61  }
0x4cf: {  	v38 =	vsel vm3, $0xFFFFFFFF, v52;
	vm2 =	vmand vm8, vm7  }
0x4d0: {  	[tilespmem:$0x1FF40] =	vst v38;
	v37 =	vsel vm2, v37, v61  }
0x4d1: {  	v38 =	vsel vm2, s22, v63;
	[tilespmem:$0xE810] =	vst v37  }
0x4d2: {  	[tilespmem:$0xEB10] =	vst v38  }
0x4d3: {  	v38 =	vld.idx.msk [tilespmem:v45+s16+$0x0], $0xffff;
	_ =	sdelay $0x1  }
0x4d4: {  	v46 =	vld [tilespmem:$0xE520]  }
0x4d5: {  	v47 =	vld [tilespmem:$0xE820]  }
0x4d6: {  	v48 =	vld [tilespmem:$0xE9A0]  }
0x4d7: {  	v38 =	vsub.f32 v38, v26;
	_ =	sdelay $0x1  }
0x4d8: {  	v49 =	vld [tilespmem:$0xEB20];
	v38 =	vsub.f32 v38, v46  }
0x4d9: {  	v58 =	vimm.s32 $0x0;
	v42 =	vor.u32 $0x430, v0  }
0x4da: {  	v51 =	vadd.s32 v42, v27;
	vm9 =	vlt.f32 v48, $5.000000000e-01;
	vm10 =	vlt.f32 v38, v47  }
0x4db: {  	v39 =	vsel vm11, $0xFFFFFFFF, v58;
	vm2 =	vmand vm10, vm9  }
0x4dc: {  	[tilespmem:$0x1FF50] =	vst v39;
	v38 =	vsel vm2, v38, v47  }
0x4dd: {  	v39 =	vsel vm2, s22, v49;
	[tilespmem:$0xE820] =	vst v38  }
0x4de: {  	[tilespmem:$0xEB20] =	vst v39  }
0x4df: {  	v39 =	vld.idx.msk [tilespmem:v51+s16+$0x0], $0xffff;
	_ =	sdelay $0x1  }
0x4e0: {  	v52 =	vld [tilespmem:$0xE530]  }
0x4e1: {  	v53 =	vld [tilespmem:$0xE830]  }
0x4e2: {  	v54 =	vld [tilespmem:$0xE9B0]  }
0x4e3: {  	v39 =	vsub.f32 v39, v26;
	_ =	sdelay $0x1  }
0x4e4: {  	v55 =	vld [tilespmem:$0xEB30];
	v39 =	vsub.f32 v39, v52  }
0x4e5: {  	v43 =	vor.u32 $0x440, v0;
	v44 =	vimm.s32 $0x0  }
0x4e6: {  	v57 =	vadd.s32 v43, v27;
	vm11 =	vlt.f32 v54, $5.000000000e-01;
	vm6 =	vlt.f32 v39, v53  }
0x4e7: {  	v40 =	vsel vm7, $0xFFFFFFFF, v44;
	vm2 =	vmand vm6, vm11  }
0x4e8: {  	[tilespmem:$0x1FF60] =	vst v40;
	v39 =	vsel vm2, v39, v53  }
0x4e9: {  	v40 =	vsel vm2, s22, v55;
	[tilespmem:$0xE830] =	vst v39  }
0x4ea: {  	[tilespmem:$0xEB30] =	vst v40  }
0x4eb: {  	v40 =	vld.idx.msk [tilespmem:v57+s16+$0x0], $0xffff;
	_ =	sdelay $0x1  }
0x4ec: {  	v58 =	vld [tilespmem:$0xE540]  }
0x4ed: {  	v59 =	vld [tilespmem:$0xE840]  }
0x4ee: {  	v60 =	vld [tilespmem:$0xE9C0]  }
0x4ef: {  	v40 =	vsub.f32 v40, v26;
	_ =	sdelay $0x1  }
0x4f0: {  	v44 =	vor.u32 $0x450, v0;
	v61 =	vld [tilespmem:$0xEB40];
	v40 =	vsub.f32 v40, v58  }
0x4f1: {  	v50 =	vimm.s32 $0x0;
	v62 =	vadd.s32 v44, v27  }
0x4f2: {  	v41 =	vsel vm9, $0xFFFFFFFF, v50;
	vm9 =	vlt.f32 v60, $5.000000000e-01;
	vm7 =	vlt.f32 v40, v59  }
0x4f3: {  	vm2 =	vmand vm7, vm9  }
0x4f4: {  	[tilespmem:$0x1FF70] =	vst v41;
	v40 =	vsel vm2, v40, v59  }
0x4f5: {  	v41 =	vsel vm2, s22, v61;
	[tilespmem:$0xE840] =	vst v40  }
0x4f6: {  	[tilespmem:$0xEB40] =	vst v41  }
0x4f7: {  	v41 =	vld.idx.msk [tilespmem:v62+s16+$0x0], $0xffff;
	_ =	sdelay $0x1  }
0x4f8: {  	v63 =	vld [tilespmem:$0xE550]  }
0x4f9: {  	v48 =	vld [tilespmem:$0xE850]  }
0x4fa: {  	v49 =	vld [tilespmem:$0xE9D0]  }
0x4fb: {  	v41 =	vsub.f32 v41, v26;
	_ =	sdelay $0x1  }
0x4fc: {  	v50 =	vld [tilespmem:$0xEB50];
	v41 =	vsub.f32 v41, v63  }
0x4fd: {  	v56 =	vimm.s32 $0x0;
	v45 =	vor.u32 $0x460, v0  }
0x4fe: {  	v51 =	vadd.s32 v45, v27;
	vm7 =	vlt.f32 v49, $5.000000000e-01;
	vm8 =	vlt.f32 v41, v48  }
0x4ff: {  	v42 =	vsel vm11, $0xFFFFFFFF, v56;
	vm2 =	vmand vm8, vm7  }
0x500: {  	[tilespmem:$0x1FF80] =	vst v42;
	v41 =	vsel vm2, v41, v48  }
0x501: {  	v42 =	vsel vm2, s22, v50;
	[tilespmem:$0xE850] =	vst v41  }
0x502: {  	[tilespmem:$0xEB50] =	vst v42  }
0x503: {  	v42 =	vld.idx.msk [tilespmem:v51+s16+$0x0], $0xffff;
	_ =	sdelay $0x1  }
0x504: {  	v52 =	vld [tilespmem:$0xE560]  }
0x505: {  	v54 =	vld [tilespmem:$0xE9E0]  }
0x506: {  	v53 =	vld [tilespmem:$0xE860]  }
0x507: {  	v42 =	vsub.f32 v42, v26;
	_ =	sdelay $0x1  }
0x508: {  	v55 =	vld [tilespmem:$0xEB60];
	v42 =	vsub.f32 v42, v52  }
0x509: {  	v46 =	vor.u32 $0x470, v0  }
0x50a: {  	v56 =	vadd.s32 v46, v27;
	vm6 =	vlt.f32 v54, $5.000000000e-01;
	vm10 =	vlt.f32 v42, v53  }
0x50b: {  	vm2 =	vmand vm10, vm6  }
0x50c: {  	v42 =	vsel vm2, v42, v53  }
0x50d: {  	v43 =	vsel vm2, s22, v55;
	[tilespmem:$0xE860] =	vst v42  }
0x50e: {  	[tilespmem:$0xEB60] =	vst v43  }
0x50f: {  	v43 =	vld.idx.msk [tilespmem:v56+s16+$0x0], $0xffff;
	_ =	sdelay $0x1  }
0x510: {  	v57 =	vld [tilespmem:$0xE570]  }
0x511: {  	v58 =	vld [tilespmem:$0xE870]  }
0x512: {  	v59 =	vld [tilespmem:$0xE9F0]  }
0x513: {  	v43 =	vsub.f32 v43, v26;
	_ =	sdelay $0x1  }
0x514: {  	v60 =	vld [tilespmem:$0xEB70];
	v43 =	vsub.f32 v43, v57  }
0x515: {  	v47 =	vor.u32 $0x800, v0  }
0x516: {  	v61 =	vadd.s32 v47, v27;
	vm3 =	vlt.f32 v59, $5.000000000e-01;
	vm5 =	vlt.f32 v43, v58  }
0x517: {  	vm5 =	vmand vm5, vm3  }
0x518: {  	v43 =	vsel vm5, v43, v58  }
0x519: {  	v44 =	vsel vm5, s22, v60;
	[tilespmem:$0xE870] =	vst v43  }
0x51a: {  	[tilespmem:$0xEB70] =	vst v44  }
0x51b: {  	v44 =	vld.idx.msk [tilespmem:v61+s16+$0x0], $0xffff;
	_ =	sdelay $0x1  }
0x51c: {  	v62 =	vld [tilespmem:$0xE580]  }
0x51d: {  	v28 =	vnsel vm0, $0x5D5E0B6B, v28;
	v63 =	vld [tilespmem:$0xE880]  }
0x51e: {  	v52 =	vld [tilespmem:$0xEA00];
	vm5 =	vlt.f32 v28, $9.999999840e+17  }
0x51f: {  	v29 =	vnsel vm1, $0x5D5E0B6B, v29;
	v28 =	vnsel vm5, $0x5D5E0B6B, v28;
	v44 =	vsub.f32 v44, v26  }
0x520: {  	vm10 =	vlt.f32 v29, v28  }
0x521: {  	v30 =	vnsel vm12, $0x5D5E0B6B, v30;
	v28 =	vsel vm10, v29, v28;
	v44 =	vsub.f32 v44, v62  }
0x522: {  	v31 =	vnsel vm4, $0x5D5E0B6B, v31;
	vm8 =	vlt.f32 v30, v28  }
0x523: {  	v53 =	vld [tilespmem:$0xEB80];
	vm2 =	vlt.f32 v52, $5.000000000e-01;
	v28 =	vsel vm8, v30, v28;
	vm11 =	vlt.f32 v44, v63  }
0x524: {  	v48 =	vor.u32 $0x810, v0;
	vm0 =	vmand vm11, vm2;
	vm11 =	vlt.f32 v31, v28  }
0x525: {  	v48 =	vadd.s32 v48, v27;
	v55 =	vnsel vm13, $0x5D5E0B6B, v32;
	v61 =	vld [tilespmem:$0x1FF40];
	v28 =	vsel vm11, v31, v28  }
0x526: {  	vm13 =	vlt.f32 v55, v28  }
0x527: {  	v57 =	vnsel vm15, $0x5D5E0B6B, v33;
	v29 =	vsel vm0, v44, v63;
	v28 =	vsel vm13, v55, v28  }
0x528: {  	v54 =	vsel vm0, s22, v53;
	v44 =	vld [tilespmem:$0x1FF50];
	[tilespmem:$0xE880] =	vst v29;
	vm15 =	vlt.f32 v57, v28  }
0x529: {  	v34 =	vnsel vm14, $0x5D5E0B6B, v34;
	v49 =	vld [tilespmem:$0x1FF70];
	[tilespmem:$0xEB80] =	vst v54;
	v28 =	vsel vm15, v57, v28  }
0x52a: {  	vm12 =	vnez.u8 v61;
	v56 =	vld.idx.msk [tilespmem:v48+s16+$0x0], $0xffff;
	vm14 =	vlt.f32 v34, v28  }
0x52b: {  	v47 =	vld [tilespmem:$0x1FF60];
	v35 =	vnsel vm12, $0x5D5E0B6B, v35;
	v28 =	vsel vm14, v34, v28  }
0x52c: {  	v58 =	vld [tilespmem:$0xE590];
	v63 =	vimm.s32 $0x0;
	vm4 =	vlt.f32 v35, v28  }
0x52d: {  	v60 =	vld [tilespmem:$0xEA10];
	vm12 =	vnez.u8 v44;
	v34 =	vsel vm4, $0xFFFFFFFF, v63  }
0x52e: {  	v46 =	vimm.s32 $0x0;
	v59 =	vld [tilespmem:$0xE890];
	v28 =	vsel vm4, v35, v28;
	[tilespmem:$0x1FF90] =	vst v34;
	v34 =	vnsel vm12, $0x5D5E0B6B, v36  }
0x52f: {  	v45 =	vor.u32 $0x820, v0;
	v31 =	vsub.f32 v56, v26;
	vm0 =	vlt.f32 v34, v28  }
0x530: {  	v27 =	vadd.s32 v45, v27;
	v62 =	vld [tilespmem:$0xEB90];
	vm12 =	vnez.u8 v47;
	v32 =	vsel vm0, $0xFFFFFFFF, v46  }
0x531: {  	v51 =	vld [tilespmem:$0x1FF80];
	v30 =	vsub.f32 v31, v58;
	v28 =	vsel vm0, v34, v28;
	[tilespmem:$0x1FFA0] =	vst v32;
	v32 =	vnsel vm12, $0x5D5E0B6B, v37  }
0x532: {  	v48 =	vimm.s32 $0x0;
	vm4 =	vlt.f32 v60, $5.000000000e-01;
	vm12 =	vlt.f32 v32, v28  }
0x533: {  	vm1 =	vlt.f32 v30, v59;
	vm0 =	vnez.u8 v49;
	v33 =	vsel vm12, $0xFFFFFFFF, v48  }
0x534: {  	vm1 =	vmand vm1, vm4;
	v28 =	vsel vm12, v32, v28;
	[tilespmem:$0x1FFB0] =	vst v33;
	v33 =	vnsel vm0, $0x5D5E0B6B, v38  }
0x535: {  	v50 =	vimm.s32 $0x0;
	v45 =	vld [tilespmem:$0xE7B0];
	v31 =	vsel vm1, s22, v62;
	vm0 =	vlt.f32 v33, v28  }
0x536: {  	v52 =	vld [tilespmem:$0xE5A0];
	[tilespmem:$0xEB90] =	vst v31;
	vm12 =	vnez.u8 v51;
	v31 =	vsel vm0, $0xFFFFFFFF, v50  }
0x537: {  	v61 =	vld [tilespmem:$0xE480];
	v30 =	vsel vm1, v30, v59;
	v28 =	vsel vm0, v33, v28;
	[tilespmem:$0x1FFC0] =	vst v31;
	v31 =	vnsel vm12, $0x5D5E0B6B, v39  }
0x538: {  	v53 =	vld [tilespmem:$0xE8A0];
	[tilespmem:$0xE890] =	vst v30;
	vm12 =	vlt.f32 v31, v28  }
0x539: {  	v54 =	vnsel vm9, $0x5D5E0B6B, v40;
	v27 =	vld.idx.msk [tilespmem:v27+s16+$0x0], $0xffff;
	v28 =	vsel vm12, v31, v28  }
0x53a: {  	v55 =	vld [tilespmem:$0xEA20];
	vm9 =	vlt.f32 v54, v28  }
0x53b: {  	v40 =	vld [tilespmem:$0xE790];
	v57 =	vnsel vm7, $0x5D5E0B6B, v41;
	v28 =	vsel vm9, v54, v28  }
0x53c: {  	v41 =	vld [tilespmem:$0xE7A0];
	vm7 =	vlt.f32 v57, v28  }
0x53d: {  	v44 =	vld [tilespmem:$0xE4B0];
	v60 =	vnsel vm6, $0x5D5E0B6B, v42;
	v28 =	vsel vm7, v57, v28  }
0x53e: {  	v56 =	vld [tilespmem:$0xEBA0];
	v26 =	vsub.f32 v27, v26;
	v27 =	vimm.s32 $0x0;
	vm6 =	vlt.f32 v60, v28  }
0x53f: {  	v29 =	vnsel vm2, $0x5D5E0B6B, v29;
	vm2 =	vlt.f32 v55, $5.000000000e-01;
	v55 =	vld [tilespmem:$0xE960];
	v27 =	vsel vm6, $0xFFFFFFFF, v27  }
0x540: {  	v42 =	vld [tilespmem:$0xE930];
	v28 =	vsel vm6, v60, v28;
	[tilespmem:$0x1FFD0] =	vst v27;
	v27 =	vnsel vm3, $0x5D5E0B6B, v43  }
0x541: {  	v58 =	vld [tilespmem:$0xE900];
	v26 =	vsub.f32 v26, v52;
	vm0 =	vlt.f32 v27, v28  }
0x542: {  	v47 =	vld [tilespmem:$0xE640];
	v27 =	vsel vm0, v27, v28  }
0x543: {  	v36 =	vld [tilespmem:$0xE970];
	vm3 =	vlt.f32 v26, v53;
	vm6 =	vlt.f32 v29, v27  }
0x544: {  	v46 =	vld [tilespmem:$0xE940];
	v30 =	vnsel vm4, $0x5D5E0B6B, v30;
	vm1 =	vmand vm3, vm2;
	v27 =	vsel vm6, v29, v27  }
0x545: {  	v49 =	vld [tilespmem:$0xE7C0];
	v63 =	vsel vm1, v26, v53;
	vm3 =	vlt.f32 v30, v27  }
0x546: {  	v59 =	vld [tilespmem:$0xE600];
	v26 =	vnsel vm2, $0x5D5E0B6B, v63;
	v27 =	vsel vm3, v30, v27  }
0x547: {  	v62 =	vld [tilespmem:$0xE910];
	vm2 =	vlt.f32 v26, v27  }
0x548: {  	v32 =	vld [tilespmem:$0xE610];
	v27 =	vsel vm2, v26, v27  }
0x549: {  	v48 =	vld [tilespmem:$0xE4C0];
	(xrf0) =	vmin.scan.msk.f32 $0xffff, v27  }
0x54a: {  	v51 =	vld [tilespmem:$0xE650]  }
0x54b: {  	v38 =	vld [tilespmem:$0xE660]  }
0x54c: {  	v50 =	vld [tilespmem:$0xE950]  }
0x54d: {  	v33 =	vld [tilespmem:$0xE4F0]  }
0x54e: {  	v29 =	vld [tilespmem:$0xE920]  }
0x54f: {  	v39 =	vld [tilespmem:$0xE780];
	v26, _, _ =	vpop (xrf0)  }
0x550: {  	v52 =	vld [tilespmem:$0xE4D0];
	v26 =	vbroadcast v26, $0xF  }
0x551: {  	v57 =	vld [tilespmem:$0xE620];
	v60 =	vor.u32 $0x80000010, v0;
	v53 =	vor.u32 $0x80000000, v0  }
0x552: {  	v43 =	vld [tilespmem:$0xE630];
	v35 =	vsel vm1, s22, v56;
	v53 =	vnsel vm5, $0xBFFFFFFF, v53;
	v34 =	vmul.f32 v26, v58  }
0x553: {  	v54 =	vld [tilespmem:$0xE7D0];
	[tilespmem:$0xEBA0] =	vst v35;
	v35 =	vsel vm10, v60, v53;
	v29 =	vmul.f32 v29, v26  }
0x554: {  	v28 =	vld [tilespmem:$0xE490];
	v60 =	vmul.f32 v42, v26;
	v58 =	vadd.f32 v34, v59;
	v59 =	vsub.f32 v26, v34  }
0x555: {  	v30 =	vld [tilespmem:$0xE4A0];
	v34 =	vsub.f32 v61, v34;
	v61 =	vmul.f32 v62, v26;
	v62 =	vor.u32 $0x80000020, v0  }
0x556: {  	v31 =	vsel vm8, v62, v35;
	v35 =	vld [tilespmem:$0xE7E0]  }
0x557: {  	v36 =	vmul.f32 v36, v26;
	v57 =	vadd.f32 v29, v57;
	v62 =	vadd.f32 v60, v43;
	v43 =	vld [tilespmem:$0xE500]  }
0x558: {  	v56 =	vor.u32 $0x80000040, v0;
	[tilespmem:$0xE600] =	vst v58;
	v37 =	vsub.f32 v39, v59;
	v39 =	vld [tilespmem:$0xE4E0]  }
0x559: {  	v53 =	vor.u32 $0x80000030, v0;
	v33 =	vsub.f32 v33, v36;
	v58 =	vsub.f32 v26, v29;
	[tilespmem:$0xE620] =	vst v57;
	v57 =	vld [tilespmem:$0x1FF90]  }
0x55a: {  	[tilespmem:$0xE8A0] =	vst v63;
	v31 =	vsel vm11, v53, v31;
	v29 =	vsub.f32 v30, v29;
	v30 =	vsub.f32 v44, v60;
	v44 =	vld [tilespmem:$0xE990]  }
0x55b: {  	[tilespmem:$0xE480] =	vst v34;
	v63 =	vsub.f32 v26, v61;
	v31 =	vsel vm13, v56, v31;
	v56 =	vmul.f32 v46, v26;
	v46 =	vld [tilespmem:$0xE690]  }
0x55c: {  	v32 =	vadd.f32 v61, v32;
	[tilespmem:$0xE780] =	vst v37;
	v37 =	vld [tilespmem:$0xE670]  }
0x55d: {  	[tilespmem:$0xE4F0] =	vst v33;
	v34 =	vsub.f32 v40, v63;
	v40 =	vld [tilespmem:$0xE7F0]  }
0x55e: {  	v28 =	vsub.f32 v28, v61;
	v59 =	vor.u32 $0x80000050, v0;
	[tilespmem:$0xE610] =	vst v32;
	v32 =	vsub.f32 v41, v58;
	v41 =	vld [tilespmem:$0xE680]  }
0x55f: {  	v61 =	vor.u32 $0x80000060, v0;
	[tilespmem:$0xE630] =	vst v62;
	v31 =	vsel vm15, v59, v31;
	v59 =	vld [tilespmem:$0x1FFA0]  }
0x560: {  	v53 =	vor.u32 $0x80000070, v0;
	v62 =	vor.u32 $0x80000090, v0;
	[tilespmem:$0xE490] =	vst v28;
	v42 =	vsub.f32 v48, v56;
	v48 =	vld [tilespmem:$0x1FFB0]  }
0x561: {  	v63 =	vsub.f32 v26, v60;
	v58 =	vor.u32 $0x80000080, v0;
	[tilespmem:$0xE4B0] =	vst v30;
	v60 =	vadd.f32 v56, v47;
	v47 =	vld [tilespmem:$0xE810]  }
0x562: {  	vm15 =	veq.f32 v27, v26;
	v28 =	vsel vm14, v61, v31;
	v61 =	vsub.f32 v26, v56;
	[tilespmem:$0xE790] =	vst v34;
	v34 =	vld [tilespmem:$0xE980]  }
0x563: {  	[tilespmem:$0xE7A0] =	vst v32;
	v31 =	vsub.f32 v45, v63;
	v32 =	vld [tilespmem:$0xE800];
	v63 =	vmul.f32 v50, v26;
	v50 =	vor.u32 $0x800000A0, v0  }
0x564: {  	vm8 =	vnez.u8 v57;
	[tilespmem:$0xE640] =	vst v60;
	v30 =	vsub.f32 v49, v61;
	v49 =	vld [tilespmem:$0xE9A0];
	v60 =	vor.u32 $0x800000C0, v0  }
0x565: {  	[tilespmem:$0xE4A0] =	vst v29;
	v44 =	vmul.f32 v44, v26;
	v28 =	vsel vm8, v53, v28;
	v53 =	vld [tilespmem:$0x1FFC0];
	v56 =	vadd.f32 v63, v51  }
0x566: {  	[tilespmem:$0xE4C0] =	vst v42;
	v42 =	vld [tilespmem:$0xE6A0];
	v57 =	vsub.f32 v26, v63;
	v45 =	vsub.f32 v52, v63;
	vm10 =	vnez.u8 v59  }
0x567: {  	[tilespmem:$0xE7B0] =	vst v31;
	v31 =	vld [tilespmem:$0xE510];
	v52 =	vor.u32 $0x800000D0, v0;
	v59 =	vmul.f32 v55, v26;
	v28 =	vsel vm10, v58, v28  }
0x568: {  	v55 =	vld [tilespmem:$0x1FFD0];
	vm11 =	vnez.u8 v48;
	v58 =	vor.u32 $0x800000B0, v0;
	[tilespmem:$0xE650] =	vst v56;
	v61 =	vsub.f32 v54, v57  }
0x569: {  	[tilespmem:$0xE4D0] =	vst v45;
	v45 =	vld [tilespmem:$0xE520];
	v56 =	vadd.f32 v36, v37;
	v57 =	vsub.f32 v26, v36;
	v28 =	vsel vm11, v62, v28  }
0x56a: {  	[tilespmem:$0xE7C0] =	vst v30;
	v48 =	vld [tilespmem:$0xE820];
	v62 =	vadd.f32 v59, v38;
	v63 =	vsub.f32 v26, v59;
	vm13 =	vnez.u8 v53  }
0x56b: {  	v36 =	vld [tilespmem:$0xE530];
	v39 =	vsub.f32 v39, v59;
	v34 =	vmul.f32 v34, v26;
	[tilespmem:$0xE7D0] =	vst v61;
	v28 =	vsel vm13, v50, v28  }
0x56c: {  	v37 =	vld [tilespmem:$0xE830];
	v59 =	vor.u32 $0x80000100, v0;
	[tilespmem:$0xE670] =	vst v56;
	v53 =	vor.u32 $0x800000E0, v0;
	v28 =	vsel vm12, v58, v28  }
0x56d: {  	v38 =	vld [tilespmem:$0xE6B0];
	[tilespmem:$0xE660] =	vst v62;
	v54 =	vsub.f32 v35, v63;
	v61 =	vadd.f32 v34, v41;
	v28 =	vsel vm9, v60, v28  }
0x56e: {  	v35 =	vld [tilespmem:$0xE9B0];
	[tilespmem:$0xE4E0] =	vst v39;
	v62 =	vsub.f32 v26, v34;
	vm14 =	vnez.u8 v55;
	v28 =	vsel vm7, v52, v28  }
0x56f: {  	v39 =	vld [tilespmem:$0xE9C0];
	v34 =	vsub.f32 v43, v34;
	[tilespmem:$0xE7E0] =	vst v54;
	v58 =	vor.u32 $0x800000F0, v0;
	v28 =	vsel vm14, v53, v28  }
0x570: {  	v63 =	vor.u32 $0x80000110, v0;
	v41 =	vld [tilespmem:$0xE6C0];
	v27 =	vsub.f32 v31, v44;
	[tilespmem:$0xE680] =	vst v61;
	v28 =	vsel vm0, v58, v28  }
0x571: {  	v50 =	vor.u32 $0x80000120, v0;
	v55 =	vld [tilespmem:$0xE9D0];
	v51 =	vsub.f32 v32, v62;
	[tilespmem:$0xE500] =	vst v34;
	v28 =	vsel vm6, v59, v28  }
0x572: {  	v32 =	vld [tilespmem:$0xE540];
	v54 =	vmul.f32 v49, v26;
	[tilespmem:$0xE510] =	vst v27;
	v60 =	vsub.f32 v40, v57;
	v28 =	vsel vm3, v63, v28  }
0x573: {  	v34 =	vld [tilespmem:$0xE840];
	v52 =	vadd.f32 v44, v46;
	[tilespmem:$0xE800] =	vst v51;
	v53 =	vsub.f32 v26, v44;
	v28 =	vsel vm2, v50, v28  }
0x574: {  	v61 =	vld [tilespmem:$0xE850];
	v27 =	vadd.f32 v54, v42;
	[tilespmem:$0xE7F0] =	vst v60;
	v60 =	vmul.f32 v35, v26;
	v28 =	vnsel vm15, $0xBFFFFFFF, v28  }
0x575: {  	v62 =	vld [tilespmem:$0xE9E0];
	[tilespmem:$0xE690] =	vst v52;
	v58 =	vsub.f32 v26, v54;
	v56 =	vsub.f32 v47, v53;
	(xrf0) =	vmin.scan.msk.u32 $0xffff, v28  }
0x576: {  	v57 =	vld [tilespmem:$0xE6D0];
	[tilespmem:$0xE6A0] =	vst v27;
	v59 =	vsub.f32 v45, v54  }
0x577: {  	v40 =	vld [tilespmem:$0xE550];
	v45 =	vsub.f32 v26, v60;
	v27 =	vsub.f32 v48, v58;
	[tilespmem:$0xE810] =	vst v56  }
0x578: {  	v46 =	vld [tilespmem:$0xE6E0];
	v47 =	vmul.f32 v39, v26;
	v63 =	vadd.f32 v60, v38;
	[tilespmem:$0xE520] =	vst v59  }
0x579: {  	v52 =	vld [tilespmem:$0xE9F0];
	v54 =	vmul.f32 v55, v26;
	v49 =	vsub.f32 v37, v45;
	[tilespmem:$0xE820] =	vst v27  }
0x57a: {  	v44 =	vld [tilespmem:$0xEA10];
	v53 =	vsub.f32 v32, v47;
	[tilespmem:$0xE6B0] =	vst v63  }
0x57b: {  	v55 =	vld [tilespmem:$0xE6F0];
	v57 =	vadd.f32 v54, v57;
	v27 =	vsub.f32 v36, v60;
	[tilespmem:$0xE830] =	vst v49;
	v51, _, _ =	vpop (xrf0)  }
0x57c: {  	v48 =	vld [tilespmem:$0xE560];
	v58 =	vsub.f32 v26, v54;
	[tilespmem:$0xE540] =	vst v53;
	(v2sf) =	vpush v51, $0xF  }
0x57d: {  	v39 =	vsub.f32 v26, v47;
	[tilespmem:$0xE530] =	vst v27;
	v27 =	vadd.f32 v47, v41;
	v47 =	vld [tilespmem:$0xE710]  }
0x57e: {  	v50 =	vld [tilespmem:$0xE860];
	[tilespmem:$0xE6D0] =	vst v57;
	v61 =	vsub.f32 v61, v58;
	v42 =	vmul.f32 v52, v26  }
0x57f: {  	v53 =	vld [tilespmem:$0xE890];
	[tilespmem:$0xE6C0] =	vst v27;
	v27 =	vsub.f32 v34, v39  }
0x580: {  	v56 =	vld [tilespmem:$0xE570];
	[tilespmem:$0xE850] =	vst v61;
	v45 =	vadd.f32 v42, v55;
	v55 =	vmul.f32 v44, v26  }
0x581: {  	v59 =	vld [tilespmem:$0xE870];
	v28 =	vmul.f32 v62, v26;
	[tilespmem:$0xE840] =	vst v27;
	v27 =	vsub.f32 v40, v54  }
0x582: {  	v60 =	vld [tilespmem:$0xEA00];
	[tilespmem:$0xE6F0] =	vst v45;
	v35 =	vsub.f32 v26, v55;
	v58 =	vadd.f32 v55, v47  }
0x583: {  	v62 =	vld [tilespmem:$0xE700];
	v63 =	vsub.f32 v26, v28;
	[tilespmem:$0xE550] =	vst v27;
	v27 =	vadd.f32 v28, v46  }
0x584: {  	v40 =	vld [tilespmem:$0xE580];
	v61 =	vsub.f32 v53, v35;
	[tilespmem:$0xE710] =	vst v58  }
0x585: {  	v51 =	vld [tilespmem:$0xEA20];
	[tilespmem:$0xE6E0] =	vst v27;
	v27 =	vsub.f32 v50, v63  }
0x586: {  	v43 =	vld [tilespmem:$0xE880];
	v28 =	vsub.f32 v48, v28;
	v46 =	vsub.f32 v26, v42;
	[tilespmem:$0xE890] =	vst v61  }
0x587: {  	v57 =	vld [tilespmem:$0xE5A0];
	v48 =	vmul.f32 v60, v26;
	[tilespmem:$0xE860] =	vst v27;
	v27 =	vsub.f32 v56, v42  }
0x588: {  	v49 =	vld [tilespmem:$0xE590];
	[tilespmem:$0xE560] =	vst v28;
	v50 =	vsub.f32 v59, v46  }
0x589: {  	v52 =	vsub.f32 v26, v48;
	v59 =	vld [tilespmem:$0xE8A0];
	[tilespmem:$0xE570] =	vst v27;
	v27 =	vadd.f32 v48, v62  }
0x58a: {  	v54 =	vsub.f32 v40, v48;
	[tilespmem:$0xE870] =	vst v50;
	v56 =	vld [tilespmem:$0xE720];
	v60 =	vmul.f32 v51, v26  }
0x58b: {  	[tilespmem:$0xE700] =	vst v27;
	v27 =	vsub.f32 v43, v52;
	s23 =	spop (v2sf)  }
0x58c: {  	[tilespmem:$0xE580] =	vst v54;
	v26 =	vsub.f32 v26, v60;
	v63 =	vsub.f32 v57, v60;
	s22 =	sxor.u32 $0x80000000, s23  }
0x58d: {  	[tilespmem:$0xE880] =	vst v27;
	v27 =	vsub.f32 v49, v55;
	v62 =	vmov s22  }
0x58e: {  	v26 =	vsub.f32 v59, v26;
	[tilespmem:$0xE5A0] =	vst v63  }
0x58f: {  	[tilespmem:$0xE590] =	vst v27;
	v27 =	vadd.f32 v60, v56  }
0x590: {  	[tilespmem:$0xE8A0] =	vst v26  }
0x591: {  	[tilespmem:$0xE720] =	vst v27  }
0x592: {  	v26 =	vld.idx.msk [tilespmem:v62+s13+$0x0], $0xffff;
	_ =	sdelay $0x4  }
0x593: {  	v26 =	vxor.u32 $0x80000000, v26  }
0x594: {  	(xrf0) =	vmax.scan.msk.u32 $0xffff, v26;
	_ =	sdelay $0x5  }
0x595: {  	v26, _, _ =	vpop (xrf0)  }
0x596: {  	(v2sf) =	vpush v26, $0xF;
	_ =	sdelay $0xe  }
0x597: {  	s24 =	spop (v2sf)  }
0x598: {  	p0 =	seq.s32 s24, $0x80000000  }
.Ltmp25:
0x599: {  	_ = 	snop;
	(pc) =	sbr.rel @!p0 .LBB2_44-.Ltmp25, $1  }
0x59a: {  	_ =	sdelay $0x3  }
0x59b: {  	p0 =	seq.s32 s23, $0x80000000  }
.Ltmp26:
0x59c: {  	_ = 	snop;
	(pc) =	sbr.rel @p0 .LBB2_47-.Ltmp26, $1  }
0x59d: {  	_ =	sdelay $0x3  }
.LBB2_46:
0x59e: {  	v26 =	vmov s22;
	_ =	sdelay $0x4  }
0x59f: {  	v27 =	vld.idx.msk [tilespmem:v26+s19+$0x0], $0xffff;
	_ =	sdelay $0x4  }
0x5a0: {  	v28 =	vxor.u32 $0x80000000, v27  }
0x5a1: {  	(xrf0) =	vmax.scan.msk.u32 $0xffff, v28;
	_ =	sdelay $0x5  }
0x5a2: {  	v28, _, _ =	vpop (xrf0)  }
0x5a3: {  	(v2sf) =	vpush v28, $0xF;
	_ =	sdelay $0x9  }
0x5a4: {  	v63 =	vld.idx.msk [tilespmem:v27+s13+$0x0], $0xffff;
	_ =	sdelay $0x4  }
0x5a5: {  	[tilespmem:v26+s13+$0x0] =	vst.idx.msk $0x1, v63;
	s31 =	spop (v2sf)  }
0x5a6: {  	v27 =	vld.idx.msk [tilespmem:v27+s14+$0x0], $0xffff;
	p0 =	sne.s32 s31, $0x80000000  }
.Ltmp27:
0x5a7: {  	_ = 	snop;
	(pc) =	sbr.rel @p0 .LBB2_46-.Ltmp27, $2  }
0x5a8: {  	_ =	sdelay $0x2  }
0x5a9: {  	[tilespmem:v26+s14+$0x0] =	vst.idx.msk $0x1, v27;
	s22 =	sxor.u32 $0x80000000, s31  }
.Ltmp28:
0x5aa: {  	_ = 	snop;
	(pc) =	sbr.rel .LBB2_47-.Ltmp28, $1  }
0x5ab: {  	_ =	sdelay $0x3  }
.LBB2_49:
0x5ac: {  	_ =	sfence.sel $0x180000  }
0x5ad: {  	[bflag:$0x0] =	sbarrier.arrive $0xFFFF  }
0x5ae: {  	p0 =	sne.s32 s1, $0x0;
	_ =	strace $0x90000047  }
0x5af: {  	s0 =	sadd.s32 @!p0 $0x100000, s0;
	[bflag:$0x2] =	sbarrier.arrive $0xFFFF  }
0x5b0: {  	[sflag:s0] =	ssyncadd.tile.s32 @!p0 $0x1;
	_ =	shalt  }
.Lfunc_end2:
_tile_overlayer_lowered:
.L_overlay_start_2:
0x5b1: {  	(tag) =	ssettag $0x2  }
0x5b2: {  	s0 =	rddreg [dreg:$0x0];
	s2 =	stileid.u32  }
0x5b3: {  	s1 =	rddreg [dreg:$0x1];
	p0 =	sne.s32 s2, $0x0  }
0x5b4: {  	s3 =	rddreg [dreg:$0x2];
	[bflag:$0x3] =	sbarrier.arrive $0xFFFF;
	s2 =	simm.s32 @!p0 $0x1C01  }
0x5b5: {  	[timem:s3], [sflag:s2] =	dma.local @!p0 [hbm:s0], s1  }
0x5b6: {  	s0 =	simm.s32 @!p0 $0x1  }
0x5b7: {  	_ =	swait.ge @!p0 [sflag:s0], s1  }
0x5b8: {  	s1 =	ssub.s32 @!p0 $0x0, s1;
	[sflag:s0] =	ssyncset.done @!p0 $0x0  }
0x5b9: {  	[sflag:s0] =	ssyncadd.s32 @!p0 s1  }
0x5ba: {  	[bflag:$0x3] =	sbarrier.arrive $0xFFFF  }
0x5bb: {  	_ =	shalt  }

</sc_bundles>
